<compile_context>
chip_gen: v7x
topology: tpu7x:2x2x1
jax: 0.10.2.dev20260603
libtpu: 0.0.44.dev20260713+nightly
codegen_flags: <defaults>
</compile_context>

<pallas_src>
import jax
import jax.numpy as jnp
from jax import lax
from jax.experimental import pallas as pl
from jax.experimental.pallas import tpu as pltpu
from jax.experimental.pallas import tpu_sc as plsc

N_I = 16384
N_J = 200
D = 32
NW = 32
STRIP = N_I // NW
LB = STRIP // 128
PITCH = 513


def _sc_body(xt3, table, out5,
             idx0, idx1, rows0, rows1, tile0, tile1,
             si0, si1, sg0, sg1, so0, so1):
    wid = lax.axis_index("s") * 2 + lax.axis_index("c")
    ihi0 = wid * LB

    bufs = ((idx0, rows0, tile0, si0, sg0, so0),
            (idx1, rows1, tile1, si1, sg1, so1))
    lane = jnp.arange(16, dtype=jnp.int32)

    def idx_start(j, idxv, sem):
        pltpu.async_copy(xt3.at[j, pl.ds(ihi0, LB)], idxv, sem)

    def gather_start(idxv, rowsv, sem):
        for lb in range(LB):
            pltpu.async_copy(
                table.at[idxv.at[lb]],
                rowsv.at[pl.ds(lb * 128, 128)],
                sem,
            )

    def transpose_block(lb, rowsv, tilev):
        rows_lo = lane
        rows_hi = lane + 16

        def body(k, carry):
            rv = lb * 128 + k * 8
            vs = [
                (rowsv[rv + u, pl.ds(0, 16)], rowsv[rv + u, pl.ds(16, 16)])
                for u in range(8)
            ]
            for u in range(8):
                col = jnp.full((16,), rv + u, dtype=jnp.int32)
                plsc.store_scatter(tilev, [rows_lo, col], vs[u][0])
                plsc.store_scatter(tilev, [rows_hi, col], vs[u][1])
            return carry
        lax.fori_loop(0, 16, body, 0)

    def out_start(j, tilev, sem):
        for tr in range(4):
            for lb in range(LB):
                pltpu.async_copy(
                    tilev.at[pl.ds(tr * 8, 8), pl.ds(lb * 128, 128)],
                    out5.at[j, tr, ihi0 + lb],
                    sem,
                )

    def out_wait(tilev, sem):
        for _ in range(4 * LB):
            pltpu.make_async_copy(
                tilev.at[pl.ds(0, 8), pl.ds(0, 128)],
                out5.at[0, 0, 0],
                sem,
            ).wait()

    idx_start(0, idx0, si0)
    pltpu.make_async_copy(xt3.at[0, pl.ds(0, LB)], idx0, si0).wait()
    gather_start(idx0, rows0, sg0)
    idx_start(1, idx1, si1)

    def pair(p, carry):
        for b in range(2):
            idxv, rowsv, tilev, si, sg, so = bufs[b]
            n_idxv, n_rowsv, _, n_si, n_sg, _ = bufs[1 - b]
            j = 2 * p + b

            @pl.when(j >= 2)
            def _():
                out_wait(tilev, so)

            for lb in range(LB):
                pltpu.make_async_copy(
                    table.at[idxv.at[lb]],
                    rowsv.at[pl.ds(lb * 128, 128)],
                    sg,
                ).wait()
                transpose_block(lb, rowsv, tilev)

            @pl.when(j + 2 < N_J)
            def _():
                idx_start(j + 2, idxv, si)

            out_start(j, tilev, so)

            @pl.when(j + 1 < N_J)
            def _():
                pltpu.make_async_copy(xt3.at[0, pl.ds(0, LB)], n_idxv, n_si).wait()
                gather_start(n_idxv, n_rowsv, n_sg)
        return carry

    lax.fori_loop(0, N_J // 2, pair, 0)

    out_wait(tile0, so0)
    out_wait(tile1, so1)


def kernel(x, table):
    xt3 = x.T.astype(jnp.int32).reshape(N_J, N_I // 128, 128)
    mesh = plsc.VectorSubcoreMesh(core_axis_name="c", subcore_axis_name="s")
    out5 = pl.kernel(
        _sc_body,
        out_type=jax.ShapeDtypeStruct((N_J, 4, N_I // 128, 8, 128), jnp.float32),
        mesh=mesh,
        scratch_types=[
            pltpu.VMEM((LB, 128), jnp.int32),
            pltpu.VMEM((LB, 128), jnp.int32),
            pltpu.VMEM((STRIP, D), jnp.float32),
            pltpu.VMEM((STRIP, D), jnp.float32),
            pltpu.VMEM((D, PITCH), jnp.float32),
            pltpu.VMEM((D, PITCH), jnp.float32),
            pltpu.SemaphoreType.DMA,
            pltpu.SemaphoreType.DMA,
            pltpu.SemaphoreType.DMA,
            pltpu.SemaphoreType.DMA,
            pltpu.SemaphoreType.DMA,
            pltpu.SemaphoreType.DMA,
        ],
        compiler_params=pltpu.CompilerParams(
            use_tc_tiling_on_sc=False, needs_layout_passes=False
        ),
    )(xt3, table)
    return out5.transpose(2, 4, 0, 1, 3).reshape(N_I, N_J, D)

# --- scband reference (transcript-rebuilt; emitter-appended) ---
"""Pipeline reference for scband-segment-embedding-38422777430135 (READ-ONLY COPY).

The authoritative reference and input builder live on the scoring server;
editing this copy changes nothing except your own understanding.
"""

import jax, jax.numpy as jnp
import numpy as np

N_SEGMENTS = 1000000
D_MODEL = 32

def setup_inputs(seed: int = 0) -> dict:
    key = jax.random.key(seed)
    k1, k2 = jax.random.split(key)
    x = jax.random.randint(k1, (16384, 200), 0, N_SEGMENTS, dtype=jnp.int64)
    # nn.Embedding default init: N(0, 1)
    table = jax.random.normal(k2, (N_SEGMENTS, D_MODEL), dtype=jnp.float32)
    return {"x": x, "table": table}

def reference(x, table):
    # SegmentEmbedding.forward: embedding lookup
    return jnp.take(table, x, axis=0)

if __name__ == "__main__":
    import jax
    _d = setup_inputs()
    print(jax.jit(kernel)(*tuple(_d.values())))

</pallas_src>

<mosaic_0001>
#map = affine_map<(d0, d1) -> (0, 0, 0)>
#map1 = affine_map<(d0, d1) -> (0, 0)>
#map2 = affine_map<(d0, d1) -> (0, 0, 0, 0, 0)>
module attributes {stable_mosaic.version = 14 : i64} {
  func.func @_sc_body(%arg0: i32, %arg1: i32, %arg2: memref<200x128x128xi32, #tpu.memory_space<hbm>>, %arg3: memref<1000000x32xf32, #tpu.memory_space<hbm>>, %arg4: memref<200x4x128x8x128xf32, #tpu.memory_space<hbm>>, %arg5: memref<4x128xi32, #tpu.memory_space<vmem>>, %arg6: memref<4x128xi32, #tpu.memory_space<vmem>>, %arg7: memref<512x32xf32, #tpu.memory_space<vmem>>, %arg8: memref<512x32xf32, #tpu.memory_space<vmem>>, %arg9: memref<32x513xf32, #tpu.memory_space<vmem>>, %arg10: memref<32x513xf32, #tpu.memory_space<vmem>>, %arg11: memref<!tpu.dma_semaphore, #tpu.memory_space<semaphore_mem>>, %arg12: memref<!tpu.dma_semaphore, #tpu.memory_space<semaphore_mem>>, %arg13: memref<!tpu.dma_semaphore, #tpu.memory_space<semaphore_mem>>, %arg14: memref<!tpu.dma_semaphore, #tpu.memory_space<semaphore_mem>>, %arg15: memref<!tpu.dma_semaphore, #tpu.memory_space<semaphore_mem>>, %arg16: memref<!tpu.dma_semaphore, #tpu.memory_space<semaphore_mem>>) attributes {dimension_semantics = [#tpu.dimension_semantics<core_parallel>, #tpu.dimension_semantics<subcore_parallel>], iteration_bounds = array<i64: 2, 16>, scalar_prefetch = 0 : i64, scratch_operands = 12 : i64, tpu.core_type = #tpu.core_type<sc_vector_subcore>, window_params = [{transform_indices = #map}, {transform_indices = #map1}, {transform_indices = #map2}]} {
    %mul3A = arith.constant 2 : i32
    %mul3A_0 = arith.muli %arg1, %mul3A : i32
    %add3A = arith.addi %mul3A_0, %arg0 : i32
    %mul3A_1 = arith.constant 4 : i32
    %mul3A_2 = arith.muli %add3A, %mul3A_1 : i32
    %iota3A = tpu.iota {dimensions = array<i32: 0>} : vector<16xi32>
    %dma_start3A = arith.constant 0 : i32
    %dma_start3A_3 = arith.constant 0 : i32
    %dma_start3A_4 = tpu.memref_slice %arg2[%dma_start3A, %mul3A_2, %dma_start3A_3] : memref<200x128x128xi32, #tpu.memory_space<hbm>> -> memref<1x4x128xi32, #tpu.memory_space<hbm>>
    %dma_start3A_5 = tpu.memref_squeeze %dma_start3A_4 : memref<1x4x128xi32, #tpu.memory_space<hbm>> -> memref<4x128xi32, #tpu.memory_space<hbm>>
    %dma_start3A_6 = arith.constant 0 : i32
    %dma_start3A_7 = tpu.memref_slice %arg2[%dma_start3A, %mul3A_2, %dma_start3A_6] : memref<200x128x128xi32, #tpu.memory_space<hbm>> -> memref<1x4x128xi32, #tpu.memory_space<hbm>>
    %dma_start3A_8 = tpu.memref_squeeze %dma_start3A_7 : memref<1x4x128xi32, #tpu.memory_space<hbm>> -> memref<4x128xi32, #tpu.memory_space<hbm>>
    tpu.enqueue_dma source(%dma_start3A_8 : memref<4x128xi32, #tpu.memory_space<hbm>>) target(%arg5 : memref<4x128xi32, #tpu.memory_space<vmem>>) target_semaphore(%arg11 : memref<!tpu.dma_semaphore, #tpu.memory_space<semaphore_mem>>)
    %dma_wait3A = arith.constant 0 : i32
    %dma_wait3A_9 = arith.constant 0 : i32
    %dma_wait3A_10 = arith.constant 0 : i32
    %dma_wait3A_11 = tpu.memref_slice %arg2[%dma_wait3A, %dma_wait3A_9, %dma_wait3A_10] : memref<200x128x128xi32, #tpu.memory_space<hbm>> -> memref<1x4x128xi32, #tpu.memory_space<hbm>>
    %dma_wait3A_12 = tpu.memref_squeeze %dma_wait3A_11 : memref<1x4x128xi32, #tpu.memory_space<hbm>> -> memref<4x128xi32, #tpu.memory_space<hbm>>
    %dma_wait3A_13 = arith.constant 0 : i32
    %dma_wait3A_14 = arith.constant 0 : i32
    %dma_wait3A_15 = tpu.memref_slice %arg2[%dma_wait3A, %dma_wait3A_13, %dma_wait3A_14] : memref<200x128x128xi32, #tpu.memory_space<hbm>> -> memref<1x4x128xi32, #tpu.memory_space<hbm>>
    %dma_wait3A_16 = tpu.memref_squeeze %dma_wait3A_15 : memref<1x4x128xi32, #tpu.memory_space<hbm>> -> memref<4x128xi32, #tpu.memory_space<hbm>>
    tpu.wait_dma2 semaphore(%arg11 : memref<!tpu.dma_semaphore, #tpu.memory_space<semaphore_mem>>) src(%dma_wait3A_16 : memref<4x128xi32, #tpu.memory_space<hbm>>) dst(%arg5 : memref<4x128xi32, #tpu.memory_space<vmem>>)
    %dma_start3A_17 = arith.constant 0 : i32
    %dma_start3A_18 = arith.constant 0 : i32
    %dma_start3A_19 = arith.constant 0 : i32
    %dma_start3A_20 = tpu.memref_slice %arg7[%dma_start3A_18, %dma_start3A_19] : memref<512x32xf32, #tpu.memory_space<vmem>> -> memref<128x32xf32, #tpu.memory_space<vmem>>
    %dma_start3A_21 = arith.constant 0 : i32
    %dma_start3A_22 = tpu.memref_slice %arg5[%dma_start3A_17, %dma_start3A_21] : memref<4x128xi32, #tpu.memory_space<vmem>> -> memref<1x128xi32, #tpu.memory_space<vmem>>
    %dma_start3A_23 = tpu.memref_squeeze %dma_start3A_22 : memref<1x128xi32, #tpu.memory_space<vmem>> -> memref<128xi32, #tpu.memory_space<vmem>>
    %dma_start3A_24 = arith.constant 0 : i32
    %dma_start3A_25 = arith.constant 0 : i32
    %dma_start3A_26 = tpu.memref_slice %arg3[%dma_start3A_24, %dma_start3A_25] : memref<1000000x32xf32, #tpu.memory_space<hbm>> -> memref<1000000x32xf32, #tpu.memory_space<hbm>>
    tpu.enqueue_indirect_dma source(%dma_start3A_26 : memref<1000000x32xf32, #tpu.memory_space<hbm>>) target(%dma_start3A_20 : memref<128x32xf32, #tpu.memory_space<vmem>>) offsets(%dma_start3A_23 : memref<128xi32, #tpu.memory_space<vmem>>) semaphore(%arg13 : memref<!tpu.dma_semaphore, #tpu.memory_space<semaphore_mem>>)
    %dma_start3A_27 = arith.constant 1 : i32
    %dma_start3A_28 = arith.constant 128 : i32
    %dma_start3A_29 = arith.constant 0 : i32
    %dma_start3A_30 = tpu.memref_slice %arg7[%dma_start3A_28, %dma_start3A_29] : memref<512x32xf32, #tpu.memory_space<vmem>> -> memref<128x32xf32, #tpu.memory_space<vmem>>
    %dma_start3A_31 = arith.constant 0 : i32
    %dma_start3A_32 = tpu.memref_slice %arg5[%dma_start3A_27, %dma_start3A_31] : memref<4x128xi32, #tpu.memory_space<vmem>> -> memref<1x128xi32, #tpu.memory_space<vmem>>
    %dma_start3A_33 = tpu.memref_squeeze %dma_start3A_32 : memref<1x128xi32, #tpu.memory_space<vmem>> -> memref<128xi32, #tpu.memory_space<vmem>>
    %dma_start3A_34 = arith.constant 0 : i32
    %dma_start3A_35 = arith.constant 0 : i32
    %dma_start3A_36 = tpu.memref_slice %arg3[%dma_start3A_34, %dma_start3A_35] : memref<1000000x32xf32, #tpu.memory_space<hbm>> -> memref<1000000x32xf32, #tpu.memory_space<hbm>>
    tpu.enqueue_indirect_dma source(%dma_start3A_36 : memref<1000000x32xf32, #tpu.memory_space<hbm>>) target(%dma_start3A_30 : memref<128x32xf32, #tpu.memory_space<vmem>>) offsets(%dma_start3A_33 : memref<128xi32, #tpu.memory_space<vmem>>) semaphore(%arg13 : memref<!tpu.dma_semaphore, #tpu.memory_space<semaphore_mem>>)
    %dma_start3A_37 = arith.constant 2 : i32
    %dma_start3A_38 = arith.constant 256 : i32
    %dma_start3A_39 = arith.constant 0 : i32
    %dma_start3A_40 = tpu.memref_slice %arg7[%dma_start3A_38, %dma_start3A_39] : memref<512x32xf32, #tpu.memory_space<vmem>> -> memref<128x32xf32, #tpu.memory_space<vmem>>
    %dma_start3A_41 = arith.constant 0 : i32
    %dma_start3A_42 = tpu.memref_slice %arg5[%dma_start3A_37, %dma_start3A_41] : memref<4x128xi32, #tpu.memory_space<vmem>> -> memref<1x128xi32, #tpu.memory_space<vmem>>
    %dma_start3A_43 = tpu.memref_squeeze %dma_start3A_42 : memref<1x128xi32, #tpu.memory_space<vmem>> -> memref<128xi32, #tpu.memory_space<vmem>>
    %dma_start3A_44 = arith.constant 0 : i32
    %dma_start3A_45 = arith.constant 0 : i32
    %dma_start3A_46 = tpu.memref_slice %arg3[%dma_start3A_44, %dma_start3A_45] : memref<1000000x32xf32, #tpu.memory_space<hbm>> -> memref<1000000x32xf32, #tpu.memory_space<hbm>>
    tpu.enqueue_indirect_dma source(%dma_start3A_46 : memref<1000000x32xf32, #tpu.memory_space<hbm>>) target(%dma_start3A_40 : memref<128x32xf32, #tpu.memory_space<vmem>>) offsets(%dma_start3A_43 : memref<128xi32, #tpu.memory_space<vmem>>) semaphore(%arg13 : memref<!tpu.dma_semaphore, #tpu.memory_space<semaphore_mem>>)
    %dma_start3A_47 = arith.constant 3 : i32
    %dma_start3A_48 = arith.constant 384 : i32
    %dma_start3A_49 = arith.constant 0 : i32
    %dma_start3A_50 = tpu.memref_slice %arg7[%dma_start3A_48, %dma_start3A_49] : memref<512x32xf32, #tpu.memory_space<vmem>> -> memref<128x32xf32, #tpu.memory_space<vmem>>
    %dma_start3A_51 = arith.constant 0 : i32
    %dma_start3A_52 = tpu.memref_slice %arg5[%dma_start3A_47, %dma_start3A_51] : memref<4x128xi32, #tpu.memory_space<vmem>> -> memref<1x128xi32, #tpu.memory_space<vmem>>
    %dma_start3A_53 = tpu.memref_squeeze %dma_start3A_52 : memref<1x128xi32, #tpu.memory_space<vmem>> -> memref<128xi32, #tpu.memory_space<vmem>>
    %dma_start3A_54 = arith.constant 0 : i32
    %dma_start3A_55 = arith.constant 0 : i32
    %dma_start3A_56 = tpu.memref_slice %arg3[%dma_start3A_54, %dma_start3A_55] : memref<1000000x32xf32, #tpu.memory_space<hbm>> -> memref<1000000x32xf32, #tpu.memory_space<hbm>>
    tpu.enqueue_indirect_dma source(%dma_start3A_56 : memref<1000000x32xf32, #tpu.memory_space<hbm>>) target(%dma_start3A_50 : memref<128x32xf32, #tpu.memory_space<vmem>>) offsets(%dma_start3A_53 : memref<128xi32, #tpu.memory_space<vmem>>) semaphore(%arg13 : memref<!tpu.dma_semaphore, #tpu.memory_space<semaphore_mem>>)
    %dma_start3A_57 = arith.constant 1 : i32
    %dma_start3A_58 = arith.constant 0 : i32
    %dma_start3A_59 = tpu.memref_slice %arg2[%dma_start3A_57, %mul3A_2, %dma_start3A_58] : memref<200x128x128xi32, #tpu.memory_space<hbm>> -> memref<1x4x128xi32, #tpu.memory_space<hbm>>
    %dma_start3A_60 = tpu.memref_squeeze %dma_start3A_59 : memref<1x4x128xi32, #tpu.memory_space<hbm>> -> memref<4x128xi32, #tpu.memory_space<hbm>>
    %dma_start3A_61 = arith.constant 0 : i32
    %dma_start3A_62 = tpu.memref_slice %arg2[%dma_start3A_57, %mul3A_2, %dma_start3A_61] : memref<200x128x128xi32, #tpu.memory_space<hbm>> -> memref<1x4x128xi32, #tpu.memory_space<hbm>>
    %dma_start3A_63 = tpu.memref_squeeze %dma_start3A_62 : memref<1x4x128xi32, #tpu.memory_space<hbm>> -> memref<4x128xi32, #tpu.memory_space<hbm>>
    tpu.enqueue_dma source(%dma_start3A_63 : memref<4x128xi32, #tpu.memory_space<hbm>>) target(%arg6 : memref<4x128xi32, #tpu.memory_space<vmem>>) target_semaphore(%arg12 : memref<!tpu.dma_semaphore, #tpu.memory_space<semaphore_mem>>)
    %scan3A = arith.constant 0 : i32
    %scan3A_64 = arith.constant 0 : i32
    %scan3A_65 = arith.constant 100 : i32
    %scan3A_66 = arith.addi %scan3A_64, %scan3A_65 : i32
    %scan3A_67 = arith.constant 1 : i32
    scf.for %scan3A_613 = %scan3A_64 to %scan3A_66 step %scan3A_67  : i32 {
      %mul3A_614 = arith.constant 2 : i32
      %mul3A_615 = arith.muli %mul3A_614, %scan3A_613 : i32
      %add3A_616 = arith.constant 0 : i32
      %add3A_617 = arith.addi %mul3A_615, %add3A_616 : i32
      %ge3A = arith.constant 2 : i32
      %ge3A_618 = arith.cmpi sge, %add3A_617, %ge3A : i32
      %convert_element_type3A = arith.extui %ge3A_618 : i1 to i32
      %cond3A = arith.constant 0 : i32
      %cond3A_619 = arith.cmpi ne, %convert_element_type3A, %cond3A : i32
      scf.if %cond3A_619 {
        %dma_wait3A_1352 = arith.constant 0 : i32
        %dma_wait3A_1353 = arith.constant 0 : i32
        %dma_wait3A_1354 = arith.constant 0 : i32
        %dma_wait3A_1355 = arith.constant 0 : i32
        %dma_wait3A_1356 = arith.constant 0 : i32
        %dma_wait3A_1357 = tpu.memref_slice %arg9[%dma_wait3A_1355, %dma_wait3A_1356] : memref<32x513xf32, #tpu.memory_space<vmem>> -> memref<8x128xf32, #tpu.memory_space<vmem>>
        %dma_wait3A_1358 = arith.constant 0 : i32
        %dma_wait3A_1359 = arith.constant 0 : i32
        %dma_wait3A_1360 = tpu.memref_slice %arg4[%dma_wait3A_1352, %dma_wait3A_1353, %dma_wait3A_1354, %dma_wait3A_1358, %dma_wait3A_1359] : memref<200x4x128x8x128xf32, #tpu.memory_space<hbm>> -> memref<1x1x1x8x128xf32, #tpu.memory_space<hbm>>
        %dma_wait3A_1361 = tpu.memref_squeeze %dma_wait3A_1360 : memref<1x1x1x8x128xf32, #tpu.memory_space<hbm>> -> memref<8x128xf32, #tpu.memory_space<hbm>>
        %dma_wait3A_1362 = arith.constant 0 : i32
        %dma_wait3A_1363 = arith.constant 0 : i32
        %dma_wait3A_1364 = tpu.memref_slice %arg4[%dma_wait3A_1352, %dma_wait3A_1353, %dma_wait3A_1354, %dma_wait3A_1362, %dma_wait3A_1363] : memref<200x4x128x8x128xf32, #tpu.memory_space<hbm>> -> memref<1x1x1x8x128xf32, #tpu.memory_space<hbm>>
        %dma_wait3A_1365 = tpu.memref_squeeze %dma_wait3A_1364 : memref<1x1x1x8x128xf32, #tpu.memory_space<hbm>> -> memref<8x128xf32, #tpu.memory_space<hbm>>
        %dma_wait3A_1366 = arith.constant 0 : i32
        %dma_wait3A_1367 = arith.constant 0 : i32
        %dma_wait3A_1368 = tpu.memref_slice %arg9[%dma_wait3A_1366, %dma_wait3A_1367] : memref<32x513xf32, #tpu.memory_space<vmem>> -> memref<8x128xf32, #tpu.memory_space<vmem>>
        tpu.wait_dma2 semaphore(%arg15 : memref<!tpu.dma_semaphore, #tpu.memory_space<semaphore_mem>>) src(%dma_wait3A_1368 : memref<8x128xf32, #tpu.memory_space<vmem>>) dst(%dma_wait3A_1365 : memref<8x128xf32, #tpu.memory_space<hbm>>)
        %dma_wait3A_1369 = arith.constant 0 : i32
        %dma_wait3A_1370 = arith.constant 0 : i32
        %dma_wait3A_1371 = arith.constant 0 : i32
        %dma_wait3A_1372 = arith.constant 0 : i32
        %dma_wait3A_1373 = arith.constant 0 : i32
        %dma_wait3A_1374 = tpu.memref_slice %arg9[%dma_wait3A_1372, %dma_wait3A_1373] : memref<32x513xf32, #tpu.memory_space<vmem>> -> memref<8x128xf32, #tpu.memory_space<vmem>>
        %dma_wait3A_1375 = arith.constant 0 : i32
        %dma_wait3A_1376 = arith.constant 0 : i32
        %dma_wait3A_1377 = tpu.memref_slice %arg4[%dma_wait3A_1369, %dma_wait3A_1370, %dma_wait3A_1371, %dma_wait3A_1375, %dma_wait3A_1376] : memref<200x4x128x8x128xf32, #tpu.memory_space<hbm>> -> memref<1x1x1x8x128xf32, #tpu.memory_space<hbm>>
        %dma_wait3A_1378 = tpu.memref_squeeze %dma_wait3A_1377 : memref<1x1x1x8x128xf32, #tpu.memory_space<hbm>> -> memref<8x128xf32, #tpu.memory_space<hbm>>
        %dma_wait3A_1379 = arith.constant 0 : i32
        %dma_wait3A_1380 = arith.constant 0 : i32
        %dma_wait3A_1381 = tpu.memref_slice %arg4[%dma_wait3A_1369, %dma_wait3A_1370, %dma_wait3A_1371, %dma_wait3A_1379, %dma_wait3A_1380] : memref<200x4x128x8x128xf32, #tpu.memory_space<hbm>> -> memref<1x1x1x8x128xf32, #tpu.memory_space<hbm>>
        %dma_wait3A_1382 = tpu.memref_squeeze %dma_wait3A_1381 : memref<1x1x1x8x128xf32, #tpu.memory_space<hbm>> -> memref<8x128xf32, #tpu.memory_space<hbm>>
        %dma_wait3A_1383 = arith.constant 0 : i32
        %dma_wait3A_1384 = arith.constant 0 : i32
        %dma_wait3A_1385 = tpu.memref_slice %arg9[%dma_wait3A_1383, %dma_wait3A_1384] : memref<32x513xf32, #tpu.memory_space<vmem>> -> memref<8x128xf32, #tpu.memory_space<vmem>>
        tpu.wait_dma2 semaphore(%arg15 : memref<!tpu.dma_semaphore, #tpu.memory_space<semaphore_mem>>) src(%dma_wait3A_1385 : memref<8x128xf32, #tpu.memory_space<vmem>>) dst(%dma_wait3A_1382 : memref<8x128xf32, #tpu.memory_space<hbm>>)
        %dma_wait3A_1386 = arith.constant 0 : i32
        %dma_wait3A_1387 = arith.constant 0 : i32
        %dma_wait3A_1388 = arith.constant 0 : i32
        %dma_wait3A_1389 = arith.constant 0 : i32
        %dma_wait3A_1390 = arith.constant 0 : i32
        %dma_wait3A_1391 = tpu.memref_slice %arg9[%dma_wait3A_1389, %dma_wait3A_1390] : memref<32x513xf32, #tpu.memory_space<vmem>> -> memref<8x128xf32, #tpu.memory_space<vmem>>
        %dma_wait3A_1392 = arith.constant 0 : i32
        %dma_wait3A_1393 = arith.constant 0 : i32
        %dma_wait3A_1394 = tpu.memref_slice %arg4[%dma_wait3A_1386, %dma_wait3A_1387, %dma_wait3A_1388, %dma_wait3A_1392, %dma_wait3A_1393] : memref<200x4x128x8x128xf32, #tpu.memory_space<hbm>> -> memref<1x1x1x8x128xf32, #tpu.memory_space<hbm>>
        %dma_wait3A_1395 = tpu.memref_squeeze %dma_wait3A_1394 : memref<1x1x1x8x128xf32, #tpu.memory_space<hbm>> -> memref<8x128xf32, #tpu.memory_space<hbm>>
        %dma_wait3A_1396 = arith.constant 0 : i32
        %dma_wait3A_1397 = arith.constant 0 : i32
        %dma_wait3A_1398 = tpu.memref_slice %arg4[%dma_wait3A_1386, %dma_wait3A_1387, %dma_wait3A_1388, %dma_wait3A_1396, %dma_wait3A_1397] : memref<200x4x128x8x128xf32, #tpu.memory_space<hbm>> -> memref<1x1x1x8x128xf32, #tpu.memory_space<hbm>>
        %dma_wait3A_1399 = tpu.memref_squeeze %dma_wait3A_1398 : memref<1x1x1x8x128xf32, #tpu.memory_space<hbm>> -> memref<8x128xf32, #tpu.memory_space<hbm>>
        %dma_wait3A_1400 = arith.constant 0 : i32
        %dma_wait3A_1401 = arith.constant 0 : i32
        %dma_wait3A_1402 = tpu.memref_slice %arg9[%dma_wait3A_1400, %dma_wait3A_1401] : memref<32x513xf32, #tpu.memory_space<vmem>> -> memref<8x128xf32, #tpu.memory_space<vmem>>
        tpu.wait_dma2 semaphore(%arg15 : memref<!tpu.dma_semaphore, #tpu.memory_space<semaphore_mem>>) src(%dma_wait3A_1402 : memref<8x128xf32, #tpu.memory_space<vmem>>) dst(%dma_wait3A_1399 : memref<8x128xf32, #tpu.memory_space<hbm>>)
        %dma_wait3A_1403 = arith.constant 0 : i32
        %dma_wait3A_1404 = arith.constant 0 : i32
        %dma_wait3A_1405 = arith.constant 0 : i32
        %dma_wait3A_1406 = arith.constant 0 : i32
        %dma_wait3A_1407 = arith.constant 0 : i32
        %dma_wait3A_1408 = tpu.memref_slice %arg9[%dma_wait3A_1406, %dma_wait3A_1407] : memref<32x513xf32, #tpu.memory_space<vmem>> -> memref<8x128xf32, #tpu.memory_space<vmem>>
        %dma_wait3A_1409 = arith.constant 0 : i32
        %dma_wait3A_1410 = arith.constant 0 : i32
        %dma_wait3A_1411 = tpu.memref_slice %arg4[%dma_wait3A_1403, %dma_wait3A_1404, %dma_wait3A_1405, %dma_wait3A_1409, %dma_wait3A_1410] : memref<200x4x128x8x128xf32, #tpu.memory_space<hbm>> -> memref<1x1x1x8x128xf32, #tpu.memory_space<hbm>>
        %dma_wait3A_1412 = tpu.memref_squeeze %dma_wait3A_1411 : memref<1x1x1x8x128xf32, #tpu.memory_space<hbm>> -> memref<8x128xf32, #tpu.memory_space<hbm>>
        %dma_wait3A_1413 = arith.constant 0 : i32
        %dma_wait3A_1414 = arith.constant 0 : i32
        %dma_wait3A_1415 = tpu.memref_slice %arg4[%dma_wait3A_1403, %dma_wait3A_1404, %dma_wait3A_1405, %dma_wait3A_1413, %dma_wait3A_1414] : memref<200x4x128x8x128xf32, #tpu.memory_space<hbm>> -> memref<1x1x1x8x128xf32, #tpu.memory_space<hbm>>
        %dma_wait3A_1416 = tpu.memref_squeeze %dma_wait3A_1415 : memref<1x1x1x8x128xf32, #tpu.memory_space<hbm>> -> memref<8x128xf32, #tpu.memory_space<hbm>>
        %dma_wait3A_1417 = arith.constant 0 : i32
        %dma_wait3A_1418 = arith.constant 0 : i32
        %dma_wait3A_1419 = tpu.memref_slice %arg9[%dma_wait3A_1417, %dma_wait3A_1418] : memref<32x513xf32, #tpu.memory_space<vmem>> -> memref<8x128xf32, #tpu.memory_space<vmem>>
        tpu.wait_dma2 semaphore(%arg15 : memref<!tpu.dma_semaphore, #tpu.memory_space<semaphore_mem>>) src(%dma_wait3A_1419 : memref<8x128xf32, #tpu.memory_space<vmem>>) dst(%dma_wait3A_1416 : memref<8x128xf32, #tpu.memory_space<hbm>>)
        %dma_wait3A_1420 = arith.constant 0 : i32
        %dma_wait3A_1421 = arith.constant 0 : i32
        %dma_wait3A_1422 = arith.constant 0 : i32
        %dma_wait3A_1423 = arith.constant 0 : i32
        %dma_wait3A_1424 = arith.constant 0 : i32
        %dma_wait3A_1425 = tpu.memref_slice %arg9[%dma_wait3A_1423, %dma_wait3A_1424] : memref<32x513xf32, #tpu.memory_space<vmem>> -> memref<8x128xf32, #tpu.memory_space<vmem>>
        %dma_wait3A_1426 = arith.constant 0 : i32
        %dma_wait3A_1427 = arith.constant 0 : i32
        %dma_wait3A_1428 = tpu.memref_slice %arg4[%dma_wait3A_1420, %dma_wait3A_1421, %dma_wait3A_1422, %dma_wait3A_1426, %dma_wait3A_1427] : memref<200x4x128x8x128xf32, #tpu.memory_space<hbm>> -> memref<1x1x1x8x128xf32, #tpu.memory_space<hbm>>
        %dma_wait3A_1429 = tpu.memref_squeeze %dma_wait3A_1428 : memref<1x1x1x8x128xf32, #tpu.memory_space<hbm>> -> memref<8x128xf32, #tpu.memory_space<hbm>>
        %dma_wait3A_1430 = arith.constant 0 : i32
        %dma_wait3A_1431 = arith.constant 0 : i32
        %dma_wait3A_1432 = tpu.memref_slice %arg4[%dma_wait3A_1420, %dma_wait3A_1421, %dma_wait3A_1422, %dma_wait3A_1430, %dma_wait3A_1431] : memref<200x4x128x8x128xf32, #tpu.memory_space<hbm>> -> memref<1x1x1x8x128xf32, #tpu.memory_space<hbm>>
        %dma_wait3A_1433 = tpu.memref_squeeze %dma_wait3A_1432 : memref<1x1x1x8x128xf32, #tpu.memory_space<hbm>> -> memref<8x128xf32, #tpu.memory_space<hbm>>
        %dma_wait3A_1434 = arith.constant 0 : i32
        %dma_wait3A_1435 = arith.constant 0 : i32
        %dma_wait3A_1436 = tpu.memref_slice %arg9[%dma_wait3A_1434, %dma_wait3A_1435] : memref<32x513xf32, #tpu.memory_space<vmem>> -> memref<8x128xf32, #tpu.memory_space<vmem>>
        tpu.wait_dma2 semaphore(%arg15 : memref<!tpu.dma_semaphore, #tpu.memory_space<semaphore_mem>>) src(%dma_wait3A_1436 : memref<8x128xf32, #tpu.memory_space<vmem>>) dst(%dma_wait3A_1433 : memref<8x128xf32, #tpu.memory_space<hbm>>)
        %dma_wait3A_1437 = arith.constant 0 : i32
        %dma_wait3A_1438 = arith.constant 0 : i32
        %dma_wait3A_1439 = arith.constant 0 : i32
        %dma_wait3A_1440 = arith.constant 0 : i32
        %dma_wait3A_1441 = arith.constant 0 : i32
        %dma_wait3A_1442 = tpu.memref_slice %arg9[%dma_wait3A_1440, %dma_wait3A_1441] : memref<32x513xf32, #tpu.memory_space<vmem>> -> memref<8x128xf32, #tpu.memory_space<vmem>>
        %dma_wait3A_1443 = arith.constant 0 : i32
        %dma_wait3A_1444 = arith.constant 0 : i32
        %dma_wait3A_1445 = tpu.memref_slice %arg4[%dma_wait3A_1437, %dma_wait3A_1438, %dma_wait3A_1439, %dma_wait3A_1443, %dma_wait3A_1444] : memref<200x4x128x8x128xf32, #tpu.memory_space<hbm>> -> memref<1x1x1x8x128xf32, #tpu.memory_space<hbm>>
        %dma_wait3A_1446 = tpu.memref_squeeze %dma_wait3A_1445 : memref<1x1x1x8x128xf32, #tpu.memory_space<hbm>> -> memref<8x128xf32, #tpu.memory_space<hbm>>
        %dma_wait3A_1447 = arith.constant 0 : i32
        %dma_wait3A_1448 = arith.constant 0 : i32
        %dma_wait3A_1449 = tpu.memref_slice %arg4[%dma_wait3A_1437, %dma_wait3A_1438, %dma_wait3A_1439, %dma_wait3A_1447, %dma_wait3A_1448] : memref<200x4x128x8x128xf32, #tpu.memory_space<hbm>> -> memref<1x1x1x8x128xf32, #tpu.memory_space<hbm>>
        %dma_wait3A_1450 = tpu.memref_squeeze %dma_wait3A_1449 : memref<1x1x1x8x128xf32, #tpu.memory_space<hbm>> -> memref<8x128xf32, #tpu.memory_space<hbm>>
        %dma_wait3A_1451 = arith.constant 0 : i32
        %dma_wait3A_1452 = arith.constant 0 : i32
        %dma_wait3A_1453 = tpu.memref_slice %arg9[%dma_wait3A_1451, %dma_wait3A_1452] : memref<32x513xf32, #tpu.memory_space<vmem>> -> memref<8x128xf32, #tpu.memory_space<vmem>>
        tpu.wait_dma2 semaphore(%arg15 : memref<!tpu.dma_semaphore, #tpu.memory_space<semaphore_mem>>) src(%dma_wait3A_1453 : memref<8x128xf32, #tpu.memory_space<vmem>>) dst(%dma_wait3A_1450 : memref<8x128xf32, #tpu.memory_space<hbm>>)
        %dma_wait3A_1454 = arith.constant 0 : i32
        %dma_wait3A_1455 = arith.constant 0 : i32
        %dma_wait3A_1456 = arith.constant 0 : i32
        %dma_wait3A_1457 = arith.constant 0 : i32
        %dma_wait3A_1458 = arith.constant 0 : i32
        %dma_wait3A_1459 = tpu.memref_slice %arg9[%dma_wait3A_1457, %dma_wait3A_1458] : memref<32x513xf32, #tpu.memory_space<vmem>> -> memref<8x128xf32, #tpu.memory_space<vmem>>
        %dma_wait3A_1460 = arith.constant 0 : i32
        %dma_wait3A_1461 = arith.constant 0 : i32
        %dma_wait3A_1462 = tpu.memref_slice %arg4[%dma_wait3A_1454, %dma_wait3A_1455, %dma_wait3A_1456, %dma_wait3A_1460, %dma_wait3A_1461] : memref<200x4x128x8x128xf32, #tpu.memory_space<hbm>> -> memref<1x1x1x8x128xf32, #tpu.memory_space<hbm>>
        %dma_wait3A_1463 = tpu.memref_squeeze %dma_wait3A_1462 : memref<1x1x1x8x128xf32, #tpu.memory_space<hbm>> -> memref<8x128xf32, #tpu.memory_space<hbm>>
        %dma_wait3A_1464 = arith.constant 0 : i32
        %dma_wait3A_1465 = arith.constant 0 : i32
        %dma_wait3A_1466 = tpu.memref_slice %arg4[%dma_wait3A_1454, %dma_wait3A_1455, %dma_wait3A_1456, %dma_wait3A_1464, %dma_wait3A_1465] : memref<200x4x128x8x128xf32, #tpu.memory_space<hbm>> -> memref<1x1x1x8x128xf32, #tpu.memory_space<hbm>>
        %dma_wait3A_1467 = tpu.memref_squeeze %dma_wait3A_1466 : memref<1x1x1x8x128xf32, #tpu.memory_space<hbm>> -> memref<8x128xf32, #tpu.memory_space<hbm>>
        %dma_wait3A_1468 = arith.constant 0 : i32
        %dma_wait3A_1469 = arith.constant 0 : i32
        %dma_wait3A_1470 = tpu.memref_slice %arg9[%dma_wait3A_1468, %dma_wait3A_1469] : memref<32x513xf32, #tpu.memory_space<vmem>> -> memref<8x128xf32, #tpu.memory_space<vmem>>
        tpu.wait_dma2 semaphore(%arg15 : memref<!tpu.dma_semaphore, #tpu.memory_space<semaphore_mem>>) src(%dma_wait3A_1470 : memref<8x128xf32, #tpu.memory_space<vmem>>) dst(%dma_wait3A_1467 : memref<8x128xf32, #tpu.memory_space<hbm>>)
        %dma_wait3A_1471 = arith.constant 0 : i32
        %dma_wait3A_1472 = arith.constant 0 : i32
        %dma_wait3A_1473 = arith.constant 0 : i32
        %dma_wait3A_1474 = arith.constant 0 : i32
        %dma_wait3A_1475 = arith.constant 0 : i32
        %dma_wait3A_1476 = tpu.memref_slice %arg9[%dma_wait3A_1474, %dma_wait3A_1475] : memref<32x513xf32, #tpu.memory_space<vmem>> -> memref<8x128xf32, #tpu.memory_space<vmem>>
        %dma_wait3A_1477 = arith.constant 0 : i32
        %dma_wait3A_1478 = arith.constant 0 : i32
        %dma_wait3A_1479 = tpu.memref_slice %arg4[%dma_wait3A_1471, %dma_wait3A_1472, %dma_wait3A_1473, %dma_wait3A_1477, %dma_wait3A_1478] : memref<200x4x128x8x128xf32, #tpu.memory_space<hbm>> -> memref<1x1x1x8x128xf32, #tpu.memory_space<hbm>>
        %dma_wait3A_1480 = tpu.memref_squeeze %dma_wait3A_1479 : memref<1x1x1x8x128xf32, #tpu.memory_space<hbm>> -> memref<8x128xf32, #tpu.memory_space<hbm>>
        %dma_wait3A_1481 = arith.constant 0 : i32
        %dma_wait3A_1482 = arith.constant 0 : i32
        %dma_wait3A_1483 = tpu.memref_slice %arg4[%dma_wait3A_1471, %dma_wait3A_1472, %dma_wait3A_1473, %dma_wait3A_1481, %dma_wait3A_1482] : memref<200x4x128x8x128xf32, #tpu.memory_space<hbm>> -> memref<1x1x1x8x128xf32, #tpu.memory_space<hbm>>
        %dma_wait3A_1484 = tpu.memref_squeeze %dma_wait3A_1483 : memref<1x1x1x8x128xf32, #tpu.memory_space<hbm>> -> memref<8x128xf32, #tpu.memory_space<hbm>>
        %dma_wait3A_1485 = arith.constant 0 : i32
        %dma_wait3A_1486 = arith.constant 0 : i32
        %dma_wait3A_1487 = tpu.memref_slice %arg9[%dma_wait3A_1485, %dma_wait3A_1486] : memref<32x513xf32, #tpu.memory_space<vmem>> -> memref<8x128xf32, #tpu.memory_space<vmem>>
        tpu.wait_dma2 semaphore(%arg15 : memref<!tpu.dma_semaphore, #tpu.memory_space<semaphore_mem>>) src(%dma_wait3A_1487 : memref<8x128xf32, #tpu.memory_space<vmem>>) dst(%dma_wait3A_1484 : memref<8x128xf32, #tpu.memory_space<hbm>>)
        %dma_wait3A_1488 = arith.constant 0 : i32
        %dma_wait3A_1489 = arith.constant 0 : i32
        %dma_wait3A_1490 = arith.constant 0 : i32
        %dma_wait3A_1491 = arith.constant 0 : i32
        %dma_wait3A_1492 = arith.constant 0 : i32
        %dma_wait3A_1493 = tpu.memref_slice %arg9[%dma_wait3A_1491, %dma_wait3A_1492] : memref<32x513xf32, #tpu.memory_space<vmem>> -> memref<8x128xf32, #tpu.memory_space<vmem>>
        %dma_wait3A_1494 = arith.constant 0 : i32
        %dma_wait3A_1495 = arith.constant 0 : i32
        %dma_wait3A_1496 = tpu.memref_slice %arg4[%dma_wait3A_1488, %dma_wait3A_1489, %dma_wait3A_1490, %dma_wait3A_1494, %dma_wait3A_1495] : memref<200x4x128x8x128xf32, #tpu.memory_space<hbm>> -> memref<1x1x1x8x128xf32, #tpu.memory_space<hbm>>
        %dma_wait3A_1497 = tpu.memref_squeeze %dma_wait3A_1496 : memref<1x1x1x8x128xf32, #tpu.memory_space<hbm>> -> memref<8x128xf32, #tpu.memory_space<hbm>>
        %dma_wait3A_1498 = arith.constant 0 : i32
        %dma_wait3A_1499 = arith.constant 0 : i32
        %dma_wait3A_1500 = tpu.memref_slice %arg4[%dma_wait3A_1488, %dma_wait3A_1489, %dma_wait3A_1490, %dma_wait3A_1498, %dma_wait3A_1499] : memref<200x4x128x8x128xf32, #tpu.memory_space<hbm>> -> memref<1x1x1x8x128xf32, #tpu.memory_space<hbm>>
        %dma_wait3A_1501 = tpu.memref_squeeze %dma_wait3A_1500 : memref<1x1x1x8x128xf32, #tpu.memory_space<hbm>> -> memref<8x128xf32, #tpu.memory_space<hbm>>
        %dma_wait3A_1502 = arith.constant 0 : i32
        %dma_wait3A_1503 = arith.constant 0 : i32
        %dma_wait3A_1504 = tpu.memref_slice %arg9[%dma_wait3A_1502, %dma_wait3A_1503] : memref<32x513xf32, #tpu.memory_space<vmem>> -> memref<8x128xf32, #tpu.memory_space<vmem>>
        tpu.wait_dma2 semaphore(%arg15 : memref<!tpu.dma_semaphore, #tpu.memory_space<semaphore_mem>>) src(%dma_wait3A_1504 : memref<8x128xf32, #tpu.memory_space<vmem>>) dst(%dma_wait3A_1501 : memref<8x128xf32, #tpu.memory_space<hbm>>)
        %dma_wait3A_1505 = arith.constant 0 : i32
        %dma_wait3A_1506 = arith.constant 0 : i32
        %dma_wait3A_1507 = arith.constant 0 : i32
        %dma_wait3A_1508 = arith.constant 0 : i32
        %dma_wait3A_1509 = arith.constant 0 : i32
        %dma_wait3A_1510 = tpu.memref_slice %arg9[%dma_wait3A_1508, %dma_wait3A_1509] : memref<32x513xf32, #tpu.memory_space<vmem>> -> memref<8x128xf32, #tpu.memory_space<vmem>>
        %dma_wait3A_1511 = arith.constant 0 : i32
        %dma_wait3A_1512 = arith.constant 0 : i32
        %dma_wait3A_1513 = tpu.memref_slice %arg4[%dma_wait3A_1505, %dma_wait3A_1506, %dma_wait3A_1507, %dma_wait3A_1511, %dma_wait3A_1512] : memref<200x4x128x8x128xf32, #tpu.memory_space<hbm>> -> memref<1x1x1x8x128xf32, #tpu.memory_space<hbm>>
        %dma_wait3A_1514 = tpu.memref_squeeze %dma_wait3A_1513 : memref<1x1x1x8x128xf32, #tpu.memory_space<hbm>> -> memref<8x128xf32, #tpu.memory_space<hbm>>
        %dma_wait3A_1515 = arith.constant 0 : i32
        %dma_wait3A_1516 = arith.constant 0 : i32
        %dma_wait3A_1517 = tpu.memref_slice %arg4[%dma_wait3A_1505, %dma_wait3A_1506, %dma_wait3A_1507, %dma_wait3A_1515, %dma_wait3A_1516] : memref<200x4x128x8x128xf32, #tpu.memory_space<hbm>> -> memref<1x1x1x8x128xf32, #tpu.memory_space<hbm>>
        %dma_wait3A_1518 = tpu.memref_squeeze %dma_wait3A_1517 : memref<1x1x1x8x128xf32, #tpu.memory_space<hbm>> -> memref<8x128xf32, #tpu.memory_space<hbm>>
        %dma_wait3A_1519 = arith.constant 0 : i32
        %dma_wait3A_1520 = arith.constant 0 : i32
        %dma_wait3A_1521 = tpu.memref_slice %arg9[%dma_wait3A_1519, %dma_wait3A_1520] : memref<32x513xf32, #tpu.memory_space<vmem>> -> memref<8x128xf32, #tpu.memory_space<vmem>>
        tpu.wait_dma2 semaphore(%arg15 : memref<!tpu.dma_semaphore, #tpu.memory_space<semaphore_mem>>) src(%dma_wait3A_1521 : memref<8x128xf32, #tpu.memory_space<vmem>>) dst(%dma_wait3A_1518 : memref<8x128xf32, #tpu.memory_space<hbm>>)
        %dma_wait3A_1522 = arith.constant 0 : i32
        %dma_wait3A_1523 = arith.constant 0 : i32
        %dma_wait3A_1524 = arith.constant 0 : i32
        %dma_wait3A_1525 = arith.constant 0 : i32
        %dma_wait3A_1526 = arith.constant 0 : i32
        %dma_wait3A_1527 = tpu.memref_slice %arg9[%dma_wait3A_1525, %dma_wait3A_1526] : memref<32x513xf32, #tpu.memory_space<vmem>> -> memref<8x128xf32, #tpu.memory_space<vmem>>
        %dma_wait3A_1528 = arith.constant 0 : i32
        %dma_wait3A_1529 = arith.constant 0 : i32
        %dma_wait3A_1530 = tpu.memref_slice %arg4[%dma_wait3A_1522, %dma_wait3A_1523, %dma_wait3A_1524, %dma_wait3A_1528, %dma_wait3A_1529] : memref<200x4x128x8x128xf32, #tpu.memory_space<hbm>> -> memref<1x1x1x8x128xf32, #tpu.memory_space<hbm>>
        %dma_wait3A_1531 = tpu.memref_squeeze %dma_wait3A_1530 : memref<1x1x1x8x128xf32, #tpu.memory_space<hbm>> -> memref<8x128xf32, #tpu.memory_space<hbm>>
        %dma_wait3A_1532 = arith.constant 0 : i32
        %dma_wait3A_1533 = arith.constant 0 : i32
        %dma_wait3A_1534 = tpu.memref_slice %arg4[%dma_wait3A_1522, %dma_wait3A_1523, %dma_wait3A_1524, %dma_wait3A_1532, %dma_wait3A_1533] : memref<200x4x128x8x128xf32, #tpu.memory_space<hbm>> -> memref<1x1x1x8x128xf32, #tpu.memory_space<hbm>>
        %dma_wait3A_1535 = tpu.memref_squeeze %dma_wait3A_1534 : memref<1x1x1x8x128xf32, #tpu.memory_space<hbm>> -> memref<8x128xf32, #tpu.memory_space<hbm>>
        %dma_wait3A_1536 = arith.constant 0 : i32
        %dma_wait3A_1537 = arith.constant 0 : i32
        %dma_wait3A_1538 = tpu.memref_slice %arg9[%dma_wait3A_1536, %dma_wait3A_1537] : memref<32x513xf32, #tpu.memory_space<vmem>> -> memref<8x128xf32, #tpu.memory_space<vmem>>
        tpu.wait_dma2 semaphore(%arg15 : memref<!tpu.dma_semaphore, #tpu.memory_space<semaphore_mem>>) src(%dma_wait3A_1538 : memref<8x128xf32, #tpu.memory_space<vmem>>) dst(%dma_wait3A_1535 : memref<8x128xf32, #tpu.memory_space<hbm>>)
        %dma_wait3A_1539 = arith.constant 0 : i32
        %dma_wait3A_1540 = arith.constant 0 : i32
        %dma_wait3A_1541 = arith.constant 0 : i32
        %dma_wait3A_1542 = arith.constant 0 : i32
        %dma_wait3A_1543 = arith.constant 0 : i32
        %dma_wait3A_1544 = tpu.memref_slice %arg9[%dma_wait3A_1542, %dma_wait3A_1543] : memref<32x513xf32, #tpu.memory_space<vmem>> -> memref<8x128xf32, #tpu.memory_space<vmem>>
        %dma_wait3A_1545 = arith.constant 0 : i32
        %dma_wait3A_1546 = arith.constant 0 : i32
        %dma_wait3A_1547 = tpu.memref_slice %arg4[%dma_wait3A_1539, %dma_wait3A_1540, %dma_wait3A_1541, %dma_wait3A_1545, %dma_wait3A_1546] : memref<200x4x128x8x128xf32, #tpu.memory_space<hbm>> -> memref<1x1x1x8x128xf32, #tpu.memory_space<hbm>>
        %dma_wait3A_1548 = tpu.memref_squeeze %dma_wait3A_1547 : memref<1x1x1x8x128xf32, #tpu.memory_space<hbm>> -> memref<8x128xf32, #tpu.memory_space<hbm>>
        %dma_wait3A_1549 = arith.constant 0 : i32
        %dma_wait3A_1550 = arith.constant 0 : i32
        %dma_wait3A_1551 = tpu.memref_slice %arg4[%dma_wait3A_1539, %dma_wait3A_1540, %dma_wait3A_1541, %dma_wait3A_1549, %dma_wait3A_1550] : memref<200x4x128x8x128xf32, #tpu.memory_space<hbm>> -> memref<1x1x1x8x128xf32, #tpu.memory_space<hbm>>
        %dma_wait3A_1552 = tpu.memref_squeeze %dma_wait3A_1551 : memref<1x1x1x8x128xf32, #tpu.memory_space<hbm>> -> memref<8x128xf32, #tpu.memory_space<hbm>>
        %dma_wait3A_1553 = arith.constant 0 : i32
        %dma_wait3A_1554 = arith.constant 0 : i32
        %dma_wait3A_1555 = tpu.memref_slice %arg9[%dma_wait3A_1553, %dma_wait3A_1554] : memref<32x513xf32, #tpu.memory_space<vmem>> -> memref<8x128xf32, #tpu.memory_space<vmem>>
        tpu.wait_dma2 semaphore(%arg15 : memref<!tpu.dma_semaphore, #tpu.memory_space<semaphore_mem>>) src(%dma_wait3A_1555 : memref<8x128xf32, #tpu.memory_space<vmem>>) dst(%dma_wait3A_1552 : memref<8x128xf32, #tpu.memory_space<hbm>>)
        %dma_wait3A_1556 = arith.constant 0 : i32
        %dma_wait3A_1557 = arith.constant 0 : i32
        %dma_wait3A_1558 = arith.constant 0 : i32
        %dma_wait3A_1559 = arith.constant 0 : i32
        %dma_wait3A_1560 = arith.constant 0 : i32
        %dma_wait3A_1561 = tpu.memref_slice %arg9[%dma_wait3A_1559, %dma_wait3A_1560] : memref<32x513xf32, #tpu.memory_space<vmem>> -> memref<8x128xf32, #tpu.memory_space<vmem>>
        %dma_wait3A_1562 = arith.constant 0 : i32
        %dma_wait3A_1563 = arith.constant 0 : i32
        %dma_wait3A_1564 = tpu.memref_slice %arg4[%dma_wait3A_1556, %dma_wait3A_1557, %dma_wait3A_1558, %dma_wait3A_1562, %dma_wait3A_1563] : memref<200x4x128x8x128xf32, #tpu.memory_space<hbm>> -> memref<1x1x1x8x128xf32, #tpu.memory_space<hbm>>
        %dma_wait3A_1565 = tpu.memref_squeeze %dma_wait3A_1564 : memref<1x1x1x8x128xf32, #tpu.memory_space<hbm>> -> memref<8x128xf32, #tpu.memory_space<hbm>>
        %dma_wait3A_1566 = arith.constant 0 : i32
        %dma_wait3A_1567 = arith.constant 0 : i32
        %dma_wait3A_1568 = tpu.memref_slice %arg4[%dma_wait3A_1556, %dma_wait3A_1557, %dma_wait3A_1558, %dma_wait3A_1566, %dma_wait3A_1567] : memref<200x4x128x8x128xf32, #tpu.memory_space<hbm>> -> memref<1x1x1x8x128xf32, #tpu.memory_space<hbm>>
        %dma_wait3A_1569 = tpu.memref_squeeze %dma_wait3A_1568 : memref<1x1x1x8x128xf32, #tpu.memory_space<hbm>> -> memref<8x128xf32, #tpu.memory_space<hbm>>
        %dma_wait3A_1570 = arith.constant 0 : i32
        %dma_wait3A_1571 = arith.constant 0 : i32
        %dma_wait3A_1572 = tpu.memref_slice %arg9[%dma_wait3A_1570, %dma_wait3A_1571] : memref<32x513xf32, #tpu.memory_space<vmem>> -> memref<8x128xf32, #tpu.memory_space<vmem>>
        tpu.wait_dma2 semaphore(%arg15 : memref<!tpu.dma_semaphore, #tpu.memory_space<semaphore_mem>>) src(%dma_wait3A_1572 : memref<8x128xf32, #tpu.memory_space<vmem>>) dst(%dma_wait3A_1569 : memref<8x128xf32, #tpu.memory_space<hbm>>)
        %dma_wait3A_1573 = arith.constant 0 : i32
        %dma_wait3A_1574 = arith.constant 0 : i32
        %dma_wait3A_1575 = arith.constant 0 : i32
        %dma_wait3A_1576 = arith.constant 0 : i32
        %dma_wait3A_1577 = arith.constant 0 : i32
        %dma_wait3A_1578 = tpu.memref_slice %arg9[%dma_wait3A_1576, %dma_wait3A_1577] : memref<32x513xf32, #tpu.memory_space<vmem>> -> memref<8x128xf32, #tpu.memory_space<vmem>>
        %dma_wait3A_1579 = arith.constant 0 : i32
        %dma_wait3A_1580 = arith.constant 0 : i32
        %dma_wait3A_1581 = tpu.memref_slice %arg4[%dma_wait3A_1573, %dma_wait3A_1574, %dma_wait3A_1575, %dma_wait3A_1579, %dma_wait3A_1580] : memref<200x4x128x8x128xf32, #tpu.memory_space<hbm>> -> memref<1x1x1x8x128xf32, #tpu.memory_space<hbm>>
        %dma_wait3A_1582 = tpu.memref_squeeze %dma_wait3A_1581 : memref<1x1x1x8x128xf32, #tpu.memory_space<hbm>> -> memref<8x128xf32, #tpu.memory_space<hbm>>
        %dma_wait3A_1583 = arith.constant 0 : i32
        %dma_wait3A_1584 = arith.constant 0 : i32
        %dma_wait3A_1585 = tpu.memref_slice %arg4[%dma_wait3A_1573, %dma_wait3A_1574, %dma_wait3A_1575, %dma_wait3A_1583, %dma_wait3A_1584] : memref<200x4x128x8x128xf32, #tpu.memory_space<hbm>> -> memref<1x1x1x8x128xf32, #tpu.memory_space<hbm>>
        %dma_wait3A_1586 = tpu.memref_squeeze %dma_wait3A_1585 : memref<1x1x1x8x128xf32, #tpu.memory_space<hbm>> -> memref<8x128xf32, #tpu.memory_space<hbm>>
        %dma_wait3A_1587 = arith.constant 0 : i32
        %dma_wait3A_1588 = arith.constant 0 : i32
        %dma_wait3A_1589 = tpu.memref_slice %arg9[%dma_wait3A_1587, %dma_wait3A_1588] : memref<32x513xf32, #tpu.memory_space<vmem>> -> memref<8x128xf32, #tpu.memory_space<vmem>>
        tpu.wait_dma2 semaphore(%arg15 : memref<!tpu.dma_semaphore, #tpu.memory_space<semaphore_mem>>) src(%dma_wait3A_1589 : memref<8x128xf32, #tpu.memory_space<vmem>>) dst(%dma_wait3A_1586 : memref<8x128xf32, #tpu.memory_space<hbm>>)
        %dma_wait3A_1590 = arith.constant 0 : i32
        %dma_wait3A_1591 = arith.constant 0 : i32
        %dma_wait3A_1592 = arith.constant 0 : i32
        %dma_wait3A_1593 = arith.constant 0 : i32
        %dma_wait3A_1594 = arith.constant 0 : i32
        %dma_wait3A_1595 = tpu.memref_slice %arg9[%dma_wait3A_1593, %dma_wait3A_1594] : memref<32x513xf32, #tpu.memory_space<vmem>> -> memref<8x128xf32, #tpu.memory_space<vmem>>
        %dma_wait3A_1596 = arith.constant 0 : i32
        %dma_wait3A_1597 = arith.constant 0 : i32
        %dma_wait3A_1598 = tpu.memref_slice %arg4[%dma_wait3A_1590, %dma_wait3A_1591, %dma_wait3A_1592, %dma_wait3A_1596, %dma_wait3A_1597] : memref<200x4x128x8x128xf32, #tpu.memory_space<hbm>> -> memref<1x1x1x8x128xf32, #tpu.memory_space<hbm>>
        %dma_wait3A_1599 = tpu.memref_squeeze %dma_wait3A_1598 : memref<1x1x1x8x128xf32, #tpu.memory_space<hbm>> -> memref<8x128xf32, #tpu.memory_space<hbm>>
        %dma_wait3A_1600 = arith.constant 0 : i32
        %dma_wait3A_1601 = arith.constant 0 : i32
        %dma_wait3A_1602 = tpu.memref_slice %arg4[%dma_wait3A_1590, %dma_wait3A_1591, %dma_wait3A_1592, %dma_wait3A_1600, %dma_wait3A_1601] : memref<200x4x128x8x128xf32, #tpu.memory_space<hbm>> -> memref<1x1x1x8x128xf32, #tpu.memory_space<hbm>>
        %dma_wait3A_1603 = tpu.memref_squeeze %dma_wait3A_1602 : memref<1x1x1x8x128xf32, #tpu.memory_space<hbm>> -> memref<8x128xf32, #tpu.memory_space<hbm>>
        %dma_wait3A_1604 = arith.constant 0 : i32
        %dma_wait3A_1605 = arith.constant 0 : i32
        %dma_wait3A_1606 = tpu.memref_slice %arg9[%dma_wait3A_1604, %dma_wait3A_1605] : memref<32x513xf32, #tpu.memory_space<vmem>> -> memref<8x128xf32, #tpu.memory_space<vmem>>
        tpu.wait_dma2 semaphore(%arg15 : memref<!tpu.dma_semaphore, #tpu.memory_space<semaphore_mem>>) src(%dma_wait3A_1606 : memref<8x128xf32, #tpu.memory_space<vmem>>) dst(%dma_wait3A_1603 : memref<8x128xf32, #tpu.memory_space<hbm>>)
        %dma_wait3A_1607 = arith.constant 0 : i32
        %dma_wait3A_1608 = arith.constant 0 : i32
        %dma_wait3A_1609 = arith.constant 0 : i32
        %dma_wait3A_1610 = arith.constant 0 : i32
        %dma_wait3A_1611 = arith.constant 0 : i32
        %dma_wait3A_1612 = tpu.memref_slice %arg9[%dma_wait3A_1610, %dma_wait3A_1611] : memref<32x513xf32, #tpu.memory_space<vmem>> -> memref<8x128xf32, #tpu.memory_space<vmem>>
        %dma_wait3A_1613 = arith.constant 0 : i32
        %dma_wait3A_1614 = arith.constant 0 : i32
        %dma_wait3A_1615 = tpu.memref_slice %arg4[%dma_wait3A_1607, %dma_wait3A_1608, %dma_wait3A_1609, %dma_wait3A_1613, %dma_wait3A_1614] : memref<200x4x128x8x128xf32, #tpu.memory_space<hbm>> -> memref<1x1x1x8x128xf32, #tpu.memory_space<hbm>>
        %dma_wait3A_1616 = tpu.memref_squeeze %dma_wait3A_1615 : memref<1x1x1x8x128xf32, #tpu.memory_space<hbm>> -> memref<8x128xf32, #tpu.memory_space<hbm>>
        %dma_wait3A_1617 = arith.constant 0 : i32
        %dma_wait3A_1618 = arith.constant 0 : i32
        %dma_wait3A_1619 = tpu.memref_slice %arg4[%dma_wait3A_1607, %dma_wait3A_1608, %dma_wait3A_1609, %dma_wait3A_1617, %dma_wait3A_1618] : memref<200x4x128x8x128xf32, #tpu.memory_space<hbm>> -> memref<1x1x1x8x128xf32, #tpu.memory_space<hbm>>
        %dma_wait3A_1620 = tpu.memref_squeeze %dma_wait3A_1619 : memref<1x1x1x8x128xf32, #tpu.memory_space<hbm>> -> memref<8x128xf32, #tpu.memory_space<hbm>>
        %dma_wait3A_1621 = arith.constant 0 : i32
        %dma_wait3A_1622 = arith.constant 0 : i32
        %dma_wait3A_1623 = tpu.memref_slice %arg9[%dma_wait3A_1621, %dma_wait3A_1622] : memref<32x513xf32, #tpu.memory_space<vmem>> -> memref<8x128xf32, #tpu.memory_space<vmem>>
        tpu.wait_dma2 semaphore(%arg15 : memref<!tpu.dma_semaphore, #tpu.memory_space<semaphore_mem>>) src(%dma_wait3A_1623 : memref<8x128xf32, #tpu.memory_space<vmem>>) dst(%dma_wait3A_1620 : memref<8x128xf32, #tpu.memory_space<hbm>>)
      } else {
      }
      %dma_wait3A_620 = arith.constant 0 : i32
      %dma_wait3A_621 = arith.constant 0 : i32
      %dma_wait3A_622 = arith.constant 0 : i32
      %dma_wait3A_623 = tpu.memref_slice %arg7[%dma_wait3A_621, %dma_wait3A_622] : memref<512x32xf32, #tpu.memory_space<vmem>> -> memref<128x32xf32, #tpu.memory_space<vmem>>
      %dma_wait3A_624 = arith.constant 0 : i32
      %dma_wait3A_625 = tpu.memref_slice %arg5[%dma_wait3A_620, %dma_wait3A_624] : memref<4x128xi32, #tpu.memory_space<vmem>> -> memref<1x128xi32, #tpu.memory_space<vmem>>
      %dma_wait3A_626 = tpu.memref_squeeze %dma_wait3A_625 : memref<1x128xi32, #tpu.memory_space<vmem>> -> memref<128xi32, #tpu.memory_space<vmem>>
      %dma_wait3A_627 = arith.constant 0 : i32
      %dma_wait3A_628 = arith.constant 0 : i32
      %dma_wait3A_629 = tpu.memref_slice %arg3[%dma_wait3A_627, %dma_wait3A_628] : memref<1000000x32xf32, #tpu.memory_space<hbm>> -> memref<1000000x32xf32, #tpu.memory_space<hbm>>
      tpu.wait_indirect_dma semaphore(%arg13 : memref<!tpu.dma_semaphore, #tpu.memory_space<semaphore_mem>>) src(%dma_wait3A_629 : memref<1000000x32xf32, #tpu.memory_space<hbm>>) dst(%dma_wait3A_623 : memref<128x32xf32, #tpu.memory_space<vmem>>)
      %add3A_630 = arith.constant 16 : i32
      %add3A_631 = vector.broadcast %add3A_630 : i32 to vector<16xi32>
      %add3A_632 = arith.addi %iota3A, %add3A_631 : vector<16xi32>
      %scan3A_633 = arith.constant 0 : i32
      %scan3A_634 = arith.constant 0 : i32
      %scan3A_635 = arith.constant 16 : i32
      %scan3A_636 = arith.addi %scan3A_634, %scan3A_635 : i32
      %scan3A_637 = arith.constant 1 : i32
      scf.for %scan3A_1352 = %scan3A_634 to %scan3A_636 step %scan3A_637  : i32 {
        %mul3A_1353 = arith.constant 8 : i32
        %mul3A_1354 = arith.muli %scan3A_1352, %mul3A_1353 : i32
        %add3A_1355 = arith.constant 0 : i32
        %add3A_1356 = arith.addi %add3A_1355, %mul3A_1354 : i32
        %add3A_1357 = arith.constant 0 : i32
        %add3A_1358 = arith.addi %add3A_1356, %add3A_1357 : i32
        %get3A = arith.index_cast %add3A_1358 : i32 to index
        %get3A_1359 = arith.constant 0 : index
        %get3A_1360 = tpu.vector_load %arg7[%get3A, %get3A_1359] {strides = array<i32>} : memref<512x32xf32, #tpu.memory_space<vmem>>, vector<16xf32>,
        %add3A_1361 = arith.constant 0 : i32
        %add3A_1362 = arith.addi %add3A_1356, %add3A_1361 : i32
        %get3A_1363 = arith.index_cast %add3A_1362 : i32 to index
        %get3A_1364 = arith.constant 16 : index
        %get3A_1365 = tpu.vector_load %arg7[%get3A_1363, %get3A_1364] {strides = array<i32>} : memref<512x32xf32, #tpu.memory_space<vmem>>, vector<16xf32>,
        %add3A_1366 = arith.constant 1 : i32
        %add3A_1367 = arith.addi %add3A_1356, %add3A_1366 : i32
        %get3A_1368 = arith.index_cast %add3A_1367 : i32 to index
        %get3A_1369 = arith.constant 0 : index
        %get3A_1370 = tpu.vector_load %arg7[%get3A_1368, %get3A_1369] {strides = array<i32>} : memref<512x32xf32, #tpu.memory_space<vmem>>, vector<16xf32>,
        %add3A_1371 = arith.constant 1 : i32
        %add3A_1372 = arith.addi %add3A_1356, %add3A_1371 : i32
        %get3A_1373 = arith.index_cast %add3A_1372 : i32 to index
        %get3A_1374 = arith.constant 16 : index
        %get3A_1375 = tpu.vector_load %arg7[%get3A_1373, %get3A_1374] {strides = array<i32>} : memref<512x32xf32, #tpu.memory_space<vmem>>, vector<16xf32>,
        %add3A_1376 = arith.constant 2 : i32
        %add3A_1377 = arith.addi %add3A_1356, %add3A_1376 : i32
        %get3A_1378 = arith.index_cast %add3A_1377 : i32 to index
        %get3A_1379 = arith.constant 0 : index
        %get3A_1380 = tpu.vector_load %arg7[%get3A_1378, %get3A_1379] {strides = array<i32>} : memref<512x32xf32, #tpu.memory_space<vmem>>, vector<16xf32>,
        %add3A_1381 = arith.constant 2 : i32
        %add3A_1382 = arith.addi %add3A_1356, %add3A_1381 : i32
        %get3A_1383 = arith.index_cast %add3A_1382 : i32 to index
        %get3A_1384 = arith.constant 16 : index
        %get3A_1385 = tpu.vector_load %arg7[%get3A_1383, %get3A_1384] {strides = array<i32>} : memref<512x32xf32, #tpu.memory_space<vmem>>, vector<16xf32>,
        %add3A_1386 = arith.constant 3 : i32
        %add3A_1387 = arith.addi %add3A_1356, %add3A_1386 : i32
        %get3A_1388 = arith.index_cast %add3A_1387 : i32 to index
        %get3A_1389 = arith.constant 0 : index
        %get3A_1390 = tpu.vector_load %arg7[%get3A_1388, %get3A_1389] {strides = array<i32>} : memref<512x32xf32, #tpu.memory_space<vmem>>, vector<16xf32>,
        %add3A_1391 = arith.constant 3 : i32
        %add3A_1392 = arith.addi %add3A_1356, %add3A_1391 : i32
        %get3A_1393 = arith.index_cast %add3A_1392 : i32 to index
        %get3A_1394 = arith.constant 16 : index
        %get3A_1395 = tpu.vector_load %arg7[%get3A_1393, %get3A_1394] {strides = array<i32>} : memref<512x32xf32, #tpu.memory_space<vmem>>, vector<16xf32>,
        %add3A_1396 = arith.constant 4 : i32
        %add3A_1397 = arith.addi %add3A_1356, %add3A_1396 : i32
        %get3A_1398 = arith.index_cast %add3A_1397 : i32 to index
        %get3A_1399 = arith.constant 0 : index
        %get3A_1400 = tpu.vector_load %arg7[%get3A_1398, %get3A_1399] {strides = array<i32>} : memref<512x32xf32, #tpu.memory_space<vmem>>, vector<16xf32>,
        %add3A_1401 = arith.constant 4 : i32
        %add3A_1402 = arith.addi %add3A_1356, %add3A_1401 : i32
        %get3A_1403 = arith.index_cast %add3A_1402 : i32 to index
        %get3A_1404 = arith.constant 16 : index
        %get3A_1405 = tpu.vector_load %arg7[%get3A_1403, %get3A_1404] {strides = array<i32>} : memref<512x32xf32, #tpu.memory_space<vmem>>, vector<16xf32>,
        %add3A_1406 = arith.constant 5 : i32
        %add3A_1407 = arith.addi %add3A_1356, %add3A_1406 : i32
        %get3A_1408 = arith.index_cast %add3A_1407 : i32 to index
        %get3A_1409 = arith.constant 0 : index
        %get3A_1410 = tpu.vector_load %arg7[%get3A_1408, %get3A_1409] {strides = array<i32>} : memref<512x32xf32, #tpu.memory_space<vmem>>, vector<16xf32>,
        %add3A_1411 = arith.constant 5 : i32
        %add3A_1412 = arith.addi %add3A_1356, %add3A_1411 : i32
        %get3A_1413 = arith.index_cast %add3A_1412 : i32 to index
        %get3A_1414 = arith.constant 16 : index
        %get3A_1415 = tpu.vector_load %arg7[%get3A_1413, %get3A_1414] {strides = array<i32>} : memref<512x32xf32, #tpu.memory_space<vmem>>, vector<16xf32>,
        %add3A_1416 = arith.constant 6 : i32
        %add3A_1417 = arith.addi %add3A_1356, %add3A_1416 : i32
        %get3A_1418 = arith.index_cast %add3A_1417 : i32 to index
        %get3A_1419 = arith.constant 0 : index
        %get3A_1420 = tpu.vector_load %arg7[%get3A_1418, %get3A_1419] {strides = array<i32>} : memref<512x32xf32, #tpu.memory_space<vmem>>, vector<16xf32>,
        %add3A_1421 = arith.constant 6 : i32
        %add3A_1422 = arith.addi %add3A_1356, %add3A_1421 : i32
        %get3A_1423 = arith.index_cast %add3A_1422 : i32 to index
        %get3A_1424 = arith.constant 16 : index
        %get3A_1425 = tpu.vector_load %arg7[%get3A_1423, %get3A_1424] {strides = array<i32>} : memref<512x32xf32, #tpu.memory_space<vmem>>, vector<16xf32>,
        %add3A_1426 = arith.constant 7 : i32
        %add3A_1427 = arith.addi %add3A_1356, %add3A_1426 : i32
        %get3A_1428 = arith.index_cast %add3A_1427 : i32 to index
        %get3A_1429 = arith.constant 0 : index
        %get3A_1430 = tpu.vector_load %arg7[%get3A_1428, %get3A_1429] {strides = array<i32>} : memref<512x32xf32, #tpu.memory_space<vmem>>, vector<16xf32>,
        %add3A_1431 = arith.constant 7 : i32
        %add3A_1432 = arith.addi %add3A_1356, %add3A_1431 : i32
        %get3A_1433 = arith.index_cast %add3A_1432 : i32 to index
        %get3A_1434 = arith.constant 16 : index
        %get3A_1435 = tpu.vector_load %arg7[%get3A_1433, %get3A_1434] {strides = array<i32>} : memref<512x32xf32, #tpu.memory_space<vmem>>, vector<16xf32>,
        %add3A_1436 = arith.constant 0 : i32
        %add3A_1437 = arith.addi %add3A_1356, %add3A_1436 : i32
        %broadcast_in_dim3A = vector.broadcast %add3A_1437 : i32 to vector<16xi32>
        tpu.vector_store_idx %arg9[%iota3A, %broadcast_in_dim3A], %get3A_1360 : memref<32x513xf32, #tpu.memory_space<vmem>>[vector<16xi32>, vector<16xi32>], vector<16xf32>,
        tpu.vector_store_idx %arg9[%add3A_632, %broadcast_in_dim3A], %get3A_1365 : memref<32x513xf32, #tpu.memory_space<vmem>>[vector<16xi32>, vector<16xi32>], vector<16xf32>,
        %add3A_1438 = arith.constant 1 : i32
        %add3A_1439 = arith.addi %add3A_1356, %add3A_1438 : i32
        %broadcast_in_dim3A_1440 = vector.broadcast %add3A_1439 : i32 to vector<16xi32>
        tpu.vector_store_idx %arg9[%iota3A, %broadcast_in_dim3A_1440], %get3A_1370 : memref<32x513xf32, #tpu.memory_space<vmem>>[vector<16xi32>, vector<16xi32>], vector<16xf32>,
        tpu.vector_store_idx %arg9[%add3A_632, %broadcast_in_dim3A_1440], %get3A_1375 : memref<32x513xf32, #tpu.memory_space<vmem>>[vector<16xi32>, vector<16xi32>], vector<16xf32>,
        %add3A_1441 = arith.constant 2 : i32
        %add3A_1442 = arith.addi %add3A_1356, %add3A_1441 : i32
        %broadcast_in_dim3A_1443 = vector.broadcast %add3A_1442 : i32 to vector<16xi32>
        tpu.vector_store_idx %arg9[%iota3A, %broadcast_in_dim3A_1443], %get3A_1380 : memref<32x513xf32, #tpu.memory_space<vmem>>[vector<16xi32>, vector<16xi32>], vector<16xf32>,
        tpu.vector_store_idx %arg9[%add3A_632, %broadcast_in_dim3A_1443], %get3A_1385 : memref<32x513xf32, #tpu.memory_space<vmem>>[vector<16xi32>, vector<16xi32>], vector<16xf32>,
        %add3A_1444 = arith.constant 3 : i32
        %add3A_1445 = arith.addi %add3A_1356, %add3A_1444 : i32
        %broadcast_in_dim3A_1446 = vector.broadcast %add3A_1445 : i32 to vector<16xi32>
        tpu.vector_store_idx %arg9[%iota3A, %broadcast_in_dim3A_1446], %get3A_1390 : memref<32x513xf32, #tpu.memory_space<vmem>>[vector<16xi32>, vector<16xi32>], vector<16xf32>,
        tpu.vector_store_idx %arg9[%add3A_632, %broadcast_in_dim3A_1446], %get3A_1395 : memref<32x513xf32, #tpu.memory_space<vmem>>[vector<16xi32>, vector<16xi32>], vector<16xf32>,
        %add3A_1447 = arith.constant 4 : i32
        %add3A_1448 = arith.addi %add3A_1356, %add3A_1447 : i32
        %broadcast_in_dim3A_1449 = vector.broadcast %add3A_1448 : i32 to vector<16xi32>
        tpu.vector_store_idx %arg9[%iota3A, %broadcast_in_dim3A_1449], %get3A_1400 : memref<32x513xf32, #tpu.memory_space<vmem>>[vector<16xi32>, vector<16xi32>], vector<16xf32>,
        tpu.vector_store_idx %arg9[%add3A_632, %broadcast_in_dim3A_1449], %get3A_1405 : memref<32x513xf32, #tpu.memory_space<vmem>>[vector<16xi32>, vector<16xi32>], vector<16xf32>,
        %add3A_1450 = arith.constant 5 : i32
        %add3A_1451 = arith.addi %add3A_1356, %add3A_1450 : i32
        %broadcast_in_dim3A_1452 = vector.broadcast %add3A_1451 : i32 to vector<16xi32>
        tpu.vector_store_idx %arg9[%iota3A, %broadcast_in_dim3A_1452], %get3A_1410 : memref<32x513xf32, #tpu.memory_space<vmem>>[vector<16xi32>, vector<16xi32>], vector<16xf32>,
        tpu.vector_store_idx %arg9[%add3A_632, %broadcast_in_dim3A_1452], %get3A_1415 : memref<32x513xf32, #tpu.memory_space<vmem>>[vector<16xi32>, vector<16xi32>], vector<16xf32>,
        %add3A_1453 = arith.constant 6 : i32
        %add3A_1454 = arith.addi %add3A_1356, %add3A_1453 : i32
        %broadcast_in_dim3A_1455 = vector.broadcast %add3A_1454 : i32 to vector<16xi32>
        tpu.vector_store_idx %arg9[%iota3A, %broadcast_in_dim3A_1455], %get3A_1420 : memref<32x513xf32, #tpu.memory_space<vmem>>[vector<16xi32>, vector<16xi32>], vector<16xf32>,
        tpu.vector_store_idx %arg9[%add3A_632, %broadcast_in_dim3A_1455], %get3A_1425 : memref<32x513xf32, #tpu.memory_space<vmem>>[vector<16xi32>, vector<16xi32>], vector<16xf32>,
        %add3A_1456 = arith.constant 7 : i32
        %add3A_1457 = arith.addi %add3A_1356, %add3A_1456 : i32
        %broadcast_in_dim3A_1458 = vector.broadcast %add3A_1457 : i32 to vector<16xi32>
        tpu.vector_store_idx %arg9[%iota3A, %broadcast_in_dim3A_1458], %get3A_1430 : memref<32x513xf32, #tpu.memory_space<vmem>>[vector<16xi32>, vector<16xi32>], vector<16xf32>,
        tpu.vector_store_idx %arg9[%add3A_632, %broadcast_in_dim3A_1458], %get3A_1435 : memref<32x513xf32, #tpu.memory_space<vmem>>[vector<16xi32>, vector<16xi32>], vector<16xf32>,
      }
      %scan3A_638 = arith.constant 16 : i32
      %dma_wait3A_639 = arith.constant 1 : i32
      %dma_wait3A_640 = arith.constant 128 : i32
      %dma_wait3A_641 = arith.constant 0 : i32
      %dma_wait3A_642 = tpu.memref_slice %arg7[%dma_wait3A_640, %dma_wait3A_641] : memref<512x32xf32, #tpu.memory_space<vmem>> -> memref<128x32xf32, #tpu.memory_space<vmem>>
      %dma_wait3A_643 = arith.constant 0 : i32
      %dma_wait3A_644 = tpu.memref_slice %arg5[%dma_wait3A_639, %dma_wait3A_643] : memref<4x128xi32, #tpu.memory_space<vmem>> -> memref<1x128xi32, #tpu.memory_space<vmem>>
      %dma_wait3A_645 = tpu.memref_squeeze %dma_wait3A_644 : memref<1x128xi32, #tpu.memory_space<vmem>> -> memref<128xi32, #tpu.memory_space<vmem>>
      %dma_wait3A_646 = arith.constant 0 : i32
      %dma_wait3A_647 = arith.constant 0 : i32
      %dma_wait3A_648 = tpu.memref_slice %arg3[%dma_wait3A_646, %dma_wait3A_647] : memref<1000000x32xf32, #tpu.memory_space<hbm>> -> memref<1000000x32xf32, #tpu.memory_space<hbm>>
      tpu.wait_indirect_dma semaphore(%arg13 : memref<!tpu.dma_semaphore, #tpu.memory_space<semaphore_mem>>) src(%dma_wait3A_648 : memref<1000000x32xf32, #tpu.memory_space<hbm>>) dst(%dma_wait3A_642 : memref<128x32xf32, #tpu.memory_space<vmem>>)
      %add3A_649 = arith.constant 16 : i32
      %add3A_650 = vector.broadcast %add3A_649 : i32 to vector<16xi32>
      %add3A_651 = arith.addi %iota3A, %add3A_650 : vector<16xi32>
      %scan3A_652 = arith.constant 0 : i32
      %scan3A_653 = arith.constant 0 : i32
      %scan3A_654 = arith.constant 16 : i32
      %scan3A_655 = arith.addi %scan3A_653, %scan3A_654 : i32
      %scan3A_656 = arith.constant 1 : i32
      scf.for %scan3A_1352 = %scan3A_653 to %scan3A_655 step %scan3A_656  : i32 {
        %mul3A_1353 = arith.constant 8 : i32
        %mul3A_1354 = arith.muli %scan3A_1352, %mul3A_1353 : i32
        %add3A_1355 = arith.constant 128 : i32
        %add3A_1356 = arith.addi %add3A_1355, %mul3A_1354 : i32
        %add3A_1357 = arith.constant 0 : i32
        %add3A_1358 = arith.addi %add3A_1356, %add3A_1357 : i32
        %get3A = arith.index_cast %add3A_1358 : i32 to index
        %get3A_1359 = arith.constant 0 : index
        %get3A_1360 = tpu.vector_load %arg7[%get3A, %get3A_1359] {strides = array<i32>} : memref<512x32xf32, #tpu.memory_space<vmem>>, vector<16xf32>,
        %add3A_1361 = arith.constant 0 : i32
        %add3A_1362 = arith.addi %add3A_1356, %add3A_1361 : i32
        %get3A_1363 = arith.index_cast %add3A_1362 : i32 to index
        %get3A_1364 = arith.constant 16 : index
        %get3A_1365 = tpu.vector_load %arg7[%get3A_1363, %get3A_1364] {strides = array<i32>} : memref<512x32xf32, #tpu.memory_space<vmem>>, vector<16xf32>,
        %add3A_1366 = arith.constant 1 : i32
        %add3A_1367 = arith.addi %add3A_1356, %add3A_1366 : i32
        %get3A_1368 = arith.index_cast %add3A_1367 : i32 to index
        %get3A_1369 = arith.constant 0 : index
        %get3A_1370 = tpu.vector_load %arg7[%get3A_1368, %get3A_1369] {strides = array<i32>} : memref<512x32xf32, #tpu.memory_space<vmem>>, vector<16xf32>,
        %add3A_1371 = arith.constant 1 : i32
        %add3A_1372 = arith.addi %add3A_1356, %add3A_1371 : i32
        %get3A_1373 = arith.index_cast %add3A_1372 : i32 to index
        %get3A_1374 = arith.constant 16 : index
        %get3A_1375 = tpu.vector_load %arg7[%get3A_1373, %get3A_1374] {strides = array<i32>} : memref<512x32xf32, #tpu.memory_space<vmem>>, vector<16xf32>,
        %add3A_1376 = arith.constant 2 : i32
        %add3A_1377 = arith.addi %add3A_1356, %add3A_1376 : i32
        %get3A_1378 = arith.index_cast %add3A_1377 : i32 to index
        %get3A_1379 = arith.constant 0 : index
        %get3A_1380 = tpu.vector_load %arg7[%get3A_1378, %get3A_1379] {strides = array<i32>} : memref<512x32xf32, #tpu.memory_space<vmem>>, vector<16xf32>,
        %add3A_1381 = arith.constant 2 : i32
        %add3A_1382 = arith.addi %add3A_1356, %add3A_1381 : i32
        %get3A_1383 = arith.index_cast %add3A_1382 : i32 to index
        %get3A_1384 = arith.constant 16 : index
        %get3A_1385 = tpu.vector_load %arg7[%get3A_1383, %get3A_1384] {strides = array<i32>} : memref<512x32xf32, #tpu.memory_space<vmem>>, vector<16xf32>,
        %add3A_1386 = arith.constant 3 : i32
        %add3A_1387 = arith.addi %add3A_1356, %add3A_1386 : i32
        %get3A_1388 = arith.index_cast %add3A_1387 : i32 to index
        %get3A_1389 = arith.constant 0 : index
        %get3A_1390 = tpu.vector_load %arg7[%get3A_1388, %get3A_1389] {strides = array<i32>} : memref<512x32xf32, #tpu.memory_space<vmem>>, vector<16xf32>,
        %add3A_1391 = arith.constant 3 : i32
        %add3A_1392 = arith.addi %add3A_1356, %add3A_1391 : i32
        %get3A_1393 = arith.index_cast %add3A_1392 : i32 to index
        %get3A_1394 = arith.constant 16 : index
        %get3A_1395 = tpu.vector_load %arg7[%get3A_1393, %get3A_1394] {strides = array<i32>} : memref<512x32xf32, #tpu.memory_space<vmem>>, vector<16xf32>,
        %add3A_1396 = arith.constant 4 : i32
        %add3A_1397 = arith.addi %add3A_1356, %add3A_1396 : i32
        %get3A_1398 = arith.index_cast %add3A_1397 : i32 to index
        %get3A_1399 = arith.constant 0 : index
        %get3A_1400 = tpu.vector_load %arg7[%get3A_1398, %get3A_1399] {strides = array<i32>} : memref<512x32xf32, #tpu.memory_space<vmem>>, vector<16xf32>,
        %add3A_1401 = arith.constant 4 : i32
        %add3A_1402 = arith.addi %add3A_1356, %add3A_1401 : i32
        %get3A_1403 = arith.index_cast %add3A_1402 : i32 to index
        %get3A_1404 = arith.constant 16 : index
        %get3A_1405 = tpu.vector_load %arg7[%get3A_1403, %get3A_1404] {strides = array<i32>} : memref<512x32xf32, #tpu.memory_space<vmem>>, vector<16xf32>,
        %add3A_1406 = arith.constant 5 : i32
        %add3A_1407 = arith.addi %add3A_1356, %add3A_1406 : i32
        %get3A_1408 = arith.index_cast %add3A_1407 : i32 to index
        %get3A_1409 = arith.constant 0 : index
        %get3A_1410 = tpu.vector_load %arg7[%get3A_1408, %get3A_1409] {strides = array<i32>} : memref<512x32xf32, #tpu.memory_space<vmem>>, vector<16xf32>,
        %add3A_1411 = arith.constant 5 : i32
        %add3A_1412 = arith.addi %add3A_1356, %add3A_1411 : i32
        %get3A_1413 = arith.index_cast %add3A_1412 : i32 to index
        %get3A_1414 = arith.constant 16 : index
        %get3A_1415 = tpu.vector_load %arg7[%get3A_1413, %get3A_1414] {strides = array<i32>} : memref<512x32xf32, #tpu.memory_space<vmem>>, vector<16xf32>,
        %add3A_1416 = arith.constant 6 : i32
        %add3A_1417 = arith.addi %add3A_1356, %add3A_1416 : i32
        %get3A_1418 = arith.index_cast %add3A_1417 : i32 to index
        %get3A_1419 = arith.constant 0 : index
        %get3A_1420 = tpu.vector_load %arg7[%get3A_1418, %get3A_1419] {strides = array<i32>} : memref<512x32xf32, #tpu.memory_space<vmem>>, vector<16xf32>,
        %add3A_1421 = arith.constant 6 : i32
        %add3A_1422 = arith.addi %add3A_1356, %add3A_1421 : i32
        %get3A_1423 = arith.index_cast %add3A_1422 : i32 to index
        %get3A_1424 = arith.constant 16 : index
        %get3A_1425 = tpu.vector_load %arg7[%get3A_1423, %get3A_1424] {strides = array<i32>} : memref<512x32xf32, #tpu.memory_space<vmem>>, vector<16xf32>,
        %add3A_1426 = arith.constant 7 : i32
        %add3A_1427 = arith.addi %add3A_1356, %add3A_1426 : i32
        %get3A_1428 = arith.index_cast %add3A_1427 : i32 to index
        %get3A_1429 = arith.constant 0 : index
        %get3A_1430 = tpu.vector_load %arg7[%get3A_1428, %get3A_1429] {strides = array<i32>} : memref<512x32xf32, #tpu.memory_space<vmem>>, vector<16xf32>,
        %add3A_1431 = arith.constant 7 : i32
        %add3A_1432 = arith.addi %add3A_1356, %add3A_1431 : i32
        %get3A_1433 = arith.index_cast %add3A_1432 : i32 to index
        %get3A_1434 = arith.constant 16 : index
        %get3A_1435 = tpu.vector_load %arg7[%get3A_1433, %get3A_1434] {strides = array<i32>} : memref<512x32xf32, #tpu.memory_space<vmem>>, vector<16xf32>,
        %add3A_1436 = arith.constant 0 : i32
        %add3A_1437 = arith.addi %add3A_1356, %add3A_1436 : i32
        %broadcast_in_dim3A = vector.broadcast %add3A_1437 : i32 to vector<16xi32>
        tpu.vector_store_idx %arg9[%iota3A, %broadcast_in_dim3A], %get3A_1360 : memref<32x513xf32, #tpu.memory_space<vmem>>[vector<16xi32>, vector<16xi32>], vector<16xf32>,
        tpu.vector_store_idx %arg9[%add3A_651, %broadcast_in_dim3A], %get3A_1365 : memref<32x513xf32, #tpu.memory_space<vmem>>[vector<16xi32>, vector<16xi32>], vector<16xf32>,
        %add3A_1438 = arith.constant 1 : i32
        %add3A_1439 = arith.addi %add3A_1356, %add3A_1438 : i32
        %broadcast_in_dim3A_1440 = vector.broadcast %add3A_1439 : i32 to vector<16xi32>
        tpu.vector_store_idx %arg9[%iota3A, %broadcast_in_dim3A_1440], %get3A_1370 : memref<32x513xf32, #tpu.memory_space<vmem>>[vector<16xi32>, vector<16xi32>], vector<16xf32>,
        tpu.vector_store_idx %arg9[%add3A_651, %broadcast_in_dim3A_1440], %get3A_1375 : memref<32x513xf32, #tpu.memory_space<vmem>>[vector<16xi32>, vector<16xi32>], vector<16xf32>,
        %add3A_1441 = arith.constant 2 : i32
        %add3A_1442 = arith.addi %add3A_1356, %add3A_1441 : i32
        %broadcast_in_dim3A_1443 = vector.broadcast %add3A_1442 : i32 to vector<16xi32>
        tpu.vector_store_idx %arg9[%iota3A, %broadcast_in_dim3A_1443], %get3A_1380 : memref<32x513xf32, #tpu.memory_space<vmem>>[vector<16xi32>, vector<16xi32>], vector<16xf32>,
        tpu.vector_store_idx %arg9[%add3A_651, %broadcast_in_dim3A_1443], %get3A_1385 : memref<32x513xf32, #tpu.memory_space<vmem>>[vector<16xi32>, vector<16xi32>], vector<16xf32>,
        %add3A_1444 = arith.constant 3 : i32
        %add3A_1445 = arith.addi %add3A_1356, %add3A_1444 : i32
        %broadcast_in_dim3A_1446 = vector.broadcast %add3A_1445 : i32 to vector<16xi32>
        tpu.vector_store_idx %arg9[%iota3A, %broadcast_in_dim3A_1446], %get3A_1390 : memref<32x513xf32, #tpu.memory_space<vmem>>[vector<16xi32>, vector<16xi32>], vector<16xf32>,
        tpu.vector_store_idx %arg9[%add3A_651, %broadcast_in_dim3A_1446], %get3A_1395 : memref<32x513xf32, #tpu.memory_space<vmem>>[vector<16xi32>, vector<16xi32>], vector<16xf32>,
        %add3A_1447 = arith.constant 4 : i32
        %add3A_1448 = arith.addi %add3A_1356, %add3A_1447 : i32
        %broadcast_in_dim3A_1449 = vector.broadcast %add3A_1448 : i32 to vector<16xi32>
        tpu.vector_store_idx %arg9[%iota3A, %broadcast_in_dim3A_1449], %get3A_1400 : memref<32x513xf32, #tpu.memory_space<vmem>>[vector<16xi32>, vector<16xi32>], vector<16xf32>,
        tpu.vector_store_idx %arg9[%add3A_651, %broadcast_in_dim3A_1449], %get3A_1405 : memref<32x513xf32, #tpu.memory_space<vmem>>[vector<16xi32>, vector<16xi32>], vector<16xf32>,
        %add3A_1450 = arith.constant 5 : i32
        %add3A_1451 = arith.addi %add3A_1356, %add3A_1450 : i32
        %broadcast_in_dim3A_1452 = vector.broadcast %add3A_1451 : i32 to vector<16xi32>
        tpu.vector_store_idx %arg9[%iota3A, %broadcast_in_dim3A_1452], %get3A_1410 : memref<32x513xf32, #tpu.memory_space<vmem>>[vector<16xi32>, vector<16xi32>], vector<16xf32>,
        tpu.vector_store_idx %arg9[%add3A_651, %broadcast_in_dim3A_1452], %get3A_1415 : memref<32x513xf32, #tpu.memory_space<vmem>>[vector<16xi32>, vector<16xi32>], vector<16xf32>,
        %add3A_1453 = arith.constant 6 : i32
        %add3A_1454 = arith.addi %add3A_1356, %add3A_1453 : i32
        %broadcast_in_dim3A_1455 = vector.broadcast %add3A_1454 : i32 to vector<16xi32>
        tpu.vector_store_idx %arg9[%iota3A, %broadcast_in_dim3A_1455], %get3A_1420 : memref<32x513xf32, #tpu.memory_space<vmem>>[vector<16xi32>, vector<16xi32>], vector<16xf32>,
        tpu.vector_store_idx %arg9[%add3A_651, %broadcast_in_dim3A_1455], %get3A_1425 : memref<32x513xf32, #tpu.memory_space<vmem>>[vector<16xi32>, vector<16xi32>], vector<16xf32>,
        %add3A_1456 = arith.constant 7 : i32
        %add3A_1457 = arith.addi %add3A_1356, %add3A_1456 : i32
        %broadcast_in_dim3A_1458 = vector.broadcast %add3A_1457 : i32 to vector<16xi32>
        tpu.vector_store_idx %arg9[%iota3A, %broadcast_in_dim3A_1458], %get3A_1430 : memref<32x513xf32, #tpu.memory_space<vmem>>[vector<16xi32>, vector<16xi32>], vector<16xf32>,
        tpu.vector_store_idx %arg9[%add3A_651, %broadcast_in_dim3A_1458], %get3A_1435 : memref<32x513xf32, #tpu.memory_space<vmem>>[vector<16xi32>, vector<16xi32>], vector<16xf32>,
      }
      %scan3A_657 = arith.constant 16 : i32
      %dma_wait3A_658 = arith.constant 2 : i32
      %dma_wait3A_659 = arith.constant 256 : i32
      %dma_wait3A_660 = arith.constant 0 : i32
      %dma_wait3A_661 = tpu.memref_slice %arg7[%dma_wait3A_659, %dma_wait3A_660] : memref<512x32xf32, #tpu.memory_space<vmem>> -> memref<128x32xf32, #tpu.memory_space<vmem>>
      %dma_wait3A_662 = arith.constant 0 : i32
      %dma_wait3A_663 = tpu.memref_slice %arg5[%dma_wait3A_658, %dma_wait3A_662] : memref<4x128xi32, #tpu.memory_space<vmem>> -> memref<1x128xi32, #tpu.memory_space<vmem>>
      %dma_wait3A_664 = tpu.memref_squeeze %dma_wait3A_663 : memref<1x128xi32, #tpu.memory_space<vmem>> -> memref<128xi32, #tpu.memory_space<vmem>>
      %dma_wait3A_665 = arith.constant 0 : i32
      %dma_wait3A_666 = arith.constant 0 : i32
      %dma_wait3A_667 = tpu.memref_slice %arg3[%dma_wait3A_665, %dma_wait3A_666] : memref<1000000x32xf32, #tpu.memory_space<hbm>> -> memref<1000000x32xf32, #tpu.memory_space<hbm>>
      tpu.wait_indirect_dma semaphore(%arg13 : memref<!tpu.dma_semaphore, #tpu.memory_space<semaphore_mem>>) src(%dma_wait3A_667 : memref<1000000x32xf32, #tpu.memory_space<hbm>>) dst(%dma_wait3A_661 : memref<128x32xf32, #tpu.memory_space<vmem>>)
      %add3A_668 = arith.constant 16 : i32
      %add3A_669 = vector.broadcast %add3A_668 : i32 to vector<16xi32>
      %add3A_670 = arith.addi %iota3A, %add3A_669 : vector<16xi32>
      %scan3A_671 = arith.constant 0 : i32
      %scan3A_672 = arith.constant 0 : i32
      %scan3A_673 = arith.constant 16 : i32
      %scan3A_674 = arith.addi %scan3A_672, %scan3A_673 : i32
      %scan3A_675 = arith.constant 1 : i32
      scf.for %scan3A_1352 = %scan3A_672 to %scan3A_674 step %scan3A_675  : i32 {
        %mul3A_1353 = arith.constant 8 : i32
        %mul3A_1354 = arith.muli %scan3A_1352, %mul3A_1353 : i32
        %add3A_1355 = arith.constant 256 : i32
        %add3A_1356 = arith.addi %add3A_1355, %mul3A_1354 : i32
        %add3A_1357 = arith.constant 0 : i32
        %add3A_1358 = arith.addi %add3A_1356, %add3A_1357 : i32
        %get3A = arith.index_cast %add3A_1358 : i32 to index
        %get3A_1359 = arith.constant 0 : index
        %get3A_1360 = tpu.vector_load %arg7[%get3A, %get3A_1359] {strides = array<i32>} : memref<512x32xf32, #tpu.memory_space<vmem>>, vector<16xf32>,
        %add3A_1361 = arith.constant 0 : i32
        %add3A_1362 = arith.addi %add3A_1356, %add3A_1361 : i32
        %get3A_1363 = arith.index_cast %add3A_1362 : i32 to index
        %get3A_1364 = arith.constant 16 : index
        %get3A_1365 = tpu.vector_load %arg7[%get3A_1363, %get3A_1364] {strides = array<i32>} : memref<512x32xf32, #tpu.memory_space<vmem>>, vector<16xf32>,
        %add3A_1366 = arith.constant 1 : i32
        %add3A_1367 = arith.addi %add3A_1356, %add3A_1366 : i32
        %get3A_1368 = arith.index_cast %add3A_1367 : i32 to index
        %get3A_1369 = arith.constant 0 : index
        %get3A_1370 = tpu.vector_load %arg7[%get3A_1368, %get3A_1369] {strides = array<i32>} : memref<512x32xf32, #tpu.memory_space<vmem>>, vector<16xf32>,
        %add3A_1371 = arith.constant 1 : i32
        %add3A_1372 = arith.addi %add3A_1356, %add3A_1371 : i32
        %get3A_1373 = arith.index_cast %add3A_1372 : i32 to index
        %get3A_1374 = arith.constant 16 : index
        %get3A_1375 = tpu.vector_load %arg7[%get3A_1373, %get3A_1374] {strides = array<i32>} : memref<512x32xf32, #tpu.memory_space<vmem>>, vector<16xf32>,
        %add3A_1376 = arith.constant 2 : i32
        %add3A_1377 = arith.addi %add3A_1356, %add3A_1376 : i32
        %get3A_1378 = arith.index_cast %add3A_1377 : i32 to index
        %get3A_1379 = arith.constant 0 : index
        %get3A_1380 = tpu.vector_load %arg7[%get3A_1378, %get3A_1379] {strides = array<i32>} : memref<512x32xf32, #tpu.memory_space<vmem>>, vector<16xf32>,
        %add3A_1381 = arith.constant 2 : i32
        %add3A_1382 = arith.addi %add3A_1356, %add3A_1381 : i32
        %get3A_1383 = arith.index_cast %add3A_1382 : i32 to index
        %get3A_1384 = arith.constant 16 : index
        %get3A_1385 = tpu.vector_load %arg7[%get3A_1383, %get3A_1384] {strides = array<i32>} : memref<512x32xf32, #tpu.memory_space<vmem>>, vector<16xf32>,
        %add3A_1386 = arith.constant 3 : i32
        %add3A_1387 = arith.addi %add3A_1356, %add3A_1386 : i32
        %get3A_1388 = arith.index_cast %add3A_1387 : i32 to index
        %get3A_1389 = arith.constant 0 : index
        %get3A_1390 = tpu.vector_load %arg7[%get3A_1388, %get3A_1389] {strides = array<i32>} : memref<512x32xf32, #tpu.memory_space<vmem>>, vector<16xf32>,
        %add3A_1391 = arith.constant 3 : i32
        %add3A_1392 = arith.addi %add3A_1356, %add3A_1391 : i32
        %get3A_1393 = arith.index_cast %add3A_1392 : i32 to index
        %get3A_1394 = arith.constant 16 : index
        %get3A_1395 = tpu.vector_load %arg7[%get3A_1393, %get3A_1394] {strides = array<i32>} : memref<512x32xf32, #tpu.memory_space<vmem>>, vector<16xf32>,
        %add3A_1396 = arith.constant 4 : i32
        %add3A_1397 = arith.addi %add3A_1356, %add3A_1396 : i32
        %get3A_1398 = arith.index_cast %add3A_1397 : i32 to index
        %get3A_1399 = arith.constant 0 : index
        %get3A_1400 = tpu.vector_load %arg7[%get3A_1398, %get3A_1399] {strides = array<i32>} : memref<512x32xf32, #tpu.memory_space<vmem>>, vector<16xf32>,
        %add3A_1401 = arith.constant 4 : i32
        %add3A_1402 = arith.addi %add3A_1356, %add3A_1401 : i32
        %get3A_1403 = arith.index_cast %add3A_1402 : i32 to index
        %get3A_1404 = arith.constant 16 : index
        %get3A_1405 = tpu.vector_load %arg7[%get3A_1403, %get3A_1404] {strides = array<i32>} : memref<512x32xf32, #tpu.memory_space<vmem>>, vector<16xf32>,
        %add3A_1406 = arith.constant 5 : i32
        %add3A_1407 = arith.addi %add3A_1356, %add3A_1406 : i32
        %get3A_1408 = arith.index_cast %add3A_1407 : i32 to index
        %get3A_1409 = arith.constant 0 : index
        %get3A_1410 = tpu.vector_load %arg7[%get3A_1408, %get3A_1409] {strides = array<i32>} : memref<512x32xf32, #tpu.memory_space<vmem>>, vector<16xf32>,
        %add3A_1411 = arith.constant 5 : i32
        %add3A_1412 = arith.addi %add3A_1356, %add3A_1411 : i32
        %get3A_1413 = arith.index_cast %add3A_1412 : i32 to index
        %get3A_1414 = arith.constant 16 : index
        %get3A_1415 = tpu.vector_load %arg7[%get3A_1413, %get3A_1414] {strides = array<i32>} : memref<512x32xf32, #tpu.memory_space<vmem>>, vector<16xf32>,
        %add3A_1416 = arith.constant 6 : i32
        %add3A_1417 = arith.addi %add3A_1356, %add3A_1416 : i32
        %get3A_1418 = arith.index_cast %add3A_1417 : i32 to index
        %get3A_1419 = arith.constant 0 : index
        %get3A_1420 = tpu.vector_load %arg7[%get3A_1418, %get3A_1419] {strides = array<i32>} : memref<512x32xf32, #tpu.memory_space<vmem>>, vector<16xf32>,
        %add3A_1421 = arith.constant 6 : i32
        %add3A_1422 = arith.addi %add3A_1356, %add3A_1421 : i32
        %get3A_1423 = arith.index_cast %add3A_1422 : i32 to index
        %get3A_1424 = arith.constant 16 : index
        %get3A_1425 = tpu.vector_load %arg7[%get3A_1423, %get3A_1424] {strides = array<i32>} : memref<512x32xf32, #tpu.memory_space<vmem>>, vector<16xf32>,
        %add3A_1426 = arith.constant 7 : i32
        %add3A_1427 = arith.addi %add3A_1356, %add3A_1426 : i32
        %get3A_1428 = arith.index_cast %add3A_1427 : i32 to index
        %get3A_1429 = arith.constant 0 : index
        %get3A_1430 = tpu.vector_load %arg7[%get3A_1428, %get3A_1429] {strides = array<i32>} : memref<512x32xf32, #tpu.memory_space<vmem>>, vector<16xf32>,
        %add3A_1431 = arith.constant 7 : i32
        %add3A_1432 = arith.addi %add3A_1356, %add3A_1431 : i32
        %get3A_1433 = arith.index_cast %add3A_1432 : i32 to index
        %get3A_1434 = arith.constant 16 : index
        %get3A_1435 = tpu.vector_load %arg7[%get3A_1433, %get3A_1434] {strides = array<i32>} : memref<512x32xf32, #tpu.memory_space<vmem>>, vector<16xf32>,
        %add3A_1436 = arith.constant 0 : i32
        %add3A_1437 = arith.addi %add3A_1356, %add3A_1436 : i32
        %broadcast_in_dim3A = vector.broadcast %add3A_1437 : i32 to vector<16xi32>
        tpu.vector_store_idx %arg9[%iota3A, %broadcast_in_dim3A], %get3A_1360 : memref<32x513xf32, #tpu.memory_space<vmem>>[vector<16xi32>, vector<16xi32>], vector<16xf32>,
        tpu.vector_store_idx %arg9[%add3A_670, %broadcast_in_dim3A], %get3A_1365 : memref<32x513xf32, #tpu.memory_space<vmem>>[vector<16xi32>, vector<16xi32>], vector<16xf32>,
        %add3A_1438 = arith.constant 1 : i32
        %add3A_1439 = arith.addi %add3A_1356, %add3A_1438 : i32
        %broadcast_in_dim3A_1440 = vector.broadcast %add3A_1439 : i32 to vector<16xi32>
        tpu.vector_store_idx %arg9[%iota3A, %broadcast_in_dim3A_1440], %get3A_1370 : memref<32x513xf32, #tpu.memory_space<vmem>>[vector<16xi32>, vector<16xi32>], vector<16xf32>,
        tpu.vector_store_idx %arg9[%add3A_670, %broadcast_in_dim3A_1440], %get3A_1375 : memref<32x513xf32, #tpu.memory_space<vmem>>[vector<16xi32>, vector<16xi32>], vector<16xf32>,
        %add3A_1441 = arith.constant 2 : i32
        %add3A_1442 = arith.addi %add3A_1356, %add3A_1441 : i32
        %broadcast_in_dim3A_1443 = vector.broadcast %add3A_1442 : i32 to vector<16xi32>
        tpu.vector_store_idx %arg9[%iota3A, %broadcast_in_dim3A_1443], %get3A_1380 : memref<32x513xf32, #tpu.memory_space<vmem>>[vector<16xi32>, vector<16xi32>], vector<16xf32>,
        tpu.vector_store_idx %arg9[%add3A_670, %broadcast_in_dim3A_1443], %get3A_1385 : memref<32x513xf32, #tpu.memory_space<vmem>>[vector<16xi32>, vector<16xi32>], vector<16xf32>,
        %add3A_1444 = arith.constant 3 : i32
        %add3A_1445 = arith.addi %add3A_1356, %add3A_1444 : i32
        %broadcast_in_dim3A_1446 = vector.broadcast %add3A_1445 : i32 to vector<16xi32>
        tpu.vector_store_idx %arg9[%iota3A, %broadcast_in_dim3A_1446], %get3A_1390 : memref<32x513xf32, #tpu.memory_space<vmem>>[vector<16xi32>, vector<16xi32>], vector<16xf32>,
        tpu.vector_store_idx %arg9[%add3A_670, %broadcast_in_dim3A_1446], %get3A_1395 : memref<32x513xf32, #tpu.memory_space<vmem>>[vector<16xi32>, vector<16xi32>], vector<16xf32>,
        %add3A_1447 = arith.constant 4 : i32
        %add3A_1448 = arith.addi %add3A_1356, %add3A_1447 : i32
        %broadcast_in_dim3A_1449 = vector.broadcast %add3A_1448 : i32 to vector<16xi32>
        tpu.vector_store_idx %arg9[%iota3A, %broadcast_in_dim3A_1449], %get3A_1400 : memref<32x513xf32, #tpu.memory_space<vmem>>[vector<16xi32>, vector<16xi32>], vector<16xf32>,
        tpu.vector_store_idx %arg9[%add3A_670, %broadcast_in_dim3A_1449], %get3A_1405 : memref<32x513xf32, #tpu.memory_space<vmem>>[vector<16xi32>, vector<16xi32>], vector<16xf32>,
        %add3A_1450 = arith.constant 5 : i32
        %add3A_1451 = arith.addi %add3A_1356, %add3A_1450 : i32
        %broadcast_in_dim3A_1452 = vector.broadcast %add3A_1451 : i32 to vector<16xi32>
        tpu.vector_store_idx %arg9[%iota3A, %broadcast_in_dim3A_1452], %get3A_1410 : memref<32x513xf32, #tpu.memory_space<vmem>>[vector<16xi32>, vector<16xi32>], vector<16xf32>,
        tpu.vector_store_idx %arg9[%add3A_670, %broadcast_in_dim3A_1452], %get3A_1415 : memref<32x513xf32, #tpu.memory_space<vmem>>[vector<16xi32>, vector<16xi32>], vector<16xf32>,
        %add3A_1453 = arith.constant 6 : i32
        %add3A_1454 = arith.addi %add3A_1356, %add3A_1453 : i32
        %broadcast_in_dim3A_1455 = vector.broadcast %add3A_1454 : i32 to vector<16xi32>
        tpu.vector_store_idx %arg9[%iota3A, %broadcast_in_dim3A_1455], %get3A_1420 : memref<32x513xf32, #tpu.memory_space<vmem>>[vector<16xi32>, vector<16xi32>], vector<16xf32>,
        tpu.vector_store_idx %arg9[%add3A_670, %broadcast_in_dim3A_1455], %get3A_1425 : memref<32x513xf32, #tpu.memory_space<vmem>>[vector<16xi32>, vector<16xi32>], vector<16xf32>,
        %add3A_1456 = arith.constant 7 : i32
        %add3A_1457 = arith.addi %add3A_1356, %add3A_1456 : i32
        %broadcast_in_dim3A_1458 = vector.broadcast %add3A_1457 : i32 to vector<16xi32>
        tpu.vector_store_idx %arg9[%iota3A, %broadcast_in_dim3A_1458], %get3A_1430 : memref<32x513xf32, #tpu.memory_space<vmem>>[vector<16xi32>, vector<16xi32>], vector<16xf32>,
        tpu.vector_store_idx %arg9[%add3A_670, %broadcast_in_dim3A_1458], %get3A_1435 : memref<32x513xf32, #tpu.memory_space<vmem>>[vector<16xi32>, vector<16xi32>], vector<16xf32>,
      }
      %scan3A_676 = arith.constant 16 : i32
      %dma_wait3A_677 = arith.constant 3 : i32
      %dma_wait3A_678 = arith.constant 384 : i32
      %dma_wait3A_679 = arith.constant 0 : i32
      %dma_wait3A_680 = tpu.memref_slice %arg7[%dma_wait3A_678, %dma_wait3A_679] : memref<512x32xf32, #tpu.memory_space<vmem>> -> memref<128x32xf32, #tpu.memory_space<vmem>>
      %dma_wait3A_681 = arith.constant 0 : i32
      %dma_wait3A_682 = tpu.memref_slice %arg5[%dma_wait3A_677, %dma_wait3A_681] : memref<4x128xi32, #tpu.memory_space<vmem>> -> memref<1x128xi32, #tpu.memory_space<vmem>>
      %dma_wait3A_683 = tpu.memref_squeeze %dma_wait3A_682 : memref<1x128xi32, #tpu.memory_space<vmem>> -> memref<128xi32, #tpu.memory_space<vmem>>
      %dma_wait3A_684 = arith.constant 0 : i32
      %dma_wait3A_685 = arith.constant 0 : i32
      %dma_wait3A_686 = tpu.memref_slice %arg3[%dma_wait3A_684, %dma_wait3A_685] : memref<1000000x32xf32, #tpu.memory_space<hbm>> -> memref<1000000x32xf32, #tpu.memory_space<hbm>>
      tpu.wait_indirect_dma semaphore(%arg13 : memref<!tpu.dma_semaphore, #tpu.memory_space<semaphore_mem>>) src(%dma_wait3A_686 : memref<1000000x32xf32, #tpu.memory_space<hbm>>) dst(%dma_wait3A_680 : memref<128x32xf32, #tpu.memory_space<vmem>>)
      %add3A_687 = arith.constant 16 : i32
      %add3A_688 = vector.broadcast %add3A_687 : i32 to vector<16xi32>
      %add3A_689 = arith.addi %iota3A, %add3A_688 : vector<16xi32>
      %scan3A_690 = arith.constant 0 : i32
      %scan3A_691 = arith.constant 0 : i32
      %scan3A_692 = arith.constant 16 : i32
      %scan3A_693 = arith.addi %scan3A_691, %scan3A_692 : i32
      %scan3A_694 = arith.constant 1 : i32
      scf.for %scan3A_1352 = %scan3A_691 to %scan3A_693 step %scan3A_694  : i32 {
        %mul3A_1353 = arith.constant 8 : i32
        %mul3A_1354 = arith.muli %scan3A_1352, %mul3A_1353 : i32
        %add3A_1355 = arith.constant 384 : i32
        %add3A_1356 = arith.addi %add3A_1355, %mul3A_1354 : i32
        %add3A_1357 = arith.constant 0 : i32
        %add3A_1358 = arith.addi %add3A_1356, %add3A_1357 : i32
        %get3A = arith.index_cast %add3A_1358 : i32 to index
        %get3A_1359 = arith.constant 0 : index
        %get3A_1360 = tpu.vector_load %arg7[%get3A, %get3A_1359] {strides = array<i32>} : memref<512x32xf32, #tpu.memory_space<vmem>>, vector<16xf32>,
        %add3A_1361 = arith.constant 0 : i32
        %add3A_1362 = arith.addi %add3A_1356, %add3A_1361 : i32
        %get3A_1363 = arith.index_cast %add3A_1362 : i32 to index
        %get3A_1364 = arith.constant 16 : index
        %get3A_1365 = tpu.vector_load %arg7[%get3A_1363, %get3A_1364] {strides = array<i32>} : memref<512x32xf32, #tpu.memory_space<vmem>>, vector<16xf32>,
        %add3A_1366 = arith.constant 1 : i32
        %add3A_1367 = arith.addi %add3A_1356, %add3A_1366 : i32
        %get3A_1368 = arith.index_cast %add3A_1367 : i32 to index
        %get3A_1369 = arith.constant 0 : index
        %get3A_1370 = tpu.vector_load %arg7[%get3A_1368, %get3A_1369] {strides = array<i32>} : memref<512x32xf32, #tpu.memory_space<vmem>>, vector<16xf32>,
        %add3A_1371 = arith.constant 1 : i32
        %add3A_1372 = arith.addi %add3A_1356, %add3A_1371 : i32
        %get3A_1373 = arith.index_cast %add3A_1372 : i32 to index
        %get3A_1374 = arith.constant 16 : index
        %get3A_1375 = tpu.vector_load %arg7[%get3A_1373, %get3A_1374] {strides = array<i32>} : memref<512x32xf32, #tpu.memory_space<vmem>>, vector<16xf32>,
        %add3A_1376 = arith.constant 2 : i32
        %add3A_1377 = arith.addi %add3A_1356, %add3A_1376 : i32
        %get3A_1378 = arith.index_cast %add3A_1377 : i32 to index
        %get3A_1379 = arith.constant 0 : index
        %get3A_1380 = tpu.vector_load %arg7[%get3A_1378, %get3A_1379] {strides = array<i32>} : memref<512x32xf32, #tpu.memory_space<vmem>>, vector<16xf32>,
        %add3A_1381 = arith.constant 2 : i32
        %add3A_1382 = arith.addi %add3A_1356, %add3A_1381 : i32
        %get3A_1383 = arith.index_cast %add3A_1382 : i32 to index
        %get3A_1384 = arith.constant 16 : index
        %get3A_1385 = tpu.vector_load %arg7[%get3A_1383, %get3A_1384] {strides = array<i32>} : memref<512x32xf32, #tpu.memory_space<vmem>>, vector<16xf32>,
        %add3A_1386 = arith.constant 3 : i32
        %add3A_1387 = arith.addi %add3A_1356, %add3A_1386 : i32
        %get3A_1388 = arith.index_cast %add3A_1387 : i32 to index
        %get3A_1389 = arith.constant 0 : index
        %get3A_1390 = tpu.vector_load %arg7[%get3A_1388, %get3A_1389] {strides = array<i32>} : memref<512x32xf32, #tpu.memory_space<vmem>>, vector<16xf32>,
        %add3A_1391 = arith.constant 3 : i32
        %add3A_1392 = arith.addi %add3A_1356, %add3A_1391 : i32
        %get3A_1393 = arith.index_cast %add3A_1392 : i32 to index
        %get3A_1394 = arith.constant 16 : index
        %get3A_1395 = tpu.vector_load %arg7[%get3A_1393, %get3A_1394] {strides = array<i32>} : memref<512x32xf32, #tpu.memory_space<vmem>>, vector<16xf32>,
        %add3A_1396 = arith.constant 4 : i32
        %add3A_1397 = arith.addi %add3A_1356, %add3A_1396 : i32
        %get3A_1398 = arith.index_cast %add3A_1397 : i32 to index
        %get3A_1399 = arith.constant 0 : index
        %get3A_1400 = tpu.vector_load %arg7[%get3A_1398, %get3A_1399] {strides = array<i32>} : memref<512x32xf32, #tpu.memory_space<vmem>>, vector<16xf32>,
        %add3A_1401 = arith.constant 4 : i32
        %add3A_1402 = arith.addi %add3A_1356, %add3A_1401 : i32
        %get3A_1403 = arith.index_cast %add3A_1402 : i32 to index
        %get3A_1404 = arith.constant 16 : index
        %get3A_1405 = tpu.vector_load %arg7[%get3A_1403, %get3A_1404] {strides = array<i32>} : memref<512x32xf32, #tpu.memory_space<vmem>>, vector<16xf32>,
        %add3A_1406 = arith.constant 5 : i32
        %add3A_1407 = arith.addi %add3A_1356, %add3A_1406 : i32
        %get3A_1408 = arith.index_cast %add3A_1407 : i32 to index
        %get3A_1409 = arith.constant 0 : index
        %get3A_1410 = tpu.vector_load %arg7[%get3A_1408, %get3A_1409] {strides = array<i32>} : memref<512x32xf32, #tpu.memory_space<vmem>>, vector<16xf32>,
        %add3A_1411 = arith.constant 5 : i32
        %add3A_1412 = arith.addi %add3A_1356, %add3A_1411 : i32
        %get3A_1413 = arith.index_cast %add3A_1412 : i32 to index
        %get3A_1414 = arith.constant 16 : index
        %get3A_1415 = tpu.vector_load %arg7[%get3A_1413, %get3A_1414] {strides = array<i32>} : memref<512x32xf32, #tpu.memory_space<vmem>>, vector<16xf32>,
        %add3A_1416 = arith.constant 6 : i32
        %add3A_1417 = arith.addi %add3A_1356, %add3A_1416 : i32
        %get3A_1418 = arith.index_cast %add3A_1417 : i32 to index
        %get3A_1419 = arith.constant 0 : index
        %get3A_1420 = tpu.vector_load %arg7[%get3A_1418, %get3A_1419] {strides = array<i32>} : memref<512x32xf32, #tpu.memory_space<vmem>>, vector<16xf32>,
        %add3A_1421 = arith.constant 6 : i32
        %add3A_1422 = arith.addi %add3A_1356, %add3A_1421 : i32
        %get3A_1423 = arith.index_cast %add3A_1422 : i32 to index
        %get3A_1424 = arith.constant 16 : index
        %get3A_1425 = tpu.vector_load %arg7[%get3A_1423, %get3A_1424] {strides = array<i32>} : memref<512x32xf32, #tpu.memory_space<vmem>>, vector<16xf32>,
        %add3A_1426 = arith.constant 7 : i32
        %add3A_1427 = arith.addi %add3A_1356, %add3A_1426 : i32
        %get3A_1428 = arith.index_cast %add3A_1427 : i32 to index
        %get3A_1429 = arith.constant 0 : index
        %get3A_1430 = tpu.vector_load %arg7[%get3A_1428, %get3A_1429] {strides = array<i32>} : memref<512x32xf32, #tpu.memory_space<vmem>>, vector<16xf32>,
        %add3A_1431 = arith.constant 7 : i32
        %add3A_1432 = arith.addi %add3A_1356, %add3A_1431 : i32
        %get3A_1433 = arith.index_cast %add3A_1432 : i32 to index
        %get3A_1434 = arith.constant 16 : index
        %get3A_1435 = tpu.vector_load %arg7[%get3A_1433, %get3A_1434] {strides = array<i32>} : memref<512x32xf32, #tpu.memory_space<vmem>>, vector<16xf32>,
        %add3A_1436 = arith.constant 0 : i32
        %add3A_1437 = arith.addi %add3A_1356, %add3A_1436 : i32
        %broadcast_in_dim3A = vector.broadcast %add3A_1437 : i32 to vector<16xi32>
        tpu.vector_store_idx %arg9[%iota3A, %broadcast_in_dim3A], %get3A_1360 : memref<32x513xf32, #tpu.memory_space<vmem>>[vector<16xi32>, vector<16xi32>], vector<16xf32>,
        tpu.vector_store_idx %arg9[%add3A_689, %broadcast_in_dim3A], %get3A_1365 : memref<32x513xf32, #tpu.memory_space<vmem>>[vector<16xi32>, vector<16xi32>], vector<16xf32>,
        %add3A_1438 = arith.constant 1 : i32
        %add3A_1439 = arith.addi %add3A_1356, %add3A_1438 : i32
        %broadcast_in_dim3A_1440 = vector.broadcast %add3A_1439 : i32 to vector<16xi32>
        tpu.vector_store_idx %arg9[%iota3A, %broadcast_in_dim3A_1440], %get3A_1370 : memref<32x513xf32, #tpu.memory_space<vmem>>[vector<16xi32>, vector<16xi32>], vector<16xf32>,
        tpu.vector_store_idx %arg9[%add3A_689, %broadcast_in_dim3A_1440], %get3A_1375 : memref<32x513xf32, #tpu.memory_space<vmem>>[vector<16xi32>, vector<16xi32>], vector<16xf32>,
        %add3A_1441 = arith.constant 2 : i32
        %add3A_1442 = arith.addi %add3A_1356, %add3A_1441 : i32
        %broadcast_in_dim3A_1443 = vector.broadcast %add3A_1442 : i32 to vector<16xi32>
        tpu.vector_store_idx %arg9[%iota3A, %broadcast_in_dim3A_1443], %get3A_1380 : memref<32x513xf32, #tpu.memory_space<vmem>>[vector<16xi32>, vector<16xi32>], vector<16xf32>,
        tpu.vector_store_idx %arg9[%add3A_689, %broadcast_in_dim3A_1443], %get3A_1385 : memref<32x513xf32, #tpu.memory_space<vmem>>[vector<16xi32>, vector<16xi32>], vector<16xf32>,
        %add3A_1444 = arith.constant 3 : i32
        %add3A_1445 = arith.addi %add3A_1356, %add3A_1444 : i32
        %broadcast_in_dim3A_1446 = vector.broadcast %add3A_1445 : i32 to vector<16xi32>
        tpu.vector_store_idx %arg9[%iota3A, %broadcast_in_dim3A_1446], %get3A_1390 : memref<32x513xf32, #tpu.memory_space<vmem>>[vector<16xi32>, vector<16xi32>], vector<16xf32>,
        tpu.vector_store_idx %arg9[%add3A_689, %broadcast_in_dim3A_1446], %get3A_1395 : memref<32x513xf32, #tpu.memory_space<vmem>>[vector<16xi32>, vector<16xi32>], vector<16xf32>,
        %add3A_1447 = arith.constant 4 : i32
        %add3A_1448 = arith.addi %add3A_1356, %add3A_1447 : i32
        %broadcast_in_dim3A_1449 = vector.broadcast %add3A_1448 : i32 to vector<16xi32>
        tpu.vector_store_idx %arg9[%iota3A, %broadcast_in_dim3A_1449], %get3A_1400 : memref<32x513xf32, #tpu.memory_space<vmem>>[vector<16xi32>, vector<16xi32>], vector<16xf32>,
        tpu.vector_store_idx %arg9[%add3A_689, %broadcast_in_dim3A_1449], %get3A_1405 : memref<32x513xf32, #tpu.memory_space<vmem>>[vector<16xi32>, vector<16xi32>], vector<16xf32>,
        %add3A_1450 = arith.constant 5 : i32
        %add3A_1451 = arith.addi %add3A_1356, %add3A_1450 : i32
        %broadcast_in_dim3A_1452 = vector.broadcast %add3A_1451 : i32 to vector<16xi32>
        tpu.vector_store_idx %arg9[%iota3A, %broadcast_in_dim3A_1452], %get3A_1410 : memref<32x513xf32, #tpu.memory_space<vmem>>[vector<16xi32>, vector<16xi32>], vector<16xf32>,
        tpu.vector_store_idx %arg9[%add3A_689, %broadcast_in_dim3A_1452], %get3A_1415 : memref<32x513xf32, #tpu.memory_space<vmem>>[vector<16xi32>, vector<16xi32>], vector<16xf32>,
        %add3A_1453 = arith.constant 6 : i32
        %add3A_1454 = arith.addi %add3A_1356, %add3A_1453 : i32
        %broadcast_in_dim3A_1455 = vector.broadcast %add3A_1454 : i32 to vector<16xi32>
        tpu.vector_store_idx %arg9[%iota3A, %broadcast_in_dim3A_1455], %get3A_1420 : memref<32x513xf32, #tpu.memory_space<vmem>>[vector<16xi32>, vector<16xi32>], vector<16xf32>,
        tpu.vector_store_idx %arg9[%add3A_689, %broadcast_in_dim3A_1455], %get3A_1425 : memref<32x513xf32, #tpu.memory_space<vmem>>[vector<16xi32>, vector<16xi32>], vector<16xf32>,
        %add3A_1456 = arith.constant 7 : i32
        %add3A_1457 = arith.addi %add3A_1356, %add3A_1456 : i32
        %broadcast_in_dim3A_1458 = vector.broadcast %add3A_1457 : i32 to vector<16xi32>
        tpu.vector_store_idx %arg9[%iota3A, %broadcast_in_dim3A_1458], %get3A_1430 : memref<32x513xf32, #tpu.memory_space<vmem>>[vector<16xi32>, vector<16xi32>], vector<16xf32>,
        tpu.vector_store_idx %arg9[%add3A_689, %broadcast_in_dim3A_1458], %get3A_1435 : memref<32x513xf32, #tpu.memory_space<vmem>>[vector<16xi32>, vector<16xi32>], vector<16xf32>,
      }
      %scan3A_695 = arith.constant 16 : i32
      %add3A_696 = arith.constant 2 : i32
      %add3A_697 = arith.addi %add3A_617, %add3A_696 : i32
      %lt3A = arith.constant 200 : i32
      %lt3A_698 = arith.cmpi slt, %add3A_697, %lt3A : i32
      %convert_element_type3A_699 = arith.extui %lt3A_698 : i1 to i32
      %cond3A_700 = arith.constant 0 : i32
      %cond3A_701 = arith.cmpi ne, %convert_element_type3A_699, %cond3A_700 : i32
      scf.if %cond3A_701 {
        %add3A_1352 = arith.constant 2 : i32
        %add3A_1353 = arith.addi %add3A_617, %add3A_1352 : i32
        %dma_start3A_1354 = arith.constant 0 : i32
        %dma_start3A_1355 = tpu.memref_slice %arg2[%add3A_1353, %mul3A_2, %dma_start3A_1354] : memref<200x128x128xi32, #tpu.memory_space<hbm>> -> memref<1x4x128xi32, #tpu.memory_space<hbm>>
        %dma_start3A_1356 = tpu.memref_squeeze %dma_start3A_1355 : memref<1x4x128xi32, #tpu.memory_space<hbm>> -> memref<4x128xi32, #tpu.memory_space<hbm>>
        %dma_start3A_1357 = arith.constant 0 : i32
        %dma_start3A_1358 = tpu.memref_slice %arg2[%add3A_1353, %mul3A_2, %dma_start3A_1357] : memref<200x128x128xi32, #tpu.memory_space<hbm>> -> memref<1x4x128xi32, #tpu.memory_space<hbm>>
        %dma_start3A_1359 = tpu.memref_squeeze %dma_start3A_1358 : memref<1x4x128xi32, #tpu.memory_space<hbm>> -> memref<4x128xi32, #tpu.memory_space<hbm>>
        tpu.enqueue_dma source(%dma_start3A_1359 : memref<4x128xi32, #tpu.memory_space<hbm>>) target(%arg5 : memref<4x128xi32, #tpu.memory_space<vmem>>) target_semaphore(%arg11 : memref<!tpu.dma_semaphore, #tpu.memory_space<semaphore_mem>>)
      } else {
      }
      %add3A_702 = arith.constant 0 : i32
      %add3A_703 = arith.addi %mul3A_2, %add3A_702 : i32
      %dma_start3A_704 = arith.constant 0 : i32
      %dma_start3A_705 = arith.constant 0 : i32
      %dma_start3A_706 = arith.constant 0 : i32
      %dma_start3A_707 = tpu.memref_slice %arg9[%dma_start3A_705, %dma_start3A_706] : memref<32x513xf32, #tpu.memory_space<vmem>> -> memref<8x128xf32, #tpu.memory_space<vmem>>
      %dma_start3A_708 = arith.constant 0 : i32
      %dma_start3A_709 = arith.constant 0 : i32
      %dma_start3A_710 = tpu.memref_slice %arg4[%add3A_617, %dma_start3A_704, %add3A_703, %dma_start3A_708, %dma_start3A_709] : memref<200x4x128x8x128xf32, #tpu.memory_space<hbm>> -> memref<1x1x1x8x128xf32, #tpu.memory_space<hbm>>
      %dma_start3A_711 = tpu.memref_squeeze %dma_start3A_710 : memref<1x1x1x8x128xf32, #tpu.memory_space<hbm>> -> memref<8x128xf32, #tpu.memory_space<hbm>>
      %dma_start3A_712 = arith.constant 0 : i32
      %dma_start3A_713 = arith.constant 0 : i32
      %dma_start3A_714 = tpu.memref_slice %arg4[%add3A_617, %dma_start3A_704, %add3A_703, %dma_start3A_712, %dma_start3A_713] : memref<200x4x128x8x128xf32, #tpu.memory_space<hbm>> -> memref<1x1x1x8x128xf32, #tpu.memory_space<hbm>>
      %dma_start3A_715 = tpu.memref_squeeze %dma_start3A_714 : memref<1x1x1x8x128xf32, #tpu.memory_space<hbm>> -> memref<8x128xf32, #tpu.memory_space<hbm>>
      %dma_start3A_716 = arith.constant 0 : i32
      %dma_start3A_717 = arith.constant 0 : i32
      %dma_start3A_718 = tpu.memref_slice %arg9[%dma_start3A_716, %dma_start3A_717] : memref<32x513xf32, #tpu.memory_space<vmem>> -> memref<8x128xf32, #tpu.memory_space<vmem>>
      tpu.enqueue_dma source(%dma_start3A_718 : memref<8x128xf32, #tpu.memory_space<vmem>>) target(%dma_start3A_715 : memref<8x128xf32, #tpu.memory_space<hbm>>) target_semaphore(%arg15 : memref<!tpu.dma_semaphore, #tpu.memory_space<semaphore_mem>>)
      %add3A_719 = arith.constant 1 : i32
      %add3A_720 = arith.addi %mul3A_2, %add3A_719 : i32
      %dma_start3A_721 = arith.constant 0 : i32
      %dma_start3A_722 = arith.constant 0 : i32
      %dma_start3A_723 = arith.constant 128 : i32
      %dma_start3A_724 = tpu.memref_slice %arg9[%dma_start3A_722, %dma_start3A_723] : memref<32x513xf32, #tpu.memory_space<vmem>> -> memref<8x128xf32, #tpu.memory_space<vmem>>
      %dma_start3A_725 = arith.constant 0 : i32
      %dma_start3A_726 = arith.constant 0 : i32
      %dma_start3A_727 = tpu.memref_slice %arg4[%add3A_617, %dma_start3A_721, %add3A_720, %dma_start3A_725, %dma_start3A_726] : memref<200x4x128x8x128xf32, #tpu.memory_space<hbm>> -> memref<1x1x1x8x128xf32, #tpu.memory_space<hbm>>
      %dma_start3A_728 = tpu.memref_squeeze %dma_start3A_727 : memref<1x1x1x8x128xf32, #tpu.memory_space<hbm>> -> memref<8x128xf32, #tpu.memory_space<hbm>>
      %dma_start3A_729 = arith.constant 0 : i32
      %dma_start3A_730 = arith.constant 0 : i32
      %dma_start3A_731 = tpu.memref_slice %arg4[%add3A_617, %dma_start3A_721, %add3A_720, %dma_start3A_729, %dma_start3A_730] : memref<200x4x128x8x128xf32, #tpu.memory_space<hbm>> -> memref<1x1x1x8x128xf32, #tpu.memory_space<hbm>>
      %dma_start3A_732 = tpu.memref_squeeze %dma_start3A_731 : memref<1x1x1x8x128xf32, #tpu.memory_space<hbm>> -> memref<8x128xf32, #tpu.memory_space<hbm>>
      %dma_start3A_733 = arith.constant 0 : i32
      %dma_start3A_734 = arith.constant 128 : i32
      %dma_start3A_735 = tpu.memref_slice %arg9[%dma_start3A_733, %dma_start3A_734] : memref<32x513xf32, #tpu.memory_space<vmem>> -> memref<8x128xf32, #tpu.memory_space<vmem>>
      tpu.enqueue_dma source(%dma_start3A_735 : memref<8x128xf32, #tpu.memory_space<vmem>>) target(%dma_start3A_732 : memref<8x128xf32, #tpu.memory_space<hbm>>) target_semaphore(%arg15 : memref<!tpu.dma_semaphore, #tpu.memory_space<semaphore_mem>>)
      %add3A_736 = arith.constant 2 : i32
      %add3A_737 = arith.addi %mul3A_2, %add3A_736 : i32
      %dma_start3A_738 = arith.constant 0 : i32
      %dma_start3A_739 = arith.constant 0 : i32
      %dma_start3A_740 = arith.constant 256 : i32
      %dma_start3A_741 = tpu.memref_slice %arg9[%dma_start3A_739, %dma_start3A_740] : memref<32x513xf32, #tpu.memory_space<vmem>> -> memref<8x128xf32, #tpu.memory_space<vmem>>
      %dma_start3A_742 = arith.constant 0 : i32
      %dma_start3A_743 = arith.constant 0 : i32
      %dma_start3A_744 = tpu.memref_slice %arg4[%add3A_617, %dma_start3A_738, %add3A_737, %dma_start3A_742, %dma_start3A_743] : memref<200x4x128x8x128xf32, #tpu.memory_space<hbm>> -> memref<1x1x1x8x128xf32, #tpu.memory_space<hbm>>
      %dma_start3A_745 = tpu.memref_squeeze %dma_start3A_744 : memref<1x1x1x8x128xf32, #tpu.memory_space<hbm>> -> memref<8x128xf32, #tpu.memory_space<hbm>>
      %dma_start3A_746 = arith.constant 0 : i32
      %dma_start3A_747 = arith.constant 0 : i32
      %dma_start3A_748 = tpu.memref_slice %arg4[%add3A_617, %dma_start3A_738, %add3A_737, %dma_start3A_746, %dma_start3A_747] : memref<200x4x128x8x128xf32, #tpu.memory_space<hbm>> -> memref<1x1x1x8x128xf32, #tpu.memory_space<hbm>>
      %dma_start3A_749 = tpu.memref_squeeze %dma_start3A_748 : memref<1x1x1x8x128xf32, #tpu.memory_space<hbm>> -> memref<8x128xf32, #tpu.memory_space<hbm>>
      %dma_start3A_750 = arith.constant 0 : i32
      %dma_start3A_751 = arith.constant 256 : i32
      %dma_start3A_752 = tpu.memref_slice %arg9[%dma_start3A_750, %dma_start3A_751] : memref<32x513xf32, #tpu.memory_space<vmem>> -> memref<8x128xf32, #tpu.memory_space<vmem>>
      tpu.enqueue_dma source(%dma_start3A_752 : memref<8x128xf32, #tpu.memory_space<vmem>>) target(%dma_start3A_749 : memref<8x128xf32, #tpu.memory_space<hbm>>) target_semaphore(%arg15 : memref<!tpu.dma_semaphore, #tpu.memory_space<semaphore_mem>>)
      %add3A_753 = arith.constant 3 : i32
      %add3A_754 = arith.addi %mul3A_2, %add3A_753 : i32
      %dma_start3A_755 = arith.constant 0 : i32
      %dma_start3A_756 = arith.constant 0 : i32
      %dma_start3A_757 = arith.constant 384 : i32
      %dma_start3A_758 = tpu.memref_slice %arg9[%dma_start3A_756, %dma_start3A_757] : memref<32x513xf32, #tpu.memory_space<vmem>> -> memref<8x128xf32, #tpu.memory_space<vmem>>
      %dma_start3A_759 = arith.constant 0 : i32
      %dma_start3A_760 = arith.constant 0 : i32
      %dma_start3A_761 = tpu.memref_slice %arg4[%add3A_617, %dma_start3A_755, %add3A_754, %dma_start3A_759, %dma_start3A_760] : memref<200x4x128x8x128xf32, #tpu.memory_space<hbm>> -> memref<1x1x1x8x128xf32, #tpu.memory_space<hbm>>
      %dma_start3A_762 = tpu.memref_squeeze %dma_start3A_761 : memref<1x1x1x8x128xf32, #tpu.memory_space<hbm>> -> memref<8x128xf32, #tpu.memory_space<hbm>>
      %dma_start3A_763 = arith.constant 0 : i32
      %dma_start3A_764 = arith.constant 0 : i32
      %dma_start3A_765 = tpu.memref_slice %arg4[%add3A_617, %dma_start3A_755, %add3A_754, %dma_start3A_763, %dma_start3A_764] : memref<200x4x128x8x128xf32, #tpu.memory_space<hbm>> -> memref<1x1x1x8x128xf32, #tpu.memory_space<hbm>>
      %dma_start3A_766 = tpu.memref_squeeze %dma_start3A_765 : memref<1x1x1x8x128xf32, #tpu.memory_space<hbm>> -> memref<8x128xf32, #tpu.memory_space<hbm>>
      %dma_start3A_767 = arith.constant 0 : i32
      %dma_start3A_768 = arith.constant 384 : i32
      %dma_start3A_769 = tpu.memref_slice %arg9[%dma_start3A_767, %dma_start3A_768] : memref<32x513xf32, #tpu.memory_space<vmem>> -> memref<8x128xf32, #tpu.memory_space<vmem>>
      tpu.enqueue_dma source(%dma_start3A_769 : memref<8x128xf32, #tpu.memory_space<vmem>>) target(%dma_start3A_766 : memref<8x128xf32, #tpu.memory_space<hbm>>) target_semaphore(%arg15 : memref<!tpu.dma_semaphore, #tpu.memory_space<semaphore_mem>>)
      %add3A_770 = arith.constant 0 : i32
      %add3A_771 = arith.addi %mul3A_2, %add3A_770 : i32
      %dma_start3A_772 = arith.constant 1 : i32
      %dma_start3A_773 = arith.constant 8 : i32
      %dma_start3A_774 = arith.constant 0 : i32
      %dma_start3A_775 = tpu.memref_slice %arg9[%dma_start3A_773, %dma_start3A_774] : memref<32x513xf32, #tpu.memory_space<vmem>> -> memref<8x128xf32, #tpu.memory_space<vmem>>
      %dma_start3A_776 = arith.constant 0 : i32
      %dma_start3A_777 = arith.constant 0 : i32
      %dma_start3A_778 = tpu.memref_slice %arg4[%add3A_617, %dma_start3A_772, %add3A_771, %dma_start3A_776, %dma_start3A_777] : memref<200x4x128x8x128xf32, #tpu.memory_space<hbm>> -> memref<1x1x1x8x128xf32, #tpu.memory_space<hbm>>
      %dma_start3A_779 = tpu.memref_squeeze %dma_start3A_778 : memref<1x1x1x8x128xf32, #tpu.memory_space<hbm>> -> memref<8x128xf32, #tpu.memory_space<hbm>>
      %dma_start3A_780 = arith.constant 0 : i32
      %dma_start3A_781 = arith.constant 0 : i32
      %dma_start3A_782 = tpu.memref_slice %arg4[%add3A_617, %dma_start3A_772, %add3A_771, %dma_start3A_780, %dma_start3A_781] : memref<200x4x128x8x128xf32, #tpu.memory_space<hbm>> -> memref<1x1x1x8x128xf32, #tpu.memory_space<hbm>>
      %dma_start3A_783 = tpu.memref_squeeze %dma_start3A_782 : memref<1x1x1x8x128xf32, #tpu.memory_space<hbm>> -> memref<8x128xf32, #tpu.memory_space<hbm>>
      %dma_start3A_784 = arith.constant 8 : i32
      %dma_start3A_785 = arith.constant 0 : i32
      %dma_start3A_786 = tpu.memref_slice %arg9[%dma_start3A_784, %dma_start3A_785] : memref<32x513xf32, #tpu.memory_space<vmem>> -> memref<8x128xf32, #tpu.memory_space<vmem>>
      tpu.enqueue_dma source(%dma_start3A_786 : memref<8x128xf32, #tpu.memory_space<vmem>>) target(%dma_start3A_783 : memref<8x128xf32, #tpu.memory_space<hbm>>) target_semaphore(%arg15 : memref<!tpu.dma_semaphore, #tpu.memory_space<semaphore_mem>>)
      %add3A_787 = arith.constant 1 : i32
      %add3A_788 = arith.addi %mul3A_2, %add3A_787 : i32
      %dma_start3A_789 = arith.constant 1 : i32
      %dma_start3A_790 = arith.constant 8 : i32
      %dma_start3A_791 = arith.constant 128 : i32
      %dma_start3A_792 = tpu.memref_slice %arg9[%dma_start3A_790, %dma_start3A_791] : memref<32x513xf32, #tpu.memory_space<vmem>> -> memref<8x128xf32, #tpu.memory_space<vmem>>
      %dma_start3A_793 = arith.constant 0 : i32
      %dma_start3A_794 = arith.constant 0 : i32
      %dma_start3A_795 = tpu.memref_slice %arg4[%add3A_617, %dma_start3A_789, %add3A_788, %dma_start3A_793, %dma_start3A_794] : memref<200x4x128x8x128xf32, #tpu.memory_space<hbm>> -> memref<1x1x1x8x128xf32, #tpu.memory_space<hbm>>
      %dma_start3A_796 = tpu.memref_squeeze %dma_start3A_795 : memref<1x1x1x8x128xf32, #tpu.memory_space<hbm>> -> memref<8x128xf32, #tpu.memory_space<hbm>>
      %dma_start3A_797 = arith.constant 0 : i32
      %dma_start3A_798 = arith.constant 0 : i32
      %dma_start3A_799 = tpu.memref_slice %arg4[%add3A_617, %dma_start3A_789, %add3A_788, %dma_start3A_797, %dma_start3A_798] : memref<200x4x128x8x128xf32, #tpu.memory_space<hbm>> -> memref<1x1x1x8x128xf32, #tpu.memory_space<hbm>>
      %dma_start3A_800 = tpu.memref_squeeze %dma_start3A_799 : memref<1x1x1x8x128xf32, #tpu.memory_space<hbm>> -> memref<8x128xf32, #tpu.memory_space<hbm>>
      %dma_start3A_801 = arith.constant 8 : i32
      %dma_start3A_802 = arith.constant 128 : i32
      %dma_start3A_803 = tpu.memref_slice %arg9[%dma_start3A_801, %dma_start3A_802] : memref<32x513xf32, #tpu.memory_space<vmem>> -> memref<8x128xf32, #tpu.memory_space<vmem>>
      tpu.enqueue_dma source(%dma_start3A_803 : memref<8x128xf32, #tpu.memory_space<vmem>>) target(%dma_start3A_800 : memref<8x128xf32, #tpu.memory_space<hbm>>) target_semaphore(%arg15 : memref<!tpu.dma_semaphore, #tpu.memory_space<semaphore_mem>>)
      %add3A_804 = arith.constant 2 : i32
      %add3A_805 = arith.addi %mul3A_2, %add3A_804 : i32
      %dma_start3A_806 = arith.constant 1 : i32
      %dma_start3A_807 = arith.constant 8 : i32
      %dma_start3A_808 = arith.constant 256 : i32
      %dma_start3A_809 = tpu.memref_slice %arg9[%dma_start3A_807, %dma_start3A_808] : memref<32x513xf32, #tpu.memory_space<vmem>> -> memref<8x128xf32, #tpu.memory_space<vmem>>
      %dma_start3A_810 = arith.constant 0 : i32
      %dma_start3A_811 = arith.constant 0 : i32
      %dma_start3A_812 = tpu.memref_slice %arg4[%add3A_617, %dma_start3A_806, %add3A_805, %dma_start3A_810, %dma_start3A_811] : memref<200x4x128x8x128xf32, #tpu.memory_space<hbm>> -> memref<1x1x1x8x128xf32, #tpu.memory_space<hbm>>
      %dma_start3A_813 = tpu.memref_squeeze %dma_start3A_812 : memref<1x1x1x8x128xf32, #tpu.memory_space<hbm>> -> memref<8x128xf32, #tpu.memory_space<hbm>>
      %dma_start3A_814 = arith.constant 0 : i32
      %dma_start3A_815 = arith.constant 0 : i32
      %dma_start3A_816 = tpu.memref_slice %arg4[%add3A_617, %dma_start3A_806, %add3A_805, %dma_start3A_814, %dma_start3A_815] : memref<200x4x128x8x128xf32, #tpu.memory_space<hbm>> -> memref<1x1x1x8x128xf32, #tpu.memory_space<hbm>>
      %dma_start3A_817 = tpu.memref_squeeze %dma_start3A_816 : memref<1x1x1x8x128xf32, #tpu.memory_space<hbm>> -> memref<8x128xf32, #tpu.memory_space<hbm>>
      %dma_start3A_818 = arith.constant 8 : i32
      %dma_start3A_819 = arith.constant 256 : i32
      %dma_start3A_820 = tpu.memref_slice %arg9[%dma_start3A_818, %dma_start3A_819] : memref<32x513xf32, #tpu.memory_space<vmem>> -> memref<8x128xf32, #tpu.memory_space<vmem>>
      tpu.enqueue_dma source(%dma_start3A_820 : memref<8x128xf32, #tpu.memory_space<vmem>>) target(%dma_start3A_817 : memref<8x128xf32, #tpu.memory_space<hbm>>) target_semaphore(%arg15 : memref<!tpu.dma_semaphore, #tpu.memory_space<semaphore_mem>>)
      %add3A_821 = arith.constant 3 : i32
      %add3A_822 = arith.addi %mul3A_2, %add3A_821 : i32
      %dma_start3A_823 = arith.constant 1 : i32
      %dma_start3A_824 = arith.constant 8 : i32
      %dma_start3A_825 = arith.constant 384 : i32
      %dma_start3A_826 = tpu.memref_slice %arg9[%dma_start3A_824, %dma_start3A_825] : memref<32x513xf32, #tpu.memory_space<vmem>> -> memref<8x128xf32, #tpu.memory_space<vmem>>
      %dma_start3A_827 = arith.constant 0 : i32
      %dma_start3A_828 = arith.constant 0 : i32
      %dma_start3A_829 = tpu.memref_slice %arg4[%add3A_617, %dma_start3A_823, %add3A_822, %dma_start3A_827, %dma_start3A_828] : memref<200x4x128x8x128xf32, #tpu.memory_space<hbm>> -> memref<1x1x1x8x128xf32, #tpu.memory_space<hbm>>
      %dma_start3A_830 = tpu.memref_squeeze %dma_start3A_829 : memref<1x1x1x8x128xf32, #tpu.memory_space<hbm>> -> memref<8x128xf32, #tpu.memory_space<hbm>>
      %dma_start3A_831 = arith.constant 0 : i32
      %dma_start3A_832 = arith.constant 0 : i32
      %dma_start3A_833 = tpu.memref_slice %arg4[%add3A_617, %dma_start3A_823, %add3A_822, %dma_start3A_831, %dma_start3A_832] : memref<200x4x128x8x128xf32, #tpu.memory_space<hbm>> -> memref<1x1x1x8x128xf32, #tpu.memory_space<hbm>>
      %dma_start3A_834 = tpu.memref_squeeze %dma_start3A_833 : memref<1x1x1x8x128xf32, #tpu.memory_space<hbm>> -> memref<8x128xf32, #tpu.memory_space<hbm>>
      %dma_start3A_835 = arith.constant 8 : i32
      %dma_start3A_836 = arith.constant 384 : i32
      %dma_start3A_837 = tpu.memref_slice %arg9[%dma_start3A_835, %dma_start3A_836] : memref<32x513xf32, #tpu.memory_space<vmem>> -> memref<8x128xf32, #tpu.memory_space<vmem>>
      tpu.enqueue_dma source(%dma_start3A_837 : memref<8x128xf32, #tpu.memory_space<vmem>>) target(%dma_start3A_834 : memref<8x128xf32, #tpu.memory_space<hbm>>) target_semaphore(%arg15 : memref<!tpu.dma_semaphore, #tpu.memory_space<semaphore_mem>>)
      %add3A_838 = arith.constant 0 : i32
      %add3A_839 = arith.addi %mul3A_2, %add3A_838 : i32
      %dma_start3A_840 = arith.constant 2 : i32
      %dma_start3A_841 = arith.constant 16 : i32
      %dma_start3A_842 = arith.constant 0 : i32
      %dma_start3A_843 = tpu.memref_slice %arg9[%dma_start3A_841, %dma_start3A_842] : memref<32x513xf32, #tpu.memory_space<vmem>> -> memref<8x128xf32, #tpu.memory_space<vmem>>
      %dma_start3A_844 = arith.constant 0 : i32
      %dma_start3A_845 = arith.constant 0 : i32
      %dma_start3A_846 = tpu.memref_slice %arg4[%add3A_617, %dma_start3A_840, %add3A_839, %dma_start3A_844, %dma_start3A_845] : memref<200x4x128x8x128xf32, #tpu.memory_space<hbm>> -> memref<1x1x1x8x128xf32, #tpu.memory_space<hbm>>
      %dma_start3A_847 = tpu.memref_squeeze %dma_start3A_846 : memref<1x1x1x8x128xf32, #tpu.memory_space<hbm>> -> memref<8x128xf32, #tpu.memory_space<hbm>>
      %dma_start3A_848 = arith.constant 0 : i32
      %dma_start3A_849 = arith.constant 0 : i32
      %dma_start3A_850 = tpu.memref_slice %arg4[%add3A_617, %dma_start3A_840, %add3A_839, %dma_start3A_848, %dma_start3A_849] : memref<200x4x128x8x128xf32, #tpu.memory_space<hbm>> -> memref<1x1x1x8x128xf32, #tpu.memory_space<hbm>>
      %dma_start3A_851 = tpu.memref_squeeze %dma_start3A_850 : memref<1x1x1x8x128xf32, #tpu.memory_space<hbm>> -> memref<8x128xf32, #tpu.memory_space<hbm>>
      %dma_start3A_852 = arith.constant 16 : i32
      %dma_start3A_853 = arith.constant 0 : i32
      %dma_start3A_854 = tpu.memref_slice %arg9[%dma_start3A_852, %dma_start3A_853] : memref<32x513xf32, #tpu.memory_space<vmem>> -> memref<8x128xf32, #tpu.memory_space<vmem>>
      tpu.enqueue_dma source(%dma_start3A_854 : memref<8x128xf32, #tpu.memory_space<vmem>>) target(%dma_start3A_851 : memref<8x128xf32, #tpu.memory_space<hbm>>) target_semaphore(%arg15 : memref<!tpu.dma_semaphore, #tpu.memory_space<semaphore_mem>>)
      %add3A_855 = arith.constant 1 : i32
      %add3A_856 = arith.addi %mul3A_2, %add3A_855 : i32
      %dma_start3A_857 = arith.constant 2 : i32
      %dma_start3A_858 = arith.constant 16 : i32
      %dma_start3A_859 = arith.constant 128 : i32
      %dma_start3A_860 = tpu.memref_slice %arg9[%dma_start3A_858, %dma_start3A_859] : memref<32x513xf32, #tpu.memory_space<vmem>> -> memref<8x128xf32, #tpu.memory_space<vmem>>
      %dma_start3A_861 = arith.constant 0 : i32
      %dma_start3A_862 = arith.constant 0 : i32
      %dma_start3A_863 = tpu.memref_slice %arg4[%add3A_617, %dma_start3A_857, %add3A_856, %dma_start3A_861, %dma_start3A_862] : memref<200x4x128x8x128xf32, #tpu.memory_space<hbm>> -> memref<1x1x1x8x128xf32, #tpu.memory_space<hbm>>
      %dma_start3A_864 = tpu.memref_squeeze %dma_start3A_863 : memref<1x1x1x8x128xf32, #tpu.memory_space<hbm>> -> memref<8x128xf32, #tpu.memory_space<hbm>>
      %dma_start3A_865 = arith.constant 0 : i32
      %dma_start3A_866 = arith.constant 0 : i32
      %dma_start3A_867 = tpu.memref_slice %arg4[%add3A_617, %dma_start3A_857, %add3A_856, %dma_start3A_865, %dma_start3A_866] : memref<200x4x128x8x128xf32, #tpu.memory_space<hbm>> -> memref<1x1x1x8x128xf32, #tpu.memory_space<hbm>>
      %dma_start3A_868 = tpu.memref_squeeze %dma_start3A_867 : memref<1x1x1x8x128xf32, #tpu.memory_space<hbm>> -> memref<8x128xf32, #tpu.memory_space<hbm>>
      %dma_start3A_869 = arith.constant 16 : i32
      %dma_start3A_870 = arith.constant 128 : i32
      %dma_start3A_871 = tpu.memref_slice %arg9[%dma_start3A_869, %dma_start3A_870] : memref<32x513xf32, #tpu.memory_space<vmem>> -> memref<8x128xf32, #tpu.memory_space<vmem>>
      tpu.enqueue_dma source(%dma_start3A_871 : memref<8x128xf32, #tpu.memory_space<vmem>>) target(%dma_start3A_868 : memref<8x128xf32, #tpu.memory_space<hbm>>) target_semaphore(%arg15 : memref<!tpu.dma_semaphore, #tpu.memory_space<semaphore_mem>>)
      %add3A_872 = arith.constant 2 : i32
      %add3A_873 = arith.addi %mul3A_2, %add3A_872 : i32
      %dma_start3A_874 = arith.constant 2 : i32
      %dma_start3A_875 = arith.constant 16 : i32
      %dma_start3A_876 = arith.constant 256 : i32
      %dma_start3A_877 = tpu.memref_slice %arg9[%dma_start3A_875, %dma_start3A_876] : memref<32x513xf32, #tpu.memory_space<vmem>> -> memref<8x128xf32, #tpu.memory_space<vmem>>
      %dma_start3A_878 = arith.constant 0 : i32
      %dma_start3A_879 = arith.constant 0 : i32
      %dma_start3A_880 = tpu.memref_slice %arg4[%add3A_617, %dma_start3A_874, %add3A_873, %dma_start3A_878, %dma_start3A_879] : memref<200x4x128x8x128xf32, #tpu.memory_space<hbm>> -> memref<1x1x1x8x128xf32, #tpu.memory_space<hbm>>
      %dma_start3A_881 = tpu.memref_squeeze %dma_start3A_880 : memref<1x1x1x8x128xf32, #tpu.memory_space<hbm>> -> memref<8x128xf32, #tpu.memory_space<hbm>>
      %dma_start3A_882 = arith.constant 0 : i32
      %dma_start3A_883 = arith.constant 0 : i32
      %dma_start3A_884 = tpu.memref_slice %arg4[%add3A_617, %dma_start3A_874, %add3A_873, %dma_start3A_882, %dma_start3A_883] : memref<200x4x128x8x128xf32, #tpu.memory_space<hbm>> -> memref<1x1x1x8x128xf32, #tpu.memory_space<hbm>>
      %dma_start3A_885 = tpu.memref_squeeze %dma_start3A_884 : memref<1x1x1x8x128xf32, #tpu.memory_space<hbm>> -> memref<8x128xf32, #tpu.memory_space<hbm>>
      %dma_start3A_886 = arith.constant 16 : i32
      %dma_start3A_887 = arith.constant 256 : i32
      %dma_start3A_888 = tpu.memref_slice %arg9[%dma_start3A_886, %dma_start3A_887] : memref<32x513xf32, #tpu.memory_space<vmem>> -> memref<8x128xf32, #tpu.memory_space<vmem>>
      tpu.enqueue_dma source(%dma_start3A_888 : memref<8x128xf32, #tpu.memory_space<vmem>>) target(%dma_start3A_885 : memref<8x128xf32, #tpu.memory_space<hbm>>) target_semaphore(%arg15 : memref<!tpu.dma_semaphore, #tpu.memory_space<semaphore_mem>>)
      %add3A_889 = arith.constant 3 : i32
      %add3A_890 = arith.addi %mul3A_2, %add3A_889 : i32
      %dma_start3A_891 = arith.constant 2 : i32
      %dma_start3A_892 = arith.constant 16 : i32
      %dma_start3A_893 = arith.constant 384 : i32
      %dma_start3A_894 = tpu.memref_slice %arg9[%dma_start3A_892, %dma_start3A_893] : memref<32x513xf32, #tpu.memory_space<vmem>> -> memref<8x128xf32, #tpu.memory_space<vmem>>
      %dma_start3A_895 = arith.constant 0 : i32
      %dma_start3A_896 = arith.constant 0 : i32
      %dma_start3A_897 = tpu.memref_slice %arg4[%add3A_617, %dma_start3A_891, %add3A_890, %dma_start3A_895, %dma_start3A_896] : memref<200x4x128x8x128xf32, #tpu.memory_space<hbm>> -> memref<1x1x1x8x128xf32, #tpu.memory_space<hbm>>
      %dma_start3A_898 = tpu.memref_squeeze %dma_start3A_897 : memref<1x1x1x8x128xf32, #tpu.memory_space<hbm>> -> memref<8x128xf32, #tpu.memory_space<hbm>>
      %dma_start3A_899 = arith.constant 0 : i32
      %dma_start3A_900 = arith.constant 0 : i32
      %dma_start3A_901 = tpu.memref_slice %arg4[%add3A_617, %dma_start3A_891, %add3A_890, %dma_start3A_899, %dma_start3A_900] : memref<200x4x128x8x128xf32, #tpu.memory_space<hbm>> -> memref<1x1x1x8x128xf32, #tpu.memory_space<hbm>>
      %dma_start3A_902 = tpu.memref_squeeze %dma_start3A_901 : memref<1x1x1x8x128xf32, #tpu.memory_space<hbm>> -> memref<8x128xf32, #tpu.memory_space<hbm>>
      %dma_start3A_903 = arith.constant 16 : i32
      %dma_start3A_904 = arith.constant 384 : i32
      %dma_start3A_905 = tpu.memref_slice %arg9[%dma_start3A_903, %dma_start3A_904] : memref<32x513xf32, #tpu.memory_space<vmem>> -> memref<8x128xf32, #tpu.memory_space<vmem>>
      tpu.enqueue_dma source(%dma_start3A_905 : memref<8x128xf32, #tpu.memory_space<vmem>>) target(%dma_start3A_902 : memref<8x128xf32, #tpu.memory_space<hbm>>) target_semaphore(%arg15 : memref<!tpu.dma_semaphore, #tpu.memory_space<semaphore_mem>>)
      %add3A_906 = arith.constant 0 : i32
      %add3A_907 = arith.addi %mul3A_2, %add3A_906 : i32
      %dma_start3A_908 = arith.constant 3 : i32
      %dma_start3A_909 = arith.constant 24 : i32
      %dma_start3A_910 = arith.constant 0 : i32
      %dma_start3A_911 = tpu.memref_slice %arg9[%dma_start3A_909, %dma_start3A_910] : memref<32x513xf32, #tpu.memory_space<vmem>> -> memref<8x128xf32, #tpu.memory_space<vmem>>
      %dma_start3A_912 = arith.constant 0 : i32
      %dma_start3A_913 = arith.constant 0 : i32
      %dma_start3A_914 = tpu.memref_slice %arg4[%add3A_617, %dma_start3A_908, %add3A_907, %dma_start3A_912, %dma_start3A_913] : memref<200x4x128x8x128xf32, #tpu.memory_space<hbm>> -> memref<1x1x1x8x128xf32, #tpu.memory_space<hbm>>
      %dma_start3A_915 = tpu.memref_squeeze %dma_start3A_914 : memref<1x1x1x8x128xf32, #tpu.memory_space<hbm>> -> memref<8x128xf32, #tpu.memory_space<hbm>>
      %dma_start3A_916 = arith.constant 0 : i32
      %dma_start3A_917 = arith.constant 0 : i32
      %dma_start3A_918 = tpu.memref_slice %arg4[%add3A_617, %dma_start3A_908, %add3A_907, %dma_start3A_916, %dma_start3A_917] : memref<200x4x128x8x128xf32, #tpu.memory_space<hbm>> -> memref<1x1x1x8x128xf32, #tpu.memory_space<hbm>>
      %dma_start3A_919 = tpu.memref_squeeze %dma_start3A_918 : memref<1x1x1x8x128xf32, #tpu.memory_space<hbm>> -> memref<8x128xf32, #tpu.memory_space<hbm>>
      %dma_start3A_920 = arith.constant 24 : i32
      %dma_start3A_921 = arith.constant 0 : i32
      %dma_start3A_922 = tpu.memref_slice %arg9[%dma_start3A_920, %dma_start3A_921] : memref<32x513xf32, #tpu.memory_space<vmem>> -> memref<8x128xf32, #tpu.memory_space<vmem>>
      tpu.enqueue_dma source(%dma_start3A_922 : memref<8x128xf32, #tpu.memory_space<vmem>>) target(%dma_start3A_919 : memref<8x128xf32, #tpu.memory_space<hbm>>) target_semaphore(%arg15 : memref<!tpu.dma_semaphore, #tpu.memory_space<semaphore_mem>>)
      %add3A_923 = arith.constant 1 : i32
      %add3A_924 = arith.addi %mul3A_2, %add3A_923 : i32
      %dma_start3A_925 = arith.constant 3 : i32
      %dma_start3A_926 = arith.constant 24 : i32
      %dma_start3A_927 = arith.constant 128 : i32
      %dma_start3A_928 = tpu.memref_slice %arg9[%dma_start3A_926, %dma_start3A_927] : memref<32x513xf32, #tpu.memory_space<vmem>> -> memref<8x128xf32, #tpu.memory_space<vmem>>
      %dma_start3A_929 = arith.constant 0 : i32
      %dma_start3A_930 = arith.constant 0 : i32
      %dma_start3A_931 = tpu.memref_slice %arg4[%add3A_617, %dma_start3A_925, %add3A_924, %dma_start3A_929, %dma_start3A_930] : memref<200x4x128x8x128xf32, #tpu.memory_space<hbm>> -> memref<1x1x1x8x128xf32, #tpu.memory_space<hbm>>
      %dma_start3A_932 = tpu.memref_squeeze %dma_start3A_931 : memref<1x1x1x8x128xf32, #tpu.memory_space<hbm>> -> memref<8x128xf32, #tpu.memory_space<hbm>>
      %dma_start3A_933 = arith.constant 0 : i32
      %dma_start3A_934 = arith.constant 0 : i32
      %dma_start3A_935 = tpu.memref_slice %arg4[%add3A_617, %dma_start3A_925, %add3A_924, %dma_start3A_933, %dma_start3A_934] : memref<200x4x128x8x128xf32, #tpu.memory_space<hbm>> -> memref<1x1x1x8x128xf32, #tpu.memory_space<hbm>>
      %dma_start3A_936 = tpu.memref_squeeze %dma_start3A_935 : memref<1x1x1x8x128xf32, #tpu.memory_space<hbm>> -> memref<8x128xf32, #tpu.memory_space<hbm>>
      %dma_start3A_937 = arith.constant 24 : i32
      %dma_start3A_938 = arith.constant 128 : i32
      %dma_start3A_939 = tpu.memref_slice %arg9[%dma_start3A_937, %dma_start3A_938] : memref<32x513xf32, #tpu.memory_space<vmem>> -> memref<8x128xf32, #tpu.memory_space<vmem>>
      tpu.enqueue_dma source(%dma_start3A_939 : memref<8x128xf32, #tpu.memory_space<vmem>>) target(%dma_start3A_936 : memref<8x128xf32, #tpu.memory_space<hbm>>) target_semaphore(%arg15 : memref<!tpu.dma_semaphore, #tpu.memory_space<semaphore_mem>>)
      %add3A_940 = arith.constant 2 : i32
      %add3A_941 = arith.addi %mul3A_2, %add3A_940 : i32
      %dma_start3A_942 = arith.constant 3 : i32
      %dma_start3A_943 = arith.constant 24 : i32
      %dma_start3A_944 = arith.constant 256 : i32
      %dma_start3A_945 = tpu.memref_slice %arg9[%dma_start3A_943, %dma_start3A_944] : memref<32x513xf32, #tpu.memory_space<vmem>> -> memref<8x128xf32, #tpu.memory_space<vmem>>
      %dma_start3A_946 = arith.constant 0 : i32
      %dma_start3A_947 = arith.constant 0 : i32
      %dma_start3A_948 = tpu.memref_slice %arg4[%add3A_617, %dma_start3A_942, %add3A_941, %dma_start3A_946, %dma_start3A_947] : memref<200x4x128x8x128xf32, #tpu.memory_space<hbm>> -> memref<1x1x1x8x128xf32, #tpu.memory_space<hbm>>
      %dma_start3A_949 = tpu.memref_squeeze %dma_start3A_948 : memref<1x1x1x8x128xf32, #tpu.memory_space<hbm>> -> memref<8x128xf32, #tpu.memory_space<hbm>>
      %dma_start3A_950 = arith.constant 0 : i32
      %dma_start3A_951 = arith.constant 0 : i32
      %dma_start3A_952 = tpu.memref_slice %arg4[%add3A_617, %dma_start3A_942, %add3A_941, %dma_start3A_950, %dma_start3A_951] : memref<200x4x128x8x128xf32, #tpu.memory_space<hbm>> -> memref<1x1x1x8x128xf32, #tpu.memory_space<hbm>>
      %dma_start3A_953 = tpu.memref_squeeze %dma_start3A_952 : memref<1x1x1x8x128xf32, #tpu.memory_space<hbm>> -> memref<8x128xf32, #tpu.memory_space<hbm>>
      %dma_start3A_954 = arith.constant 24 : i32
      %dma_start3A_955 = arith.constant 256 : i32
      %dma_start3A_956 = tpu.memref_slice %arg9[%dma_start3A_954, %dma_start3A_955] : memref<32x513xf32, #tpu.memory_space<vmem>> -> memref<8x128xf32, #tpu.memory_space<vmem>>
      tpu.enqueue_dma source(%dma_start3A_956 : memref<8x128xf32, #tpu.memory_space<vmem>>) target(%dma_start3A_953 : memref<8x128xf32, #tpu.memory_space<hbm>>) target_semaphore(%arg15 : memref<!tpu.dma_semaphore, #tpu.memory_space<semaphore_mem>>)
      %add3A_957 = arith.constant 3 : i32
      %add3A_958 = arith.addi %mul3A_2, %add3A_957 : i32
      %dma_start3A_959 = arith.constant 3 : i32
      %dma_start3A_960 = arith.constant 24 : i32
      %dma_start3A_961 = arith.constant 384 : i32
      %dma_start3A_962 = tpu.memref_slice %arg9[%dma_start3A_960, %dma_start3A_961] : memref<32x513xf32, #tpu.memory_space<vmem>> -> memref<8x128xf32, #tpu.memory_space<vmem>>
      %dma_start3A_963 = arith.constant 0 : i32
      %dma_start3A_964 = arith.constant 0 : i32
      %dma_start3A_965 = tpu.memref_slice %arg4[%add3A_617, %dma_start3A_959, %add3A_958, %dma_start3A_963, %dma_start3A_964] : memref<200x4x128x8x128xf32, #tpu.memory_space<hbm>> -> memref<1x1x1x8x128xf32, #tpu.memory_space<hbm>>
      %dma_start3A_966 = tpu.memref_squeeze %dma_start3A_965 : memref<1x1x1x8x128xf32, #tpu.memory_space<hbm>> -> memref<8x128xf32, #tpu.memory_space<hbm>>
      %dma_start3A_967 = arith.constant 0 : i32
      %dma_start3A_968 = arith.constant 0 : i32
      %dma_start3A_969 = tpu.memref_slice %arg4[%add3A_617, %dma_start3A_959, %add3A_958, %dma_start3A_967, %dma_start3A_968] : memref<200x4x128x8x128xf32, #tpu.memory_space<hbm>> -> memref<1x1x1x8x128xf32, #tpu.memory_space<hbm>>
      %dma_start3A_970 = tpu.memref_squeeze %dma_start3A_969 : memref<1x1x1x8x128xf32, #tpu.memory_space<hbm>> -> memref<8x128xf32, #tpu.memory_space<hbm>>
      %dma_start3A_971 = arith.constant 24 : i32
      %dma_start3A_972 = arith.constant 384 : i32
      %dma_start3A_973 = tpu.memref_slice %arg9[%dma_start3A_971, %dma_start3A_972] : memref<32x513xf32, #tpu.memory_space<vmem>> -> memref<8x128xf32, #tpu.memory_space<vmem>>
      tpu.enqueue_dma source(%dma_start3A_973 : memref<8x128xf32, #tpu.memory_space<vmem>>) target(%dma_start3A_970 : memref<8x128xf32, #tpu.memory_space<hbm>>) target_semaphore(%arg15 : memref<!tpu.dma_semaphore, #tpu.memory_space<semaphore_mem>>)
      %add3A_974 = arith.constant 1 : i32
      %add3A_975 = arith.addi %add3A_617, %add3A_974 : i32
      %lt3A_976 = arith.constant 200 : i32
      %lt3A_977 = arith.cmpi slt, %add3A_975, %lt3A_976 : i32
      %convert_element_type3A_978 = arith.extui %lt3A_977 : i1 to i32
      %cond3A_979 = arith.constant 0 : i32
      %cond3A_980 = arith.cmpi ne, %convert_element_type3A_978, %cond3A_979 : i32
      scf.if %cond3A_980 {
        %dma_wait3A_1352 = arith.constant 0 : i32
        %dma_wait3A_1353 = arith.constant 0 : i32
        %dma_wait3A_1354 = arith.constant 0 : i32
        %dma_wait3A_1355 = tpu.memref_slice %arg2[%dma_wait3A_1352, %dma_wait3A_1353, %dma_wait3A_1354] : memref<200x128x128xi32, #tpu.memory_space<hbm>> -> memref<1x4x128xi32, #tpu.memory_space<hbm>>
        %dma_wait3A_1356 = tpu.memref_squeeze %dma_wait3A_1355 : memref<1x4x128xi32, #tpu.memory_space<hbm>> -> memref<4x128xi32, #tpu.memory_space<hbm>>
        %dma_wait3A_1357 = arith.constant 0 : i32
        %dma_wait3A_1358 = arith.constant 0 : i32
        %dma_wait3A_1359 = tpu.memref_slice %arg2[%dma_wait3A_1352, %dma_wait3A_1357, %dma_wait3A_1358] : memref<200x128x128xi32, #tpu.memory_space<hbm>> -> memref<1x4x128xi32, #tpu.memory_space<hbm>>
        %dma_wait3A_1360 = tpu.memref_squeeze %dma_wait3A_1359 : memref<1x4x128xi32, #tpu.memory_space<hbm>> -> memref<4x128xi32, #tpu.memory_space<hbm>>
        tpu.wait_dma2 semaphore(%arg12 : memref<!tpu.dma_semaphore, #tpu.memory_space<semaphore_mem>>) src(%dma_wait3A_1360 : memref<4x128xi32, #tpu.memory_space<hbm>>) dst(%arg6 : memref<4x128xi32, #tpu.memory_space<vmem>>)
        %dma_start3A_1361 = arith.constant 0 : i32
        %dma_start3A_1362 = arith.constant 0 : i32
        %dma_start3A_1363 = arith.constant 0 : i32
        %dma_start3A_1364 = tpu.memref_slice %arg8[%dma_start3A_1362, %dma_start3A_1363] : memref<512x32xf32, #tpu.memory_space<vmem>> -> memref<128x32xf32, #tpu.memory_space<vmem>>
        %dma_start3A_1365 = arith.constant 0 : i32
        %dma_start3A_1366 = tpu.memref_slice %arg6[%dma_start3A_1361, %dma_start3A_1365] : memref<4x128xi32, #tpu.memory_space<vmem>> -> memref<1x128xi32, #tpu.memory_space<vmem>>
        %dma_start3A_1367 = tpu.memref_squeeze %dma_start3A_1366 : memref<1x128xi32, #tpu.memory_space<vmem>> -> memref<128xi32, #tpu.memory_space<vmem>>
        %dma_start3A_1368 = arith.constant 0 : i32
        %dma_start3A_1369 = arith.constant 0 : i32
        %dma_start3A_1370 = tpu.memref_slice %arg3[%dma_start3A_1368, %dma_start3A_1369] : memref<1000000x32xf32, #tpu.memory_space<hbm>> -> memref<1000000x32xf32, #tpu.memory_space<hbm>>
        tpu.enqueue_indirect_dma source(%dma_start3A_1370 : memref<1000000x32xf32, #tpu.memory_space<hbm>>) target(%dma_start3A_1364 : memref<128x32xf32, #tpu.memory_space<vmem>>) offsets(%dma_start3A_1367 : memref<128xi32, #tpu.memory_space<vmem>>) semaphore(%arg14 : memref<!tpu.dma_semaphore, #tpu.memory_space<semaphore_mem>>)
        %dma_start3A_1371 = arith.constant 1 : i32
        %dma_start3A_1372 = arith.constant 128 : i32
        %dma_start3A_1373 = arith.constant 0 : i32
        %dma_start3A_1374 = tpu.memref_slice %arg8[%dma_start3A_1372, %dma_start3A_1373] : memref<512x32xf32, #tpu.memory_space<vmem>> -> memref<128x32xf32, #tpu.memory_space<vmem>>
        %dma_start3A_1375 = arith.constant 0 : i32
        %dma_start3A_1376 = tpu.memref_slice %arg6[%dma_start3A_1371, %dma_start3A_1375] : memref<4x128xi32, #tpu.memory_space<vmem>> -> memref<1x128xi32, #tpu.memory_space<vmem>>
        %dma_start3A_1377 = tpu.memref_squeeze %dma_start3A_1376 : memref<1x128xi32, #tpu.memory_space<vmem>> -> memref<128xi32, #tpu.memory_space<vmem>>
        %dma_start3A_1378 = arith.constant 0 : i32
        %dma_start3A_1379 = arith.constant 0 : i32
        %dma_start3A_1380 = tpu.memref_slice %arg3[%dma_start3A_1378, %dma_start3A_1379] : memref<1000000x32xf32, #tpu.memory_space<hbm>> -> memref<1000000x32xf32, #tpu.memory_space<hbm>>
        tpu.enqueue_indirect_dma source(%dma_start3A_1380 : memref<1000000x32xf32, #tpu.memory_space<hbm>>) target(%dma_start3A_1374 : memref<128x32xf32, #tpu.memory_space<vmem>>) offsets(%dma_start3A_1377 : memref<128xi32, #tpu.memory_space<vmem>>) semaphore(%arg14 : memref<!tpu.dma_semaphore, #tpu.memory_space<semaphore_mem>>)
        %dma_start3A_1381 = arith.constant 2 : i32
        %dma_start3A_1382 = arith.constant 256 : i32
        %dma_start3A_1383 = arith.constant 0 : i32
        %dma_start3A_1384 = tpu.memref_slice %arg8[%dma_start3A_1382, %dma_start3A_1383] : memref<512x32xf32, #tpu.memory_space<vmem>> -> memref<128x32xf32, #tpu.memory_space<vmem>>
        %dma_start3A_1385 = arith.constant 0 : i32
        %dma_start3A_1386 = tpu.memref_slice %arg6[%dma_start3A_1381, %dma_start3A_1385] : memref<4x128xi32, #tpu.memory_space<vmem>> -> memref<1x128xi32, #tpu.memory_space<vmem>>
        %dma_start3A_1387 = tpu.memref_squeeze %dma_start3A_1386 : memref<1x128xi32, #tpu.memory_space<vmem>> -> memref<128xi32, #tpu.memory_space<vmem>>
        %dma_start3A_1388 = arith.constant 0 : i32
        %dma_start3A_1389 = arith.constant 0 : i32
        %dma_start3A_1390 = tpu.memref_slice %arg3[%dma_start3A_1388, %dma_start3A_1389] : memref<1000000x32xf32, #tpu.memory_space<hbm>> -> memref<1000000x32xf32, #tpu.memory_space<hbm>>
        tpu.enqueue_indirect_dma source(%dma_start3A_1390 : memref<1000000x32xf32, #tpu.memory_space<hbm>>) target(%dma_start3A_1384 : memref<128x32xf32, #tpu.memory_space<vmem>>) offsets(%dma_start3A_1387 : memref<128xi32, #tpu.memory_space<vmem>>) semaphore(%arg14 : memref<!tpu.dma_semaphore, #tpu.memory_space<semaphore_mem>>)
        %dma_start3A_1391 = arith.constant 3 : i32
        %dma_start3A_1392 = arith.constant 384 : i32
        %dma_start3A_1393 = arith.constant 0 : i32
        %dma_start3A_1394 = tpu.memref_slice %arg8[%dma_start3A_1392, %dma_start3A_1393] : memref<512x32xf32, #tpu.memory_space<vmem>> -> memref<128x32xf32, #tpu.memory_space<vmem>>
        %dma_start3A_1395 = arith.constant 0 : i32
        %dma_start3A_1396 = tpu.memref_slice %arg6[%dma_start3A_1391, %dma_start3A_1395] : memref<4x128xi32, #tpu.memory_space<vmem>> -> memref<1x128xi32, #tpu.memory_space<vmem>>
        %dma_start3A_1397 = tpu.memref_squeeze %dma_start3A_1396 : memref<1x128xi32, #tpu.memory_space<vmem>> -> memref<128xi32, #tpu.memory_space<vmem>>
        %dma_start3A_1398 = arith.constant 0 : i32
        %dma_start3A_1399 = arith.constant 0 : i32
        %dma_start3A_1400 = tpu.memref_slice %arg3[%dma_start3A_1398, %dma_start3A_1399] : memref<1000000x32xf32, #tpu.memory_space<hbm>> -> memref<1000000x32xf32, #tpu.memory_space<hbm>>
        tpu.enqueue_indirect_dma source(%dma_start3A_1400 : memref<1000000x32xf32, #tpu.memory_space<hbm>>) target(%dma_start3A_1394 : memref<128x32xf32, #tpu.memory_space<vmem>>) offsets(%dma_start3A_1397 : memref<128xi32, #tpu.memory_space<vmem>>) semaphore(%arg14 : memref<!tpu.dma_semaphore, #tpu.memory_space<semaphore_mem>>)
      } else {
      }
      %mul3A_981 = arith.constant 2 : i32
      %mul3A_982 = arith.muli %mul3A_981, %scan3A_613 : i32
      %add3A_983 = arith.constant 1 : i32
      %add3A_984 = arith.addi %mul3A_982, %add3A_983 : i32
      %ge3A_985 = arith.constant 2 : i32
      %ge3A_986 = arith.cmpi sge, %add3A_984, %ge3A_985 : i32
      %convert_element_type3A_987 = arith.extui %ge3A_986 : i1 to i32
      %cond3A_988 = arith.constant 0 : i32
      %cond3A_989 = arith.cmpi ne, %convert_element_type3A_987, %cond3A_988 : i32
      scf.if %cond3A_989 {
        %dma_wait3A_1352 = arith.constant 0 : i32
        %dma_wait3A_1353 = arith.constant 0 : i32
        %dma_wait3A_1354 = arith.constant 0 : i32
        %dma_wait3A_1355 = arith.constant 0 : i32
        %dma_wait3A_1356 = arith.constant 0 : i32
        %dma_wait3A_1357 = tpu.memref_slice %arg10[%dma_wait3A_1355, %dma_wait3A_1356] : memref<32x513xf32, #tpu.memory_space<vmem>> -> memref<8x128xf32, #tpu.memory_space<vmem>>
        %dma_wait3A_1358 = arith.constant 0 : i32
        %dma_wait3A_1359 = arith.constant 0 : i32
        %dma_wait3A_1360 = tpu.memref_slice %arg4[%dma_wait3A_1352, %dma_wait3A_1353, %dma_wait3A_1354, %dma_wait3A_1358, %dma_wait3A_1359] : memref<200x4x128x8x128xf32, #tpu.memory_space<hbm>> -> memref<1x1x1x8x128xf32, #tpu.memory_space<hbm>>
        %dma_wait3A_1361 = tpu.memref_squeeze %dma_wait3A_1360 : memref<1x1x1x8x128xf32, #tpu.memory_space<hbm>> -> memref<8x128xf32, #tpu.memory_space<hbm>>
        %dma_wait3A_1362 = arith.constant 0 : i32
        %dma_wait3A_1363 = arith.constant 0 : i32
        %dma_wait3A_1364 = tpu.memref_slice %arg4[%dma_wait3A_1352, %dma_wait3A_1353, %dma_wait3A_1354, %dma_wait3A_1362, %dma_wait3A_1363] : memref<200x4x128x8x128xf32, #tpu.memory_space<hbm>> -> memref<1x1x1x8x128xf32, #tpu.memory_space<hbm>>
        %dma_wait3A_1365 = tpu.memref_squeeze %dma_wait3A_1364 : memref<1x1x1x8x128xf32, #tpu.memory_space<hbm>> -> memref<8x128xf32, #tpu.memory_space<hbm>>
        %dma_wait3A_1366 = arith.constant 0 : i32
        %dma_wait3A_1367 = arith.constant 0 : i32
        %dma_wait3A_1368 = tpu.memref_slice %arg10[%dma_wait3A_1366, %dma_wait3A_1367] : memref<32x513xf32, #tpu.memory_space<vmem>> -> memref<8x128xf32, #tpu.memory_space<vmem>>
        tpu.wait_dma2 semaphore(%arg16 : memref<!tpu.dma_semaphore, #tpu.memory_space<semaphore_mem>>) src(%dma_wait3A_1368 : memref<8x128xf32, #tpu.memory_space<vmem>>) dst(%dma_wait3A_1365 : memref<8x128xf32, #tpu.memory_space<hbm>>)
        %dma_wait3A_1369 = arith.constant 0 : i32
        %dma_wait3A_1370 = arith.constant 0 : i32
        %dma_wait3A_1371 = arith.constant 0 : i32
        %dma_wait3A_1372 = arith.constant 0 : i32
        %dma_wait3A_1373 = arith.constant 0 : i32
        %dma_wait3A_1374 = tpu.memref_slice %arg10[%dma_wait3A_1372, %dma_wait3A_1373] : memref<32x513xf32, #tpu.memory_space<vmem>> -> memref<8x128xf32, #tpu.memory_space<vmem>>
        %dma_wait3A_1375 = arith.constant 0 : i32
        %dma_wait3A_1376 = arith.constant 0 : i32
        %dma_wait3A_1377 = tpu.memref_slice %arg4[%dma_wait3A_1369, %dma_wait3A_1370, %dma_wait3A_1371, %dma_wait3A_1375, %dma_wait3A_1376] : memref<200x4x128x8x128xf32, #tpu.memory_space<hbm>> -> memref<1x1x1x8x128xf32, #tpu.memory_space<hbm>>
        %dma_wait3A_1378 = tpu.memref_squeeze %dma_wait3A_1377 : memref<1x1x1x8x128xf32, #tpu.memory_space<hbm>> -> memref<8x128xf32, #tpu.memory_space<hbm>>
        %dma_wait3A_1379 = arith.constant 0 : i32
        %dma_wait3A_1380 = arith.constant 0 : i32
        %dma_wait3A_1381 = tpu.memref_slice %arg4[%dma_wait3A_1369, %dma_wait3A_1370, %dma_wait3A_1371, %dma_wait3A_1379, %dma_wait3A_1380] : memref<200x4x128x8x128xf32, #tpu.memory_space<hbm>> -> memref<1x1x1x8x128xf32, #tpu.memory_space<hbm>>
        %dma_wait3A_1382 = tpu.memref_squeeze %dma_wait3A_1381 : memref<1x1x1x8x128xf32, #tpu.memory_space<hbm>> -> memref<8x128xf32, #tpu.memory_space<hbm>>
        %dma_wait3A_1383 = arith.constant 0 : i32
        %dma_wait3A_1384 = arith.constant 0 : i32
        %dma_wait3A_1385 = tpu.memref_slice %arg10[%dma_wait3A_1383, %dma_wait3A_1384] : memref<32x513xf32, #tpu.memory_space<vmem>> -> memref<8x128xf32, #tpu.memory_space<vmem>>
        tpu.wait_dma2 semaphore(%arg16 : memref<!tpu.dma_semaphore, #tpu.memory_space<semaphore_mem>>) src(%dma_wait3A_1385 : memref<8x128xf32, #tpu.memory_space<vmem>>) dst(%dma_wait3A_1382 : memref<8x128xf32, #tpu.memory_space<hbm>>)
        %dma_wait3A_1386 = arith.constant 0 : i32
        %dma_wait3A_1387 = arith.constant 0 : i32
        %dma_wait3A_1388 = arith.constant 0 : i32
        %dma_wait3A_1389 = arith.constant 0 : i32
        %dma_wait3A_1390 = arith.constant 0 : i32
        %dma_wait3A_1391 = tpu.memref_slice %arg10[%dma_wait3A_1389, %dma_wait3A_1390] : memref<32x513xf32, #tpu.memory_space<vmem>> -> memref<8x128xf32, #tpu.memory_space<vmem>>
        %dma_wait3A_1392 = arith.constant 0 : i32
        %dma_wait3A_1393 = arith.constant 0 : i32
        %dma_wait3A_1394 = tpu.memref_slice %arg4[%dma_wait3A_1386, %dma_wait3A_1387, %dma_wait3A_1388, %dma_wait3A_1392, %dma_wait3A_1393] : memref<200x4x128x8x128xf32, #tpu.memory_space<hbm>> -> memref<1x1x1x8x128xf32, #tpu.memory_space<hbm>>
        %dma_wait3A_1395 = tpu.memref_squeeze %dma_wait3A_1394 : memref<1x1x1x8x128xf32, #tpu.memory_space<hbm>> -> memref<8x128xf32, #tpu.memory_space<hbm>>
        %dma_wait3A_1396 = arith.constant 0 : i32
        %dma_wait3A_1397 = arith.constant 0 : i32
        %dma_wait3A_1398 = tpu.memref_slice %arg4[%dma_wait3A_1386, %dma_wait3A_1387, %dma_wait3A_1388, %dma_wait3A_1396, %dma_wait3A_1397] : memref<200x4x128x8x128xf32, #tpu.memory_space<hbm>> -> memref<1x1x1x8x128xf32, #tpu.memory_space<hbm>>
        %dma_wait3A_1399 = tpu.memref_squeeze %dma_wait3A_1398 : memref<1x1x1x8x128xf32, #tpu.memory_space<hbm>> -> memref<8x128xf32, #tpu.memory_space<hbm>>
        %dma_wait3A_1400 = arith.constant 0 : i32
        %dma_wait3A_1401 = arith.constant 0 : i32
        %dma_wait3A_1402 = tpu.memref_slice %arg10[%dma_wait3A_1400, %dma_wait3A_1401] : memref<32x513xf32, #tpu.memory_space<vmem>> -> memref<8x128xf32, #tpu.memory_space<vmem>>
        tpu.wait_dma2 semaphore(%arg16 : memref<!tpu.dma_semaphore, #tpu.memory_space<semaphore_mem>>) src(%dma_wait3A_1402 : memref<8x128xf32, #tpu.memory_space<vmem>>) dst(%dma_wait3A_1399 : memref<8x128xf32, #tpu.memory_space<hbm>>)
        %dma_wait3A_1403 = arith.constant 0 : i32
        %dma_wait3A_1404 = arith.constant 0 : i32
        %dma_wait3A_1405 = arith.constant 0 : i32
        %dma_wait3A_1406 = arith.constant 0 : i32
        %dma_wait3A_1407 = arith.constant 0 : i32
        %dma_wait3A_1408 = tpu.memref_slice %arg10[%dma_wait3A_1406, %dma_wait3A_1407] : memref<32x513xf32, #tpu.memory_space<vmem>> -> memref<8x128xf32, #tpu.memory_space<vmem>>
        %dma_wait3A_1409 = arith.constant 0 : i32
        %dma_wait3A_1410 = arith.constant 0 : i32
        %dma_wait3A_1411 = tpu.memref_slice %arg4[%dma_wait3A_1403, %dma_wait3A_1404, %dma_wait3A_1405, %dma_wait3A_1409, %dma_wait3A_1410] : memref<200x4x128x8x128xf32, #tpu.memory_space<hbm>> -> memref<1x1x1x8x128xf32, #tpu.memory_space<hbm>>
        %dma_wait3A_1412 = tpu.memref_squeeze %dma_wait3A_1411 : memref<1x1x1x8x128xf32, #tpu.memory_space<hbm>> -> memref<8x128xf32, #tpu.memory_space<hbm>>
        %dma_wait3A_1413 = arith.constant 0 : i32
        %dma_wait3A_1414 = arith.constant 0 : i32
        %dma_wait3A_1415 = tpu.memref_slice %arg4[%dma_wait3A_1403, %dma_wait3A_1404, %dma_wait3A_1405, %dma_wait3A_1413, %dma_wait3A_1414] : memref<200x4x128x8x128xf32, #tpu.memory_space<hbm>> -> memref<1x1x1x8x128xf32, #tpu.memory_space<hbm>>
        %dma_wait3A_1416 = tpu.memref_squeeze %dma_wait3A_1415 : memref<1x1x1x8x128xf32, #tpu.memory_space<hbm>> -> memref<8x128xf32, #tpu.memory_space<hbm>>
        %dma_wait3A_1417 = arith.constant 0 : i32
        %dma_wait3A_1418 = arith.constant 0 : i32
        %dma_wait3A_1419 = tpu.memref_slice %arg10[%dma_wait3A_1417, %dma_wait3A_1418] : memref<32x513xf32, #tpu.memory_space<vmem>> -> memref<8x128xf32, #tpu.memory_space<vmem>>
        tpu.wait_dma2 semaphore(%arg16 : memref<!tpu.dma_semaphore, #tpu.memory_space<semaphore_mem>>) src(%dma_wait3A_1419 : memref<8x128xf32, #tpu.memory_space<vmem>>) dst(%dma_wait3A_1416 : memref<8x128xf32, #tpu.memory_space<hbm>>)
        %dma_wait3A_1420 = arith.constant 0 : i32
        %dma_wait3A_1421 = arith.constant 0 : i32
        %dma_wait3A_1422 = arith.constant 0 : i32
        %dma_wait3A_1423 = arith.constant 0 : i32
        %dma_wait3A_1424 = arith.constant 0 : i32
        %dma_wait3A_1425 = tpu.memref_slice %arg10[%dma_wait3A_1423, %dma_wait3A_1424] : memref<32x513xf32, #tpu.memory_space<vmem>> -> memref<8x128xf32, #tpu.memory_space<vmem>>
        %dma_wait3A_1426 = arith.constant 0 : i32
        %dma_wait3A_1427 = arith.constant 0 : i32
        %dma_wait3A_1428 = tpu.memref_slice %arg4[%dma_wait3A_1420, %dma_wait3A_1421, %dma_wait3A_1422, %dma_wait3A_1426, %dma_wait3A_1427] : memref<200x4x128x8x128xf32, #tpu.memory_space<hbm>> -> memref<1x1x1x8x128xf32, #tpu.memory_space<hbm>>
        %dma_wait3A_1429 = tpu.memref_squeeze %dma_wait3A_1428 : memref<1x1x1x8x128xf32, #tpu.memory_space<hbm>> -> memref<8x128xf32, #tpu.memory_space<hbm>>
        %dma_wait3A_1430 = arith.constant 0 : i32
        %dma_wait3A_1431 = arith.constant 0 : i32
        %dma_wait3A_1432 = tpu.memref_slice %arg4[%dma_wait3A_1420, %dma_wait3A_1421, %dma_wait3A_1422, %dma_wait3A_1430, %dma_wait3A_1431] : memref<200x4x128x8x128xf32, #tpu.memory_space<hbm>> -> memref<1x1x1x8x128xf32, #tpu.memory_space<hbm>>
        %dma_wait3A_1433 = tpu.memref_squeeze %dma_wait3A_1432 : memref<1x1x1x8x128xf32, #tpu.memory_space<hbm>> -> memref<8x128xf32, #tpu.memory_space<hbm>>
        %dma_wait3A_1434 = arith.constant 0 : i32
        %dma_wait3A_1435 = arith.constant 0 : i32
        %dma_wait3A_1436 = tpu.memref_slice %arg10[%dma_wait3A_1434, %dma_wait3A_1435] : memref<32x513xf32, #tpu.memory_space<vmem>> -> memref<8x128xf32, #tpu.memory_space<vmem>>
        tpu.wait_dma2 semaphore(%arg16 : memref<!tpu.dma_semaphore, #tpu.memory_space<semaphore_mem>>) src(%dma_wait3A_1436 : memref<8x128xf32, #tpu.memory_space<vmem>>) dst(%dma_wait3A_1433 : memref<8x128xf32, #tpu.memory_space<hbm>>)
        %dma_wait3A_1437 = arith.constant 0 : i32
        %dma_wait3A_1438 = arith.constant 0 : i32
        %dma_wait3A_1439 = arith.constant 0 : i32
        %dma_wait3A_1440 = arith.constant 0 : i32
        %dma_wait3A_1441 = arith.constant 0 : i32
        %dma_wait3A_1442 = tpu.memref_slice %arg10[%dma_wait3A_1440, %dma_wait3A_1441] : memref<32x513xf32, #tpu.memory_space<vmem>> -> memref<8x128xf32, #tpu.memory_space<vmem>>
        %dma_wait3A_1443 = arith.constant 0 : i32
        %dma_wait3A_1444 = arith.constant 0 : i32
        %dma_wait3A_1445 = tpu.memref_slice %arg4[%dma_wait3A_1437, %dma_wait3A_1438, %dma_wait3A_1439, %dma_wait3A_1443, %dma_wait3A_1444] : memref<200x4x128x8x128xf32, #tpu.memory_space<hbm>> -> memref<1x1x1x8x128xf32, #tpu.memory_space<hbm>>
        %dma_wait3A_1446 = tpu.memref_squeeze %dma_wait3A_1445 : memref<1x1x1x8x128xf32, #tpu.memory_space<hbm>> -> memref<8x128xf32, #tpu.memory_space<hbm>>
        %dma_wait3A_1447 = arith.constant 0 : i32
        %dma_wait3A_1448 = arith.constant 0 : i32
        %dma_wait3A_1449 = tpu.memref_slice %arg4[%dma_wait3A_1437, %dma_wait3A_1438, %dma_wait3A_1439, %dma_wait3A_1447, %dma_wait3A_1448] : memref<200x4x128x8x128xf32, #tpu.memory_space<hbm>> -> memref<1x1x1x8x128xf32, #tpu.memory_space<hbm>>
        %dma_wait3A_1450 = tpu.memref_squeeze %dma_wait3A_1449 : memref<1x1x1x8x128xf32, #tpu.memory_space<hbm>> -> memref<8x128xf32, #tpu.memory_space<hbm>>
        %dma_wait3A_1451 = arith.constant 0 : i32
        %dma_wait3A_1452 = arith.constant 0 : i32
        %dma_wait3A_1453 = tpu.memref_slice %arg10[%dma_wait3A_1451, %dma_wait3A_1452] : memref<32x513xf32, #tpu.memory_space<vmem>> -> memref<8x128xf32, #tpu.memory_space<vmem>>
        tpu.wait_dma2 semaphore(%arg16 : memref<!tpu.dma_semaphore, #tpu.memory_space<semaphore_mem>>) src(%dma_wait3A_1453 : memref<8x128xf32, #tpu.memory_space<vmem>>) dst(%dma_wait3A_1450 : memref<8x128xf32, #tpu.memory_space<hbm>>)
        %dma_wait3A_1454 = arith.constant 0 : i32
        %dma_wait3A_1455 = arith.constant 0 : i32
        %dma_wait3A_1456 = arith.constant 0 : i32
        %dma_wait3A_1457 = arith.constant 0 : i32
        %dma_wait3A_1458 = arith.constant 0 : i32
        %dma_wait3A_1459 = tpu.memref_slice %arg10[%dma_wait3A_1457, %dma_wait3A_1458] : memref<32x513xf32, #tpu.memory_space<vmem>> -> memref<8x128xf32, #tpu.memory_space<vmem>>
        %dma_wait3A_1460 = arith.constant 0 : i32
        %dma_wait3A_1461 = arith.constant 0 : i32
        %dma_wait3A_1462 = tpu.memref_slice %arg4[%dma_wait3A_1454, %dma_wait3A_1455, %dma_wait3A_1456, %dma_wait3A_1460, %dma_wait3A_1461] : memref<200x4x128x8x128xf32, #tpu.memory_space<hbm>> -> memref<1x1x1x8x128xf32, #tpu.memory_space<hbm>>
        %dma_wait3A_1463 = tpu.memref_squeeze %dma_wait3A_1462 : memref<1x1x1x8x128xf32, #tpu.memory_space<hbm>> -> memref<8x128xf32, #tpu.memory_space<hbm>>
        %dma_wait3A_1464 = arith.constant 0 : i32
        %dma_wait3A_1465 = arith.constant 0 : i32
        %dma_wait3A_1466 = tpu.memref_slice %arg4[%dma_wait3A_1454, %dma_wait3A_1455, %dma_wait3A_1456, %dma_wait3A_1464, %dma_wait3A_1465] : memref<200x4x128x8x128xf32, #tpu.memory_space<hbm>> -> memref<1x1x1x8x128xf32, #tpu.memory_space<hbm>>
        %dma_wait3A_1467 = tpu.memref_squeeze %dma_wait3A_1466 : memref<1x1x1x8x128xf32, #tpu.memory_space<hbm>> -> memref<8x128xf32, #tpu.memory_space<hbm>>
        %dma_wait3A_1468 = arith.constant 0 : i32
        %dma_wait3A_1469 = arith.constant 0 : i32
        %dma_wait3A_1470 = tpu.memref_slice %arg10[%dma_wait3A_1468, %dma_wait3A_1469] : memref<32x513xf32, #tpu.memory_space<vmem>> -> memref<8x128xf32, #tpu.memory_space<vmem>>
        tpu.wait_dma2 semaphore(%arg16 : memref<!tpu.dma_semaphore, #tpu.memory_space<semaphore_mem>>) src(%dma_wait3A_1470 : memref<8x128xf32, #tpu.memory_space<vmem>>) dst(%dma_wait3A_1467 : memref<8x128xf32, #tpu.memory_space<hbm>>)
        %dma_wait3A_1471 = arith.constant 0 : i32
        %dma_wait3A_1472 = arith.constant 0 : i32
        %dma_wait3A_1473 = arith.constant 0 : i32
        %dma_wait3A_1474 = arith.constant 0 : i32
        %dma_wait3A_1475 = arith.constant 0 : i32
        %dma_wait3A_1476 = tpu.memref_slice %arg10[%dma_wait3A_1474, %dma_wait3A_1475] : memref<32x513xf32, #tpu.memory_space<vmem>> -> memref<8x128xf32, #tpu.memory_space<vmem>>
        %dma_wait3A_1477 = arith.constant 0 : i32
        %dma_wait3A_1478 = arith.constant 0 : i32
        %dma_wait3A_1479 = tpu.memref_slice %arg4[%dma_wait3A_1471, %dma_wait3A_1472, %dma_wait3A_1473, %dma_wait3A_1477, %dma_wait3A_1478] : memref<200x4x128x8x128xf32, #tpu.memory_space<hbm>> -> memref<1x1x1x8x128xf32, #tpu.memory_space<hbm>>
        %dma_wait3A_1480 = tpu.memref_squeeze %dma_wait3A_1479 : memref<1x1x1x8x128xf32, #tpu.memory_space<hbm>> -> memref<8x128xf32, #tpu.memory_space<hbm>>
        %dma_wait3A_1481 = arith.constant 0 : i32
        %dma_wait3A_1482 = arith.constant 0 : i32
        %dma_wait3A_1483 = tpu.memref_slice %arg4[%dma_wait3A_1471, %dma_wait3A_1472, %dma_wait3A_1473, %dma_wait3A_1481, %dma_wait3A_1482] : memref<200x4x128x8x128xf32, #tpu.memory_space<hbm>> -> memref<1x1x1x8x128xf32, #tpu.memory_space<hbm>>
        %dma_wait3A_1484 = tpu.memref_squeeze %dma_wait3A_1483 : memref<1x1x1x8x128xf32, #tpu.memory_space<hbm>> -> memref<8x128xf32, #tpu.memory_space<hbm>>
        %dma_wait3A_1485 = arith.constant 0 : i32
        %dma_wait3A_1486 = arith.constant 0 : i32
        %dma_wait3A_1487 = tpu.memref_slice %arg10[%dma_wait3A_1485, %dma_wait3A_1486] : memref<32x513xf32, #tpu.memory_space<vmem>> -> memref<8x128xf32, #tpu.memory_space<vmem>>
        tpu.wait_dma2 semaphore(%arg16 : memref<!tpu.dma_semaphore, #tpu.memory_space<semaphore_mem>>) src(%dma_wait3A_1487 : memref<8x128xf32, #tpu.memory_space<vmem>>) dst(%dma_wait3A_1484 : memref<8x128xf32, #tpu.memory_space<hbm>>)
        %dma_wait3A_1488 = arith.constant 0 : i32
        %dma_wait3A_1489 = arith.constant 0 : i32
        %dma_wait3A_1490 = arith.constant 0 : i32
        %dma_wait3A_1491 = arith.constant 0 : i32
        %dma_wait3A_1492 = arith.constant 0 : i32
        %dma_wait3A_1493 = tpu.memref_slice %arg10[%dma_wait3A_1491, %dma_wait3A_1492] : memref<32x513xf32, #tpu.memory_space<vmem>> -> memref<8x128xf32, #tpu.memory_space<vmem>>
        %dma_wait3A_1494 = arith.constant 0 : i32
        %dma_wait3A_1495 = arith.constant 0 : i32
        %dma_wait3A_1496 = tpu.memref_slice %arg4[%dma_wait3A_1488, %dma_wait3A_1489, %dma_wait3A_1490, %dma_wait3A_1494, %dma_wait3A_1495] : memref<200x4x128x8x128xf32, #tpu.memory_space<hbm>> -> memref<1x1x1x8x128xf32, #tpu.memory_space<hbm>>
        %dma_wait3A_1497 = tpu.memref_squeeze %dma_wait3A_1496 : memref<1x1x1x8x128xf32, #tpu.memory_space<hbm>> -> memref<8x128xf32, #tpu.memory_space<hbm>>
        %dma_wait3A_1498 = arith.constant 0 : i32
        %dma_wait3A_1499 = arith.constant 0 : i32
        %dma_wait3A_1500 = tpu.memref_slice %arg4[%dma_wait3A_1488, %dma_wait3A_1489, %dma_wait3A_1490, %dma_wait3A_1498, %dma_wait3A_1499] : memref<200x4x128x8x128xf32, #tpu.memory_space<hbm>> -> memref<1x1x1x8x128xf32, #tpu.memory_space<hbm>>
        %dma_wait3A_1501 = tpu.memref_squeeze %dma_wait3A_1500 : memref<1x1x1x8x128xf32, #tpu.memory_space<hbm>> -> memref<8x128xf32, #tpu.memory_space<hbm>>
        %dma_wait3A_1502 = arith.constant 0 : i32
        %dma_wait3A_1503 = arith.constant 0 : i32
        %dma_wait3A_1504 = tpu.memref_slice %arg10[%dma_wait3A_1502, %dma_wait3A_1503] : memref<32x513xf32, #tpu.memory_space<vmem>> -> memref<8x128xf32, #tpu.memory_space<vmem>>
        tpu.wait_dma2 semaphore(%arg16 : memref<!tpu.dma_semaphore, #tpu.memory_space<semaphore_mem>>) src(%dma_wait3A_1504 : memref<8x128xf32, #tpu.memory_space<vmem>>) dst(%dma_wait3A_1501 : memref<8x128xf32, #tpu.memory_space<hbm>>)
        %dma_wait3A_1505 = arith.constant 0 : i32
        %dma_wait3A_1506 = arith.constant 0 : i32
        %dma_wait3A_1507 = arith.constant 0 : i32
        %dma_wait3A_1508 = arith.constant 0 : i32
        %dma_wait3A_1509 = arith.constant 0 : i32
        %dma_wait3A_1510 = tpu.memref_slice %arg10[%dma_wait3A_1508, %dma_wait3A_1509] : memref<32x513xf32, #tpu.memory_space<vmem>> -> memref<8x128xf32, #tpu.memory_space<vmem>>
        %dma_wait3A_1511 = arith.constant 0 : i32
        %dma_wait3A_1512 = arith.constant 0 : i32
        %dma_wait3A_1513 = tpu.memref_slice %arg4[%dma_wait3A_1505, %dma_wait3A_1506, %dma_wait3A_1507, %dma_wait3A_1511, %dma_wait3A_1512] : memref<200x4x128x8x128xf32, #tpu.memory_space<hbm>> -> memref<1x1x1x8x128xf32, #tpu.memory_space<hbm>>
        %dma_wait3A_1514 = tpu.memref_squeeze %dma_wait3A_1513 : memref<1x1x1x8x128xf32, #tpu.memory_space<hbm>> -> memref<8x128xf32, #tpu.memory_space<hbm>>
        %dma_wait3A_1515 = arith.constant 0 : i32
        %dma_wait3A_1516 = arith.constant 0 : i32
        %dma_wait3A_1517 = tpu.memref_slice %arg4[%dma_wait3A_1505, %dma_wait3A_1506, %dma_wait3A_1507, %dma_wait3A_1515, %dma_wait3A_1516] : memref<200x4x128x8x128xf32, #tpu.memory_space<hbm>> -> memref<1x1x1x8x128xf32, #tpu.memory_space<hbm>>
        %dma_wait3A_1518 = tpu.memref_squeeze %dma_wait3A_1517 : memref<1x1x1x8x128xf32, #tpu.memory_space<hbm>> -> memref<8x128xf32, #tpu.memory_space<hbm>>
        %dma_wait3A_1519 = arith.constant 0 : i32
        %dma_wait3A_1520 = arith.constant 0 : i32
        %dma_wait3A_1521 = tpu.memref_slice %arg10[%dma_wait3A_1519, %dma_wait3A_1520] : memref<32x513xf32, #tpu.memory_space<vmem>> -> memref<8x128xf32, #tpu.memory_space<vmem>>
        tpu.wait_dma2 semaphore(%arg16 : memref<!tpu.dma_semaphore, #tpu.memory_space<semaphore_mem>>) src(%dma_wait3A_1521 : memref<8x128xf32, #tpu.memory_space<vmem>>) dst(%dma_wait3A_1518 : memref<8x128xf32, #tpu.memory_space<hbm>>)
        %dma_wait3A_1522 = arith.constant 0 : i32
        %dma_wait3A_1523 = arith.constant 0 : i32
        %dma_wait3A_1524 = arith.constant 0 : i32
        %dma_wait3A_1525 = arith.constant 0 : i32
        %dma_wait3A_1526 = arith.constant 0 : i32
        %dma_wait3A_1527 = tpu.memref_slice %arg10[%dma_wait3A_1525, %dma_wait3A_1526] : memref<32x513xf32, #tpu.memory_space<vmem>> -> memref<8x128xf32, #tpu.memory_space<vmem>>
        %dma_wait3A_1528 = arith.constant 0 : i32
        %dma_wait3A_1529 = arith.constant 0 : i32
        %dma_wait3A_1530 = tpu.memref_slice %arg4[%dma_wait3A_1522, %dma_wait3A_1523, %dma_wait3A_1524, %dma_wait3A_1528, %dma_wait3A_1529] : memref<200x4x128x8x128xf32, #tpu.memory_space<hbm>> -> memref<1x1x1x8x128xf32, #tpu.memory_space<hbm>>
        %dma_wait3A_1531 = tpu.memref_squeeze %dma_wait3A_1530 : memref<1x1x1x8x128xf32, #tpu.memory_space<hbm>> -> memref<8x128xf32, #tpu.memory_space<hbm>>
        %dma_wait3A_1532 = arith.constant 0 : i32
        %dma_wait3A_1533 = arith.constant 0 : i32
        %dma_wait3A_1534 = tpu.memref_slice %arg4[%dma_wait3A_1522, %dma_wait3A_1523, %dma_wait3A_1524, %dma_wait3A_1532, %dma_wait3A_1533] : memref<200x4x128x8x128xf32, #tpu.memory_space<hbm>> -> memref<1x1x1x8x128xf32, #tpu.memory_space<hbm>>
        %dma_wait3A_1535 = tpu.memref_squeeze %dma_wait3A_1534 : memref<1x1x1x8x128xf32, #tpu.memory_space<hbm>> -> memref<8x128xf32, #tpu.memory_space<hbm>>
        %dma_wait3A_1536 = arith.constant 0 : i32
        %dma_wait3A_1537 = arith.constant 0 : i32
        %dma_wait3A_1538 = tpu.memref_slice %arg10[%dma_wait3A_1536, %dma_wait3A_1537] : memref<32x513xf32, #tpu.memory_space<vmem>> -> memref<8x128xf32, #tpu.memory_space<vmem>>
        tpu.wait_dma2 semaphore(%arg16 : memref<!tpu.dma_semaphore, #tpu.memory_space<semaphore_mem>>) src(%dma_wait3A_1538 : memref<8x128xf32, #tpu.memory_space<vmem>>) dst(%dma_wait3A_1535 : memref<8x128xf32, #tpu.memory_space<hbm>>)
        %dma_wait3A_1539 = arith.constant 0 : i32
        %dma_wait3A_1540 = arith.constant 0 : i32
        %dma_wait3A_1541 = arith.constant 0 : i32
        %dma_wait3A_1542 = arith.constant 0 : i32
        %dma_wait3A_1543 = arith.constant 0 : i32
        %dma_wait3A_1544 = tpu.memref_slice %arg10[%dma_wait3A_1542, %dma_wait3A_1543] : memref<32x513xf32, #tpu.memory_space<vmem>> -> memref<8x128xf32, #tpu.memory_space<vmem>>
        %dma_wait3A_1545 = arith.constant 0 : i32
        %dma_wait3A_1546 = arith.constant 0 : i32
        %dma_wait3A_1547 = tpu.memref_slice %arg4[%dma_wait3A_1539, %dma_wait3A_1540, %dma_wait3A_1541, %dma_wait3A_1545, %dma_wait3A_1546] : memref<200x4x128x8x128xf32, #tpu.memory_space<hbm>> -> memref<1x1x1x8x128xf32, #tpu.memory_space<hbm>>
        %dma_wait3A_1548 = tpu.memref_squeeze %dma_wait3A_1547 : memref<1x1x1x8x128xf32, #tpu.memory_space<hbm>> -> memref<8x128xf32, #tpu.memory_space<hbm>>
        %dma_wait3A_1549 = arith.constant 0 : i32
        %dma_wait3A_1550 = arith.constant 0 : i32
        %dma_wait3A_1551 = tpu.memref_slice %arg4[%dma_wait3A_1539, %dma_wait3A_1540, %dma_wait3A_1541, %dma_wait3A_1549, %dma_wait3A_1550] : memref<200x4x128x8x128xf32, #tpu.memory_space<hbm>> -> memref<1x1x1x8x128xf32, #tpu.memory_space<hbm>>
        %dma_wait3A_1552 = tpu.memref_squeeze %dma_wait3A_1551 : memref<1x1x1x8x128xf32, #tpu.memory_space<hbm>> -> memref<8x128xf32, #tpu.memory_space<hbm>>
        %dma_wait3A_1553 = arith.constant 0 : i32
        %dma_wait3A_1554 = arith.constant 0 : i32
        %dma_wait3A_1555 = tpu.memref_slice %arg10[%dma_wait3A_1553, %dma_wait3A_1554] : memref<32x513xf32, #tpu.memory_space<vmem>> -> memref<8x128xf32, #tpu.memory_space<vmem>>
        tpu.wait_dma2 semaphore(%arg16 : memref<!tpu.dma_semaphore, #tpu.memory_space<semaphore_mem>>) src(%dma_wait3A_1555 : memref<8x128xf32, #tpu.memory_space<vmem>>) dst(%dma_wait3A_1552 : memref<8x128xf32, #tpu.memory_space<hbm>>)
        %dma_wait3A_1556 = arith.constant 0 : i32
        %dma_wait3A_1557 = arith.constant 0 : i32
        %dma_wait3A_1558 = arith.constant 0 : i32
        %dma_wait3A_1559 = arith.constant 0 : i32
        %dma_wait3A_1560 = arith.constant 0 : i32
        %dma_wait3A_1561 = tpu.memref_slice %arg10[%dma_wait3A_1559, %dma_wait3A_1560] : memref<32x513xf32, #tpu.memory_space<vmem>> -> memref<8x128xf32, #tpu.memory_space<vmem>>
        %dma_wait3A_1562 = arith.constant 0 : i32
        %dma_wait3A_1563 = arith.constant 0 : i32
        %dma_wait3A_1564 = tpu.memref_slice %arg4[%dma_wait3A_1556, %dma_wait3A_1557, %dma_wait3A_1558, %dma_wait3A_1562, %dma_wait3A_1563] : memref<200x4x128x8x128xf32, #tpu.memory_space<hbm>> -> memref<1x1x1x8x128xf32, #tpu.memory_space<hbm>>
        %dma_wait3A_1565 = tpu.memref_squeeze %dma_wait3A_1564 : memref<1x1x1x8x128xf32, #tpu.memory_space<hbm>> -> memref<8x128xf32, #tpu.memory_space<hbm>>
        %dma_wait3A_1566 = arith.constant 0 : i32
        %dma_wait3A_1567 = arith.constant 0 : i32
        %dma_wait3A_1568 = tpu.memref_slice %arg4[%dma_wait3A_1556, %dma_wait3A_1557, %dma_wait3A_1558, %dma_wait3A_1566, %dma_wait3A_1567] : memref<200x4x128x8x128xf32, #tpu.memory_space<hbm>> -> memref<1x1x1x8x128xf32, #tpu.memory_space<hbm>>
        %dma_wait3A_1569 = tpu.memref_squeeze %dma_wait3A_1568 : memref<1x1x1x8x128xf32, #tpu.memory_space<hbm>> -> memref<8x128xf32, #tpu.memory_space<hbm>>
        %dma_wait3A_1570 = arith.constant 0 : i32
        %dma_wait3A_1571 = arith.constant 0 : i32
        %dma_wait3A_1572 = tpu.memref_slice %arg10[%dma_wait3A_1570, %dma_wait3A_1571] : memref<32x513xf32, #tpu.memory_space<vmem>> -> memref<8x128xf32, #tpu.memory_space<vmem>>
        tpu.wait_dma2 semaphore(%arg16 : memref<!tpu.dma_semaphore, #tpu.memory_space<semaphore_mem>>) src(%dma_wait3A_1572 : memref<8x128xf32, #tpu.memory_space<vmem>>) dst(%dma_wait3A_1569 : memref<8x128xf32, #tpu.memory_space<hbm>>)
        %dma_wait3A_1573 = arith.constant 0 : i32
        %dma_wait3A_1574 = arith.constant 0 : i32
        %dma_wait3A_1575 = arith.constant 0 : i32
        %dma_wait3A_1576 = arith.constant 0 : i32
        %dma_wait3A_1577 = arith.constant 0 : i32
        %dma_wait3A_1578 = tpu.memref_slice %arg10[%dma_wait3A_1576, %dma_wait3A_1577] : memref<32x513xf32, #tpu.memory_space<vmem>> -> memref<8x128xf32, #tpu.memory_space<vmem>>
        %dma_wait3A_1579 = arith.constant 0 : i32
        %dma_wait3A_1580 = arith.constant 0 : i32
        %dma_wait3A_1581 = tpu.memref_slice %arg4[%dma_wait3A_1573, %dma_wait3A_1574, %dma_wait3A_1575, %dma_wait3A_1579, %dma_wait3A_1580] : memref<200x4x128x8x128xf32, #tpu.memory_space<hbm>> -> memref<1x1x1x8x128xf32, #tpu.memory_space<hbm>>
        %dma_wait3A_1582 = tpu.memref_squeeze %dma_wait3A_1581 : memref<1x1x1x8x128xf32, #tpu.memory_space<hbm>> -> memref<8x128xf32, #tpu.memory_space<hbm>>
        %dma_wait3A_1583 = arith.constant 0 : i32
        %dma_wait3A_1584 = arith.constant 0 : i32
        %dma_wait3A_1585 = tpu.memref_slice %arg4[%dma_wait3A_1573, %dma_wait3A_1574, %dma_wait3A_1575, %dma_wait3A_1583, %dma_wait3A_1584] : memref<200x4x128x8x128xf32, #tpu.memory_space<hbm>> -> memref<1x1x1x8x128xf32, #tpu.memory_space<hbm>>
        %dma_wait3A_1586 = tpu.memref_squeeze %dma_wait3A_1585 : memref<1x1x1x8x128xf32, #tpu.memory_space<hbm>> -> memref<8x128xf32, #tpu.memory_space<hbm>>
        %dma_wait3A_1587 = arith.constant 0 : i32
        %dma_wait3A_1588 = arith.constant 0 : i32
        %dma_wait3A_1589 = tpu.memref_slice %arg10[%dma_wait3A_1587, %dma_wait3A_1588] : memref<32x513xf32, #tpu.memory_space<vmem>> -> memref<8x128xf32, #tpu.memory_space<vmem>>
        tpu.wait_dma2 semaphore(%arg16 : memref<!tpu.dma_semaphore, #tpu.memory_space<semaphore_mem>>) src(%dma_wait3A_1589 : memref<8x128xf32, #tpu.memory_space<vmem>>) dst(%dma_wait3A_1586 : memref<8x128xf32, #tpu.memory_space<hbm>>)
        %dma_wait3A_1590 = arith.constant 0 : i32
        %dma_wait3A_1591 = arith.constant 0 : i32
        %dma_wait3A_1592 = arith.constant 0 : i32
        %dma_wait3A_1593 = arith.constant 0 : i32
        %dma_wait3A_1594 = arith.constant 0 : i32
        %dma_wait3A_1595 = tpu.memref_slice %arg10[%dma_wait3A_1593, %dma_wait3A_1594] : memref<32x513xf32, #tpu.memory_space<vmem>> -> memref<8x128xf32, #tpu.memory_space<vmem>>
        %dma_wait3A_1596 = arith.constant 0 : i32
        %dma_wait3A_1597 = arith.constant 0 : i32
        %dma_wait3A_1598 = tpu.memref_slice %arg4[%dma_wait3A_1590, %dma_wait3A_1591, %dma_wait3A_1592, %dma_wait3A_1596, %dma_wait3A_1597] : memref<200x4x128x8x128xf32, #tpu.memory_space<hbm>> -> memref<1x1x1x8x128xf32, #tpu.memory_space<hbm>>
        %dma_wait3A_1599 = tpu.memref_squeeze %dma_wait3A_1598 : memref<1x1x1x8x128xf32, #tpu.memory_space<hbm>> -> memref<8x128xf32, #tpu.memory_space<hbm>>
        %dma_wait3A_1600 = arith.constant 0 : i32
        %dma_wait3A_1601 = arith.constant 0 : i32
        %dma_wait3A_1602 = tpu.memref_slice %arg4[%dma_wait3A_1590, %dma_wait3A_1591, %dma_wait3A_1592, %dma_wait3A_1600, %dma_wait3A_1601] : memref<200x4x128x8x128xf32, #tpu.memory_space<hbm>> -> memref<1x1x1x8x128xf32, #tpu.memory_space<hbm>>
        %dma_wait3A_1603 = tpu.memref_squeeze %dma_wait3A_1602 : memref<1x1x1x8x128xf32, #tpu.memory_space<hbm>> -> memref<8x128xf32, #tpu.memory_space<hbm>>
        %dma_wait3A_1604 = arith.constant 0 : i32
        %dma_wait3A_1605 = arith.constant 0 : i32
        %dma_wait3A_1606 = tpu.memref_slice %arg10[%dma_wait3A_1604, %dma_wait3A_1605] : memref<32x513xf32, #tpu.memory_space<vmem>> -> memref<8x128xf32, #tpu.memory_space<vmem>>
        tpu.wait_dma2 semaphore(%arg16 : memref<!tpu.dma_semaphore, #tpu.memory_space<semaphore_mem>>) src(%dma_wait3A_1606 : memref<8x128xf32, #tpu.memory_space<vmem>>) dst(%dma_wait3A_1603 : memref<8x128xf32, #tpu.memory_space<hbm>>)
        %dma_wait3A_1607 = arith.constant 0 : i32
        %dma_wait3A_1608 = arith.constant 0 : i32
        %dma_wait3A_1609 = arith.constant 0 : i32
        %dma_wait3A_1610 = arith.constant 0 : i32
        %dma_wait3A_1611 = arith.constant 0 : i32
        %dma_wait3A_1612 = tpu.memref_slice %arg10[%dma_wait3A_1610, %dma_wait3A_1611] : memref<32x513xf32, #tpu.memory_space<vmem>> -> memref<8x128xf32, #tpu.memory_space<vmem>>
        %dma_wait3A_1613 = arith.constant 0 : i32
        %dma_wait3A_1614 = arith.constant 0 : i32
        %dma_wait3A_1615 = tpu.memref_slice %arg4[%dma_wait3A_1607, %dma_wait3A_1608, %dma_wait3A_1609, %dma_wait3A_1613, %dma_wait3A_1614] : memref<200x4x128x8x128xf32, #tpu.memory_space<hbm>> -> memref<1x1x1x8x128xf32, #tpu.memory_space<hbm>>
        %dma_wait3A_1616 = tpu.memref_squeeze %dma_wait3A_1615 : memref<1x1x1x8x128xf32, #tpu.memory_space<hbm>> -> memref<8x128xf32, #tpu.memory_space<hbm>>
        %dma_wait3A_1617 = arith.constant 0 : i32
        %dma_wait3A_1618 = arith.constant 0 : i32
        %dma_wait3A_1619 = tpu.memref_slice %arg4[%dma_wait3A_1607, %dma_wait3A_1608, %dma_wait3A_1609, %dma_wait3A_1617, %dma_wait3A_1618] : memref<200x4x128x8x128xf32, #tpu.memory_space<hbm>> -> memref<1x1x1x8x128xf32, #tpu.memory_space<hbm>>
        %dma_wait3A_1620 = tpu.memref_squeeze %dma_wait3A_1619 : memref<1x1x1x8x128xf32, #tpu.memory_space<hbm>> -> memref<8x128xf32, #tpu.memory_space<hbm>>
        %dma_wait3A_1621 = arith.constant 0 : i32
        %dma_wait3A_1622 = arith.constant 0 : i32
        %dma_wait3A_1623 = tpu.memref_slice %arg10[%dma_wait3A_1621, %dma_wait3A_1622] : memref<32x513xf32, #tpu.memory_space<vmem>> -> memref<8x128xf32, #tpu.memory_space<vmem>>
        tpu.wait_dma2 semaphore(%arg16 : memref<!tpu.dma_semaphore, #tpu.memory_space<semaphore_mem>>) src(%dma_wait3A_1623 : memref<8x128xf32, #tpu.memory_space<vmem>>) dst(%dma_wait3A_1620 : memref<8x128xf32, #tpu.memory_space<hbm>>)
      } else {
      }
      %dma_wait3A_990 = arith.constant 0 : i32
      %dma_wait3A_991 = arith.constant 0 : i32
      %dma_wait3A_992 = arith.constant 0 : i32
      %dma_wait3A_993 = tpu.memref_slice %arg8[%dma_wait3A_991, %dma_wait3A_992] : memref<512x32xf32, #tpu.memory_space<vmem>> -> memref<128x32xf32, #tpu.memory_space<vmem>>
      %dma_wait3A_994 = arith.constant 0 : i32
      %dma_wait3A_995 = tpu.memref_slice %arg6[%dma_wait3A_990, %dma_wait3A_994] : memref<4x128xi32, #tpu.memory_space<vmem>> -> memref<1x128xi32, #tpu.memory_space<vmem>>
      %dma_wait3A_996 = tpu.memref_squeeze %dma_wait3A_995 : memref<1x128xi32, #tpu.memory_space<vmem>> -> memref<128xi32, #tpu.memory_space<vmem>>
      %dma_wait3A_997 = arith.constant 0 : i32
      %dma_wait3A_998 = arith.constant 0 : i32
      %dma_wait3A_999 = tpu.memref_slice %arg3[%dma_wait3A_997, %dma_wait3A_998] : memref<1000000x32xf32, #tpu.memory_space<hbm>> -> memref<1000000x32xf32, #tpu.memory_space<hbm>>
      tpu.wait_indirect_dma semaphore(%arg14 : memref<!tpu.dma_semaphore, #tpu.memory_space<semaphore_mem>>) src(%dma_wait3A_999 : memref<1000000x32xf32, #tpu.memory_space<hbm>>) dst(%dma_wait3A_993 : memref<128x32xf32, #tpu.memory_space<vmem>>)
      %add3A_1000 = arith.constant 16 : i32
      %add3A_1001 = vector.broadcast %add3A_1000 : i32 to vector<16xi32>
      %add3A_1002 = arith.addi %iota3A, %add3A_1001 : vector<16xi32>
      %scan3A_1003 = arith.constant 0 : i32
      %scan3A_1004 = arith.constant 0 : i32
      %scan3A_1005 = arith.constant 16 : i32
      %scan3A_1006 = arith.addi %scan3A_1004, %scan3A_1005 : i32
      %scan3A_1007 = arith.constant 1 : i32
      scf.for %scan3A_1352 = %scan3A_1004 to %scan3A_1006 step %scan3A_1007  : i32 {
        %mul3A_1353 = arith.constant 8 : i32
        %mul3A_1354 = arith.muli %scan3A_1352, %mul3A_1353 : i32
        %add3A_1355 = arith.constant 0 : i32
        %add3A_1356 = arith.addi %add3A_1355, %mul3A_1354 : i32
        %add3A_1357 = arith.constant 0 : i32
        %add3A_1358 = arith.addi %add3A_1356, %add3A_1357 : i32
        %get3A = arith.index_cast %add3A_1358 : i32 to index
        %get3A_1359 = arith.constant 0 : index
        %get3A_1360 = tpu.vector_load %arg8[%get3A, %get3A_1359] {strides = array<i32>} : memref<512x32xf32, #tpu.memory_space<vmem>>, vector<16xf32>,
        %add3A_1361 = arith.constant 0 : i32
        %add3A_1362 = arith.addi %add3A_1356, %add3A_1361 : i32
        %get3A_1363 = arith.index_cast %add3A_1362 : i32 to index
        %get3A_1364 = arith.constant 16 : index
        %get3A_1365 = tpu.vector_load %arg8[%get3A_1363, %get3A_1364] {strides = array<i32>} : memref<512x32xf32, #tpu.memory_space<vmem>>, vector<16xf32>,
        %add3A_1366 = arith.constant 1 : i32
        %add3A_1367 = arith.addi %add3A_1356, %add3A_1366 : i32
        %get3A_1368 = arith.index_cast %add3A_1367 : i32 to index
        %get3A_1369 = arith.constant 0 : index
        %get3A_1370 = tpu.vector_load %arg8[%get3A_1368, %get3A_1369] {strides = array<i32>} : memref<512x32xf32, #tpu.memory_space<vmem>>, vector<16xf32>,
        %add3A_1371 = arith.constant 1 : i32
        %add3A_1372 = arith.addi %add3A_1356, %add3A_1371 : i32
        %get3A_1373 = arith.index_cast %add3A_1372 : i32 to index
        %get3A_1374 = arith.constant 16 : index
        %get3A_1375 = tpu.vector_load %arg8[%get3A_1373, %get3A_1374] {strides = array<i32>} : memref<512x32xf32, #tpu.memory_space<vmem>>, vector<16xf32>,
        %add3A_1376 = arith.constant 2 : i32
        %add3A_1377 = arith.addi %add3A_1356, %add3A_1376 : i32
        %get3A_1378 = arith.index_cast %add3A_1377 : i32 to index
        %get3A_1379 = arith.constant 0 : index
        %get3A_1380 = tpu.vector_load %arg8[%get3A_1378, %get3A_1379] {strides = array<i32>} : memref<512x32xf32, #tpu.memory_space<vmem>>, vector<16xf32>,
        %add3A_1381 = arith.constant 2 : i32
        %add3A_1382 = arith.addi %add3A_1356, %add3A_1381 : i32
        %get3A_1383 = arith.index_cast %add3A_1382 : i32 to index
        %get3A_1384 = arith.constant 16 : index
        %get3A_1385 = tpu.vector_load %arg8[%get3A_1383, %get3A_1384] {strides = array<i32>} : memref<512x32xf32, #tpu.memory_space<vmem>>, vector<16xf32>,
        %add3A_1386 = arith.constant 3 : i32
        %add3A_1387 = arith.addi %add3A_1356, %add3A_1386 : i32
        %get3A_1388 = arith.index_cast %add3A_1387 : i32 to index
        %get3A_1389 = arith.constant 0 : index
        %get3A_1390 = tpu.vector_load %arg8[%get3A_1388, %get3A_1389] {strides = array<i32>} : memref<512x32xf32, #tpu.memory_space<vmem>>, vector<16xf32>,
        %add3A_1391 = arith.constant 3 : i32
        %add3A_1392 = arith.addi %add3A_1356, %add3A_1391 : i32
        %get3A_1393 = arith.index_cast %add3A_1392 : i32 to index
        %get3A_1394 = arith.constant 16 : index
        %get3A_1395 = tpu.vector_load %arg8[%get3A_1393, %get3A_1394] {strides = array<i32>} : memref<512x32xf32, #tpu.memory_space<vmem>>, vector<16xf32>,
        %add3A_1396 = arith.constant 4 : i32
        %add3A_1397 = arith.addi %add3A_1356, %add3A_1396 : i32
        %get3A_1398 = arith.index_cast %add3A_1397 : i32 to index
        %get3A_1399 = arith.constant 0 : index
        %get3A_1400 = tpu.vector_load %arg8[%get3A_1398, %get3A_1399] {strides = array<i32>} : memref<512x32xf32, #tpu.memory_space<vmem>>, vector<16xf32>,
        %add3A_1401 = arith.constant 4 : i32
        %add3A_1402 = arith.addi %add3A_1356, %add3A_1401 : i32
        %get3A_1403 = arith.index_cast %add3A_1402 : i32 to index
        %get3A_1404 = arith.constant 16 : index
        %get3A_1405 = tpu.vector_load %arg8[%get3A_1403, %get3A_1404] {strides = array<i32>} : memref<512x32xf32, #tpu.memory_space<vmem>>, vector<16xf32>,
        %add3A_1406 = arith.constant 5 : i32
        %add3A_1407 = arith.addi %add3A_1356, %add3A_1406 : i32
        %get3A_1408 = arith.index_cast %add3A_1407 : i32 to index
        %get3A_1409 = arith.constant 0 : index
        %get3A_1410 = tpu.vector_load %arg8[%get3A_1408, %get3A_1409] {strides = array<i32>} : memref<512x32xf32, #tpu.memory_space<vmem>>, vector<16xf32>,
        %add3A_1411 = arith.constant 5 : i32
        %add3A_1412 = arith.addi %add3A_1356, %add3A_1411 : i32
        %get3A_1413 = arith.index_cast %add3A_1412 : i32 to index
        %get3A_1414 = arith.constant 16 : index
        %get3A_1415 = tpu.vector_load %arg8[%get3A_1413, %get3A_1414] {strides = array<i32>} : memref<512x32xf32, #tpu.memory_space<vmem>>, vector<16xf32>,
        %add3A_1416 = arith.constant 6 : i32
        %add3A_1417 = arith.addi %add3A_1356, %add3A_1416 : i32
        %get3A_1418 = arith.index_cast %add3A_1417 : i32 to index
        %get3A_1419 = arith.constant 0 : index
        %get3A_1420 = tpu.vector_load %arg8[%get3A_1418, %get3A_1419] {strides = array<i32>} : memref<512x32xf32, #tpu.memory_space<vmem>>, vector<16xf32>,
        %add3A_1421 = arith.constant 6 : i32
        %add3A_1422 = arith.addi %add3A_1356, %add3A_1421 : i32
        %get3A_1423 = arith.index_cast %add3A_1422 : i32 to index
        %get3A_1424 = arith.constant 16 : index
        %get3A_1425 = tpu.vector_load %arg8[%get3A_1423, %get3A_1424] {strides = array<i32>} : memref<512x32xf32, #tpu.memory_space<vmem>>, vector<16xf32>,
        %add3A_1426 = arith.constant 7 : i32
        %add3A_1427 = arith.addi %add3A_1356, %add3A_1426 : i32
        %get3A_1428 = arith.index_cast %add3A_1427 : i32 to index
        %get3A_1429 = arith.constant 0 : index
        %get3A_1430 = tpu.vector_load %arg8[%get3A_1428, %get3A_1429] {strides = array<i32>} : memref<512x32xf32, #tpu.memory_space<vmem>>, vector<16xf32>,
        %add3A_1431 = arith.constant 7 : i32
        %add3A_1432 = arith.addi %add3A_1356, %add3A_1431 : i32
        %get3A_1433 = arith.index_cast %add3A_1432 : i32 to index
        %get3A_1434 = arith.constant 16 : index
        %get3A_1435 = tpu.vector_load %arg8[%get3A_1433, %get3A_1434] {strides = array<i32>} : memref<512x32xf32, #tpu.memory_space<vmem>>, vector<16xf32>,
        %add3A_1436 = arith.constant 0 : i32
        %add3A_1437 = arith.addi %add3A_1356, %add3A_1436 : i32
        %broadcast_in_dim3A = vector.broadcast %add3A_1437 : i32 to vector<16xi32>
        tpu.vector_store_idx %arg10[%iota3A, %broadcast_in_dim3A], %get3A_1360 : memref<32x513xf32, #tpu.memory_space<vmem>>[vector<16xi32>, vector<16xi32>], vector<16xf32>,
        tpu.vector_store_idx %arg10[%add3A_1002, %broadcast_in_dim3A], %get3A_1365 : memref<32x513xf32, #tpu.memory_space<vmem>>[vector<16xi32>, vector<16xi32>], vector<16xf32>,
        %add3A_1438 = arith.constant 1 : i32
        %add3A_1439 = arith.addi %add3A_1356, %add3A_1438 : i32
        %broadcast_in_dim3A_1440 = vector.broadcast %add3A_1439 : i32 to vector<16xi32>
        tpu.vector_store_idx %arg10[%iota3A, %broadcast_in_dim3A_1440], %get3A_1370 : memref<32x513xf32, #tpu.memory_space<vmem>>[vector<16xi32>, vector<16xi32>], vector<16xf32>,
        tpu.vector_store_idx %arg10[%add3A_1002, %broadcast_in_dim3A_1440], %get3A_1375 : memref<32x513xf32, #tpu.memory_space<vmem>>[vector<16xi32>, vector<16xi32>], vector<16xf32>,
        %add3A_1441 = arith.constant 2 : i32
        %add3A_1442 = arith.addi %add3A_1356, %add3A_1441 : i32
        %broadcast_in_dim3A_1443 = vector.broadcast %add3A_1442 : i32 to vector<16xi32>
        tpu.vector_store_idx %arg10[%iota3A, %broadcast_in_dim3A_1443], %get3A_1380 : memref<32x513xf32, #tpu.memory_space<vmem>>[vector<16xi32>, vector<16xi32>], vector<16xf32>,
        tpu.vector_store_idx %arg10[%add3A_1002, %broadcast_in_dim3A_1443], %get3A_1385 : memref<32x513xf32, #tpu.memory_space<vmem>>[vector<16xi32>, vector<16xi32>], vector<16xf32>,
        %add3A_1444 = arith.constant 3 : i32
        %add3A_1445 = arith.addi %add3A_1356, %add3A_1444 : i32
        %broadcast_in_dim3A_1446 = vector.broadcast %add3A_1445 : i32 to vector<16xi32>
        tpu.vector_store_idx %arg10[%iota3A, %broadcast_in_dim3A_1446], %get3A_1390 : memref<32x513xf32, #tpu.memory_space<vmem>>[vector<16xi32>, vector<16xi32>], vector<16xf32>,
        tpu.vector_store_idx %arg10[%add3A_1002, %broadcast_in_dim3A_1446], %get3A_1395 : memref<32x513xf32, #tpu.memory_space<vmem>>[vector<16xi32>, vector<16xi32>], vector<16xf32>,
        %add3A_1447 = arith.constant 4 : i32
        %add3A_1448 = arith.addi %add3A_1356, %add3A_1447 : i32
        %broadcast_in_dim3A_1449 = vector.broadcast %add3A_1448 : i32 to vector<16xi32>
        tpu.vector_store_idx %arg10[%iota3A, %broadcast_in_dim3A_1449], %get3A_1400 : memref<32x513xf32, #tpu.memory_space<vmem>>[vector<16xi32>, vector<16xi32>], vector<16xf32>,
        tpu.vector_store_idx %arg10[%add3A_1002, %broadcast_in_dim3A_1449], %get3A_1405 : memref<32x513xf32, #tpu.memory_space<vmem>>[vector<16xi32>, vector<16xi32>], vector<16xf32>,
        %add3A_1450 = arith.constant 5 : i32
        %add3A_1451 = arith.addi %add3A_1356, %add3A_1450 : i32
        %broadcast_in_dim3A_1452 = vector.broadcast %add3A_1451 : i32 to vector<16xi32>
        tpu.vector_store_idx %arg10[%iota3A, %broadcast_in_dim3A_1452], %get3A_1410 : memref<32x513xf32, #tpu.memory_space<vmem>>[vector<16xi32>, vector<16xi32>], vector<16xf32>,
        tpu.vector_store_idx %arg10[%add3A_1002, %broadcast_in_dim3A_1452], %get3A_1415 : memref<32x513xf32, #tpu.memory_space<vmem>>[vector<16xi32>, vector<16xi32>], vector<16xf32>,
        %add3A_1453 = arith.constant 6 : i32
        %add3A_1454 = arith.addi %add3A_1356, %add3A_1453 : i32
        %broadcast_in_dim3A_1455 = vector.broadcast %add3A_1454 : i32 to vector<16xi32>
        tpu.vector_store_idx %arg10[%iota3A, %broadcast_in_dim3A_1455], %get3A_1420 : memref<32x513xf32, #tpu.memory_space<vmem>>[vector<16xi32>, vector<16xi32>], vector<16xf32>,
        tpu.vector_store_idx %arg10[%add3A_1002, %broadcast_in_dim3A_1455], %get3A_1425 : memref<32x513xf32, #tpu.memory_space<vmem>>[vector<16xi32>, vector<16xi32>], vector<16xf32>,
        %add3A_1456 = arith.constant 7 : i32
        %add3A_1457 = arith.addi %add3A_1356, %add3A_1456 : i32
        %broadcast_in_dim3A_1458 = vector.broadcast %add3A_1457 : i32 to vector<16xi32>
        tpu.vector_store_idx %arg10[%iota3A, %broadcast_in_dim3A_1458], %get3A_1430 : memref<32x513xf32, #tpu.memory_space<vmem>>[vector<16xi32>, vector<16xi32>], vector<16xf32>,
        tpu.vector_store_idx %arg10[%add3A_1002, %broadcast_in_dim3A_1458], %get3A_1435 : memref<32x513xf32, #tpu.memory_space<vmem>>[vector<16xi32>, vector<16xi32>], vector<16xf32>,
      }
      %scan3A_1008 = arith.constant 16 : i32
      %dma_wait3A_1009 = arith.constant 1 : i32
      %dma_wait3A_1010 = arith.constant 128 : i32
      %dma_wait3A_1011 = arith.constant 0 : i32
      %dma_wait3A_1012 = tpu.memref_slice %arg8[%dma_wait3A_1010, %dma_wait3A_1011] : memref<512x32xf32, #tpu.memory_space<vmem>> -> memref<128x32xf32, #tpu.memory_space<vmem>>
      %dma_wait3A_1013 = arith.constant 0 : i32
      %dma_wait3A_1014 = tpu.memref_slice %arg6[%dma_wait3A_1009, %dma_wait3A_1013] : memref<4x128xi32, #tpu.memory_space<vmem>> -> memref<1x128xi32, #tpu.memory_space<vmem>>
      %dma_wait3A_1015 = tpu.memref_squeeze %dma_wait3A_1014 : memref<1x128xi32, #tpu.memory_space<vmem>> -> memref<128xi32, #tpu.memory_space<vmem>>
      %dma_wait3A_1016 = arith.constant 0 : i32
      %dma_wait3A_1017 = arith.constant 0 : i32
      %dma_wait3A_1018 = tpu.memref_slice %arg3[%dma_wait3A_1016, %dma_wait3A_1017] : memref<1000000x32xf32, #tpu.memory_space<hbm>> -> memref<1000000x32xf32, #tpu.memory_space<hbm>>
      tpu.wait_indirect_dma semaphore(%arg14 : memref<!tpu.dma_semaphore, #tpu.memory_space<semaphore_mem>>) src(%dma_wait3A_1018 : memref<1000000x32xf32, #tpu.memory_space<hbm>>) dst(%dma_wait3A_1012 : memref<128x32xf32, #tpu.memory_space<vmem>>)
      %add3A_1019 = arith.constant 16 : i32
      %add3A_1020 = vector.broadcast %add3A_1019 : i32 to vector<16xi32>
      %add3A_1021 = arith.addi %iota3A, %add3A_1020 : vector<16xi32>
      %scan3A_1022 = arith.constant 0 : i32
      %scan3A_1023 = arith.constant 0 : i32
      %scan3A_1024 = arith.constant 16 : i32
      %scan3A_1025 = arith.addi %scan3A_1023, %scan3A_1024 : i32
      %scan3A_1026 = arith.constant 1 : i32
      scf.for %scan3A_1352 = %scan3A_1023 to %scan3A_1025 step %scan3A_1026  : i32 {
        %mul3A_1353 = arith.constant 8 : i32
        %mul3A_1354 = arith.muli %scan3A_1352, %mul3A_1353 : i32
        %add3A_1355 = arith.constant 128 : i32
        %add3A_1356 = arith.addi %add3A_1355, %mul3A_1354 : i32
        %add3A_1357 = arith.constant 0 : i32
        %add3A_1358 = arith.addi %add3A_1356, %add3A_1357 : i32
        %get3A = arith.index_cast %add3A_1358 : i32 to index
        %get3A_1359 = arith.constant 0 : index
        %get3A_1360 = tpu.vector_load %arg8[%get3A, %get3A_1359] {strides = array<i32>} : memref<512x32xf32, #tpu.memory_space<vmem>>, vector<16xf32>,
        %add3A_1361 = arith.constant 0 : i32
        %add3A_1362 = arith.addi %add3A_1356, %add3A_1361 : i32
        %get3A_1363 = arith.index_cast %add3A_1362 : i32 to index
        %get3A_1364 = arith.constant 16 : index
        %get3A_1365 = tpu.vector_load %arg8[%get3A_1363, %get3A_1364] {strides = array<i32>} : memref<512x32xf32, #tpu.memory_space<vmem>>, vector<16xf32>,
        %add3A_1366 = arith.constant 1 : i32
        %add3A_1367 = arith.addi %add3A_1356, %add3A_1366 : i32
        %get3A_1368 = arith.index_cast %add3A_1367 : i32 to index
        %get3A_1369 = arith.constant 0 : index
        %get3A_1370 = tpu.vector_load %arg8[%get3A_1368, %get3A_1369] {strides = array<i32>} : memref<512x32xf32, #tpu.memory_space<vmem>>, vector<16xf32>,
        %add3A_1371 = arith.constant 1 : i32
        %add3A_1372 = arith.addi %add3A_1356, %add3A_1371 : i32
        %get3A_1373 = arith.index_cast %add3A_1372 : i32 to index
        %get3A_1374 = arith.constant 16 : index
        %get3A_1375 = tpu.vector_load %arg8[%get3A_1373, %get3A_1374] {strides = array<i32>} : memref<512x32xf32, #tpu.memory_space<vmem>>, vector<16xf32>,
        %add3A_1376 = arith.constant 2 : i32
        %add3A_1377 = arith.addi %add3A_1356, %add3A_1376 : i32
        %get3A_1378 = arith.index_cast %add3A_1377 : i32 to index
        %get3A_1379 = arith.constant 0 : index
        %get3A_1380 = tpu.vector_load %arg8[%get3A_1378, %get3A_1379] {strides = array<i32>} : memref<512x32xf32, #tpu.memory_space<vmem>>, vector<16xf32>,
        %add3A_1381 = arith.constant 2 : i32
        %add3A_1382 = arith.addi %add3A_1356, %add3A_1381 : i32
        %get3A_1383 = arith.index_cast %add3A_1382 : i32 to index
        %get3A_1384 = arith.constant 16 : index
        %get3A_1385 = tpu.vector_load %arg8[%get3A_1383, %get3A_1384] {strides = array<i32>} : memref<512x32xf32, #tpu.memory_space<vmem>>, vector<16xf32>,
        %add3A_1386 = arith.constant 3 : i32
        %add3A_1387 = arith.addi %add3A_1356, %add3A_1386 : i32
        %get3A_1388 = arith.index_cast %add3A_1387 : i32 to index
        %get3A_1389 = arith.constant 0 : index
        %get3A_1390 = tpu.vector_load %arg8[%get3A_1388, %get3A_1389] {strides = array<i32>} : memref<512x32xf32, #tpu.memory_space<vmem>>, vector<16xf32>,
        %add3A_1391 = arith.constant 3 : i32
        %add3A_1392 = arith.addi %add3A_1356, %add3A_1391 : i32
        %get3A_1393 = arith.index_cast %add3A_1392 : i32 to index
        %get3A_1394 = arith.constant 16 : index
        %get3A_1395 = tpu.vector_load %arg8[%get3A_1393, %get3A_1394] {strides = array<i32>} : memref<512x32xf32, #tpu.memory_space<vmem>>, vector<16xf32>,
        %add3A_1396 = arith.constant 4 : i32
        %add3A_1397 = arith.addi %add3A_1356, %add3A_1396 : i32
        %get3A_1398 = arith.index_cast %add3A_1397 : i32 to index
        %get3A_1399 = arith.constant 0 : index
        %get3A_1400 = tpu.vector_load %arg8[%get3A_1398, %get3A_1399] {strides = array<i32>} : memref<512x32xf32, #tpu.memory_space<vmem>>, vector<16xf32>,
        %add3A_1401 = arith.constant 4 : i32
        %add3A_1402 = arith.addi %add3A_1356, %add3A_1401 : i32
        %get3A_1403 = arith.index_cast %add3A_1402 : i32 to index
        %get3A_1404 = arith.constant 16 : index
        %get3A_1405 = tpu.vector_load %arg8[%get3A_1403, %get3A_1404] {strides = array<i32>} : memref<512x32xf32, #tpu.memory_space<vmem>>, vector<16xf32>,
        %add3A_1406 = arith.constant 5 : i32
        %add3A_1407 = arith.addi %add3A_1356, %add3A_1406 : i32
        %get3A_1408 = arith.index_cast %add3A_1407 : i32 to index
        %get3A_1409 = arith.constant 0 : index
        %get3A_1410 = tpu.vector_load %arg8[%get3A_1408, %get3A_1409] {strides = array<i32>} : memref<512x32xf32, #tpu.memory_space<vmem>>, vector<16xf32>,
        %add3A_1411 = arith.constant 5 : i32
        %add3A_1412 = arith.addi %add3A_1356, %add3A_1411 : i32
        %get3A_1413 = arith.index_cast %add3A_1412 : i32 to index
        %get3A_1414 = arith.constant 16 : index
        %get3A_1415 = tpu.vector_load %arg8[%get3A_1413, %get3A_1414] {strides = array<i32>} : memref<512x32xf32, #tpu.memory_space<vmem>>, vector<16xf32>,
        %add3A_1416 = arith.constant 6 : i32
        %add3A_1417 = arith.addi %add3A_1356, %add3A_1416 : i32
        %get3A_1418 = arith.index_cast %add3A_1417 : i32 to index
        %get3A_1419 = arith.constant 0 : index
        %get3A_1420 = tpu.vector_load %arg8[%get3A_1418, %get3A_1419] {strides = array<i32>} : memref<512x32xf32, #tpu.memory_space<vmem>>, vector<16xf32>,
        %add3A_1421 = arith.constant 6 : i32
        %add3A_1422 = arith.addi %add3A_1356, %add3A_1421 : i32
        %get3A_1423 = arith.index_cast %add3A_1422 : i32 to index
        %get3A_1424 = arith.constant 16 : index
        %get3A_1425 = tpu.vector_load %arg8[%get3A_1423, %get3A_1424] {strides = array<i32>} : memref<512x32xf32, #tpu.memory_space<vmem>>, vector<16xf32>,
        %add3A_1426 = arith.constant 7 : i32
        %add3A_1427 = arith.addi %add3A_1356, %add3A_1426 : i32
        %get3A_1428 = arith.index_cast %add3A_1427 : i32 to index
        %get3A_1429 = arith.constant 0 : index
        %get3A_1430 = tpu.vector_load %arg8[%get3A_1428, %get3A_1429] {strides = array<i32>} : memref<512x32xf32, #tpu.memory_space<vmem>>, vector<16xf32>,
        %add3A_1431 = arith.constant 7 : i32
        %add3A_1432 = arith.addi %add3A_1356, %add3A_1431 : i32
        %get3A_1433 = arith.index_cast %add3A_1432 : i32 to index
        %get3A_1434 = arith.constant 16 : index
        %get3A_1435 = tpu.vector_load %arg8[%get3A_1433, %get3A_1434] {strides = array<i32>} : memref<512x32xf32, #tpu.memory_space<vmem>>, vector<16xf32>,
        %add3A_1436 = arith.constant 0 : i32
        %add3A_1437 = arith.addi %add3A_1356, %add3A_1436 : i32
        %broadcast_in_dim3A = vector.broadcast %add3A_1437 : i32 to vector<16xi32>
        tpu.vector_store_idx %arg10[%iota3A, %broadcast_in_dim3A], %get3A_1360 : memref<32x513xf32, #tpu.memory_space<vmem>>[vector<16xi32>, vector<16xi32>], vector<16xf32>,
        tpu.vector_store_idx %arg10[%add3A_1021, %broadcast_in_dim3A], %get3A_1365 : memref<32x513xf32, #tpu.memory_space<vmem>>[vector<16xi32>, vector<16xi32>], vector<16xf32>,
        %add3A_1438 = arith.constant 1 : i32
        %add3A_1439 = arith.addi %add3A_1356, %add3A_1438 : i32
        %broadcast_in_dim3A_1440 = vector.broadcast %add3A_1439 : i32 to vector<16xi32>
        tpu.vector_store_idx %arg10[%iota3A, %broadcast_in_dim3A_1440], %get3A_1370 : memref<32x513xf32, #tpu.memory_space<vmem>>[vector<16xi32>, vector<16xi32>], vector<16xf32>,
        tpu.vector_store_idx %arg10[%add3A_1021, %broadcast_in_dim3A_1440], %get3A_1375 : memref<32x513xf32, #tpu.memory_space<vmem>>[vector<16xi32>, vector<16xi32>], vector<16xf32>,
        %add3A_1441 = arith.constant 2 : i32
        %add3A_1442 = arith.addi %add3A_1356, %add3A_1441 : i32
        %broadcast_in_dim3A_1443 = vector.broadcast %add3A_1442 : i32 to vector<16xi32>
        tpu.vector_store_idx %arg10[%iota3A, %broadcast_in_dim3A_1443], %get3A_1380 : memref<32x513xf32, #tpu.memory_space<vmem>>[vector<16xi32>, vector<16xi32>], vector<16xf32>,
        tpu.vector_store_idx %arg10[%add3A_1021, %broadcast_in_dim3A_1443], %get3A_1385 : memref<32x513xf32, #tpu.memory_space<vmem>>[vector<16xi32>, vector<16xi32>], vector<16xf32>,
        %add3A_1444 = arith.constant 3 : i32
        %add3A_1445 = arith.addi %add3A_1356, %add3A_1444 : i32
        %broadcast_in_dim3A_1446 = vector.broadcast %add3A_1445 : i32 to vector<16xi32>
        tpu.vector_store_idx %arg10[%iota3A, %broadcast_in_dim3A_1446], %get3A_1390 : memref<32x513xf32, #tpu.memory_space<vmem>>[vector<16xi32>, vector<16xi32>], vector<16xf32>,
        tpu.vector_store_idx %arg10[%add3A_1021, %broadcast_in_dim3A_1446], %get3A_1395 : memref<32x513xf32, #tpu.memory_space<vmem>>[vector<16xi32>, vector<16xi32>], vector<16xf32>,
        %add3A_1447 = arith.constant 4 : i32
        %add3A_1448 = arith.addi %add3A_1356, %add3A_1447 : i32
        %broadcast_in_dim3A_1449 = vector.broadcast %add3A_1448 : i32 to vector<16xi32>
        tpu.vector_store_idx %arg10[%iota3A, %broadcast_in_dim3A_1449], %get3A_1400 : memref<32x513xf32, #tpu.memory_space<vmem>>[vector<16xi32>, vector<16xi32>], vector<16xf32>,
        tpu.vector_store_idx %arg10[%add3A_1021, %broadcast_in_dim3A_1449], %get3A_1405 : memref<32x513xf32, #tpu.memory_space<vmem>>[vector<16xi32>, vector<16xi32>], vector<16xf32>,
        %add3A_1450 = arith.constant 5 : i32
        %add3A_1451 = arith.addi %add3A_1356, %add3A_1450 : i32
        %broadcast_in_dim3A_1452 = vector.broadcast %add3A_1451 : i32 to vector<16xi32>
        tpu.vector_store_idx %arg10[%iota3A, %broadcast_in_dim3A_1452], %get3A_1410 : memref<32x513xf32, #tpu.memory_space<vmem>>[vector<16xi32>, vector<16xi32>], vector<16xf32>,
        tpu.vector_store_idx %arg10[%add3A_1021, %broadcast_in_dim3A_1452], %get3A_1415 : memref<32x513xf32, #tpu.memory_space<vmem>>[vector<16xi32>, vector<16xi32>], vector<16xf32>,
        %add3A_1453 = arith.constant 6 : i32
        %add3A_1454 = arith.addi %add3A_1356, %add3A_1453 : i32
        %broadcast_in_dim3A_1455 = vector.broadcast %add3A_1454 : i32 to vector<16xi32>
        tpu.vector_store_idx %arg10[%iota3A, %broadcast_in_dim3A_1455], %get3A_1420 : memref<32x513xf32, #tpu.memory_space<vmem>>[vector<16xi32>, vector<16xi32>], vector<16xf32>,
        tpu.vector_store_idx %arg10[%add3A_1021, %broadcast_in_dim3A_1455], %get3A_1425 : memref<32x513xf32, #tpu.memory_space<vmem>>[vector<16xi32>, vector<16xi32>], vector<16xf32>,
        %add3A_1456 = arith.constant 7 : i32
        %add3A_1457 = arith.addi %add3A_1356, %add3A_1456 : i32
        %broadcast_in_dim3A_1458 = vector.broadcast %add3A_1457 : i32 to vector<16xi32>
        tpu.vector_store_idx %arg10[%iota3A, %broadcast_in_dim3A_1458], %get3A_1430 : memref<32x513xf32, #tpu.memory_space<vmem>>[vector<16xi32>, vector<16xi32>], vector<16xf32>,
        tpu.vector_store_idx %arg10[%add3A_1021, %broadcast_in_dim3A_1458], %get3A_1435 : memref<32x513xf32, #tpu.memory_space<vmem>>[vector<16xi32>, vector<16xi32>], vector<16xf32>,
      }
      %scan3A_1027 = arith.constant 16 : i32
      %dma_wait3A_1028 = arith.constant 2 : i32
      %dma_wait3A_1029 = arith.constant 256 : i32
      %dma_wait3A_1030 = arith.constant 0 : i32
      %dma_wait3A_1031 = tpu.memref_slice %arg8[%dma_wait3A_1029, %dma_wait3A_1030] : memref<512x32xf32, #tpu.memory_space<vmem>> -> memref<128x32xf32, #tpu.memory_space<vmem>>
      %dma_wait3A_1032 = arith.constant 0 : i32
      %dma_wait3A_1033 = tpu.memref_slice %arg6[%dma_wait3A_1028, %dma_wait3A_1032] : memref<4x128xi32, #tpu.memory_space<vmem>> -> memref<1x128xi32, #tpu.memory_space<vmem>>
      %dma_wait3A_1034 = tpu.memref_squeeze %dma_wait3A_1033 : memref<1x128xi32, #tpu.memory_space<vmem>> -> memref<128xi32, #tpu.memory_space<vmem>>
      %dma_wait3A_1035 = arith.constant 0 : i32
      %dma_wait3A_1036 = arith.constant 0 : i32
      %dma_wait3A_1037 = tpu.memref_slice %arg3[%dma_wait3A_1035, %dma_wait3A_1036] : memref<1000000x32xf32, #tpu.memory_space<hbm>> -> memref<1000000x32xf32, #tpu.memory_space<hbm>>
      tpu.wait_indirect_dma semaphore(%arg14 : memref<!tpu.dma_semaphore, #tpu.memory_space<semaphore_mem>>) src(%dma_wait3A_1037 : memref<1000000x32xf32, #tpu.memory_space<hbm>>) dst(%dma_wait3A_1031 : memref<128x32xf32, #tpu.memory_space<vmem>>)
      %add3A_1038 = arith.constant 16 : i32
      %add3A_1039 = vector.broadcast %add3A_1038 : i32 to vector<16xi32>
      %add3A_1040 = arith.addi %iota3A, %add3A_1039 : vector<16xi32>
      %scan3A_1041 = arith.constant 0 : i32
      %scan3A_1042 = arith.constant 0 : i32
      %scan3A_1043 = arith.constant 16 : i32
      %scan3A_1044 = arith.addi %scan3A_1042, %scan3A_1043 : i32
      %scan3A_1045 = arith.constant 1 : i32
      scf.for %scan3A_1352 = %scan3A_1042 to %scan3A_1044 step %scan3A_1045  : i32 {
        %mul3A_1353 = arith.constant 8 : i32
        %mul3A_1354 = arith.muli %scan3A_1352, %mul3A_1353 : i32
        %add3A_1355 = arith.constant 256 : i32
        %add3A_1356 = arith.addi %add3A_1355, %mul3A_1354 : i32
        %add3A_1357 = arith.constant 0 : i32
        %add3A_1358 = arith.addi %add3A_1356, %add3A_1357 : i32
        %get3A = arith.index_cast %add3A_1358 : i32 to index
        %get3A_1359 = arith.constant 0 : index
        %get3A_1360 = tpu.vector_load %arg8[%get3A, %get3A_1359] {strides = array<i32>} : memref<512x32xf32, #tpu.memory_space<vmem>>, vector<16xf32>,
        %add3A_1361 = arith.constant 0 : i32
        %add3A_1362 = arith.addi %add3A_1356, %add3A_1361 : i32
        %get3A_1363 = arith.index_cast %add3A_1362 : i32 to index
        %get3A_1364 = arith.constant 16 : index
        %get3A_1365 = tpu.vector_load %arg8[%get3A_1363, %get3A_1364] {strides = array<i32>} : memref<512x32xf32, #tpu.memory_space<vmem>>, vector<16xf32>,
        %add3A_1366 = arith.constant 1 : i32
        %add3A_1367 = arith.addi %add3A_1356, %add3A_1366 : i32
        %get3A_1368 = arith.index_cast %add3A_1367 : i32 to index
        %get3A_1369 = arith.constant 0 : index
        %get3A_1370 = tpu.vector_load %arg8[%get3A_1368, %get3A_1369] {strides = array<i32>} : memref<512x32xf32, #tpu.memory_space<vmem>>, vector<16xf32>,
        %add3A_1371 = arith.constant 1 : i32
        %add3A_1372 = arith.addi %add3A_1356, %add3A_1371 : i32
        %get3A_1373 = arith.index_cast %add3A_1372 : i32 to index
        %get3A_1374 = arith.constant 16 : index
        %get3A_1375 = tpu.vector_load %arg8[%get3A_1373, %get3A_1374] {strides = array<i32>} : memref<512x32xf32, #tpu.memory_space<vmem>>, vector<16xf32>,
        %add3A_1376 = arith.constant 2 : i32
        %add3A_1377 = arith.addi %add3A_1356, %add3A_1376 : i32
        %get3A_1378 = arith.index_cast %add3A_1377 : i32 to index
        %get3A_1379 = arith.constant 0 : index
        %get3A_1380 = tpu.vector_load %arg8[%get3A_1378, %get3A_1379] {strides = array<i32>} : memref<512x32xf32, #tpu.memory_space<vmem>>, vector<16xf32>,
        %add3A_1381 = arith.constant 2 : i32
        %add3A_1382 = arith.addi %add3A_1356, %add3A_1381 : i32
        %get3A_1383 = arith.index_cast %add3A_1382 : i32 to index
        %get3A_1384 = arith.constant 16 : index
        %get3A_1385 = tpu.vector_load %arg8[%get3A_1383, %get3A_1384] {strides = array<i32>} : memref<512x32xf32, #tpu.memory_space<vmem>>, vector<16xf32>,
        %add3A_1386 = arith.constant 3 : i32
        %add3A_1387 = arith.addi %add3A_1356, %add3A_1386 : i32
        %get3A_1388 = arith.index_cast %add3A_1387 : i32 to index
        %get3A_1389 = arith.constant 0 : index
        %get3A_1390 = tpu.vector_load %arg8[%get3A_1388, %get3A_1389] {strides = array<i32>} : memref<512x32xf32, #tpu.memory_space<vmem>>, vector<16xf32>,
        %add3A_1391 = arith.constant 3 : i32
        %add3A_1392 = arith.addi %add3A_1356, %add3A_1391 : i32
        %get3A_1393 = arith.index_cast %add3A_1392 : i32 to index
        %get3A_1394 = arith.constant 16 : index
        %get3A_1395 = tpu.vector_load %arg8[%get3A_1393, %get3A_1394] {strides = array<i32>} : memref<512x32xf32, #tpu.memory_space<vmem>>, vector<16xf32>,
        %add3A_1396 = arith.constant 4 : i32
        %add3A_1397 = arith.addi %add3A_1356, %add3A_1396 : i32
        %get3A_1398 = arith.index_cast %add3A_1397 : i32 to index
        %get3A_1399 = arith.constant 0 : index
        %get3A_1400 = tpu.vector_load %arg8[%get3A_1398, %get3A_1399] {strides = array<i32>} : memref<512x32xf32, #tpu.memory_space<vmem>>, vector<16xf32>,
        %add3A_1401 = arith.constant 4 : i32
        %add3A_1402 = arith.addi %add3A_1356, %add3A_1401 : i32
        %get3A_1403 = arith.index_cast %add3A_1402 : i32 to index
        %get3A_1404 = arith.constant 16 : index
        %get3A_1405 = tpu.vector_load %arg8[%get3A_1403, %get3A_1404] {strides = array<i32>} : memref<512x32xf32, #tpu.memory_space<vmem>>, vector<16xf32>,
        %add3A_1406 = arith.constant 5 : i32
        %add3A_1407 = arith.addi %add3A_1356, %add3A_1406 : i32
        %get3A_1408 = arith.index_cast %add3A_1407 : i32 to index
        %get3A_1409 = arith.constant 0 : index
        %get3A_1410 = tpu.vector_load %arg8[%get3A_1408, %get3A_1409] {strides = array<i32>} : memref<512x32xf32, #tpu.memory_space<vmem>>, vector<16xf32>,
        %add3A_1411 = arith.constant 5 : i32
        %add3A_1412 = arith.addi %add3A_1356, %add3A_1411 : i32
        %get3A_1413 = arith.index_cast %add3A_1412 : i32 to index
        %get3A_1414 = arith.constant 16 : index
        %get3A_1415 = tpu.vector_load %arg8[%get3A_1413, %get3A_1414] {strides = array<i32>} : memref<512x32xf32, #tpu.memory_space<vmem>>, vector<16xf32>,
        %add3A_1416 = arith.constant 6 : i32
        %add3A_1417 = arith.addi %add3A_1356, %add3A_1416 : i32
        %get3A_1418 = arith.index_cast %add3A_1417 : i32 to index
        %get3A_1419 = arith.constant 0 : index
        %get3A_1420 = tpu.vector_load %arg8[%get3A_1418, %get3A_1419] {strides = array<i32>} : memref<512x32xf32, #tpu.memory_space<vmem>>, vector<16xf32>,
        %add3A_1421 = arith.constant 6 : i32
        %add3A_1422 = arith.addi %add3A_1356, %add3A_1421 : i32
        %get3A_1423 = arith.index_cast %add3A_1422 : i32 to index
        %get3A_1424 = arith.constant 16 : index
        %get3A_1425 = tpu.vector_load %arg8[%get3A_1423, %get3A_1424] {strides = array<i32>} : memref<512x32xf32, #tpu.memory_space<vmem>>, vector<16xf32>,
        %add3A_1426 = arith.constant 7 : i32
        %add3A_1427 = arith.addi %add3A_1356, %add3A_1426 : i32
        %get3A_1428 = arith.index_cast %add3A_1427 : i32 to index
        %get3A_1429 = arith.constant 0 : index
        %get3A_1430 = tpu.vector_load %arg8[%get3A_1428, %get3A_1429] {strides = array<i32>} : memref<512x32xf32, #tpu.memory_space<vmem>>, vector<16xf32>,
        %add3A_1431 = arith.constant 7 : i32
        %add3A_1432 = arith.addi %add3A_1356, %add3A_1431 : i32
        %get3A_1433 = arith.index_cast %add3A_1432 : i32 to index
        %get3A_1434 = arith.constant 16 : index
        %get3A_1435 = tpu.vector_load %arg8[%get3A_1433, %get3A_1434] {strides = array<i32>} : memref<512x32xf32, #tpu.memory_space<vmem>>, vector<16xf32>,
        %add3A_1436 = arith.constant 0 : i32
        %add3A_1437 = arith.addi %add3A_1356, %add3A_1436 : i32
        %broadcast_in_dim3A = vector.broadcast %add3A_1437 : i32 to vector<16xi32>
        tpu.vector_store_idx %arg10[%iota3A, %broadcast_in_dim3A], %get3A_1360 : memref<32x513xf32, #tpu.memory_space<vmem>>[vector<16xi32>, vector<16xi32>], vector<16xf32>,
        tpu.vector_store_idx %arg10[%add3A_1040, %broadcast_in_dim3A], %get3A_1365 : memref<32x513xf32, #tpu.memory_space<vmem>>[vector<16xi32>, vector<16xi32>], vector<16xf32>,
        %add3A_1438 = arith.constant 1 : i32
        %add3A_1439 = arith.addi %add3A_1356, %add3A_1438 : i32
        %broadcast_in_dim3A_1440 = vector.broadcast %add3A_1439 : i32 to vector<16xi32>
        tpu.vector_store_idx %arg10[%iota3A, %broadcast_in_dim3A_1440], %get3A_1370 : memref<32x513xf32, #tpu.memory_space<vmem>>[vector<16xi32>, vector<16xi32>], vector<16xf32>,
        tpu.vector_store_idx %arg10[%add3A_1040, %broadcast_in_dim3A_1440], %get3A_1375 : memref<32x513xf32, #tpu.memory_space<vmem>>[vector<16xi32>, vector<16xi32>], vector<16xf32>,
        %add3A_1441 = arith.constant 2 : i32
        %add3A_1442 = arith.addi %add3A_1356, %add3A_1441 : i32
        %broadcast_in_dim3A_1443 = vector.broadcast %add3A_1442 : i32 to vector<16xi32>
        tpu.vector_store_idx %arg10[%iota3A, %broadcast_in_dim3A_1443], %get3A_1380 : memref<32x513xf32, #tpu.memory_space<vmem>>[vector<16xi32>, vector<16xi32>], vector<16xf32>,
        tpu.vector_store_idx %arg10[%add3A_1040, %broadcast_in_dim3A_1443], %get3A_1385 : memref<32x513xf32, #tpu.memory_space<vmem>>[vector<16xi32>, vector<16xi32>], vector<16xf32>,
        %add3A_1444 = arith.constant 3 : i32
        %add3A_1445 = arith.addi %add3A_1356, %add3A_1444 : i32
        %broadcast_in_dim3A_1446 = vector.broadcast %add3A_1445 : i32 to vector<16xi32>
        tpu.vector_store_idx %arg10[%iota3A, %broadcast_in_dim3A_1446], %get3A_1390 : memref<32x513xf32, #tpu.memory_space<vmem>>[vector<16xi32>, vector<16xi32>], vector<16xf32>,
        tpu.vector_store_idx %arg10[%add3A_1040, %broadcast_in_dim3A_1446], %get3A_1395 : memref<32x513xf32, #tpu.memory_space<vmem>>[vector<16xi32>, vector<16xi32>], vector<16xf32>,
        %add3A_1447 = arith.constant 4 : i32
        %add3A_1448 = arith.addi %add3A_1356, %add3A_1447 : i32
        %broadcast_in_dim3A_1449 = vector.broadcast %add3A_1448 : i32 to vector<16xi32>
        tpu.vector_store_idx %arg10[%iota3A, %broadcast_in_dim3A_1449], %get3A_1400 : memref<32x513xf32, #tpu.memory_space<vmem>>[vector<16xi32>, vector<16xi32>], vector<16xf32>,
        tpu.vector_store_idx %arg10[%add3A_1040, %broadcast_in_dim3A_1449], %get3A_1405 : memref<32x513xf32, #tpu.memory_space<vmem>>[vector<16xi32>, vector<16xi32>], vector<16xf32>,
        %add3A_1450 = arith.constant 5 : i32
        %add3A_1451 = arith.addi %add3A_1356, %add3A_1450 : i32
        %broadcast_in_dim3A_1452 = vector.broadcast %add3A_1451 : i32 to vector<16xi32>
        tpu.vector_store_idx %arg10[%iota3A, %broadcast_in_dim3A_1452], %get3A_1410 : memref<32x513xf32, #tpu.memory_space<vmem>>[vector<16xi32>, vector<16xi32>], vector<16xf32>,
        tpu.vector_store_idx %arg10[%add3A_1040, %broadcast_in_dim3A_1452], %get3A_1415 : memref<32x513xf32, #tpu.memory_space<vmem>>[vector<16xi32>, vector<16xi32>], vector<16xf32>,
        %add3A_1453 = arith.constant 6 : i32
        %add3A_1454 = arith.addi %add3A_1356, %add3A_1453 : i32
        %broadcast_in_dim3A_1455 = vector.broadcast %add3A_1454 : i32 to vector<16xi32>
        tpu.vector_store_idx %arg10[%iota3A, %broadcast_in_dim3A_1455], %get3A_1420 : memref<32x513xf32, #tpu.memory_space<vmem>>[vector<16xi32>, vector<16xi32>], vector<16xf32>,
        tpu.vector_store_idx %arg10[%add3A_1040, %broadcast_in_dim3A_1455], %get3A_1425 : memref<32x513xf32, #tpu.memory_space<vmem>>[vector<16xi32>, vector<16xi32>], vector<16xf32>,
        %add3A_1456 = arith.constant 7 : i32
        %add3A_1457 = arith.addi %add3A_1356, %add3A_1456 : i32
        %broadcast_in_dim3A_1458 = vector.broadcast %add3A_1457 : i32 to vector<16xi32>
        tpu.vector_store_idx %arg10[%iota3A, %broadcast_in_dim3A_1458], %get3A_1430 : memref<32x513xf32, #tpu.memory_space<vmem>>[vector<16xi32>, vector<16xi32>], vector<16xf32>,
        tpu.vector_store_idx %arg10[%add3A_1040, %broadcast_in_dim3A_1458], %get3A_1435 : memref<32x513xf32, #tpu.memory_space<vmem>>[vector<16xi32>, vector<16xi32>], vector<16xf32>,
      }
      %scan3A_1046 = arith.constant 16 : i32
      %dma_wait3A_1047 = arith.constant 3 : i32
      %dma_wait3A_1048 = arith.constant 384 : i32
      %dma_wait3A_1049 = arith.constant 0 : i32
      %dma_wait3A_1050 = tpu.memref_slice %arg8[%dma_wait3A_1048, %dma_wait3A_1049] : memref<512x32xf32, #tpu.memory_space<vmem>> -> memref<128x32xf32, #tpu.memory_space<vmem>>
      %dma_wait3A_1051 = arith.constant 0 : i32
      %dma_wait3A_1052 = tpu.memref_slice %arg6[%dma_wait3A_1047, %dma_wait3A_1051] : memref<4x128xi32, #tpu.memory_space<vmem>> -> memref<1x128xi32, #tpu.memory_space<vmem>>
      %dma_wait3A_1053 = tpu.memref_squeeze %dma_wait3A_1052 : memref<1x128xi32, #tpu.memory_space<vmem>> -> memref<128xi32, #tpu.memory_space<vmem>>
      %dma_wait3A_1054 = arith.constant 0 : i32
      %dma_wait3A_1055 = arith.constant 0 : i32
      %dma_wait3A_1056 = tpu.memref_slice %arg3[%dma_wait3A_1054, %dma_wait3A_1055] : memref<1000000x32xf32, #tpu.memory_space<hbm>> -> memref<1000000x32xf32, #tpu.memory_space<hbm>>
      tpu.wait_indirect_dma semaphore(%arg14 : memref<!tpu.dma_semaphore, #tpu.memory_space<semaphore_mem>>) src(%dma_wait3A_1056 : memref<1000000x32xf32, #tpu.memory_space<hbm>>) dst(%dma_wait3A_1050 : memref<128x32xf32, #tpu.memory_space<vmem>>)
      %add3A_1057 = arith.constant 16 : i32
      %add3A_1058 = vector.broadcast %add3A_1057 : i32 to vector<16xi32>
      %add3A_1059 = arith.addi %iota3A, %add3A_1058 : vector<16xi32>
      %scan3A_1060 = arith.constant 0 : i32
      %scan3A_1061 = arith.constant 0 : i32
      %scan3A_1062 = arith.constant 16 : i32
      %scan3A_1063 = arith.addi %scan3A_1061, %scan3A_1062 : i32
      %scan3A_1064 = arith.constant 1 : i32
      scf.for %scan3A_1352 = %scan3A_1061 to %scan3A_1063 step %scan3A_1064  : i32 {
        %mul3A_1353 = arith.constant 8 : i32
        %mul3A_1354 = arith.muli %scan3A_1352, %mul3A_1353 : i32
        %add3A_1355 = arith.constant 384 : i32
        %add3A_1356 = arith.addi %add3A_1355, %mul3A_1354 : i32
        %add3A_1357 = arith.constant 0 : i32
        %add3A_1358 = arith.addi %add3A_1356, %add3A_1357 : i32
        %get3A = arith.index_cast %add3A_1358 : i32 to index
        %get3A_1359 = arith.constant 0 : index
        %get3A_1360 = tpu.vector_load %arg8[%get3A, %get3A_1359] {strides = array<i32>} : memref<512x32xf32, #tpu.memory_space<vmem>>, vector<16xf32>,
        %add3A_1361 = arith.constant 0 : i32
        %add3A_1362 = arith.addi %add3A_1356, %add3A_1361 : i32
        %get3A_1363 = arith.index_cast %add3A_1362 : i32 to index
        %get3A_1364 = arith.constant 16 : index
        %get3A_1365 = tpu.vector_load %arg8[%get3A_1363, %get3A_1364] {strides = array<i32>} : memref<512x32xf32, #tpu.memory_space<vmem>>, vector<16xf32>,
        %add3A_1366 = arith.constant 1 : i32
        %add3A_1367 = arith.addi %add3A_1356, %add3A_1366 : i32
        %get3A_1368 = arith.index_cast %add3A_1367 : i32 to index
        %get3A_1369 = arith.constant 0 : index
        %get3A_1370 = tpu.vector_load %arg8[%get3A_1368, %get3A_1369] {strides = array<i32>} : memref<512x32xf32, #tpu.memory_space<vmem>>, vector<16xf32>,
        %add3A_1371 = arith.constant 1 : i32
        %add3A_1372 = arith.addi %add3A_1356, %add3A_1371 : i32
        %get3A_1373 = arith.index_cast %add3A_1372 : i32 to index
        %get3A_1374 = arith.constant 16 : index
        %get3A_1375 = tpu.vector_load %arg8[%get3A_1373, %get3A_1374] {strides = array<i32>} : memref<512x32xf32, #tpu.memory_space<vmem>>, vector<16xf32>,
        %add3A_1376 = arith.constant 2 : i32
        %add3A_1377 = arith.addi %add3A_1356, %add3A_1376 : i32
        %get3A_1378 = arith.index_cast %add3A_1377 : i32 to index
        %get3A_1379 = arith.constant 0 : index
        %get3A_1380 = tpu.vector_load %arg8[%get3A_1378, %get3A_1379] {strides = array<i32>} : memref<512x32xf32, #tpu.memory_space<vmem>>, vector<16xf32>,
        %add3A_1381 = arith.constant 2 : i32
        %add3A_1382 = arith.addi %add3A_1356, %add3A_1381 : i32
        %get3A_1383 = arith.index_cast %add3A_1382 : i32 to index
        %get3A_1384 = arith.constant 16 : index
        %get3A_1385 = tpu.vector_load %arg8[%get3A_1383, %get3A_1384] {strides = array<i32>} : memref<512x32xf32, #tpu.memory_space<vmem>>, vector<16xf32>,
        %add3A_1386 = arith.constant 3 : i32
        %add3A_1387 = arith.addi %add3A_1356, %add3A_1386 : i32
        %get3A_1388 = arith.index_cast %add3A_1387 : i32 to index
        %get3A_1389 = arith.constant 0 : index
        %get3A_1390 = tpu.vector_load %arg8[%get3A_1388, %get3A_1389] {strides = array<i32>} : memref<512x32xf32, #tpu.memory_space<vmem>>, vector<16xf32>,
        %add3A_1391 = arith.constant 3 : i32
        %add3A_1392 = arith.addi %add3A_1356, %add3A_1391 : i32
        %get3A_1393 = arith.index_cast %add3A_1392 : i32 to index
        %get3A_1394 = arith.constant 16 : index
        %get3A_1395 = tpu.vector_load %arg8[%get3A_1393, %get3A_1394] {strides = array<i32>} : memref<512x32xf32, #tpu.memory_space<vmem>>, vector<16xf32>,
        %add3A_1396 = arith.constant 4 : i32
        %add3A_1397 = arith.addi %add3A_1356, %add3A_1396 : i32
        %get3A_1398 = arith.index_cast %add3A_1397 : i32 to index
        %get3A_1399 = arith.constant 0 : index
        %get3A_1400 = tpu.vector_load %arg8[%get3A_1398, %get3A_1399] {strides = array<i32>} : memref<512x32xf32, #tpu.memory_space<vmem>>, vector<16xf32>,
        %add3A_1401 = arith.constant 4 : i32
        %add3A_1402 = arith.addi %add3A_1356, %add3A_1401 : i32
        %get3A_1403 = arith.index_cast %add3A_1402 : i32 to index
        %get3A_1404 = arith.constant 16 : index
        %get3A_1405 = tpu.vector_load %arg8[%get3A_1403, %get3A_1404] {strides = array<i32>} : memref<512x32xf32, #tpu.memory_space<vmem>>, vector<16xf32>,
        %add3A_1406 = arith.constant 5 : i32
        %add3A_1407 = arith.addi %add3A_1356, %add3A_1406 : i32
        %get3A_1408 = arith.index_cast %add3A_1407 : i32 to index
        %get3A_1409 = arith.constant 0 : index
        %get3A_1410 = tpu.vector_load %arg8[%get3A_1408, %get3A_1409] {strides = array<i32>} : memref<512x32xf32, #tpu.memory_space<vmem>>, vector<16xf32>,
        %add3A_1411 = arith.constant 5 : i32
        %add3A_1412 = arith.addi %add3A_1356, %add3A_1411 : i32
        %get3A_1413 = arith.index_cast %add3A_1412 : i32 to index
        %get3A_1414 = arith.constant 16 : index
        %get3A_1415 = tpu.vector_load %arg8[%get3A_1413, %get3A_1414] {strides = array<i32>} : memref<512x32xf32, #tpu.memory_space<vmem>>, vector<16xf32>,
        %add3A_1416 = arith.constant 6 : i32
        %add3A_1417 = arith.addi %add3A_1356, %add3A_1416 : i32
        %get3A_1418 = arith.index_cast %add3A_1417 : i32 to index
        %get3A_1419 = arith.constant 0 : index
        %get3A_1420 = tpu.vector_load %arg8[%get3A_1418, %get3A_1419] {strides = array<i32>} : memref<512x32xf32, #tpu.memory_space<vmem>>, vector<16xf32>,
        %add3A_1421 = arith.constant 6 : i32
        %add3A_1422 = arith.addi %add3A_1356, %add3A_1421 : i32
        %get3A_1423 = arith.index_cast %add3A_1422 : i32 to index
        %get3A_1424 = arith.constant 16 : index
        %get3A_1425 = tpu.vector_load %arg8[%get3A_1423, %get3A_1424] {strides = array<i32>} : memref<512x32xf32, #tpu.memory_space<vmem>>, vector<16xf32>,
        %add3A_1426 = arith.constant 7 : i32
        %add3A_1427 = arith.addi %add3A_1356, %add3A_1426 : i32
        %get3A_1428 = arith.index_cast %add3A_1427 : i32 to index
        %get3A_1429 = arith.constant 0 : index
        %get3A_1430 = tpu.vector_load %arg8[%get3A_1428, %get3A_1429] {strides = array<i32>} : memref<512x32xf32, #tpu.memory_space<vmem>>, vector<16xf32>,
        %add3A_1431 = arith.constant 7 : i32
        %add3A_1432 = arith.addi %add3A_1356, %add3A_1431 : i32
        %get3A_1433 = arith.index_cast %add3A_1432 : i32 to index
        %get3A_1434 = arith.constant 16 : index
        %get3A_1435 = tpu.vector_load %arg8[%get3A_1433, %get3A_1434] {strides = array<i32>} : memref<512x32xf32, #tpu.memory_space<vmem>>, vector<16xf32>,
        %add3A_1436 = arith.constant 0 : i32
        %add3A_1437 = arith.addi %add3A_1356, %add3A_1436 : i32
        %broadcast_in_dim3A = vector.broadcast %add3A_1437 : i32 to vector<16xi32>
        tpu.vector_store_idx %arg10[%iota3A, %broadcast_in_dim3A], %get3A_1360 : memref<32x513xf32, #tpu.memory_space<vmem>>[vector<16xi32>, vector<16xi32>], vector<16xf32>,
        tpu.vector_store_idx %arg10[%add3A_1059, %broadcast_in_dim3A], %get3A_1365 : memref<32x513xf32, #tpu.memory_space<vmem>>[vector<16xi32>, vector<16xi32>], vector<16xf32>,
        %add3A_1438 = arith.constant 1 : i32
        %add3A_1439 = arith.addi %add3A_1356, %add3A_1438 : i32
        %broadcast_in_dim3A_1440 = vector.broadcast %add3A_1439 : i32 to vector<16xi32>
        tpu.vector_store_idx %arg10[%iota3A, %broadcast_in_dim3A_1440], %get3A_1370 : memref<32x513xf32, #tpu.memory_space<vmem>>[vector<16xi32>, vector<16xi32>], vector<16xf32>,
        tpu.vector_store_idx %arg10[%add3A_1059, %broadcast_in_dim3A_1440], %get3A_1375 : memref<32x513xf32, #tpu.memory_space<vmem>>[vector<16xi32>, vector<16xi32>], vector<16xf32>,
        %add3A_1441 = arith.constant 2 : i32
        %add3A_1442 = arith.addi %add3A_1356, %add3A_1441 : i32
        %broadcast_in_dim3A_1443 = vector.broadcast %add3A_1442 : i32 to vector<16xi32>
        tpu.vector_store_idx %arg10[%iota3A, %broadcast_in_dim3A_1443], %get3A_1380 : memref<32x513xf32, #tpu.memory_space<vmem>>[vector<16xi32>, vector<16xi32>], vector<16xf32>,
        tpu.vector_store_idx %arg10[%add3A_1059, %broadcast_in_dim3A_1443], %get3A_1385 : memref<32x513xf32, #tpu.memory_space<vmem>>[vector<16xi32>, vector<16xi32>], vector<16xf32>,
        %add3A_1444 = arith.constant 3 : i32
        %add3A_1445 = arith.addi %add3A_1356, %add3A_1444 : i32
        %broadcast_in_dim3A_1446 = vector.broadcast %add3A_1445 : i32 to vector<16xi32>
        tpu.vector_store_idx %arg10[%iota3A, %broadcast_in_dim3A_1446], %get3A_1390 : memref<32x513xf32, #tpu.memory_space<vmem>>[vector<16xi32>, vector<16xi32>], vector<16xf32>,
        tpu.vector_store_idx %arg10[%add3A_1059, %broadcast_in_dim3A_1446], %get3A_1395 : memref<32x513xf32, #tpu.memory_space<vmem>>[vector<16xi32>, vector<16xi32>], vector<16xf32>,
        %add3A_1447 = arith.constant 4 : i32
        %add3A_1448 = arith.addi %add3A_1356, %add3A_1447 : i32
        %broadcast_in_dim3A_1449 = vector.broadcast %add3A_1448 : i32 to vector<16xi32>
        tpu.vector_store_idx %arg10[%iota3A, %broadcast_in_dim3A_1449], %get3A_1400 : memref<32x513xf32, #tpu.memory_space<vmem>>[vector<16xi32>, vector<16xi32>], vector<16xf32>,
        tpu.vector_store_idx %arg10[%add3A_1059, %broadcast_in_dim3A_1449], %get3A_1405 : memref<32x513xf32, #tpu.memory_space<vmem>>[vector<16xi32>, vector<16xi32>], vector<16xf32>,
        %add3A_1450 = arith.constant 5 : i32
        %add3A_1451 = arith.addi %add3A_1356, %add3A_1450 : i32
        %broadcast_in_dim3A_1452 = vector.broadcast %add3A_1451 : i32 to vector<16xi32>
        tpu.vector_store_idx %arg10[%iota3A, %broadcast_in_dim3A_1452], %get3A_1410 : memref<32x513xf32, #tpu.memory_space<vmem>>[vector<16xi32>, vector<16xi32>], vector<16xf32>,
        tpu.vector_store_idx %arg10[%add3A_1059, %broadcast_in_dim3A_1452], %get3A_1415 : memref<32x513xf32, #tpu.memory_space<vmem>>[vector<16xi32>, vector<16xi32>], vector<16xf32>,
        %add3A_1453 = arith.constant 6 : i32
        %add3A_1454 = arith.addi %add3A_1356, %add3A_1453 : i32
        %broadcast_in_dim3A_1455 = vector.broadcast %add3A_1454 : i32 to vector<16xi32>
        tpu.vector_store_idx %arg10[%iota3A, %broadcast_in_dim3A_1455], %get3A_1420 : memref<32x513xf32, #tpu.memory_space<vmem>>[vector<16xi32>, vector<16xi32>], vector<16xf32>,
        tpu.vector_store_idx %arg10[%add3A_1059, %broadcast_in_dim3A_1455], %get3A_1425 : memref<32x513xf32, #tpu.memory_space<vmem>>[vector<16xi32>, vector<16xi32>], vector<16xf32>,
        %add3A_1456 = arith.constant 7 : i32
        %add3A_1457 = arith.addi %add3A_1356, %add3A_1456 : i32
        %broadcast_in_dim3A_1458 = vector.broadcast %add3A_1457 : i32 to vector<16xi32>
        tpu.vector_store_idx %arg10[%iota3A, %broadcast_in_dim3A_1458], %get3A_1430 : memref<32x513xf32, #tpu.memory_space<vmem>>[vector<16xi32>, vector<16xi32>], vector<16xf32>,
        tpu.vector_store_idx %arg10[%add3A_1059, %broadcast_in_dim3A_1458], %get3A_1435 : memref<32x513xf32, #tpu.memory_space<vmem>>[vector<16xi32>, vector<16xi32>], vector<16xf32>,
      }
      %scan3A_1065 = arith.constant 16 : i32
      %add3A_1066 = arith.constant 2 : i32
      %add3A_1067 = arith.addi %add3A_984, %add3A_1066 : i32
      %lt3A_1068 = arith.constant 200 : i32
      %lt3A_1069 = arith.cmpi slt, %add3A_1067, %lt3A_1068 : i32
      %convert_element_type3A_1070 = arith.extui %lt3A_1069 : i1 to i32
      %cond3A_1071 = arith.constant 0 : i32
      %cond3A_1072 = arith.cmpi ne, %convert_element_type3A_1070, %cond3A_1071 : i32
      scf.if %cond3A_1072 {
        %add3A_1352 = arith.constant 2 : i32
        %add3A_1353 = arith.addi %add3A_984, %add3A_1352 : i32
        %dma_start3A_1354 = arith.constant 0 : i32
        %dma_start3A_1355 = tpu.memref_slice %arg2[%add3A_1353, %mul3A_2, %dma_start3A_1354] : memref<200x128x128xi32, #tpu.memory_space<hbm>> -> memref<1x4x128xi32, #tpu.memory_space<hbm>>
        %dma_start3A_1356 = tpu.memref_squeeze %dma_start3A_1355 : memref<1x4x128xi32, #tpu.memory_space<hbm>> -> memref<4x128xi32, #tpu.memory_space<hbm>>
        %dma_start3A_1357 = arith.constant 0 : i32
        %dma_start3A_1358 = tpu.memref_slice %arg2[%add3A_1353, %mul3A_2, %dma_start3A_1357] : memref<200x128x128xi32, #tpu.memory_space<hbm>> -> memref<1x4x128xi32, #tpu.memory_space<hbm>>
        %dma_start3A_1359 = tpu.memref_squeeze %dma_start3A_1358 : memref<1x4x128xi32, #tpu.memory_space<hbm>> -> memref<4x128xi32, #tpu.memory_space<hbm>>
        tpu.enqueue_dma source(%dma_start3A_1359 : memref<4x128xi32, #tpu.memory_space<hbm>>) target(%arg6 : memref<4x128xi32, #tpu.memory_space<vmem>>) target_semaphore(%arg12 : memref<!tpu.dma_semaphore, #tpu.memory_space<semaphore_mem>>)
      } else {
      }
      %add3A_1073 = arith.constant 0 : i32
      %add3A_1074 = arith.addi %mul3A_2, %add3A_1073 : i32
      %dma_start3A_1075 = arith.constant 0 : i32
      %dma_start3A_1076 = arith.constant 0 : i32
      %dma_start3A_1077 = arith.constant 0 : i32
      %dma_start3A_1078 = tpu.memref_slice %arg10[%dma_start3A_1076, %dma_start3A_1077] : memref<32x513xf32, #tpu.memory_space<vmem>> -> memref<8x128xf32, #tpu.memory_space<vmem>>
      %dma_start3A_1079 = arith.constant 0 : i32
      %dma_start3A_1080 = arith.constant 0 : i32
      %dma_start3A_1081 = tpu.memref_slice %arg4[%add3A_984, %dma_start3A_1075, %add3A_1074, %dma_start3A_1079, %dma_start3A_1080] : memref<200x4x128x8x128xf32, #tpu.memory_space<hbm>> -> memref<1x1x1x8x128xf32, #tpu.memory_space<hbm>>
      %dma_start3A_1082 = tpu.memref_squeeze %dma_start3A_1081 : memref<1x1x1x8x128xf32, #tpu.memory_space<hbm>> -> memref<8x128xf32, #tpu.memory_space<hbm>>
      %dma_start3A_1083 = arith.constant 0 : i32
      %dma_start3A_1084 = arith.constant 0 : i32
      %dma_start3A_1085 = tpu.memref_slice %arg4[%add3A_984, %dma_start3A_1075, %add3A_1074, %dma_start3A_1083, %dma_start3A_1084] : memref<200x4x128x8x128xf32, #tpu.memory_space<hbm>> -> memref<1x1x1x8x128xf32, #tpu.memory_space<hbm>>
      %dma_start3A_1086 = tpu.memref_squeeze %dma_start3A_1085 : memref<1x1x1x8x128xf32, #tpu.memory_space<hbm>> -> memref<8x128xf32, #tpu.memory_space<hbm>>
      %dma_start3A_1087 = arith.constant 0 : i32
      %dma_start3A_1088 = arith.constant 0 : i32
      %dma_start3A_1089 = tpu.memref_slice %arg10[%dma_start3A_1087, %dma_start3A_1088] : memref<32x513xf32, #tpu.memory_space<vmem>> -> memref<8x128xf32, #tpu.memory_space<vmem>>
      tpu.enqueue_dma source(%dma_start3A_1089 : memref<8x128xf32, #tpu.memory_space<vmem>>) target(%dma_start3A_1086 : memref<8x128xf32, #tpu.memory_space<hbm>>) target_semaphore(%arg16 : memref<!tpu.dma_semaphore, #tpu.memory_space<semaphore_mem>>)
      %add3A_1090 = arith.constant 1 : i32
      %add3A_1091 = arith.addi %mul3A_2, %add3A_1090 : i32
      %dma_start3A_1092 = arith.constant 0 : i32
      %dma_start3A_1093 = arith.constant 0 : i32
      %dma_start3A_1094 = arith.constant 128 : i32
      %dma_start3A_1095 = tpu.memref_slice %arg10[%dma_start3A_1093, %dma_start3A_1094] : memref<32x513xf32, #tpu.memory_space<vmem>> -> memref<8x128xf32, #tpu.memory_space<vmem>>
      %dma_start3A_1096 = arith.constant 0 : i32
      %dma_start3A_1097 = arith.constant 0 : i32
      %dma_start3A_1098 = tpu.memref_slice %arg4[%add3A_984, %dma_start3A_1092, %add3A_1091, %dma_start3A_1096, %dma_start3A_1097] : memref<200x4x128x8x128xf32, #tpu.memory_space<hbm>> -> memref<1x1x1x8x128xf32, #tpu.memory_space<hbm>>
      %dma_start3A_1099 = tpu.memref_squeeze %dma_start3A_1098 : memref<1x1x1x8x128xf32, #tpu.memory_space<hbm>> -> memref<8x128xf32, #tpu.memory_space<hbm>>
      %dma_start3A_1100 = arith.constant 0 : i32
      %dma_start3A_1101 = arith.constant 0 : i32
      %dma_start3A_1102 = tpu.memref_slice %arg4[%add3A_984, %dma_start3A_1092, %add3A_1091, %dma_start3A_1100, %dma_start3A_1101] : memref<200x4x128x8x128xf32, #tpu.memory_space<hbm>> -> memref<1x1x1x8x128xf32, #tpu.memory_space<hbm>>
      %dma_start3A_1103 = tpu.memref_squeeze %dma_start3A_1102 : memref<1x1x1x8x128xf32, #tpu.memory_space<hbm>> -> memref<8x128xf32, #tpu.memory_space<hbm>>
      %dma_start3A_1104 = arith.constant 0 : i32
      %dma_start3A_1105 = arith.constant 128 : i32
      %dma_start3A_1106 = tpu.memref_slice %arg10[%dma_start3A_1104, %dma_start3A_1105] : memref<32x513xf32, #tpu.memory_space<vmem>> -> memref<8x128xf32, #tpu.memory_space<vmem>>
      tpu.enqueue_dma source(%dma_start3A_1106 : memref<8x128xf32, #tpu.memory_space<vmem>>) target(%dma_start3A_1103 : memref<8x128xf32, #tpu.memory_space<hbm>>) target_semaphore(%arg16 : memref<!tpu.dma_semaphore, #tpu.memory_space<semaphore_mem>>)
      %add3A_1107 = arith.constant 2 : i32
      %add3A_1108 = arith.addi %mul3A_2, %add3A_1107 : i32
      %dma_start3A_1109 = arith.constant 0 : i32
      %dma_start3A_1110 = arith.constant 0 : i32
      %dma_start3A_1111 = arith.constant 256 : i32
      %dma_start3A_1112 = tpu.memref_slice %arg10[%dma_start3A_1110, %dma_start3A_1111] : memref<32x513xf32, #tpu.memory_space<vmem>> -> memref<8x128xf32, #tpu.memory_space<vmem>>
      %dma_start3A_1113 = arith.constant 0 : i32
      %dma_start3A_1114 = arith.constant 0 : i32
      %dma_start3A_1115 = tpu.memref_slice %arg4[%add3A_984, %dma_start3A_1109, %add3A_1108, %dma_start3A_1113, %dma_start3A_1114] : memref<200x4x128x8x128xf32, #tpu.memory_space<hbm>> -> memref<1x1x1x8x128xf32, #tpu.memory_space<hbm>>
      %dma_start3A_1116 = tpu.memref_squeeze %dma_start3A_1115 : memref<1x1x1x8x128xf32, #tpu.memory_space<hbm>> -> memref<8x128xf32, #tpu.memory_space<hbm>>
      %dma_start3A_1117 = arith.constant 0 : i32
      %dma_start3A_1118 = arith.constant 0 : i32
      %dma_start3A_1119 = tpu.memref_slice %arg4[%add3A_984, %dma_start3A_1109, %add3A_1108, %dma_start3A_1117, %dma_start3A_1118] : memref<200x4x128x8x128xf32, #tpu.memory_space<hbm>> -> memref<1x1x1x8x128xf32, #tpu.memory_space<hbm>>
      %dma_start3A_1120 = tpu.memref_squeeze %dma_start3A_1119 : memref<1x1x1x8x128xf32, #tpu.memory_space<hbm>> -> memref<8x128xf32, #tpu.memory_space<hbm>>
      %dma_start3A_1121 = arith.constant 0 : i32
      %dma_start3A_1122 = arith.constant 256 : i32
      %dma_start3A_1123 = tpu.memref_slice %arg10[%dma_start3A_1121, %dma_start3A_1122] : memref<32x513xf32, #tpu.memory_space<vmem>> -> memref<8x128xf32, #tpu.memory_space<vmem>>
      tpu.enqueue_dma source(%dma_start3A_1123 : memref<8x128xf32, #tpu.memory_space<vmem>>) target(%dma_start3A_1120 : memref<8x128xf32, #tpu.memory_space<hbm>>) target_semaphore(%arg16 : memref<!tpu.dma_semaphore, #tpu.memory_space<semaphore_mem>>)
      %add3A_1124 = arith.constant 3 : i32
      %add3A_1125 = arith.addi %mul3A_2, %add3A_1124 : i32
      %dma_start3A_1126 = arith.constant 0 : i32
      %dma_start3A_1127 = arith.constant 0 : i32
      %dma_start3A_1128 = arith.constant 384 : i32
      %dma_start3A_1129 = tpu.memref_slice %arg10[%dma_start3A_1127, %dma_start3A_1128] : memref<32x513xf32, #tpu.memory_space<vmem>> -> memref<8x128xf32, #tpu.memory_space<vmem>>
      %dma_start3A_1130 = arith.constant 0 : i32
      %dma_start3A_1131 = arith.constant 0 : i32
      %dma_start3A_1132 = tpu.memref_slice %arg4[%add3A_984, %dma_start3A_1126, %add3A_1125, %dma_start3A_1130, %dma_start3A_1131] : memref<200x4x128x8x128xf32, #tpu.memory_space<hbm>> -> memref<1x1x1x8x128xf32, #tpu.memory_space<hbm>>
      %dma_start3A_1133 = tpu.memref_squeeze %dma_start3A_1132 : memref<1x1x1x8x128xf32, #tpu.memory_space<hbm>> -> memref<8x128xf32, #tpu.memory_space<hbm>>
      %dma_start3A_1134 = arith.constant 0 : i32
      %dma_start3A_1135 = arith.constant 0 : i32
      %dma_start3A_1136 = tpu.memref_slice %arg4[%add3A_984, %dma_start3A_1126, %add3A_1125, %dma_start3A_1134, %dma_start3A_1135] : memref<200x4x128x8x128xf32, #tpu.memory_space<hbm>> -> memref<1x1x1x8x128xf32, #tpu.memory_space<hbm>>
      %dma_start3A_1137 = tpu.memref_squeeze %dma_start3A_1136 : memref<1x1x1x8x128xf32, #tpu.memory_space<hbm>> -> memref<8x128xf32, #tpu.memory_space<hbm>>
      %dma_start3A_1138 = arith.constant 0 : i32
      %dma_start3A_1139 = arith.constant 384 : i32
      %dma_start3A_1140 = tpu.memref_slice %arg10[%dma_start3A_1138, %dma_start3A_1139] : memref<32x513xf32, #tpu.memory_space<vmem>> -> memref<8x128xf32, #tpu.memory_space<vmem>>
      tpu.enqueue_dma source(%dma_start3A_1140 : memref<8x128xf32, #tpu.memory_space<vmem>>) target(%dma_start3A_1137 : memref<8x128xf32, #tpu.memory_space<hbm>>) target_semaphore(%arg16 : memref<!tpu.dma_semaphore, #tpu.memory_space<semaphore_mem>>)
      %add3A_1141 = arith.constant 0 : i32
      %add3A_1142 = arith.addi %mul3A_2, %add3A_1141 : i32
      %dma_start3A_1143 = arith.constant 1 : i32
      %dma_start3A_1144 = arith.constant 8 : i32
      %dma_start3A_1145 = arith.constant 0 : i32
      %dma_start3A_1146 = tpu.memref_slice %arg10[%dma_start3A_1144, %dma_start3A_1145] : memref<32x513xf32, #tpu.memory_space<vmem>> -> memref<8x128xf32, #tpu.memory_space<vmem>>
      %dma_start3A_1147 = arith.constant 0 : i32
      %dma_start3A_1148 = arith.constant 0 : i32
      %dma_start3A_1149 = tpu.memref_slice %arg4[%add3A_984, %dma_start3A_1143, %add3A_1142, %dma_start3A_1147, %dma_start3A_1148] : memref<200x4x128x8x128xf32, #tpu.memory_space<hbm>> -> memref<1x1x1x8x128xf32, #tpu.memory_space<hbm>>
      %dma_start3A_1150 = tpu.memref_squeeze %dma_start3A_1149 : memref<1x1x1x8x128xf32, #tpu.memory_space<hbm>> -> memref<8x128xf32, #tpu.memory_space<hbm>>
      %dma_start3A_1151 = arith.constant 0 : i32
      %dma_start3A_1152 = arith.constant 0 : i32
      %dma_start3A_1153 = tpu.memref_slice %arg4[%add3A_984, %dma_start3A_1143, %add3A_1142, %dma_start3A_1151, %dma_start3A_1152] : memref<200x4x128x8x128xf32, #tpu.memory_space<hbm>> -> memref<1x1x1x8x128xf32, #tpu.memory_space<hbm>>
      %dma_start3A_1154 = tpu.memref_squeeze %dma_start3A_1153 : memref<1x1x1x8x128xf32, #tpu.memory_space<hbm>> -> memref<8x128xf32, #tpu.memory_space<hbm>>
      %dma_start3A_1155 = arith.constant 8 : i32
      %dma_start3A_1156 = arith.constant 0 : i32
      %dma_start3A_1157 = tpu.memref_slice %arg10[%dma_start3A_1155, %dma_start3A_1156] : memref<32x513xf32, #tpu.memory_space<vmem>> -> memref<8x128xf32, #tpu.memory_space<vmem>>
      tpu.enqueue_dma source(%dma_start3A_1157 : memref<8x128xf32, #tpu.memory_space<vmem>>) target(%dma_start3A_1154 : memref<8x128xf32, #tpu.memory_space<hbm>>) target_semaphore(%arg16 : memref<!tpu.dma_semaphore, #tpu.memory_space<semaphore_mem>>)
      %add3A_1158 = arith.constant 1 : i32
      %add3A_1159 = arith.addi %mul3A_2, %add3A_1158 : i32
      %dma_start3A_1160 = arith.constant 1 : i32
      %dma_start3A_1161 = arith.constant 8 : i32
      %dma_start3A_1162 = arith.constant 128 : i32
      %dma_start3A_1163 = tpu.memref_slice %arg10[%dma_start3A_1161, %dma_start3A_1162] : memref<32x513xf32, #tpu.memory_space<vmem>> -> memref<8x128xf32, #tpu.memory_space<vmem>>
      %dma_start3A_1164 = arith.constant 0 : i32
      %dma_start3A_1165 = arith.constant 0 : i32
      %dma_start3A_1166 = tpu.memref_slice %arg4[%add3A_984, %dma_start3A_1160, %add3A_1159, %dma_start3A_1164, %dma_start3A_1165] : memref<200x4x128x8x128xf32, #tpu.memory_space<hbm>> -> memref<1x1x1x8x128xf32, #tpu.memory_space<hbm>>
      %dma_start3A_1167 = tpu.memref_squeeze %dma_start3A_1166 : memref<1x1x1x8x128xf32, #tpu.memory_space<hbm>> -> memref<8x128xf32, #tpu.memory_space<hbm>>
      %dma_start3A_1168 = arith.constant 0 : i32
      %dma_start3A_1169 = arith.constant 0 : i32
      %dma_start3A_1170 = tpu.memref_slice %arg4[%add3A_984, %dma_start3A_1160, %add3A_1159, %dma_start3A_1168, %dma_start3A_1169] : memref<200x4x128x8x128xf32, #tpu.memory_space<hbm>> -> memref<1x1x1x8x128xf32, #tpu.memory_space<hbm>>
      %dma_start3A_1171 = tpu.memref_squeeze %dma_start3A_1170 : memref<1x1x1x8x128xf32, #tpu.memory_space<hbm>> -> memref<8x128xf32, #tpu.memory_space<hbm>>
      %dma_start3A_1172 = arith.constant 8 : i32
      %dma_start3A_1173 = arith.constant 128 : i32
      %dma_start3A_1174 = tpu.memref_slice %arg10[%dma_start3A_1172, %dma_start3A_1173] : memref<32x513xf32, #tpu.memory_space<vmem>> -> memref<8x128xf32, #tpu.memory_space<vmem>>
      tpu.enqueue_dma source(%dma_start3A_1174 : memref<8x128xf32, #tpu.memory_space<vmem>>) target(%dma_start3A_1171 : memref<8x128xf32, #tpu.memory_space<hbm>>) target_semaphore(%arg16 : memref<!tpu.dma_semaphore, #tpu.memory_space<semaphore_mem>>)
      %add3A_1175 = arith.constant 2 : i32
      %add3A_1176 = arith.addi %mul3A_2, %add3A_1175 : i32
      %dma_start3A_1177 = arith.constant 1 : i32
      %dma_start3A_1178 = arith.constant 8 : i32
      %dma_start3A_1179 = arith.constant 256 : i32
      %dma_start3A_1180 = tpu.memref_slice %arg10[%dma_start3A_1178, %dma_start3A_1179] : memref<32x513xf32, #tpu.memory_space<vmem>> -> memref<8x128xf32, #tpu.memory_space<vmem>>
      %dma_start3A_1181 = arith.constant 0 : i32
      %dma_start3A_1182 = arith.constant 0 : i32
      %dma_start3A_1183 = tpu.memref_slice %arg4[%add3A_984, %dma_start3A_1177, %add3A_1176, %dma_start3A_1181, %dma_start3A_1182] : memref<200x4x128x8x128xf32, #tpu.memory_space<hbm>> -> memref<1x1x1x8x128xf32, #tpu.memory_space<hbm>>
      %dma_start3A_1184 = tpu.memref_squeeze %dma_start3A_1183 : memref<1x1x1x8x128xf32, #tpu.memory_space<hbm>> -> memref<8x128xf32, #tpu.memory_space<hbm>>
      %dma_start3A_1185 = arith.constant 0 : i32
      %dma_start3A_1186 = arith.constant 0 : i32
      %dma_start3A_1187 = tpu.memref_slice %arg4[%add3A_984, %dma_start3A_1177, %add3A_1176, %dma_start3A_1185, %dma_start3A_1186] : memref<200x4x128x8x128xf32, #tpu.memory_space<hbm>> -> memref<1x1x1x8x128xf32, #tpu.memory_space<hbm>>
      %dma_start3A_1188 = tpu.memref_squeeze %dma_start3A_1187 : memref<1x1x1x8x128xf32, #tpu.memory_space<hbm>> -> memref<8x128xf32, #tpu.memory_space<hbm>>
      %dma_start3A_1189 = arith.constant 8 : i32
      %dma_start3A_1190 = arith.constant 256 : i32
      %dma_start3A_1191 = tpu.memref_slice %arg10[%dma_start3A_1189, %dma_start3A_1190] : memref<32x513xf32, #tpu.memory_space<vmem>> -> memref<8x128xf32, #tpu.memory_space<vmem>>
      tpu.enqueue_dma source(%dma_start3A_1191 : memref<8x128xf32, #tpu.memory_space<vmem>>) target(%dma_start3A_1188 : memref<8x128xf32, #tpu.memory_space<hbm>>) target_semaphore(%arg16 : memref<!tpu.dma_semaphore, #tpu.memory_space<semaphore_mem>>)
      %add3A_1192 = arith.constant 3 : i32
      %add3A_1193 = arith.addi %mul3A_2, %add3A_1192 : i32
      %dma_start3A_1194 = arith.constant 1 : i32
      %dma_start3A_1195 = arith.constant 8 : i32
      %dma_start3A_1196 = arith.constant 384 : i32
      %dma_start3A_1197 = tpu.memref_slice %arg10[%dma_start3A_1195, %dma_start3A_1196] : memref<32x513xf32, #tpu.memory_space<vmem>> -> memref<8x128xf32, #tpu.memory_space<vmem>>
      %dma_start3A_1198 = arith.constant 0 : i32
      %dma_start3A_1199 = arith.constant 0 : i32
      %dma_start3A_1200 = tpu.memref_slice %arg4[%add3A_984, %dma_start3A_1194, %add3A_1193, %dma_start3A_1198, %dma_start3A_1199] : memref<200x4x128x8x128xf32, #tpu.memory_space<hbm>> -> memref<1x1x1x8x128xf32, #tpu.memory_space<hbm>>
      %dma_start3A_1201 = tpu.memref_squeeze %dma_start3A_1200 : memref<1x1x1x8x128xf32, #tpu.memory_space<hbm>> -> memref<8x128xf32, #tpu.memory_space<hbm>>
      %dma_start3A_1202 = arith.constant 0 : i32
      %dma_start3A_1203 = arith.constant 0 : i32
      %dma_start3A_1204 = tpu.memref_slice %arg4[%add3A_984, %dma_start3A_1194, %add3A_1193, %dma_start3A_1202, %dma_start3A_1203] : memref<200x4x128x8x128xf32, #tpu.memory_space<hbm>> -> memref<1x1x1x8x128xf32, #tpu.memory_space<hbm>>
      %dma_start3A_1205 = tpu.memref_squeeze %dma_start3A_1204 : memref<1x1x1x8x128xf32, #tpu.memory_space<hbm>> -> memref<8x128xf32, #tpu.memory_space<hbm>>
      %dma_start3A_1206 = arith.constant 8 : i32
      %dma_start3A_1207 = arith.constant 384 : i32
      %dma_start3A_1208 = tpu.memref_slice %arg10[%dma_start3A_1206, %dma_start3A_1207] : memref<32x513xf32, #tpu.memory_space<vmem>> -> memref<8x128xf32, #tpu.memory_space<vmem>>
      tpu.enqueue_dma source(%dma_start3A_1208 : memref<8x128xf32, #tpu.memory_space<vmem>>) target(%dma_start3A_1205 : memref<8x128xf32, #tpu.memory_space<hbm>>) target_semaphore(%arg16 : memref<!tpu.dma_semaphore, #tpu.memory_space<semaphore_mem>>)
      %add3A_1209 = arith.constant 0 : i32
      %add3A_1210 = arith.addi %mul3A_2, %add3A_1209 : i32
      %dma_start3A_1211 = arith.constant 2 : i32
      %dma_start3A_1212 = arith.constant 16 : i32
      %dma_start3A_1213 = arith.constant 0 : i32
      %dma_start3A_1214 = tpu.memref_slice %arg10[%dma_start3A_1212, %dma_start3A_1213] : memref<32x513xf32, #tpu.memory_space<vmem>> -> memref<8x128xf32, #tpu.memory_space<vmem>>
      %dma_start3A_1215 = arith.constant 0 : i32
      %dma_start3A_1216 = arith.constant 0 : i32
      %dma_start3A_1217 = tpu.memref_slice %arg4[%add3A_984, %dma_start3A_1211, %add3A_1210, %dma_start3A_1215, %dma_start3A_1216] : memref<200x4x128x8x128xf32, #tpu.memory_space<hbm>> -> memref<1x1x1x8x128xf32, #tpu.memory_space<hbm>>
      %dma_start3A_1218 = tpu.memref_squeeze %dma_start3A_1217 : memref<1x1x1x8x128xf32, #tpu.memory_space<hbm>> -> memref<8x128xf32, #tpu.memory_space<hbm>>
      %dma_start3A_1219 = arith.constant 0 : i32
      %dma_start3A_1220 = arith.constant 0 : i32
      %dma_start3A_1221 = tpu.memref_slice %arg4[%add3A_984, %dma_start3A_1211, %add3A_1210, %dma_start3A_1219, %dma_start3A_1220] : memref<200x4x128x8x128xf32, #tpu.memory_space<hbm>> -> memref<1x1x1x8x128xf32, #tpu.memory_space<hbm>>
      %dma_start3A_1222 = tpu.memref_squeeze %dma_start3A_1221 : memref<1x1x1x8x128xf32, #tpu.memory_space<hbm>> -> memref<8x128xf32, #tpu.memory_space<hbm>>
      %dma_start3A_1223 = arith.constant 16 : i32
      %dma_start3A_1224 = arith.constant 0 : i32
      %dma_start3A_1225 = tpu.memref_slice %arg10[%dma_start3A_1223, %dma_start3A_1224] : memref<32x513xf32, #tpu.memory_space<vmem>> -> memref<8x128xf32, #tpu.memory_space<vmem>>
      tpu.enqueue_dma source(%dma_start3A_1225 : memref<8x128xf32, #tpu.memory_space<vmem>>) target(%dma_start3A_1222 : memref<8x128xf32, #tpu.memory_space<hbm>>) target_semaphore(%arg16 : memref<!tpu.dma_semaphore, #tpu.memory_space<semaphore_mem>>)
      %add3A_1226 = arith.constant 1 : i32
      %add3A_1227 = arith.addi %mul3A_2, %add3A_1226 : i32
      %dma_start3A_1228 = arith.constant 2 : i32
      %dma_start3A_1229 = arith.constant 16 : i32
      %dma_start3A_1230 = arith.constant 128 : i32
      %dma_start3A_1231 = tpu.memref_slice %arg10[%dma_start3A_1229, %dma_start3A_1230] : memref<32x513xf32, #tpu.memory_space<vmem>> -> memref<8x128xf32, #tpu.memory_space<vmem>>
      %dma_start3A_1232 = arith.constant 0 : i32
      %dma_start3A_1233 = arith.constant 0 : i32
      %dma_start3A_1234 = tpu.memref_slice %arg4[%add3A_984, %dma_start3A_1228, %add3A_1227, %dma_start3A_1232, %dma_start3A_1233] : memref<200x4x128x8x128xf32, #tpu.memory_space<hbm>> -> memref<1x1x1x8x128xf32, #tpu.memory_space<hbm>>
      %dma_start3A_1235 = tpu.memref_squeeze %dma_start3A_1234 : memref<1x1x1x8x128xf32, #tpu.memory_space<hbm>> -> memref<8x128xf32, #tpu.memory_space<hbm>>
      %dma_start3A_1236 = arith.constant 0 : i32
      %dma_start3A_1237 = arith.constant 0 : i32
      %dma_start3A_1238 = tpu.memref_slice %arg4[%add3A_984, %dma_start3A_1228, %add3A_1227, %dma_start3A_1236, %dma_start3A_1237] : memref<200x4x128x8x128xf32, #tpu.memory_space<hbm>> -> memref<1x1x1x8x128xf32, #tpu.memory_space<hbm>>
      %dma_start3A_1239 = tpu.memref_squeeze %dma_start3A_1238 : memref<1x1x1x8x128xf32, #tpu.memory_space<hbm>> -> memref<8x128xf32, #tpu.memory_space<hbm>>
      %dma_start3A_1240 = arith.constant 16 : i32
      %dma_start3A_1241 = arith.constant 128 : i32
      %dma_start3A_1242 = tpu.memref_slice %arg10[%dma_start3A_1240, %dma_start3A_1241] : memref<32x513xf32, #tpu.memory_space<vmem>> -> memref<8x128xf32, #tpu.memory_space<vmem>>
      tpu.enqueue_dma source(%dma_start3A_1242 : memref<8x128xf32, #tpu.memory_space<vmem>>) target(%dma_start3A_1239 : memref<8x128xf32, #tpu.memory_space<hbm>>) target_semaphore(%arg16 : memref<!tpu.dma_semaphore, #tpu.memory_space<semaphore_mem>>)
      %add3A_1243 = arith.constant 2 : i32
      %add3A_1244 = arith.addi %mul3A_2, %add3A_1243 : i32
      %dma_start3A_1245 = arith.constant 2 : i32
      %dma_start3A_1246 = arith.constant 16 : i32
      %dma_start3A_1247 = arith.constant 256 : i32
      %dma_start3A_1248 = tpu.memref_slice %arg10[%dma_start3A_1246, %dma_start3A_1247] : memref<32x513xf32, #tpu.memory_space<vmem>> -> memref<8x128xf32, #tpu.memory_space<vmem>>
      %dma_start3A_1249 = arith.constant 0 : i32
      %dma_start3A_1250 = arith.constant 0 : i32
      %dma_start3A_1251 = tpu.memref_slice %arg4[%add3A_984, %dma_start3A_1245, %add3A_1244, %dma_start3A_1249, %dma_start3A_1250] : memref<200x4x128x8x128xf32, #tpu.memory_space<hbm>> -> memref<1x1x1x8x128xf32, #tpu.memory_space<hbm>>
      %dma_start3A_1252 = tpu.memref_squeeze %dma_start3A_1251 : memref<1x1x1x8x128xf32, #tpu.memory_space<hbm>> -> memref<8x128xf32, #tpu.memory_space<hbm>>
      %dma_start3A_1253 = arith.constant 0 : i32
      %dma_start3A_1254 = arith.constant 0 : i32
      %dma_start3A_1255 = tpu.memref_slice %arg4[%add3A_984, %dma_start3A_1245, %add3A_1244, %dma_start3A_1253, %dma_start3A_1254] : memref<200x4x128x8x128xf32, #tpu.memory_space<hbm>> -> memref<1x1x1x8x128xf32, #tpu.memory_space<hbm>>
      %dma_start3A_1256 = tpu.memref_squeeze %dma_start3A_1255 : memref<1x1x1x8x128xf32, #tpu.memory_space<hbm>> -> memref<8x128xf32, #tpu.memory_space<hbm>>
      %dma_start3A_1257 = arith.constant 16 : i32
      %dma_start3A_1258 = arith.constant 256 : i32
      %dma_start3A_1259 = tpu.memref_slice %arg10[%dma_start3A_1257, %dma_start3A_1258] : memref<32x513xf32, #tpu.memory_space<vmem>> -> memref<8x128xf32, #tpu.memory_space<vmem>>
      tpu.enqueue_dma source(%dma_start3A_1259 : memref<8x128xf32, #tpu.memory_space<vmem>>) target(%dma_start3A_1256 : memref<8x128xf32, #tpu.memory_space<hbm>>) target_semaphore(%arg16 : memref<!tpu.dma_semaphore, #tpu.memory_space<semaphore_mem>>)
      %add3A_1260 = arith.constant 3 : i32
      %add3A_1261 = arith.addi %mul3A_2, %add3A_1260 : i32
      %dma_start3A_1262 = arith.constant 2 : i32
      %dma_start3A_1263 = arith.constant 16 : i32
      %dma_start3A_1264 = arith.constant 384 : i32
      %dma_start3A_1265 = tpu.memref_slice %arg10[%dma_start3A_1263, %dma_start3A_1264] : memref<32x513xf32, #tpu.memory_space<vmem>> -> memref<8x128xf32, #tpu.memory_space<vmem>>
      %dma_start3A_1266 = arith.constant 0 : i32
      %dma_start3A_1267 = arith.constant 0 : i32
      %dma_start3A_1268 = tpu.memref_slice %arg4[%add3A_984, %dma_start3A_1262, %add3A_1261, %dma_start3A_1266, %dma_start3A_1267] : memref<200x4x128x8x128xf32, #tpu.memory_space<hbm>> -> memref<1x1x1x8x128xf32, #tpu.memory_space<hbm>>
      %dma_start3A_1269 = tpu.memref_squeeze %dma_start3A_1268 : memref<1x1x1x8x128xf32, #tpu.memory_space<hbm>> -> memref<8x128xf32, #tpu.memory_space<hbm>>
      %dma_start3A_1270 = arith.constant 0 : i32
      %dma_start3A_1271 = arith.constant 0 : i32
      %dma_start3A_1272 = tpu.memref_slice %arg4[%add3A_984, %dma_start3A_1262, %add3A_1261, %dma_start3A_1270, %dma_start3A_1271] : memref<200x4x128x8x128xf32, #tpu.memory_space<hbm>> -> memref<1x1x1x8x128xf32, #tpu.memory_space<hbm>>
      %dma_start3A_1273 = tpu.memref_squeeze %dma_start3A_1272 : memref<1x1x1x8x128xf32, #tpu.memory_space<hbm>> -> memref<8x128xf32, #tpu.memory_space<hbm>>
      %dma_start3A_1274 = arith.constant 16 : i32
      %dma_start3A_1275 = arith.constant 384 : i32
      %dma_start3A_1276 = tpu.memref_slice %arg10[%dma_start3A_1274, %dma_start3A_1275] : memref<32x513xf32, #tpu.memory_space<vmem>> -> memref<8x128xf32, #tpu.memory_space<vmem>>
      tpu.enqueue_dma source(%dma_start3A_1276 : memref<8x128xf32, #tpu.memory_space<vmem>>) target(%dma_start3A_1273 : memref<8x128xf32, #tpu.memory_space<hbm>>) target_semaphore(%arg16 : memref<!tpu.dma_semaphore, #tpu.memory_space<semaphore_mem>>)
      %add3A_1277 = arith.constant 0 : i32
      %add3A_1278 = arith.addi %mul3A_2, %add3A_1277 : i32
      %dma_start3A_1279 = arith.constant 3 : i32
      %dma_start3A_1280 = arith.constant 24 : i32
      %dma_start3A_1281 = arith.constant 0 : i32
      %dma_start3A_1282 = tpu.memref_slice %arg10[%dma_start3A_1280, %dma_start3A_1281] : memref<32x513xf32, #tpu.memory_space<vmem>> -> memref<8x128xf32, #tpu.memory_space<vmem>>
      %dma_start3A_1283 = arith.constant 0 : i32
      %dma_start3A_1284 = arith.constant 0 : i32
      %dma_start3A_1285 = tpu.memref_slice %arg4[%add3A_984, %dma_start3A_1279, %add3A_1278, %dma_start3A_1283, %dma_start3A_1284] : memref<200x4x128x8x128xf32, #tpu.memory_space<hbm>> -> memref<1x1x1x8x128xf32, #tpu.memory_space<hbm>>
      %dma_start3A_1286 = tpu.memref_squeeze %dma_start3A_1285 : memref<1x1x1x8x128xf32, #tpu.memory_space<hbm>> -> memref<8x128xf32, #tpu.memory_space<hbm>>
      %dma_start3A_1287 = arith.constant 0 : i32
      %dma_start3A_1288 = arith.constant 0 : i32
      %dma_start3A_1289 = tpu.memref_slice %arg4[%add3A_984, %dma_start3A_1279, %add3A_1278, %dma_start3A_1287, %dma_start3A_1288] : memref<200x4x128x8x128xf32, #tpu.memory_space<hbm>> -> memref<1x1x1x8x128xf32, #tpu.memory_space<hbm>>
      %dma_start3A_1290 = tpu.memref_squeeze %dma_start3A_1289 : memref<1x1x1x8x128xf32, #tpu.memory_space<hbm>> -> memref<8x128xf32, #tpu.memory_space<hbm>>
      %dma_start3A_1291 = arith.constant 24 : i32
      %dma_start3A_1292 = arith.constant 0 : i32
      %dma_start3A_1293 = tpu.memref_slice %arg10[%dma_start3A_1291, %dma_start3A_1292] : memref<32x513xf32, #tpu.memory_space<vmem>> -> memref<8x128xf32, #tpu.memory_space<vmem>>
      tpu.enqueue_dma source(%dma_start3A_1293 : memref<8x128xf32, #tpu.memory_space<vmem>>) target(%dma_start3A_1290 : memref<8x128xf32, #tpu.memory_space<hbm>>) target_semaphore(%arg16 : memref<!tpu.dma_semaphore, #tpu.memory_space<semaphore_mem>>)
      %add3A_1294 = arith.constant 1 : i32
      %add3A_1295 = arith.addi %mul3A_2, %add3A_1294 : i32
      %dma_start3A_1296 = arith.constant 3 : i32
      %dma_start3A_1297 = arith.constant 24 : i32
      %dma_start3A_1298 = arith.constant 128 : i32
      %dma_start3A_1299 = tpu.memref_slice %arg10[%dma_start3A_1297, %dma_start3A_1298] : memref<32x513xf32, #tpu.memory_space<vmem>> -> memref<8x128xf32, #tpu.memory_space<vmem>>
      %dma_start3A_1300 = arith.constant 0 : i32
      %dma_start3A_1301 = arith.constant 0 : i32
      %dma_start3A_1302 = tpu.memref_slice %arg4[%add3A_984, %dma_start3A_1296, %add3A_1295, %dma_start3A_1300, %dma_start3A_1301] : memref<200x4x128x8x128xf32, #tpu.memory_space<hbm>> -> memref<1x1x1x8x128xf32, #tpu.memory_space<hbm>>
      %dma_start3A_1303 = tpu.memref_squeeze %dma_start3A_1302 : memref<1x1x1x8x128xf32, #tpu.memory_space<hbm>> -> memref<8x128xf32, #tpu.memory_space<hbm>>
      %dma_start3A_1304 = arith.constant 0 : i32
      %dma_start3A_1305 = arith.constant 0 : i32
      %dma_start3A_1306 = tpu.memref_slice %arg4[%add3A_984, %dma_start3A_1296, %add3A_1295, %dma_start3A_1304, %dma_start3A_1305] : memref<200x4x128x8x128xf32, #tpu.memory_space<hbm>> -> memref<1x1x1x8x128xf32, #tpu.memory_space<hbm>>
      %dma_start3A_1307 = tpu.memref_squeeze %dma_start3A_1306 : memref<1x1x1x8x128xf32, #tpu.memory_space<hbm>> -> memref<8x128xf32, #tpu.memory_space<hbm>>
      %dma_start3A_1308 = arith.constant 24 : i32
      %dma_start3A_1309 = arith.constant 128 : i32
      %dma_start3A_1310 = tpu.memref_slice %arg10[%dma_start3A_1308, %dma_start3A_1309] : memref<32x513xf32, #tpu.memory_space<vmem>> -> memref<8x128xf32, #tpu.memory_space<vmem>>
      tpu.enqueue_dma source(%dma_start3A_1310 : memref<8x128xf32, #tpu.memory_space<vmem>>) target(%dma_start3A_1307 : memref<8x128xf32, #tpu.memory_space<hbm>>) target_semaphore(%arg16 : memref<!tpu.dma_semaphore, #tpu.memory_space<semaphore_mem>>)
      %add3A_1311 = arith.constant 2 : i32
      %add3A_1312 = arith.addi %mul3A_2, %add3A_1311 : i32
      %dma_start3A_1313 = arith.constant 3 : i32
      %dma_start3A_1314 = arith.constant 24 : i32
      %dma_start3A_1315 = arith.constant 256 : i32
      %dma_start3A_1316 = tpu.memref_slice %arg10[%dma_start3A_1314, %dma_start3A_1315] : memref<32x513xf32, #tpu.memory_space<vmem>> -> memref<8x128xf32, #tpu.memory_space<vmem>>
      %dma_start3A_1317 = arith.constant 0 : i32
      %dma_start3A_1318 = arith.constant 0 : i32
      %dma_start3A_1319 = tpu.memref_slice %arg4[%add3A_984, %dma_start3A_1313, %add3A_1312, %dma_start3A_1317, %dma_start3A_1318] : memref<200x4x128x8x128xf32, #tpu.memory_space<hbm>> -> memref<1x1x1x8x128xf32, #tpu.memory_space<hbm>>
      %dma_start3A_1320 = tpu.memref_squeeze %dma_start3A_1319 : memref<1x1x1x8x128xf32, #tpu.memory_space<hbm>> -> memref<8x128xf32, #tpu.memory_space<hbm>>
      %dma_start3A_1321 = arith.constant 0 : i32
      %dma_start3A_1322 = arith.constant 0 : i32
      %dma_start3A_1323 = tpu.memref_slice %arg4[%add3A_984, %dma_start3A_1313, %add3A_1312, %dma_start3A_1321, %dma_start3A_1322] : memref<200x4x128x8x128xf32, #tpu.memory_space<hbm>> -> memref<1x1x1x8x128xf32, #tpu.memory_space<hbm>>
      %dma_start3A_1324 = tpu.memref_squeeze %dma_start3A_1323 : memref<1x1x1x8x128xf32, #tpu.memory_space<hbm>> -> memref<8x128xf32, #tpu.memory_space<hbm>>
      %dma_start3A_1325 = arith.constant 24 : i32
      %dma_start3A_1326 = arith.constant 256 : i32
      %dma_start3A_1327 = tpu.memref_slice %arg10[%dma_start3A_1325, %dma_start3A_1326] : memref<32x513xf32, #tpu.memory_space<vmem>> -> memref<8x128xf32, #tpu.memory_space<vmem>>
      tpu.enqueue_dma source(%dma_start3A_1327 : memref<8x128xf32, #tpu.memory_space<vmem>>) target(%dma_start3A_1324 : memref<8x128xf32, #tpu.memory_space<hbm>>) target_semaphore(%arg16 : memref<!tpu.dma_semaphore, #tpu.memory_space<semaphore_mem>>)
      %add3A_1328 = arith.constant 3 : i32
      %add3A_1329 = arith.addi %mul3A_2, %add3A_1328 : i32
      %dma_start3A_1330 = arith.constant 3 : i32
      %dma_start3A_1331 = arith.constant 24 : i32
      %dma_start3A_1332 = arith.constant 384 : i32
      %dma_start3A_1333 = tpu.memref_slice %arg10[%dma_start3A_1331, %dma_start3A_1332] : memref<32x513xf32, #tpu.memory_space<vmem>> -> memref<8x128xf32, #tpu.memory_space<vmem>>
      %dma_start3A_1334 = arith.constant 0 : i32
      %dma_start3A_1335 = arith.constant 0 : i32
      %dma_start3A_1336 = tpu.memref_slice %arg4[%add3A_984, %dma_start3A_1330, %add3A_1329, %dma_start3A_1334, %dma_start3A_1335] : memref<200x4x128x8x128xf32, #tpu.memory_space<hbm>> -> memref<1x1x1x8x128xf32, #tpu.memory_space<hbm>>
      %dma_start3A_1337 = tpu.memref_squeeze %dma_start3A_1336 : memref<1x1x1x8x128xf32, #tpu.memory_space<hbm>> -> memref<8x128xf32, #tpu.memory_space<hbm>>
      %dma_start3A_1338 = arith.constant 0 : i32
      %dma_start3A_1339 = arith.constant 0 : i32
      %dma_start3A_1340 = tpu.memref_slice %arg4[%add3A_984, %dma_start3A_1330, %add3A_1329, %dma_start3A_1338, %dma_start3A_1339] : memref<200x4x128x8x128xf32, #tpu.memory_space<hbm>> -> memref<1x1x1x8x128xf32, #tpu.memory_space<hbm>>
      %dma_start3A_1341 = tpu.memref_squeeze %dma_start3A_1340 : memref<1x1x1x8x128xf32, #tpu.memory_space<hbm>> -> memref<8x128xf32, #tpu.memory_space<hbm>>
      %dma_start3A_1342 = arith.constant 24 : i32
      %dma_start3A_1343 = arith.constant 384 : i32
      %dma_start3A_1344 = tpu.memref_slice %arg10[%dma_start3A_1342, %dma_start3A_1343] : memref<32x513xf32, #tpu.memory_space<vmem>> -> memref<8x128xf32, #tpu.memory_space<vmem>>
      tpu.enqueue_dma source(%dma_start3A_1344 : memref<8x128xf32, #tpu.memory_space<vmem>>) target(%dma_start3A_1341 : memref<8x128xf32, #tpu.memory_space<hbm>>) target_semaphore(%arg16 : memref<!tpu.dma_semaphore, #tpu.memory_space<semaphore_mem>>)
      %add3A_1345 = arith.constant 1 : i32
      %add3A_1346 = arith.addi %add3A_984, %add3A_1345 : i32
      %lt3A_1347 = arith.constant 200 : i32
      %lt3A_1348 = arith.cmpi slt, %add3A_1346, %lt3A_1347 : i32
      %convert_element_type3A_1349 = arith.extui %lt3A_1348 : i1 to i32
      %cond3A_1350 = arith.constant 0 : i32
      %cond3A_1351 = arith.cmpi ne, %convert_element_type3A_1349, %cond3A_1350 : i32
      scf.if %cond3A_1351 {
        %dma_wait3A_1352 = arith.constant 0 : i32
        %dma_wait3A_1353 = arith.constant 0 : i32
        %dma_wait3A_1354 = arith.constant 0 : i32
        %dma_wait3A_1355 = tpu.memref_slice %arg2[%dma_wait3A_1352, %dma_wait3A_1353, %dma_wait3A_1354] : memref<200x128x128xi32, #tpu.memory_space<hbm>> -> memref<1x4x128xi32, #tpu.memory_space<hbm>>
        %dma_wait3A_1356 = tpu.memref_squeeze %dma_wait3A_1355 : memref<1x4x128xi32, #tpu.memory_space<hbm>> -> memref<4x128xi32, #tpu.memory_space<hbm>>
        %dma_wait3A_1357 = arith.constant 0 : i32
        %dma_wait3A_1358 = arith.constant 0 : i32
        %dma_wait3A_1359 = tpu.memref_slice %arg2[%dma_wait3A_1352, %dma_wait3A_1357, %dma_wait3A_1358] : memref<200x128x128xi32, #tpu.memory_space<hbm>> -> memref<1x4x128xi32, #tpu.memory_space<hbm>>
        %dma_wait3A_1360 = tpu.memref_squeeze %dma_wait3A_1359 : memref<1x4x128xi32, #tpu.memory_space<hbm>> -> memref<4x128xi32, #tpu.memory_space<hbm>>
        tpu.wait_dma2 semaphore(%arg11 : memref<!tpu.dma_semaphore, #tpu.memory_space<semaphore_mem>>) src(%dma_wait3A_1360 : memref<4x128xi32, #tpu.memory_space<hbm>>) dst(%arg5 : memref<4x128xi32, #tpu.memory_space<vmem>>)
        %dma_start3A_1361 = arith.constant 0 : i32
        %dma_start3A_1362 = arith.constant 0 : i32
        %dma_start3A_1363 = arith.constant 0 : i32
        %dma_start3A_1364 = tpu.memref_slice %arg7[%dma_start3A_1362, %dma_start3A_1363] : memref<512x32xf32, #tpu.memory_space<vmem>> -> memref<128x32xf32, #tpu.memory_space<vmem>>
        %dma_start3A_1365 = arith.constant 0 : i32
        %dma_start3A_1366 = tpu.memref_slice %arg5[%dma_start3A_1361, %dma_start3A_1365] : memref<4x128xi32, #tpu.memory_space<vmem>> -> memref<1x128xi32, #tpu.memory_space<vmem>>
        %dma_start3A_1367 = tpu.memref_squeeze %dma_start3A_1366 : memref<1x128xi32, #tpu.memory_space<vmem>> -> memref<128xi32, #tpu.memory_space<vmem>>
        %dma_start3A_1368 = arith.constant 0 : i32
        %dma_start3A_1369 = arith.constant 0 : i32
        %dma_start3A_1370 = tpu.memref_slice %arg3[%dma_start3A_1368, %dma_start3A_1369] : memref<1000000x32xf32, #tpu.memory_space<hbm>> -> memref<1000000x32xf32, #tpu.memory_space<hbm>>
        tpu.enqueue_indirect_dma source(%dma_start3A_1370 : memref<1000000x32xf32, #tpu.memory_space<hbm>>) target(%dma_start3A_1364 : memref<128x32xf32, #tpu.memory_space<vmem>>) offsets(%dma_start3A_1367 : memref<128xi32, #tpu.memory_space<vmem>>) semaphore(%arg13 : memref<!tpu.dma_semaphore, #tpu.memory_space<semaphore_mem>>)
        %dma_start3A_1371 = arith.constant 1 : i32
        %dma_start3A_1372 = arith.constant 128 : i32
        %dma_start3A_1373 = arith.constant 0 : i32
        %dma_start3A_1374 = tpu.memref_slice %arg7[%dma_start3A_1372, %dma_start3A_1373] : memref<512x32xf32, #tpu.memory_space<vmem>> -> memref<128x32xf32, #tpu.memory_space<vmem>>
        %dma_start3A_1375 = arith.constant 0 : i32
        %dma_start3A_1376 = tpu.memref_slice %arg5[%dma_start3A_1371, %dma_start3A_1375] : memref<4x128xi32, #tpu.memory_space<vmem>> -> memref<1x128xi32, #tpu.memory_space<vmem>>
        %dma_start3A_1377 = tpu.memref_squeeze %dma_start3A_1376 : memref<1x128xi32, #tpu.memory_space<vmem>> -> memref<128xi32, #tpu.memory_space<vmem>>
        %dma_start3A_1378 = arith.constant 0 : i32
        %dma_start3A_1379 = arith.constant 0 : i32
        %dma_start3A_1380 = tpu.memref_slice %arg3[%dma_start3A_1378, %dma_start3A_1379] : memref<1000000x32xf32, #tpu.memory_space<hbm>> -> memref<1000000x32xf32, #tpu.memory_space<hbm>>
        tpu.enqueue_indirect_dma source(%dma_start3A_1380 : memref<1000000x32xf32, #tpu.memory_space<hbm>>) target(%dma_start3A_1374 : memref<128x32xf32, #tpu.memory_space<vmem>>) offsets(%dma_start3A_1377 : memref<128xi32, #tpu.memory_space<vmem>>) semaphore(%arg13 : memref<!tpu.dma_semaphore, #tpu.memory_space<semaphore_mem>>)
        %dma_start3A_1381 = arith.constant 2 : i32
        %dma_start3A_1382 = arith.constant 256 : i32
        %dma_start3A_1383 = arith.constant 0 : i32
        %dma_start3A_1384 = tpu.memref_slice %arg7[%dma_start3A_1382, %dma_start3A_1383] : memref<512x32xf32, #tpu.memory_space<vmem>> -> memref<128x32xf32, #tpu.memory_space<vmem>>
        %dma_start3A_1385 = arith.constant 0 : i32
        %dma_start3A_1386 = tpu.memref_slice %arg5[%dma_start3A_1381, %dma_start3A_1385] : memref<4x128xi32, #tpu.memory_space<vmem>> -> memref<1x128xi32, #tpu.memory_space<vmem>>
        %dma_start3A_1387 = tpu.memref_squeeze %dma_start3A_1386 : memref<1x128xi32, #tpu.memory_space<vmem>> -> memref<128xi32, #tpu.memory_space<vmem>>
        %dma_start3A_1388 = arith.constant 0 : i32
        %dma_start3A_1389 = arith.constant 0 : i32
        %dma_start3A_1390 = tpu.memref_slice %arg3[%dma_start3A_1388, %dma_start3A_1389] : memref<1000000x32xf32, #tpu.memory_space<hbm>> -> memref<1000000x32xf32, #tpu.memory_space<hbm>>
        tpu.enqueue_indirect_dma source(%dma_start3A_1390 : memref<1000000x32xf32, #tpu.memory_space<hbm>>) target(%dma_start3A_1384 : memref<128x32xf32, #tpu.memory_space<vmem>>) offsets(%dma_start3A_1387 : memref<128xi32, #tpu.memory_space<vmem>>) semaphore(%arg13 : memref<!tpu.dma_semaphore, #tpu.memory_space<semaphore_mem>>)
        %dma_start3A_1391 = arith.constant 3 : i32
        %dma_start3A_1392 = arith.constant 384 : i32
        %dma_start3A_1393 = arith.constant 0 : i32
        %dma_start3A_1394 = tpu.memref_slice %arg7[%dma_start3A_1392, %dma_start3A_1393] : memref<512x32xf32, #tpu.memory_space<vmem>> -> memref<128x32xf32, #tpu.memory_space<vmem>>
        %dma_start3A_1395 = arith.constant 0 : i32
        %dma_start3A_1396 = tpu.memref_slice %arg5[%dma_start3A_1391, %dma_start3A_1395] : memref<4x128xi32, #tpu.memory_space<vmem>> -> memref<1x128xi32, #tpu.memory_space<vmem>>
        %dma_start3A_1397 = tpu.memref_squeeze %dma_start3A_1396 : memref<1x128xi32, #tpu.memory_space<vmem>> -> memref<128xi32, #tpu.memory_space<vmem>>
        %dma_start3A_1398 = arith.constant 0 : i32
        %dma_start3A_1399 = arith.constant 0 : i32
        %dma_start3A_1400 = tpu.memref_slice %arg3[%dma_start3A_1398, %dma_start3A_1399] : memref<1000000x32xf32, #tpu.memory_space<hbm>> -> memref<1000000x32xf32, #tpu.memory_space<hbm>>
        tpu.enqueue_indirect_dma source(%dma_start3A_1400 : memref<1000000x32xf32, #tpu.memory_space<hbm>>) target(%dma_start3A_1394 : memref<128x32xf32, #tpu.memory_space<vmem>>) offsets(%dma_start3A_1397 : memref<128xi32, #tpu.memory_space<vmem>>) semaphore(%arg13 : memref<!tpu.dma_semaphore, #tpu.memory_space<semaphore_mem>>)
      } else {
      }
    }
    %scan3A_68 = arith.constant 100 : i32
    %dma_wait3A_69 = arith.constant 0 : i32
    %dma_wait3A_70 = arith.constant 0 : i32
    %dma_wait3A_71 = arith.constant 0 : i32
    %dma_wait3A_72 = arith.constant 0 : i32
    %dma_wait3A_73 = arith.constant 0 : i32
    %dma_wait3A_74 = tpu.memref_slice %arg9[%dma_wait3A_72, %dma_wait3A_73] : memref<32x513xf32, #tpu.memory_space<vmem>> -> memref<8x128xf32, #tpu.memory_space<vmem>>
    %dma_wait3A_75 = arith.constant 0 : i32
    %dma_wait3A_76 = arith.constant 0 : i32
    %dma_wait3A_77 = tpu.memref_slice %arg4[%dma_wait3A_69, %dma_wait3A_70, %dma_wait3A_71, %dma_wait3A_75, %dma_wait3A_76] : memref<200x4x128x8x128xf32, #tpu.memory_space<hbm>> -> memref<1x1x1x8x128xf32, #tpu.memory_space<hbm>>
    %dma_wait3A_78 = tpu.memref_squeeze %dma_wait3A_77 : memref<1x1x1x8x128xf32, #tpu.memory_space<hbm>> -> memref<8x128xf32, #tpu.memory_space<hbm>>
    %dma_wait3A_79 = arith.constant 0 : i32
    %dma_wait3A_80 = arith.constant 0 : i32
    %dma_wait3A_81 = tpu.memref_slice %arg4[%dma_wait3A_69, %dma_wait3A_70, %dma_wait3A_71, %dma_wait3A_79, %dma_wait3A_80] : memref<200x4x128x8x128xf32, #tpu.memory_space<hbm>> -> memref<1x1x1x8x128xf32, #tpu.memory_space<hbm>>
    %dma_wait3A_82 = tpu.memref_squeeze %dma_wait3A_81 : memref<1x1x1x8x128xf32, #tpu.memory_space<hbm>> -> memref<8x128xf32, #tpu.memory_space<hbm>>
    %dma_wait3A_83 = arith.constant 0 : i32
    %dma_wait3A_84 = arith.constant 0 : i32
    %dma_wait3A_85 = tpu.memref_slice %arg9[%dma_wait3A_83, %dma_wait3A_84] : memref<32x513xf32, #tpu.memory_space<vmem>> -> memref<8x128xf32, #tpu.memory_space<vmem>>
    tpu.wait_dma2 semaphore(%arg15 : memref<!tpu.dma_semaphore, #tpu.memory_space<semaphore_mem>>) src(%dma_wait3A_85 : memref<8x128xf32, #tpu.memory_space<vmem>>) dst(%dma_wait3A_82 : memref<8x128xf32, #tpu.memory_space<hbm>>)
    %dma_wait3A_86 = arith.constant 0 : i32
    %dma_wait3A_87 = arith.constant 0 : i32
    %dma_wait3A_88 = arith.constant 0 : i32
    %dma_wait3A_89 = arith.constant 0 : i32
    %dma_wait3A_90 = arith.constant 0 : i32
    %dma_wait3A_91 = tpu.memref_slice %arg9[%dma_wait3A_89, %dma_wait3A_90] : memref<32x513xf32, #tpu.memory_space<vmem>> -> memref<8x128xf32, #tpu.memory_space<vmem>>
    %dma_wait3A_92 = arith.constant 0 : i32
    %dma_wait3A_93 = arith.constant 0 : i32
    %dma_wait3A_94 = tpu.memref_slice %arg4[%dma_wait3A_86, %dma_wait3A_87, %dma_wait3A_88, %dma_wait3A_92, %dma_wait3A_93] : memref<200x4x128x8x128xf32, #tpu.memory_space<hbm>> -> memref<1x1x1x8x128xf32, #tpu.memory_space<hbm>>
    %dma_wait3A_95 = tpu.memref_squeeze %dma_wait3A_94 : memref<1x1x1x8x128xf32, #tpu.memory_space<hbm>> -> memref<8x128xf32, #tpu.memory_space<hbm>>
    %dma_wait3A_96 = arith.constant 0 : i32
    %dma_wait3A_97 = arith.constant 0 : i32
    %dma_wait3A_98 = tpu.memref_slice %arg4[%dma_wait3A_86, %dma_wait3A_87, %dma_wait3A_88, %dma_wait3A_96, %dma_wait3A_97] : memref<200x4x128x8x128xf32, #tpu.memory_space<hbm>> -> memref<1x1x1x8x128xf32, #tpu.memory_space<hbm>>
    %dma_wait3A_99 = tpu.memref_squeeze %dma_wait3A_98 : memref<1x1x1x8x128xf32, #tpu.memory_space<hbm>> -> memref<8x128xf32, #tpu.memory_space<hbm>>
    %dma_wait3A_100 = arith.constant 0 : i32
    %dma_wait3A_101 = arith.constant 0 : i32
    %dma_wait3A_102 = tpu.memref_slice %arg9[%dma_wait3A_100, %dma_wait3A_101] : memref<32x513xf32, #tpu.memory_space<vmem>> -> memref<8x128xf32, #tpu.memory_space<vmem>>
    tpu.wait_dma2 semaphore(%arg15 : memref<!tpu.dma_semaphore, #tpu.memory_space<semaphore_mem>>) src(%dma_wait3A_102 : memref<8x128xf32, #tpu.memory_space<vmem>>) dst(%dma_wait3A_99 : memref<8x128xf32, #tpu.memory_space<hbm>>)
    %dma_wait3A_103 = arith.constant 0 : i32
    %dma_wait3A_104 = arith.constant 0 : i32
    %dma_wait3A_105 = arith.constant 0 : i32
    %dma_wait3A_106 = arith.constant 0 : i32
    %dma_wait3A_107 = arith.constant 0 : i32
    %dma_wait3A_108 = tpu.memref_slice %arg9[%dma_wait3A_106, %dma_wait3A_107] : memref<32x513xf32, #tpu.memory_space<vmem>> -> memref<8x128xf32, #tpu.memory_space<vmem>>
    %dma_wait3A_109 = arith.constant 0 : i32
    %dma_wait3A_110 = arith.constant 0 : i32
    %dma_wait3A_111 = tpu.memref_slice %arg4[%dma_wait3A_103, %dma_wait3A_104, %dma_wait3A_105, %dma_wait3A_109, %dma_wait3A_110] : memref<200x4x128x8x128xf32, #tpu.memory_space<hbm>> -> memref<1x1x1x8x128xf32, #tpu.memory_space<hbm>>
    %dma_wait3A_112 = tpu.memref_squeeze %dma_wait3A_111 : memref<1x1x1x8x128xf32, #tpu.memory_space<hbm>> -> memref<8x128xf32, #tpu.memory_space<hbm>>
    %dma_wait3A_113 = arith.constant 0 : i32
    %dma_wait3A_114 = arith.constant 0 : i32
    %dma_wait3A_115 = tpu.memref_slice %arg4[%dma_wait3A_103, %dma_wait3A_104, %dma_wait3A_105, %dma_wait3A_113, %dma_wait3A_114] : memref<200x4x128x8x128xf32, #tpu.memory_space<hbm>> -> memref<1x1x1x8x128xf32, #tpu.memory_space<hbm>>
    %dma_wait3A_116 = tpu.memref_squeeze %dma_wait3A_115 : memref<1x1x1x8x128xf32, #tpu.memory_space<hbm>> -> memref<8x128xf32, #tpu.memory_space<hbm>>
    %dma_wait3A_117 = arith.constant 0 : i32
    %dma_wait3A_118 = arith.constant 0 : i32
    %dma_wait3A_119 = tpu.memref_slice %arg9[%dma_wait3A_117, %dma_wait3A_118] : memref<32x513xf32, #tpu.memory_space<vmem>> -> memref<8x128xf32, #tpu.memory_space<vmem>>
    tpu.wait_dma2 semaphore(%arg15 : memref<!tpu.dma_semaphore, #tpu.memory_space<semaphore_mem>>) src(%dma_wait3A_119 : memref<8x128xf32, #tpu.memory_space<vmem>>) dst(%dma_wait3A_116 : memref<8x128xf32, #tpu.memory_space<hbm>>)
    %dma_wait3A_120 = arith.constant 0 : i32
    %dma_wait3A_121 = arith.constant 0 : i32
    %dma_wait3A_122 = arith.constant 0 : i32
    %dma_wait3A_123 = arith.constant 0 : i32
    %dma_wait3A_124 = arith.constant 0 : i32
    %dma_wait3A_125 = tpu.memref_slice %arg9[%dma_wait3A_123, %dma_wait3A_124] : memref<32x513xf32, #tpu.memory_space<vmem>> -> memref<8x128xf32, #tpu.memory_space<vmem>>
    %dma_wait3A_126 = arith.constant 0 : i32
    %dma_wait3A_127 = arith.constant 0 : i32
    %dma_wait3A_128 = tpu.memref_slice %arg4[%dma_wait3A_120, %dma_wait3A_121, %dma_wait3A_122, %dma_wait3A_126, %dma_wait3A_127] : memref<200x4x128x8x128xf32, #tpu.memory_space<hbm>> -> memref<1x1x1x8x128xf32, #tpu.memory_space<hbm>>
    %dma_wait3A_129 = tpu.memref_squeeze %dma_wait3A_128 : memref<1x1x1x8x128xf32, #tpu.memory_space<hbm>> -> memref<8x128xf32, #tpu.memory_space<hbm>>
    %dma_wait3A_130 = arith.constant 0 : i32
    %dma_wait3A_131 = arith.constant 0 : i32
    %dma_wait3A_132 = tpu.memref_slice %arg4[%dma_wait3A_120, %dma_wait3A_121, %dma_wait3A_122, %dma_wait3A_130, %dma_wait3A_131] : memref<200x4x128x8x128xf32, #tpu.memory_space<hbm>> -> memref<1x1x1x8x128xf32, #tpu.memory_space<hbm>>
    %dma_wait3A_133 = tpu.memref_squeeze %dma_wait3A_132 : memref<1x1x1x8x128xf32, #tpu.memory_space<hbm>> -> memref<8x128xf32, #tpu.memory_space<hbm>>
    %dma_wait3A_134 = arith.constant 0 : i32
    %dma_wait3A_135 = arith.constant 0 : i32
    %dma_wait3A_136 = tpu.memref_slice %arg9[%dma_wait3A_134, %dma_wait3A_135] : memref<32x513xf32, #tpu.memory_space<vmem>> -> memref<8x128xf32, #tpu.memory_space<vmem>>
    tpu.wait_dma2 semaphore(%arg15 : memref<!tpu.dma_semaphore, #tpu.memory_space<semaphore_mem>>) src(%dma_wait3A_136 : memref<8x128xf32, #tpu.memory_space<vmem>>) dst(%dma_wait3A_133 : memref<8x128xf32, #tpu.memory_space<hbm>>)
    %dma_wait3A_137 = arith.constant 0 : i32
    %dma_wait3A_138 = arith.constant 0 : i32
    %dma_wait3A_139 = arith.constant 0 : i32
    %dma_wait3A_140 = arith.constant 0 : i32
    %dma_wait3A_141 = arith.constant 0 : i32
    %dma_wait3A_142 = tpu.memref_slice %arg9[%dma_wait3A_140, %dma_wait3A_141] : memref<32x513xf32, #tpu.memory_space<vmem>> -> memref<8x128xf32, #tpu.memory_space<vmem>>
    %dma_wait3A_143 = arith.constant 0 : i32
    %dma_wait3A_144 = arith.constant 0 : i32
    %dma_wait3A_145 = tpu.memref_slice %arg4[%dma_wait3A_137, %dma_wait3A_138, %dma_wait3A_139, %dma_wait3A_143, %dma_wait3A_144] : memref<200x4x128x8x128xf32, #tpu.memory_space<hbm>> -> memref<1x1x1x8x128xf32, #tpu.memory_space<hbm>>
    %dma_wait3A_146 = tpu.memref_squeeze %dma_wait3A_145 : memref<1x1x1x8x128xf32, #tpu.memory_space<hbm>> -> memref<8x128xf32, #tpu.memory_space<hbm>>
    %dma_wait3A_147 = arith.constant 0 : i32
    %dma_wait3A_148 = arith.constant 0 : i32
    %dma_wait3A_149 = tpu.memref_slice %arg4[%dma_wait3A_137, %dma_wait3A_138, %dma_wait3A_139, %dma_wait3A_147, %dma_wait3A_148] : memref<200x4x128x8x128xf32, #tpu.memory_space<hbm>> -> memref<1x1x1x8x128xf32, #tpu.memory_space<hbm>>
    %dma_wait3A_150 = tpu.memref_squeeze %dma_wait3A_149 : memref<1x1x1x8x128xf32, #tpu.memory_space<hbm>> -> memref<8x128xf32, #tpu.memory_space<hbm>>
    %dma_wait3A_151 = arith.constant 0 : i32
    %dma_wait3A_152 = arith.constant 0 : i32
    %dma_wait3A_153 = tpu.memref_slice %arg9[%dma_wait3A_151, %dma_wait3A_152] : memref<32x513xf32, #tpu.memory_space<vmem>> -> memref<8x128xf32, #tpu.memory_space<vmem>>
    tpu.wait_dma2 semaphore(%arg15 : memref<!tpu.dma_semaphore, #tpu.memory_space<semaphore_mem>>) src(%dma_wait3A_153 : memref<8x128xf32, #tpu.memory_space<vmem>>) dst(%dma_wait3A_150 : memref<8x128xf32, #tpu.memory_space<hbm>>)
    %dma_wait3A_154 = arith.constant 0 : i32
    %dma_wait3A_155 = arith.constant 0 : i32
    %dma_wait3A_156 = arith.constant 0 : i32
    %dma_wait3A_157 = arith.constant 0 : i32
    %dma_wait3A_158 = arith.constant 0 : i32
    %dma_wait3A_159 = tpu.memref_slice %arg9[%dma_wait3A_157, %dma_wait3A_158] : memref<32x513xf32, #tpu.memory_space<vmem>> -> memref<8x128xf32, #tpu.memory_space<vmem>>
    %dma_wait3A_160 = arith.constant 0 : i32
    %dma_wait3A_161 = arith.constant 0 : i32
    %dma_wait3A_162 = tpu.memref_slice %arg4[%dma_wait3A_154, %dma_wait3A_155, %dma_wait3A_156, %dma_wait3A_160, %dma_wait3A_161] : memref<200x4x128x8x128xf32, #tpu.memory_space<hbm>> -> memref<1x1x1x8x128xf32, #tpu.memory_space<hbm>>
    %dma_wait3A_163 = tpu.memref_squeeze %dma_wait3A_162 : memref<1x1x1x8x128xf32, #tpu.memory_space<hbm>> -> memref<8x128xf32, #tpu.memory_space<hbm>>
    %dma_wait3A_164 = arith.constant 0 : i32
    %dma_wait3A_165 = arith.constant 0 : i32
    %dma_wait3A_166 = tpu.memref_slice %arg4[%dma_wait3A_154, %dma_wait3A_155, %dma_wait3A_156, %dma_wait3A_164, %dma_wait3A_165] : memref<200x4x128x8x128xf32, #tpu.memory_space<hbm>> -> memref<1x1x1x8x128xf32, #tpu.memory_space<hbm>>
    %dma_wait3A_167 = tpu.memref_squeeze %dma_wait3A_166 : memref<1x1x1x8x128xf32, #tpu.memory_space<hbm>> -> memref<8x128xf32, #tpu.memory_space<hbm>>
    %dma_wait3A_168 = arith.constant 0 : i32
    %dma_wait3A_169 = arith.constant 0 : i32
    %dma_wait3A_170 = tpu.memref_slice %arg9[%dma_wait3A_168, %dma_wait3A_169] : memref<32x513xf32, #tpu.memory_space<vmem>> -> memref<8x128xf32, #tpu.memory_space<vmem>>
    tpu.wait_dma2 semaphore(%arg15 : memref<!tpu.dma_semaphore, #tpu.memory_space<semaphore_mem>>) src(%dma_wait3A_170 : memref<8x128xf32, #tpu.memory_space<vmem>>) dst(%dma_wait3A_167 : memref<8x128xf32, #tpu.memory_space<hbm>>)
    %dma_wait3A_171 = arith.constant 0 : i32
    %dma_wait3A_172 = arith.constant 0 : i32
    %dma_wait3A_173 = arith.constant 0 : i32
    %dma_wait3A_174 = arith.constant 0 : i32
    %dma_wait3A_175 = arith.constant 0 : i32
    %dma_wait3A_176 = tpu.memref_slice %arg9[%dma_wait3A_174, %dma_wait3A_175] : memref<32x513xf32, #tpu.memory_space<vmem>> -> memref<8x128xf32, #tpu.memory_space<vmem>>
    %dma_wait3A_177 = arith.constant 0 : i32
    %dma_wait3A_178 = arith.constant 0 : i32
    %dma_wait3A_179 = tpu.memref_slice %arg4[%dma_wait3A_171, %dma_wait3A_172, %dma_wait3A_173, %dma_wait3A_177, %dma_wait3A_178] : memref<200x4x128x8x128xf32, #tpu.memory_space<hbm>> -> memref<1x1x1x8x128xf32, #tpu.memory_space<hbm>>
    %dma_wait3A_180 = tpu.memref_squeeze %dma_wait3A_179 : memref<1x1x1x8x128xf32, #tpu.memory_space<hbm>> -> memref<8x128xf32, #tpu.memory_space<hbm>>
    %dma_wait3A_181 = arith.constant 0 : i32
    %dma_wait3A_182 = arith.constant 0 : i32
    %dma_wait3A_183 = tpu.memref_slice %arg4[%dma_wait3A_171, %dma_wait3A_172, %dma_wait3A_173, %dma_wait3A_181, %dma_wait3A_182] : memref<200x4x128x8x128xf32, #tpu.memory_space<hbm>> -> memref<1x1x1x8x128xf32, #tpu.memory_space<hbm>>
    %dma_wait3A_184 = tpu.memref_squeeze %dma_wait3A_183 : memref<1x1x1x8x128xf32, #tpu.memory_space<hbm>> -> memref<8x128xf32, #tpu.memory_space<hbm>>
    %dma_wait3A_185 = arith.constant 0 : i32
    %dma_wait3A_186 = arith.constant 0 : i32
    %dma_wait3A_187 = tpu.memref_slice %arg9[%dma_wait3A_185, %dma_wait3A_186] : memref<32x513xf32, #tpu.memory_space<vmem>> -> memref<8x128xf32, #tpu.memory_space<vmem>>
    tpu.wait_dma2 semaphore(%arg15 : memref<!tpu.dma_semaphore, #tpu.memory_space<semaphore_mem>>) src(%dma_wait3A_187 : memref<8x128xf32, #tpu.memory_space<vmem>>) dst(%dma_wait3A_184 : memref<8x128xf32, #tpu.memory_space<hbm>>)
    %dma_wait3A_188 = arith.constant 0 : i32
    %dma_wait3A_189 = arith.constant 0 : i32
    %dma_wait3A_190 = arith.constant 0 : i32
    %dma_wait3A_191 = arith.constant 0 : i32
    %dma_wait3A_192 = arith.constant 0 : i32
    %dma_wait3A_193 = tpu.memref_slice %arg9[%dma_wait3A_191, %dma_wait3A_192] : memref<32x513xf32, #tpu.memory_space<vmem>> -> memref<8x128xf32, #tpu.memory_space<vmem>>
    %dma_wait3A_194 = arith.constant 0 : i32
    %dma_wait3A_195 = arith.constant 0 : i32
    %dma_wait3A_196 = tpu.memref_slice %arg4[%dma_wait3A_188, %dma_wait3A_189, %dma_wait3A_190, %dma_wait3A_194, %dma_wait3A_195] : memref<200x4x128x8x128xf32, #tpu.memory_space<hbm>> -> memref<1x1x1x8x128xf32, #tpu.memory_space<hbm>>
    %dma_wait3A_197 = tpu.memref_squeeze %dma_wait3A_196 : memref<1x1x1x8x128xf32, #tpu.memory_space<hbm>> -> memref<8x128xf32, #tpu.memory_space<hbm>>
    %dma_wait3A_198 = arith.constant 0 : i32
    %dma_wait3A_199 = arith.constant 0 : i32
    %dma_wait3A_200 = tpu.memref_slice %arg4[%dma_wait3A_188, %dma_wait3A_189, %dma_wait3A_190, %dma_wait3A_198, %dma_wait3A_199] : memref<200x4x128x8x128xf32, #tpu.memory_space<hbm>> -> memref<1x1x1x8x128xf32, #tpu.memory_space<hbm>>
    %dma_wait3A_201 = tpu.memref_squeeze %dma_wait3A_200 : memref<1x1x1x8x128xf32, #tpu.memory_space<hbm>> -> memref<8x128xf32, #tpu.memory_space<hbm>>
    %dma_wait3A_202 = arith.constant 0 : i32
    %dma_wait3A_203 = arith.constant 0 : i32
    %dma_wait3A_204 = tpu.memref_slice %arg9[%dma_wait3A_202, %dma_wait3A_203] : memref<32x513xf32, #tpu.memory_space<vmem>> -> memref<8x128xf32, #tpu.memory_space<vmem>>
    tpu.wait_dma2 semaphore(%arg15 : memref<!tpu.dma_semaphore, #tpu.memory_space<semaphore_mem>>) src(%dma_wait3A_204 : memref<8x128xf32, #tpu.memory_space<vmem>>) dst(%dma_wait3A_201 : memref<8x128xf32, #tpu.memory_space<hbm>>)
    %dma_wait3A_205 = arith.constant 0 : i32
    %dma_wait3A_206 = arith.constant 0 : i32
    %dma_wait3A_207 = arith.constant 0 : i32
    %dma_wait3A_208 = arith.constant 0 : i32
    %dma_wait3A_209 = arith.constant 0 : i32
    %dma_wait3A_210 = tpu.memref_slice %arg9[%dma_wait3A_208, %dma_wait3A_209] : memref<32x513xf32, #tpu.memory_space<vmem>> -> memref<8x128xf32, #tpu.memory_space<vmem>>
    %dma_wait3A_211 = arith.constant 0 : i32
    %dma_wait3A_212 = arith.constant 0 : i32
    %dma_wait3A_213 = tpu.memref_slice %arg4[%dma_wait3A_205, %dma_wait3A_206, %dma_wait3A_207, %dma_wait3A_211, %dma_wait3A_212] : memref<200x4x128x8x128xf32, #tpu.memory_space<hbm>> -> memref<1x1x1x8x128xf32, #tpu.memory_space<hbm>>
    %dma_wait3A_214 = tpu.memref_squeeze %dma_wait3A_213 : memref<1x1x1x8x128xf32, #tpu.memory_space<hbm>> -> memref<8x128xf32, #tpu.memory_space<hbm>>
    %dma_wait3A_215 = arith.constant 0 : i32
    %dma_wait3A_216 = arith.constant 0 : i32
    %dma_wait3A_217 = tpu.memref_slice %arg4[%dma_wait3A_205, %dma_wait3A_206, %dma_wait3A_207, %dma_wait3A_215, %dma_wait3A_216] : memref<200x4x128x8x128xf32, #tpu.memory_space<hbm>> -> memref<1x1x1x8x128xf32, #tpu.memory_space<hbm>>
    %dma_wait3A_218 = tpu.memref_squeeze %dma_wait3A_217 : memref<1x1x1x8x128xf32, #tpu.memory_space<hbm>> -> memref<8x128xf32, #tpu.memory_space<hbm>>
    %dma_wait3A_219 = arith.constant 0 : i32
    %dma_wait3A_220 = arith.constant 0 : i32
    %dma_wait3A_221 = tpu.memref_slice %arg9[%dma_wait3A_219, %dma_wait3A_220] : memref<32x513xf32, #tpu.memory_space<vmem>> -> memref<8x128xf32, #tpu.memory_space<vmem>>
    tpu.wait_dma2 semaphore(%arg15 : memref<!tpu.dma_semaphore, #tpu.memory_space<semaphore_mem>>) src(%dma_wait3A_221 : memref<8x128xf32, #tpu.memory_space<vmem>>) dst(%dma_wait3A_218 : memref<8x128xf32, #tpu.memory_space<hbm>>)
    %dma_wait3A_222 = arith.constant 0 : i32
    %dma_wait3A_223 = arith.constant 0 : i32
    %dma_wait3A_224 = arith.constant 0 : i32
    %dma_wait3A_225 = arith.constant 0 : i32
    %dma_wait3A_226 = arith.constant 0 : i32
    %dma_wait3A_227 = tpu.memref_slice %arg9[%dma_wait3A_225, %dma_wait3A_226] : memref<32x513xf32, #tpu.memory_space<vmem>> -> memref<8x128xf32, #tpu.memory_space<vmem>>
    %dma_wait3A_228 = arith.constant 0 : i32
    %dma_wait3A_229 = arith.constant 0 : i32
    %dma_wait3A_230 = tpu.memref_slice %arg4[%dma_wait3A_222, %dma_wait3A_223, %dma_wait3A_224, %dma_wait3A_228, %dma_wait3A_229] : memref<200x4x128x8x128xf32, #tpu.memory_space<hbm>> -> memref<1x1x1x8x128xf32, #tpu.memory_space<hbm>>
    %dma_wait3A_231 = tpu.memref_squeeze %dma_wait3A_230 : memref<1x1x1x8x128xf32, #tpu.memory_space<hbm>> -> memref<8x128xf32, #tpu.memory_space<hbm>>
    %dma_wait3A_232 = arith.constant 0 : i32
    %dma_wait3A_233 = arith.constant 0 : i32
    %dma_wait3A_234 = tpu.memref_slice %arg4[%dma_wait3A_222, %dma_wait3A_223, %dma_wait3A_224, %dma_wait3A_232, %dma_wait3A_233] : memref<200x4x128x8x128xf32, #tpu.memory_space<hbm>> -> memref<1x1x1x8x128xf32, #tpu.memory_space<hbm>>
    %dma_wait3A_235 = tpu.memref_squeeze %dma_wait3A_234 : memref<1x1x1x8x128xf32, #tpu.memory_space<hbm>> -> memref<8x128xf32, #tpu.memory_space<hbm>>
    %dma_wait3A_236 = arith.constant 0 : i32
    %dma_wait3A_237 = arith.constant 0 : i32
    %dma_wait3A_238 = tpu.memref_slice %arg9[%dma_wait3A_236, %dma_wait3A_237] : memref<32x513xf32, #tpu.memory_space<vmem>> -> memref<8x128xf32, #tpu.memory_space<vmem>>
    tpu.wait_dma2 semaphore(%arg15 : memref<!tpu.dma_semaphore, #tpu.memory_space<semaphore_mem>>) src(%dma_wait3A_238 : memref<8x128xf32, #tpu.memory_space<vmem>>) dst(%dma_wait3A_235 : memref<8x128xf32, #tpu.memory_space<hbm>>)
    %dma_wait3A_239 = arith.constant 0 : i32
    %dma_wait3A_240 = arith.constant 0 : i32
    %dma_wait3A_241 = arith.constant 0 : i32
    %dma_wait3A_242 = arith.constant 0 : i32
    %dma_wait3A_243 = arith.constant 0 : i32
    %dma_wait3A_244 = tpu.memref_slice %arg9[%dma_wait3A_242, %dma_wait3A_243] : memref<32x513xf32, #tpu.memory_space<vmem>> -> memref<8x128xf32, #tpu.memory_space<vmem>>
    %dma_wait3A_245 = arith.constant 0 : i32
    %dma_wait3A_246 = arith.constant 0 : i32
    %dma_wait3A_247 = tpu.memref_slice %arg4[%dma_wait3A_239, %dma_wait3A_240, %dma_wait3A_241, %dma_wait3A_245, %dma_wait3A_246] : memref<200x4x128x8x128xf32, #tpu.memory_space<hbm>> -> memref<1x1x1x8x128xf32, #tpu.memory_space<hbm>>
    %dma_wait3A_248 = tpu.memref_squeeze %dma_wait3A_247 : memref<1x1x1x8x128xf32, #tpu.memory_space<hbm>> -> memref<8x128xf32, #tpu.memory_space<hbm>>
    %dma_wait3A_249 = arith.constant 0 : i32
    %dma_wait3A_250 = arith.constant 0 : i32
    %dma_wait3A_251 = tpu.memref_slice %arg4[%dma_wait3A_239, %dma_wait3A_240, %dma_wait3A_241, %dma_wait3A_249, %dma_wait3A_250] : memref<200x4x128x8x128xf32, #tpu.memory_space<hbm>> -> memref<1x1x1x8x128xf32, #tpu.memory_space<hbm>>
    %dma_wait3A_252 = tpu.memref_squeeze %dma_wait3A_251 : memref<1x1x1x8x128xf32, #tpu.memory_space<hbm>> -> memref<8x128xf32, #tpu.memory_space<hbm>>
    %dma_wait3A_253 = arith.constant 0 : i32
    %dma_wait3A_254 = arith.constant 0 : i32
    %dma_wait3A_255 = tpu.memref_slice %arg9[%dma_wait3A_253, %dma_wait3A_254] : memref<32x513xf32, #tpu.memory_space<vmem>> -> memref<8x128xf32, #tpu.memory_space<vmem>>
    tpu.wait_dma2 semaphore(%arg15 : memref<!tpu.dma_semaphore, #tpu.memory_space<semaphore_mem>>) src(%dma_wait3A_255 : memref<8x128xf32, #tpu.memory_space<vmem>>) dst(%dma_wait3A_252 : memref<8x128xf32, #tpu.memory_space<hbm>>)
    %dma_wait3A_256 = arith.constant 0 : i32
    %dma_wait3A_257 = arith.constant 0 : i32
    %dma_wait3A_258 = arith.constant 0 : i32
    %dma_wait3A_259 = arith.constant 0 : i32
    %dma_wait3A_260 = arith.constant 0 : i32
    %dma_wait3A_261 = tpu.memref_slice %arg9[%dma_wait3A_259, %dma_wait3A_260] : memref<32x513xf32, #tpu.memory_space<vmem>> -> memref<8x128xf32, #tpu.memory_space<vmem>>
    %dma_wait3A_262 = arith.constant 0 : i32
    %dma_wait3A_263 = arith.constant 0 : i32
    %dma_wait3A_264 = tpu.memref_slice %arg4[%dma_wait3A_256, %dma_wait3A_257, %dma_wait3A_258, %dma_wait3A_262, %dma_wait3A_263] : memref<200x4x128x8x128xf32, #tpu.memory_space<hbm>> -> memref<1x1x1x8x128xf32, #tpu.memory_space<hbm>>
    %dma_wait3A_265 = tpu.memref_squeeze %dma_wait3A_264 : memref<1x1x1x8x128xf32, #tpu.memory_space<hbm>> -> memref<8x128xf32, #tpu.memory_space<hbm>>
    %dma_wait3A_266 = arith.constant 0 : i32
    %dma_wait3A_267 = arith.constant 0 : i32
    %dma_wait3A_268 = tpu.memref_slice %arg4[%dma_wait3A_256, %dma_wait3A_257, %dma_wait3A_258, %dma_wait3A_266, %dma_wait3A_267] : memref<200x4x128x8x128xf32, #tpu.memory_space<hbm>> -> memref<1x1x1x8x128xf32, #tpu.memory_space<hbm>>
    %dma_wait3A_269 = tpu.memref_squeeze %dma_wait3A_268 : memref<1x1x1x8x128xf32, #tpu.memory_space<hbm>> -> memref<8x128xf32, #tpu.memory_space<hbm>>
    %dma_wait3A_270 = arith.constant 0 : i32
    %dma_wait3A_271 = arith.constant 0 : i32
    %dma_wait3A_272 = tpu.memref_slice %arg9[%dma_wait3A_270, %dma_wait3A_271] : memref<32x513xf32, #tpu.memory_space<vmem>> -> memref<8x128xf32, #tpu.memory_space<vmem>>
    tpu.wait_dma2 semaphore(%arg15 : memref<!tpu.dma_semaphore, #tpu.memory_space<semaphore_mem>>) src(%dma_wait3A_272 : memref<8x128xf32, #tpu.memory_space<vmem>>) dst(%dma_wait3A_269 : memref<8x128xf32, #tpu.memory_space<hbm>>)
    %dma_wait3A_273 = arith.constant 0 : i32
    %dma_wait3A_274 = arith.constant 0 : i32
    %dma_wait3A_275 = arith.constant 0 : i32
    %dma_wait3A_276 = arith.constant 0 : i32
    %dma_wait3A_277 = arith.constant 0 : i32
    %dma_wait3A_278 = tpu.memref_slice %arg9[%dma_wait3A_276, %dma_wait3A_277] : memref<32x513xf32, #tpu.memory_space<vmem>> -> memref<8x128xf32, #tpu.memory_space<vmem>>
    %dma_wait3A_279 = arith.constant 0 : i32
    %dma_wait3A_280 = arith.constant 0 : i32
    %dma_wait3A_281 = tpu.memref_slice %arg4[%dma_wait3A_273, %dma_wait3A_274, %dma_wait3A_275, %dma_wait3A_279, %dma_wait3A_280] : memref<200x4x128x8x128xf32, #tpu.memory_space<hbm>> -> memref<1x1x1x8x128xf32, #tpu.memory_space<hbm>>
    %dma_wait3A_282 = tpu.memref_squeeze %dma_wait3A_281 : memref<1x1x1x8x128xf32, #tpu.memory_space<hbm>> -> memref<8x128xf32, #tpu.memory_space<hbm>>
    %dma_wait3A_283 = arith.constant 0 : i32
    %dma_wait3A_284 = arith.constant 0 : i32
    %dma_wait3A_285 = tpu.memref_slice %arg4[%dma_wait3A_273, %dma_wait3A_274, %dma_wait3A_275, %dma_wait3A_283, %dma_wait3A_284] : memref<200x4x128x8x128xf32, #tpu.memory_space<hbm>> -> memref<1x1x1x8x128xf32, #tpu.memory_space<hbm>>
    %dma_wait3A_286 = tpu.memref_squeeze %dma_wait3A_285 : memref<1x1x1x8x128xf32, #tpu.memory_space<hbm>> -> memref<8x128xf32, #tpu.memory_space<hbm>>
    %dma_wait3A_287 = arith.constant 0 : i32
    %dma_wait3A_288 = arith.constant 0 : i32
    %dma_wait3A_289 = tpu.memref_slice %arg9[%dma_wait3A_287, %dma_wait3A_288] : memref<32x513xf32, #tpu.memory_space<vmem>> -> memref<8x128xf32, #tpu.memory_space<vmem>>
    tpu.wait_dma2 semaphore(%arg15 : memref<!tpu.dma_semaphore, #tpu.memory_space<semaphore_mem>>) src(%dma_wait3A_289 : memref<8x128xf32, #tpu.memory_space<vmem>>) dst(%dma_wait3A_286 : memref<8x128xf32, #tpu.memory_space<hbm>>)
    %dma_wait3A_290 = arith.constant 0 : i32
    %dma_wait3A_291 = arith.constant 0 : i32
    %dma_wait3A_292 = arith.constant 0 : i32
    %dma_wait3A_293 = arith.constant 0 : i32
    %dma_wait3A_294 = arith.constant 0 : i32
    %dma_wait3A_295 = tpu.memref_slice %arg9[%dma_wait3A_293, %dma_wait3A_294] : memref<32x513xf32, #tpu.memory_space<vmem>> -> memref<8x128xf32, #tpu.memory_space<vmem>>
    %dma_wait3A_296 = arith.constant 0 : i32
    %dma_wait3A_297 = arith.constant 0 : i32
    %dma_wait3A_298 = tpu.memref_slice %arg4[%dma_wait3A_290, %dma_wait3A_291, %dma_wait3A_292, %dma_wait3A_296, %dma_wait3A_297] : memref<200x4x128x8x128xf32, #tpu.memory_space<hbm>> -> memref<1x1x1x8x128xf32, #tpu.memory_space<hbm>>
    %dma_wait3A_299 = tpu.memref_squeeze %dma_wait3A_298 : memref<1x1x1x8x128xf32, #tpu.memory_space<hbm>> -> memref<8x128xf32, #tpu.memory_space<hbm>>
    %dma_wait3A_300 = arith.constant 0 : i32
    %dma_wait3A_301 = arith.constant 0 : i32
    %dma_wait3A_302 = tpu.memref_slice %arg4[%dma_wait3A_290, %dma_wait3A_291, %dma_wait3A_292, %dma_wait3A_300, %dma_wait3A_301] : memref<200x4x128x8x128xf32, #tpu.memory_space<hbm>> -> memref<1x1x1x8x128xf32, #tpu.memory_space<hbm>>
    %dma_wait3A_303 = tpu.memref_squeeze %dma_wait3A_302 : memref<1x1x1x8x128xf32, #tpu.memory_space<hbm>> -> memref<8x128xf32, #tpu.memory_space<hbm>>
    %dma_wait3A_304 = arith.constant 0 : i32
    %dma_wait3A_305 = arith.constant 0 : i32
    %dma_wait3A_306 = tpu.memref_slice %arg9[%dma_wait3A_304, %dma_wait3A_305] : memref<32x513xf32, #tpu.memory_space<vmem>> -> memref<8x128xf32, #tpu.memory_space<vmem>>
    tpu.wait_dma2 semaphore(%arg15 : memref<!tpu.dma_semaphore, #tpu.memory_space<semaphore_mem>>) src(%dma_wait3A_306 : memref<8x128xf32, #tpu.memory_space<vmem>>) dst(%dma_wait3A_303 : memref<8x128xf32, #tpu.memory_space<hbm>>)
    %dma_wait3A_307 = arith.constant 0 : i32
    %dma_wait3A_308 = arith.constant 0 : i32
    %dma_wait3A_309 = arith.constant 0 : i32
    %dma_wait3A_310 = arith.constant 0 : i32
    %dma_wait3A_311 = arith.constant 0 : i32
    %dma_wait3A_312 = tpu.memref_slice %arg9[%dma_wait3A_310, %dma_wait3A_311] : memref<32x513xf32, #tpu.memory_space<vmem>> -> memref<8x128xf32, #tpu.memory_space<vmem>>
    %dma_wait3A_313 = arith.constant 0 : i32
    %dma_wait3A_314 = arith.constant 0 : i32
    %dma_wait3A_315 = tpu.memref_slice %arg4[%dma_wait3A_307, %dma_wait3A_308, %dma_wait3A_309, %dma_wait3A_313, %dma_wait3A_314] : memref<200x4x128x8x128xf32, #tpu.memory_space<hbm>> -> memref<1x1x1x8x128xf32, #tpu.memory_space<hbm>>
    %dma_wait3A_316 = tpu.memref_squeeze %dma_wait3A_315 : memref<1x1x1x8x128xf32, #tpu.memory_space<hbm>> -> memref<8x128xf32, #tpu.memory_space<hbm>>
    %dma_wait3A_317 = arith.constant 0 : i32
    %dma_wait3A_318 = arith.constant 0 : i32
    %dma_wait3A_319 = tpu.memref_slice %arg4[%dma_wait3A_307, %dma_wait3A_308, %dma_wait3A_309, %dma_wait3A_317, %dma_wait3A_318] : memref<200x4x128x8x128xf32, #tpu.memory_space<hbm>> -> memref<1x1x1x8x128xf32, #tpu.memory_space<hbm>>
    %dma_wait3A_320 = tpu.memref_squeeze %dma_wait3A_319 : memref<1x1x1x8x128xf32, #tpu.memory_space<hbm>> -> memref<8x128xf32, #tpu.memory_space<hbm>>
    %dma_wait3A_321 = arith.constant 0 : i32
    %dma_wait3A_322 = arith.constant 0 : i32
    %dma_wait3A_323 = tpu.memref_slice %arg9[%dma_wait3A_321, %dma_wait3A_322] : memref<32x513xf32, #tpu.memory_space<vmem>> -> memref<8x128xf32, #tpu.memory_space<vmem>>
    tpu.wait_dma2 semaphore(%arg15 : memref<!tpu.dma_semaphore, #tpu.memory_space<semaphore_mem>>) src(%dma_wait3A_323 : memref<8x128xf32, #tpu.memory_space<vmem>>) dst(%dma_wait3A_320 : memref<8x128xf32, #tpu.memory_space<hbm>>)
    %dma_wait3A_324 = arith.constant 0 : i32
    %dma_wait3A_325 = arith.constant 0 : i32
    %dma_wait3A_326 = arith.constant 0 : i32
    %dma_wait3A_327 = arith.constant 0 : i32
    %dma_wait3A_328 = arith.constant 0 : i32
    %dma_wait3A_329 = tpu.memref_slice %arg9[%dma_wait3A_327, %dma_wait3A_328] : memref<32x513xf32, #tpu.memory_space<vmem>> -> memref<8x128xf32, #tpu.memory_space<vmem>>
    %dma_wait3A_330 = arith.constant 0 : i32
    %dma_wait3A_331 = arith.constant 0 : i32
    %dma_wait3A_332 = tpu.memref_slice %arg4[%dma_wait3A_324, %dma_wait3A_325, %dma_wait3A_326, %dma_wait3A_330, %dma_wait3A_331] : memref<200x4x128x8x128xf32, #tpu.memory_space<hbm>> -> memref<1x1x1x8x128xf32, #tpu.memory_space<hbm>>
    %dma_wait3A_333 = tpu.memref_squeeze %dma_wait3A_332 : memref<1x1x1x8x128xf32, #tpu.memory_space<hbm>> -> memref<8x128xf32, #tpu.memory_space<hbm>>
    %dma_wait3A_334 = arith.constant 0 : i32
    %dma_wait3A_335 = arith.constant 0 : i32
    %dma_wait3A_336 = tpu.memref_slice %arg4[%dma_wait3A_324, %dma_wait3A_325, %dma_wait3A_326, %dma_wait3A_334, %dma_wait3A_335] : memref<200x4x128x8x128xf32, #tpu.memory_space<hbm>> -> memref<1x1x1x8x128xf32, #tpu.memory_space<hbm>>
    %dma_wait3A_337 = tpu.memref_squeeze %dma_wait3A_336 : memref<1x1x1x8x128xf32, #tpu.memory_space<hbm>> -> memref<8x128xf32, #tpu.memory_space<hbm>>
    %dma_wait3A_338 = arith.constant 0 : i32
    %dma_wait3A_339 = arith.constant 0 : i32
    %dma_wait3A_340 = tpu.memref_slice %arg9[%dma_wait3A_338, %dma_wait3A_339] : memref<32x513xf32, #tpu.memory_space<vmem>> -> memref<8x128xf32, #tpu.memory_space<vmem>>
    tpu.wait_dma2 semaphore(%arg15 : memref<!tpu.dma_semaphore, #tpu.memory_space<semaphore_mem>>) src(%dma_wait3A_340 : memref<8x128xf32, #tpu.memory_space<vmem>>) dst(%dma_wait3A_337 : memref<8x128xf32, #tpu.memory_space<hbm>>)
    %dma_wait3A_341 = arith.constant 0 : i32
    %dma_wait3A_342 = arith.constant 0 : i32
    %dma_wait3A_343 = arith.constant 0 : i32
    %dma_wait3A_344 = arith.constant 0 : i32
    %dma_wait3A_345 = arith.constant 0 : i32
    %dma_wait3A_346 = tpu.memref_slice %arg10[%dma_wait3A_344, %dma_wait3A_345] : memref<32x513xf32, #tpu.memory_space<vmem>> -> memref<8x128xf32, #tpu.memory_space<vmem>>
    %dma_wait3A_347 = arith.constant 0 : i32
    %dma_wait3A_348 = arith.constant 0 : i32
    %dma_wait3A_349 = tpu.memref_slice %arg4[%dma_wait3A_341, %dma_wait3A_342, %dma_wait3A_343, %dma_wait3A_347, %dma_wait3A_348] : memref<200x4x128x8x128xf32, #tpu.memory_space<hbm>> -> memref<1x1x1x8x128xf32, #tpu.memory_space<hbm>>
    %dma_wait3A_350 = tpu.memref_squeeze %dma_wait3A_349 : memref<1x1x1x8x128xf32, #tpu.memory_space<hbm>> -> memref<8x128xf32, #tpu.memory_space<hbm>>
    %dma_wait3A_351 = arith.constant 0 : i32
    %dma_wait3A_352 = arith.constant 0 : i32
    %dma_wait3A_353 = tpu.memref_slice %arg4[%dma_wait3A_341, %dma_wait3A_342, %dma_wait3A_343, %dma_wait3A_351, %dma_wait3A_352] : memref<200x4x128x8x128xf32, #tpu.memory_space<hbm>> -> memref<1x1x1x8x128xf32, #tpu.memory_space<hbm>>
    %dma_wait3A_354 = tpu.memref_squeeze %dma_wait3A_353 : memref<1x1x1x8x128xf32, #tpu.memory_space<hbm>> -> memref<8x128xf32, #tpu.memory_space<hbm>>
    %dma_wait3A_355 = arith.constant 0 : i32
    %dma_wait3A_356 = arith.constant 0 : i32
    %dma_wait3A_357 = tpu.memref_slice %arg10[%dma_wait3A_355, %dma_wait3A_356] : memref<32x513xf32, #tpu.memory_space<vmem>> -> memref<8x128xf32, #tpu.memory_space<vmem>>
    tpu.wait_dma2 semaphore(%arg16 : memref<!tpu.dma_semaphore, #tpu.memory_space<semaphore_mem>>) src(%dma_wait3A_357 : memref<8x128xf32, #tpu.memory_space<vmem>>) dst(%dma_wait3A_354 : memref<8x128xf32, #tpu.memory_space<hbm>>)
    %dma_wait3A_358 = arith.constant 0 : i32
    %dma_wait3A_359 = arith.constant 0 : i32
    %dma_wait3A_360 = arith.constant 0 : i32
    %dma_wait3A_361 = arith.constant 0 : i32
    %dma_wait3A_362 = arith.constant 0 : i32
    %dma_wait3A_363 = tpu.memref_slice %arg10[%dma_wait3A_361, %dma_wait3A_362] : memref<32x513xf32, #tpu.memory_space<vmem>> -> memref<8x128xf32, #tpu.memory_space<vmem>>
    %dma_wait3A_364 = arith.constant 0 : i32
    %dma_wait3A_365 = arith.constant 0 : i32
    %dma_wait3A_366 = tpu.memref_slice %arg4[%dma_wait3A_358, %dma_wait3A_359, %dma_wait3A_360, %dma_wait3A_364, %dma_wait3A_365] : memref<200x4x128x8x128xf32, #tpu.memory_space<hbm>> -> memref<1x1x1x8x128xf32, #tpu.memory_space<hbm>>
    %dma_wait3A_367 = tpu.memref_squeeze %dma_wait3A_366 : memref<1x1x1x8x128xf32, #tpu.memory_space<hbm>> -> memref<8x128xf32, #tpu.memory_space<hbm>>
    %dma_wait3A_368 = arith.constant 0 : i32
    %dma_wait3A_369 = arith.constant 0 : i32
    %dma_wait3A_370 = tpu.memref_slice %arg4[%dma_wait3A_358, %dma_wait3A_359, %dma_wait3A_360, %dma_wait3A_368, %dma_wait3A_369] : memref<200x4x128x8x128xf32, #tpu.memory_space<hbm>> -> memref<1x1x1x8x128xf32, #tpu.memory_space<hbm>>
    %dma_wait3A_371 = tpu.memref_squeeze %dma_wait3A_370 : memref<1x1x1x8x128xf32, #tpu.memory_space<hbm>> -> memref<8x128xf32, #tpu.memory_space<hbm>>
    %dma_wait3A_372 = arith.constant 0 : i32
    %dma_wait3A_373 = arith.constant 0 : i32
    %dma_wait3A_374 = tpu.memref_slice %arg10[%dma_wait3A_372, %dma_wait3A_373] : memref<32x513xf32, #tpu.memory_space<vmem>> -> memref<8x128xf32, #tpu.memory_space<vmem>>
    tpu.wait_dma2 semaphore(%arg16 : memref<!tpu.dma_semaphore, #tpu.memory_space<semaphore_mem>>) src(%dma_wait3A_374 : memref<8x128xf32, #tpu.memory_space<vmem>>) dst(%dma_wait3A_371 : memref<8x128xf32, #tpu.memory_space<hbm>>)
    %dma_wait3A_375 = arith.constant 0 : i32
    %dma_wait3A_376 = arith.constant 0 : i32
    %dma_wait3A_377 = arith.constant 0 : i32
    %dma_wait3A_378 = arith.constant 0 : i32
    %dma_wait3A_379 = arith.constant 0 : i32
    %dma_wait3A_380 = tpu.memref_slice %arg10[%dma_wait3A_378, %dma_wait3A_379] : memref<32x513xf32, #tpu.memory_space<vmem>> -> memref<8x128xf32, #tpu.memory_space<vmem>>
    %dma_wait3A_381 = arith.constant 0 : i32
    %dma_wait3A_382 = arith.constant 0 : i32
    %dma_wait3A_383 = tpu.memref_slice %arg4[%dma_wait3A_375, %dma_wait3A_376, %dma_wait3A_377, %dma_wait3A_381, %dma_wait3A_382] : memref<200x4x128x8x128xf32, #tpu.memory_space<hbm>> -> memref<1x1x1x8x128xf32, #tpu.memory_space<hbm>>
    %dma_wait3A_384 = tpu.memref_squeeze %dma_wait3A_383 : memref<1x1x1x8x128xf32, #tpu.memory_space<hbm>> -> memref<8x128xf32, #tpu.memory_space<hbm>>
    %dma_wait3A_385 = arith.constant 0 : i32
    %dma_wait3A_386 = arith.constant 0 : i32
    %dma_wait3A_387 = tpu.memref_slice %arg4[%dma_wait3A_375, %dma_wait3A_376, %dma_wait3A_377, %dma_wait3A_385, %dma_wait3A_386] : memref<200x4x128x8x128xf32, #tpu.memory_space<hbm>> -> memref<1x1x1x8x128xf32, #tpu.memory_space<hbm>>
    %dma_wait3A_388 = tpu.memref_squeeze %dma_wait3A_387 : memref<1x1x1x8x128xf32, #tpu.memory_space<hbm>> -> memref<8x128xf32, #tpu.memory_space<hbm>>
    %dma_wait3A_389 = arith.constant 0 : i32
    %dma_wait3A_390 = arith.constant 0 : i32
    %dma_wait3A_391 = tpu.memref_slice %arg10[%dma_wait3A_389, %dma_wait3A_390] : memref<32x513xf32, #tpu.memory_space<vmem>> -> memref<8x128xf32, #tpu.memory_space<vmem>>
    tpu.wait_dma2 semaphore(%arg16 : memref<!tpu.dma_semaphore, #tpu.memory_space<semaphore_mem>>) src(%dma_wait3A_391 : memref<8x128xf32, #tpu.memory_space<vmem>>) dst(%dma_wait3A_388 : memref<8x128xf32, #tpu.memory_space<hbm>>)
    %dma_wait3A_392 = arith.constant 0 : i32
    %dma_wait3A_393 = arith.constant 0 : i32
    %dma_wait3A_394 = arith.constant 0 : i32
    %dma_wait3A_395 = arith.constant 0 : i32
    %dma_wait3A_396 = arith.constant 0 : i32
    %dma_wait3A_397 = tpu.memref_slice %arg10[%dma_wait3A_395, %dma_wait3A_396] : memref<32x513xf32, #tpu.memory_space<vmem>> -> memref<8x128xf32, #tpu.memory_space<vmem>>
    %dma_wait3A_398 = arith.constant 0 : i32
    %dma_wait3A_399 = arith.constant 0 : i32
    %dma_wait3A_400 = tpu.memref_slice %arg4[%dma_wait3A_392, %dma_wait3A_393, %dma_wait3A_394, %dma_wait3A_398, %dma_wait3A_399] : memref<200x4x128x8x128xf32, #tpu.memory_space<hbm>> -> memref<1x1x1x8x128xf32, #tpu.memory_space<hbm>>
    %dma_wait3A_401 = tpu.memref_squeeze %dma_wait3A_400 : memref<1x1x1x8x128xf32, #tpu.memory_space<hbm>> -> memref<8x128xf32, #tpu.memory_space<hbm>>
    %dma_wait3A_402 = arith.constant 0 : i32
    %dma_wait3A_403 = arith.constant 0 : i32
    %dma_wait3A_404 = tpu.memref_slice %arg4[%dma_wait3A_392, %dma_wait3A_393, %dma_wait3A_394, %dma_wait3A_402, %dma_wait3A_403] : memref<200x4x128x8x128xf32, #tpu.memory_space<hbm>> -> memref<1x1x1x8x128xf32, #tpu.memory_space<hbm>>
    %dma_wait3A_405 = tpu.memref_squeeze %dma_wait3A_404 : memref<1x1x1x8x128xf32, #tpu.memory_space<hbm>> -> memref<8x128xf32, #tpu.memory_space<hbm>>
    %dma_wait3A_406 = arith.constant 0 : i32
    %dma_wait3A_407 = arith.constant 0 : i32
    %dma_wait3A_408 = tpu.memref_slice %arg10[%dma_wait3A_406, %dma_wait3A_407] : memref<32x513xf32, #tpu.memory_space<vmem>> -> memref<8x128xf32, #tpu.memory_space<vmem>>
    tpu.wait_dma2 semaphore(%arg16 : memref<!tpu.dma_semaphore, #tpu.memory_space<semaphore_mem>>) src(%dma_wait3A_408 : memref<8x128xf32, #tpu.memory_space<vmem>>) dst(%dma_wait3A_405 : memref<8x128xf32, #tpu.memory_space<hbm>>)
    %dma_wait3A_409 = arith.constant 0 : i32
    %dma_wait3A_410 = arith.constant 0 : i32
    %dma_wait3A_411 = arith.constant 0 : i32
    %dma_wait3A_412 = arith.constant 0 : i32
    %dma_wait3A_413 = arith.constant 0 : i32
    %dma_wait3A_414 = tpu.memref_slice %arg10[%dma_wait3A_412, %dma_wait3A_413] : memref<32x513xf32, #tpu.memory_space<vmem>> -> memref<8x128xf32, #tpu.memory_space<vmem>>
    %dma_wait3A_415 = arith.constant 0 : i32
    %dma_wait3A_416 = arith.constant 0 : i32
    %dma_wait3A_417 = tpu.memref_slice %arg4[%dma_wait3A_409, %dma_wait3A_410, %dma_wait3A_411, %dma_wait3A_415, %dma_wait3A_416] : memref<200x4x128x8x128xf32, #tpu.memory_space<hbm>> -> memref<1x1x1x8x128xf32, #tpu.memory_space<hbm>>
    %dma_wait3A_418 = tpu.memref_squeeze %dma_wait3A_417 : memref<1x1x1x8x128xf32, #tpu.memory_space<hbm>> -> memref<8x128xf32, #tpu.memory_space<hbm>>
    %dma_wait3A_419 = arith.constant 0 : i32
    %dma_wait3A_420 = arith.constant 0 : i32
    %dma_wait3A_421 = tpu.memref_slice %arg4[%dma_wait3A_409, %dma_wait3A_410, %dma_wait3A_411, %dma_wait3A_419, %dma_wait3A_420] : memref<200x4x128x8x128xf32, #tpu.memory_space<hbm>> -> memref<1x1x1x8x128xf32, #tpu.memory_space<hbm>>
    %dma_wait3A_422 = tpu.memref_squeeze %dma_wait3A_421 : memref<1x1x1x8x128xf32, #tpu.memory_space<hbm>> -> memref<8x128xf32, #tpu.memory_space<hbm>>
    %dma_wait3A_423 = arith.constant 0 : i32
    %dma_wait3A_424 = arith.constant 0 : i32
    %dma_wait3A_425 = tpu.memref_slice %arg10[%dma_wait3A_423, %dma_wait3A_424] : memref<32x513xf32, #tpu.memory_space<vmem>> -> memref<8x128xf32, #tpu.memory_space<vmem>>
    tpu.wait_dma2 semaphore(%arg16 : memref<!tpu.dma_semaphore, #tpu.memory_space<semaphore_mem>>) src(%dma_wait3A_425 : memref<8x128xf32, #tpu.memory_space<vmem>>) dst(%dma_wait3A_422 : memref<8x128xf32, #tpu.memory_space<hbm>>)
    %dma_wait3A_426 = arith.constant 0 : i32
    %dma_wait3A_427 = arith.constant 0 : i32
    %dma_wait3A_428 = arith.constant 0 : i32
    %dma_wait3A_429 = arith.constant 0 : i32
    %dma_wait3A_430 = arith.constant 0 : i32
    %dma_wait3A_431 = tpu.memref_slice %arg10[%dma_wait3A_429, %dma_wait3A_430] : memref<32x513xf32, #tpu.memory_space<vmem>> -> memref<8x128xf32, #tpu.memory_space<vmem>>
    %dma_wait3A_432 = arith.constant 0 : i32
    %dma_wait3A_433 = arith.constant 0 : i32
    %dma_wait3A_434 = tpu.memref_slice %arg4[%dma_wait3A_426, %dma_wait3A_427, %dma_wait3A_428, %dma_wait3A_432, %dma_wait3A_433] : memref<200x4x128x8x128xf32, #tpu.memory_space<hbm>> -> memref<1x1x1x8x128xf32, #tpu.memory_space<hbm>>
    %dma_wait3A_435 = tpu.memref_squeeze %dma_wait3A_434 : memref<1x1x1x8x128xf32, #tpu.memory_space<hbm>> -> memref<8x128xf32, #tpu.memory_space<hbm>>
    %dma_wait3A_436 = arith.constant 0 : i32
    %dma_wait3A_437 = arith.constant 0 : i32
    %dma_wait3A_438 = tpu.memref_slice %arg4[%dma_wait3A_426, %dma_wait3A_427, %dma_wait3A_428, %dma_wait3A_436, %dma_wait3A_437] : memref<200x4x128x8x128xf32, #tpu.memory_space<hbm>> -> memref<1x1x1x8x128xf32, #tpu.memory_space<hbm>>
    %dma_wait3A_439 = tpu.memref_squeeze %dma_wait3A_438 : memref<1x1x1x8x128xf32, #tpu.memory_space<hbm>> -> memref<8x128xf32, #tpu.memory_space<hbm>>
    %dma_wait3A_440 = arith.constant 0 : i32
    %dma_wait3A_441 = arith.constant 0 : i32
    %dma_wait3A_442 = tpu.memref_slice %arg10[%dma_wait3A_440, %dma_wait3A_441] : memref<32x513xf32, #tpu.memory_space<vmem>> -> memref<8x128xf32, #tpu.memory_space<vmem>>
    tpu.wait_dma2 semaphore(%arg16 : memref<!tpu.dma_semaphore, #tpu.memory_space<semaphore_mem>>) src(%dma_wait3A_442 : memref<8x128xf32, #tpu.memory_space<vmem>>) dst(%dma_wait3A_439 : memref<8x128xf32, #tpu.memory_space<hbm>>)
    %dma_wait3A_443 = arith.constant 0 : i32
    %dma_wait3A_444 = arith.constant 0 : i32
    %dma_wait3A_445 = arith.constant 0 : i32
    %dma_wait3A_446 = arith.constant 0 : i32
    %dma_wait3A_447 = arith.constant 0 : i32
    %dma_wait3A_448 = tpu.memref_slice %arg10[%dma_wait3A_446, %dma_wait3A_447] : memref<32x513xf32, #tpu.memory_space<vmem>> -> memref<8x128xf32, #tpu.memory_space<vmem>>
    %dma_wait3A_449 = arith.constant 0 : i32
    %dma_wait3A_450 = arith.constant 0 : i32
    %dma_wait3A_451 = tpu.memref_slice %arg4[%dma_wait3A_443, %dma_wait3A_444, %dma_wait3A_445, %dma_wait3A_449, %dma_wait3A_450] : memref<200x4x128x8x128xf32, #tpu.memory_space<hbm>> -> memref<1x1x1x8x128xf32, #tpu.memory_space<hbm>>
    %dma_wait3A_452 = tpu.memref_squeeze %dma_wait3A_451 : memref<1x1x1x8x128xf32, #tpu.memory_space<hbm>> -> memref<8x128xf32, #tpu.memory_space<hbm>>
    %dma_wait3A_453 = arith.constant 0 : i32
    %dma_wait3A_454 = arith.constant 0 : i32
    %dma_wait3A_455 = tpu.memref_slice %arg4[%dma_wait3A_443, %dma_wait3A_444, %dma_wait3A_445, %dma_wait3A_453, %dma_wait3A_454] : memref<200x4x128x8x128xf32, #tpu.memory_space<hbm>> -> memref<1x1x1x8x128xf32, #tpu.memory_space<hbm>>
    %dma_wait3A_456 = tpu.memref_squeeze %dma_wait3A_455 : memref<1x1x1x8x128xf32, #tpu.memory_space<hbm>> -> memref<8x128xf32, #tpu.memory_space<hbm>>
    %dma_wait3A_457 = arith.constant 0 : i32
    %dma_wait3A_458 = arith.constant 0 : i32
    %dma_wait3A_459 = tpu.memref_slice %arg10[%dma_wait3A_457, %dma_wait3A_458] : memref<32x513xf32, #tpu.memory_space<vmem>> -> memref<8x128xf32, #tpu.memory_space<vmem>>
    tpu.wait_dma2 semaphore(%arg16 : memref<!tpu.dma_semaphore, #tpu.memory_space<semaphore_mem>>) src(%dma_wait3A_459 : memref<8x128xf32, #tpu.memory_space<vmem>>) dst(%dma_wait3A_456 : memref<8x128xf32, #tpu.memory_space<hbm>>)
    %dma_wait3A_460 = arith.constant 0 : i32
    %dma_wait3A_461 = arith.constant 0 : i32
    %dma_wait3A_462 = arith.constant 0 : i32
    %dma_wait3A_463 = arith.constant 0 : i32
    %dma_wait3A_464 = arith.constant 0 : i32
    %dma_wait3A_465 = tpu.memref_slice %arg10[%dma_wait3A_463, %dma_wait3A_464] : memref<32x513xf32, #tpu.memory_space<vmem>> -> memref<8x128xf32, #tpu.memory_space<vmem>>
    %dma_wait3A_466 = arith.constant 0 : i32
    %dma_wait3A_467 = arith.constant 0 : i32
    %dma_wait3A_468 = tpu.memref_slice %arg4[%dma_wait3A_460, %dma_wait3A_461, %dma_wait3A_462, %dma_wait3A_466, %dma_wait3A_467] : memref<200x4x128x8x128xf32, #tpu.memory_space<hbm>> -> memref<1x1x1x8x128xf32, #tpu.memory_space<hbm>>
    %dma_wait3A_469 = tpu.memref_squeeze %dma_wait3A_468 : memref<1x1x1x8x128xf32, #tpu.memory_space<hbm>> -> memref<8x128xf32, #tpu.memory_space<hbm>>
    %dma_wait3A_470 = arith.constant 0 : i32
    %dma_wait3A_471 = arith.constant 0 : i32
    %dma_wait3A_472 = tpu.memref_slice %arg4[%dma_wait3A_460, %dma_wait3A_461, %dma_wait3A_462, %dma_wait3A_470, %dma_wait3A_471] : memref<200x4x128x8x128xf32, #tpu.memory_space<hbm>> -> memref<1x1x1x8x128xf32, #tpu.memory_space<hbm>>
    %dma_wait3A_473 = tpu.memref_squeeze %dma_wait3A_472 : memref<1x1x1x8x128xf32, #tpu.memory_space<hbm>> -> memref<8x128xf32, #tpu.memory_space<hbm>>
    %dma_wait3A_474 = arith.constant 0 : i32
    %dma_wait3A_475 = arith.constant 0 : i32
    %dma_wait3A_476 = tpu.memref_slice %arg10[%dma_wait3A_474, %dma_wait3A_475] : memref<32x513xf32, #tpu.memory_space<vmem>> -> memref<8x128xf32, #tpu.memory_space<vmem>>
    tpu.wait_dma2 semaphore(%arg16 : memref<!tpu.dma_semaphore, #tpu.memory_space<semaphore_mem>>) src(%dma_wait3A_476 : memref<8x128xf32, #tpu.memory_space<vmem>>) dst(%dma_wait3A_473 : memref<8x128xf32, #tpu.memory_space<hbm>>)
    %dma_wait3A_477 = arith.constant 0 : i32
    %dma_wait3A_478 = arith.constant 0 : i32
    %dma_wait3A_479 = arith.constant 0 : i32
    %dma_wait3A_480 = arith.constant 0 : i32
    %dma_wait3A_481 = arith.constant 0 : i32
    %dma_wait3A_482 = tpu.memref_slice %arg10[%dma_wait3A_480, %dma_wait3A_481] : memref<32x513xf32, #tpu.memory_space<vmem>> -> memref<8x128xf32, #tpu.memory_space<vmem>>
    %dma_wait3A_483 = arith.constant 0 : i32
    %dma_wait3A_484 = arith.constant 0 : i32
    %dma_wait3A_485 = tpu.memref_slice %arg4[%dma_wait3A_477, %dma_wait3A_478, %dma_wait3A_479, %dma_wait3A_483, %dma_wait3A_484] : memref<200x4x128x8x128xf32, #tpu.memory_space<hbm>> -> memref<1x1x1x8x128xf32, #tpu.memory_space<hbm>>
    %dma_wait3A_486 = tpu.memref_squeeze %dma_wait3A_485 : memref<1x1x1x8x128xf32, #tpu.memory_space<hbm>> -> memref<8x128xf32, #tpu.memory_space<hbm>>
    %dma_wait3A_487 = arith.constant 0 : i32
    %dma_wait3A_488 = arith.constant 0 : i32
    %dma_wait3A_489 = tpu.memref_slice %arg4[%dma_wait3A_477, %dma_wait3A_478, %dma_wait3A_479, %dma_wait3A_487, %dma_wait3A_488] : memref<200x4x128x8x128xf32, #tpu.memory_space<hbm>> -> memref<1x1x1x8x128xf32, #tpu.memory_space<hbm>>
    %dma_wait3A_490 = tpu.memref_squeeze %dma_wait3A_489 : memref<1x1x1x8x128xf32, #tpu.memory_space<hbm>> -> memref<8x128xf32, #tpu.memory_space<hbm>>
    %dma_wait3A_491 = arith.constant 0 : i32
    %dma_wait3A_492 = arith.constant 0 : i32
    %dma_wait3A_493 = tpu.memref_slice %arg10[%dma_wait3A_491, %dma_wait3A_492] : memref<32x513xf32, #tpu.memory_space<vmem>> -> memref<8x128xf32, #tpu.memory_space<vmem>>
    tpu.wait_dma2 semaphore(%arg16 : memref<!tpu.dma_semaphore, #tpu.memory_space<semaphore_mem>>) src(%dma_wait3A_493 : memref<8x128xf32, #tpu.memory_space<vmem>>) dst(%dma_wait3A_490 : memref<8x128xf32, #tpu.memory_space<hbm>>)
    %dma_wait3A_494 = arith.constant 0 : i32
    %dma_wait3A_495 = arith.constant 0 : i32
    %dma_wait3A_496 = arith.constant 0 : i32
    %dma_wait3A_497 = arith.constant 0 : i32
    %dma_wait3A_498 = arith.constant 0 : i32
    %dma_wait3A_499 = tpu.memref_slice %arg10[%dma_wait3A_497, %dma_wait3A_498] : memref<32x513xf32, #tpu.memory_space<vmem>> -> memref<8x128xf32, #tpu.memory_space<vmem>>
    %dma_wait3A_500 = arith.constant 0 : i32
    %dma_wait3A_501 = arith.constant 0 : i32
    %dma_wait3A_502 = tpu.memref_slice %arg4[%dma_wait3A_494, %dma_wait3A_495, %dma_wait3A_496, %dma_wait3A_500, %dma_wait3A_501] : memref<200x4x128x8x128xf32, #tpu.memory_space<hbm>> -> memref<1x1x1x8x128xf32, #tpu.memory_space<hbm>>
    %dma_wait3A_503 = tpu.memref_squeeze %dma_wait3A_502 : memref<1x1x1x8x128xf32, #tpu.memory_space<hbm>> -> memref<8x128xf32, #tpu.memory_space<hbm>>
    %dma_wait3A_504 = arith.constant 0 : i32
    %dma_wait3A_505 = arith.constant 0 : i32
    %dma_wait3A_506 = tpu.memref_slice %arg4[%dma_wait3A_494, %dma_wait3A_495, %dma_wait3A_496, %dma_wait3A_504, %dma_wait3A_505] : memref<200x4x128x8x128xf32, #tpu.memory_space<hbm>> -> memref<1x1x1x8x128xf32, #tpu.memory_space<hbm>>
    %dma_wait3A_507 = tpu.memref_squeeze %dma_wait3A_506 : memref<1x1x1x8x128xf32, #tpu.memory_space<hbm>> -> memref<8x128xf32, #tpu.memory_space<hbm>>
    %dma_wait3A_508 = arith.constant 0 : i32
    %dma_wait3A_509 = arith.constant 0 : i32
    %dma_wait3A_510 = tpu.memref_slice %arg10[%dma_wait3A_508, %dma_wait3A_509] : memref<32x513xf32, #tpu.memory_space<vmem>> -> memref<8x128xf32, #tpu.memory_space<vmem>>
    tpu.wait_dma2 semaphore(%arg16 : memref<!tpu.dma_semaphore, #tpu.memory_space<semaphore_mem>>) src(%dma_wait3A_510 : memref<8x128xf32, #tpu.memory_space<vmem>>) dst(%dma_wait3A_507 : memref<8x128xf32, #tpu.memory_space<hbm>>)
    %dma_wait3A_511 = arith.constant 0 : i32
    %dma_wait3A_512 = arith.constant 0 : i32
    %dma_wait3A_513 = arith.constant 0 : i32
    %dma_wait3A_514 = arith.constant 0 : i32
    %dma_wait3A_515 = arith.constant 0 : i32
    %dma_wait3A_516 = tpu.memref_slice %arg10[%dma_wait3A_514, %dma_wait3A_515] : memref<32x513xf32, #tpu.memory_space<vmem>> -> memref<8x128xf32, #tpu.memory_space<vmem>>
    %dma_wait3A_517 = arith.constant 0 : i32
    %dma_wait3A_518 = arith.constant 0 : i32
    %dma_wait3A_519 = tpu.memref_slice %arg4[%dma_wait3A_511, %dma_wait3A_512, %dma_wait3A_513, %dma_wait3A_517, %dma_wait3A_518] : memref<200x4x128x8x128xf32, #tpu.memory_space<hbm>> -> memref<1x1x1x8x128xf32, #tpu.memory_space<hbm>>
    %dma_wait3A_520 = tpu.memref_squeeze %dma_wait3A_519 : memref<1x1x1x8x128xf32, #tpu.memory_space<hbm>> -> memref<8x128xf32, #tpu.memory_space<hbm>>
    %dma_wait3A_521 = arith.constant 0 : i32
    %dma_wait3A_522 = arith.constant 0 : i32
    %dma_wait3A_523 = tpu.memref_slice %arg4[%dma_wait3A_511, %dma_wait3A_512, %dma_wait3A_513, %dma_wait3A_521, %dma_wait3A_522] : memref<200x4x128x8x128xf32, #tpu.memory_space<hbm>> -> memref<1x1x1x8x128xf32, #tpu.memory_space<hbm>>
    %dma_wait3A_524 = tpu.memref_squeeze %dma_wait3A_523 : memref<1x1x1x8x128xf32, #tpu.memory_space<hbm>> -> memref<8x128xf32, #tpu.memory_space<hbm>>
    %dma_wait3A_525 = arith.constant 0 : i32
    %dma_wait3A_526 = arith.constant 0 : i32
    %dma_wait3A_527 = tpu.memref_slice %arg10[%dma_wait3A_525, %dma_wait3A_526] : memref<32x513xf32, #tpu.memory_space<vmem>> -> memref<8x128xf32, #tpu.memory_space<vmem>>
    tpu.wait_dma2 semaphore(%arg16 : memref<!tpu.dma_semaphore, #tpu.memory_space<semaphore_mem>>) src(%dma_wait3A_527 : memref<8x128xf32, #tpu.memory_space<vmem>>) dst(%dma_wait3A_524 : memref<8x128xf32, #tpu.memory_space<hbm>>)
    %dma_wait3A_528 = arith.constant 0 : i32
    %dma_wait3A_529 = arith.constant 0 : i32
    %dma_wait3A_530 = arith.constant 0 : i32
    %dma_wait3A_531 = arith.constant 0 : i32
    %dma_wait3A_532 = arith.constant 0 : i32
    %dma_wait3A_533 = tpu.memref_slice %arg10[%dma_wait3A_531, %dma_wait3A_532] : memref<32x513xf32, #tpu.memory_space<vmem>> -> memref<8x128xf32, #tpu.memory_space<vmem>>
    %dma_wait3A_534 = arith.constant 0 : i32
    %dma_wait3A_535 = arith.constant 0 : i32
    %dma_wait3A_536 = tpu.memref_slice %arg4[%dma_wait3A_528, %dma_wait3A_529, %dma_wait3A_530, %dma_wait3A_534, %dma_wait3A_535] : memref<200x4x128x8x128xf32, #tpu.memory_space<hbm>> -> memref<1x1x1x8x128xf32, #tpu.memory_space<hbm>>
    %dma_wait3A_537 = tpu.memref_squeeze %dma_wait3A_536 : memref<1x1x1x8x128xf32, #tpu.memory_space<hbm>> -> memref<8x128xf32, #tpu.memory_space<hbm>>
    %dma_wait3A_538 = arith.constant 0 : i32
    %dma_wait3A_539 = arith.constant 0 : i32
    %dma_wait3A_540 = tpu.memref_slice %arg4[%dma_wait3A_528, %dma_wait3A_529, %dma_wait3A_530, %dma_wait3A_538, %dma_wait3A_539] : memref<200x4x128x8x128xf32, #tpu.memory_space<hbm>> -> memref<1x1x1x8x128xf32, #tpu.memory_space<hbm>>
    %dma_wait3A_541 = tpu.memref_squeeze %dma_wait3A_540 : memref<1x1x1x8x128xf32, #tpu.memory_space<hbm>> -> memref<8x128xf32, #tpu.memory_space<hbm>>
    %dma_wait3A_542 = arith.constant 0 : i32
    %dma_wait3A_543 = arith.constant 0 : i32
    %dma_wait3A_544 = tpu.memref_slice %arg10[%dma_wait3A_542, %dma_wait3A_543] : memref<32x513xf32, #tpu.memory_space<vmem>> -> memref<8x128xf32, #tpu.memory_space<vmem>>
    tpu.wait_dma2 semaphore(%arg16 : memref<!tpu.dma_semaphore, #tpu.memory_space<semaphore_mem>>) src(%dma_wait3A_544 : memref<8x128xf32, #tpu.memory_space<vmem>>) dst(%dma_wait3A_541 : memref<8x128xf32, #tpu.memory_space<hbm>>)
    %dma_wait3A_545 = arith.constant 0 : i32
    %dma_wait3A_546 = arith.constant 0 : i32
    %dma_wait3A_547 = arith.constant 0 : i32
    %dma_wait3A_548 = arith.constant 0 : i32
    %dma_wait3A_549 = arith.constant 0 : i32
    %dma_wait3A_550 = tpu.memref_slice %arg10[%dma_wait3A_548, %dma_wait3A_549] : memref<32x513xf32, #tpu.memory_space<vmem>> -> memref<8x128xf32, #tpu.memory_space<vmem>>
    %dma_wait3A_551 = arith.constant 0 : i32
    %dma_wait3A_552 = arith.constant 0 : i32
    %dma_wait3A_553 = tpu.memref_slice %arg4[%dma_wait3A_545, %dma_wait3A_546, %dma_wait3A_547, %dma_wait3A_551, %dma_wait3A_552] : memref<200x4x128x8x128xf32, #tpu.memory_space<hbm>> -> memref<1x1x1x8x128xf32, #tpu.memory_space<hbm>>
    %dma_wait3A_554 = tpu.memref_squeeze %dma_wait3A_553 : memref<1x1x1x8x128xf32, #tpu.memory_space<hbm>> -> memref<8x128xf32, #tpu.memory_space<hbm>>
    %dma_wait3A_555 = arith.constant 0 : i32
    %dma_wait3A_556 = arith.constant 0 : i32
    %dma_wait3A_557 = tpu.memref_slice %arg4[%dma_wait3A_545, %dma_wait3A_546, %dma_wait3A_547, %dma_wait3A_555, %dma_wait3A_556] : memref<200x4x128x8x128xf32, #tpu.memory_space<hbm>> -> memref<1x1x1x8x128xf32, #tpu.memory_space<hbm>>
    %dma_wait3A_558 = tpu.memref_squeeze %dma_wait3A_557 : memref<1x1x1x8x128xf32, #tpu.memory_space<hbm>> -> memref<8x128xf32, #tpu.memory_space<hbm>>
    %dma_wait3A_559 = arith.constant 0 : i32
    %dma_wait3A_560 = arith.constant 0 : i32
    %dma_wait3A_561 = tpu.memref_slice %arg10[%dma_wait3A_559, %dma_wait3A_560] : memref<32x513xf32, #tpu.memory_space<vmem>> -> memref<8x128xf32, #tpu.memory_space<vmem>>
    tpu.wait_dma2 semaphore(%arg16 : memref<!tpu.dma_semaphore, #tpu.memory_space<semaphore_mem>>) src(%dma_wait3A_561 : memref<8x128xf32, #tpu.memory_space<vmem>>) dst(%dma_wait3A_558 : memref<8x128xf32, #tpu.memory_space<hbm>>)
    %dma_wait3A_562 = arith.constant 0 : i32
    %dma_wait3A_563 = arith.constant 0 : i32
    %dma_wait3A_564 = arith.constant 0 : i32
    %dma_wait3A_565 = arith.constant 0 : i32
    %dma_wait3A_566 = arith.constant 0 : i32
    %dma_wait3A_567 = tpu.memref_slice %arg10[%dma_wait3A_565, %dma_wait3A_566] : memref<32x513xf32, #tpu.memory_space<vmem>> -> memref<8x128xf32, #tpu.memory_space<vmem>>
    %dma_wait3A_568 = arith.constant 0 : i32
    %dma_wait3A_569 = arith.constant 0 : i32
    %dma_wait3A_570 = tpu.memref_slice %arg4[%dma_wait3A_562, %dma_wait3A_563, %dma_wait3A_564, %dma_wait3A_568, %dma_wait3A_569] : memref<200x4x128x8x128xf32, #tpu.memory_space<hbm>> -> memref<1x1x1x8x128xf32, #tpu.memory_space<hbm>>
    %dma_wait3A_571 = tpu.memref_squeeze %dma_wait3A_570 : memref<1x1x1x8x128xf32, #tpu.memory_space<hbm>> -> memref<8x128xf32, #tpu.memory_space<hbm>>
    %dma_wait3A_572 = arith.constant 0 : i32
    %dma_wait3A_573 = arith.constant 0 : i32
    %dma_wait3A_574 = tpu.memref_slice %arg4[%dma_wait3A_562, %dma_wait3A_563, %dma_wait3A_564, %dma_wait3A_572, %dma_wait3A_573] : memref<200x4x128x8x128xf32, #tpu.memory_space<hbm>> -> memref<1x1x1x8x128xf32, #tpu.memory_space<hbm>>
    %dma_wait3A_575 = tpu.memref_squeeze %dma_wait3A_574 : memref<1x1x1x8x128xf32, #tpu.memory_space<hbm>> -> memref<8x128xf32, #tpu.memory_space<hbm>>
    %dma_wait3A_576 = arith.constant 0 : i32
    %dma_wait3A_577 = arith.constant 0 : i32
    %dma_wait3A_578 = tpu.memref_slice %arg10[%dma_wait3A_576, %dma_wait3A_577] : memref<32x513xf32, #tpu.memory_space<vmem>> -> memref<8x128xf32, #tpu.memory_space<vmem>>
    tpu.wait_dma2 semaphore(%arg16 : memref<!tpu.dma_semaphore, #tpu.memory_space<semaphore_mem>>) src(%dma_wait3A_578 : memref<8x128xf32, #tpu.memory_space<vmem>>) dst(%dma_wait3A_575 : memref<8x128xf32, #tpu.memory_space<hbm>>)
    %dma_wait3A_579 = arith.constant 0 : i32
    %dma_wait3A_580 = arith.constant 0 : i32
    %dma_wait3A_581 = arith.constant 0 : i32
    %dma_wait3A_582 = arith.constant 0 : i32
    %dma_wait3A_583 = arith.constant 0 : i32
    %dma_wait3A_584 = tpu.memref_slice %arg10[%dma_wait3A_582, %dma_wait3A_583] : memref<32x513xf32, #tpu.memory_space<vmem>> -> memref<8x128xf32, #tpu.memory_space<vmem>>
    %dma_wait3A_585 = arith.constant 0 : i32
    %dma_wait3A_586 = arith.constant 0 : i32
    %dma_wait3A_587 = tpu.memref_slice %arg4[%dma_wait3A_579, %dma_wait3A_580, %dma_wait3A_581, %dma_wait3A_585, %dma_wait3A_586] : memref<200x4x128x8x128xf32, #tpu.memory_space<hbm>> -> memref<1x1x1x8x128xf32, #tpu.memory_space<hbm>>
    %dma_wait3A_588 = tpu.memref_squeeze %dma_wait3A_587 : memref<1x1x1x8x128xf32, #tpu.memory_space<hbm>> -> memref<8x128xf32, #tpu.memory_space<hbm>>
    %dma_wait3A_589 = arith.constant 0 : i32
    %dma_wait3A_590 = arith.constant 0 : i32
    %dma_wait3A_591 = tpu.memref_slice %arg4[%dma_wait3A_579, %dma_wait3A_580, %dma_wait3A_581, %dma_wait3A_589, %dma_wait3A_590] : memref<200x4x128x8x128xf32, #tpu.memory_space<hbm>> -> memref<1x1x1x8x128xf32, #tpu.memory_space<hbm>>
    %dma_wait3A_592 = tpu.memref_squeeze %dma_wait3A_591 : memref<1x1x1x8x128xf32, #tpu.memory_space<hbm>> -> memref<8x128xf32, #tpu.memory_space<hbm>>
    %dma_wait3A_593 = arith.constant 0 : i32
    %dma_wait3A_594 = arith.constant 0 : i32
    %dma_wait3A_595 = tpu.memref_slice %arg10[%dma_wait3A_593, %dma_wait3A_594] : memref<32x513xf32, #tpu.memory_space<vmem>> -> memref<8x128xf32, #tpu.memory_space<vmem>>
    tpu.wait_dma2 semaphore(%arg16 : memref<!tpu.dma_semaphore, #tpu.memory_space<semaphore_mem>>) src(%dma_wait3A_595 : memref<8x128xf32, #tpu.memory_space<vmem>>) dst(%dma_wait3A_592 : memref<8x128xf32, #tpu.memory_space<hbm>>)
    %dma_wait3A_596 = arith.constant 0 : i32
    %dma_wait3A_597 = arith.constant 0 : i32
    %dma_wait3A_598 = arith.constant 0 : i32
    %dma_wait3A_599 = arith.constant 0 : i32
    %dma_wait3A_600 = arith.constant 0 : i32
    %dma_wait3A_601 = tpu.memref_slice %arg10[%dma_wait3A_599, %dma_wait3A_600] : memref<32x513xf32, #tpu.memory_space<vmem>> -> memref<8x128xf32, #tpu.memory_space<vmem>>
    %dma_wait3A_602 = arith.constant 0 : i32
    %dma_wait3A_603 = arith.constant 0 : i32
    %dma_wait3A_604 = tpu.memref_slice %arg4[%dma_wait3A_596, %dma_wait3A_597, %dma_wait3A_598, %dma_wait3A_602, %dma_wait3A_603] : memref<200x4x128x8x128xf32, #tpu.memory_space<hbm>> -> memref<1x1x1x8x128xf32, #tpu.memory_space<hbm>>
    %dma_wait3A_605 = tpu.memref_squeeze %dma_wait3A_604 : memref<1x1x1x8x128xf32, #tpu.memory_space<hbm>> -> memref<8x128xf32, #tpu.memory_space<hbm>>
    %dma_wait3A_606 = arith.constant 0 : i32
    %dma_wait3A_607 = arith.constant 0 : i32
    %dma_wait3A_608 = tpu.memref_slice %arg4[%dma_wait3A_596, %dma_wait3A_597, %dma_wait3A_598, %dma_wait3A_606, %dma_wait3A_607] : memref<200x4x128x8x128xf32, #tpu.memory_space<hbm>> -> memref<1x1x1x8x128xf32, #tpu.memory_space<hbm>>
    %dma_wait3A_609 = tpu.memref_squeeze %dma_wait3A_608 : memref<1x1x1x8x128xf32, #tpu.memory_space<hbm>> -> memref<8x128xf32, #tpu.memory_space<hbm>>
    %dma_wait3A_610 = arith.constant 0 : i32
    %dma_wait3A_611 = arith.constant 0 : i32
    %dma_wait3A_612 = tpu.memref_slice %arg10[%dma_wait3A_610, %dma_wait3A_611] : memref<32x513xf32, #tpu.memory_space<vmem>> -> memref<8x128xf32, #tpu.memory_space<vmem>>
    tpu.wait_dma2 semaphore(%arg16 : memref<!tpu.dma_semaphore, #tpu.memory_space<semaphore_mem>>) src(%dma_wait3A_612 : memref<8x128xf32, #tpu.memory_space<vmem>>) dst(%dma_wait3A_609 : memref<8x128xf32, #tpu.memory_space<hbm>>)
    return
  }
}

</mosaic_0001>

<sc_bundles>
// kernel: kernel.3.cloned.1.call-start
scs
__scs_entry_jumppad:
0x0: {  	(pc) =	sbr.rel $0x88, $3  }
0x1: {  	(tag) =	ssettag $0x0;
	lr =	simm.s32 $0x1  }
0x2: {  	[smem:$0x3F9F] =	sst lr;
	_ =	strace $0xD0000000  }
0x3: {  	_ = 	snop  }
0x4: {  	_ = 	snop  }
0x5: {  	_ = 	snop  }
0x6: {  	_ = 	snop  }
0x7: {  	_ = 	snop  }
__scs_overlays_trampoline_lowered:
0x8: {  	[smem:$0x3FAE] =	sst s0  }
0x9: {  	[smem:$0x3FAF] =	sst s1  }
0xa: {  	[smem:$0x3FB0] =	sst s2  }
0xb: {  	[smem:$0x3FB1] =	sst s3  }
0xc: {  	[smem:$0x3FB2] =	sst s4  }
0xd: {  	[smem:$0x3FB3] =	sst s5  }
0xe: {  	[smem:$0x3FB4] =	sst s6  }
0xf: {  	[smem:$0x3FB5] =	sst s7  }
0x10: {  	[smem:$0x3FB6] =	sst s8  }
0x11: {  	[smem:$0x3FB7] =	sst s9;
	s0 =	simm.s32 @!p0 $0x0  }
0x12: {  	s1 =	sld [smem:$0x3F9D];
	s0 =	simm.s32 @p0 $0x1  }
0x13: {  	[smem:$0x3FB8] =	sst s0;
	s0 =	simm.s32 @!p1 $0x0  }
0x14: {  	s2 =	sld [smem:$0x3F9C];
	s0 =	simm.s32 @p1 $0x1  }
0x15: {  	[smem:$0x3FB9] =	sst s0;
	s0 =	simm.s32 @!p2 $0x0  }
0x16: {  	s3 =	sld [smem:$0x3FDB];
	s0 =	simm.s32 @p2 $0x1  }
0x17: {  	s4 =	simm.s32 $0x1BF5;
	[smem:$0x3FBB] =	sst s0  }
0x18: {  	s0 =	sld [smem:$0x3F9E];
	_ =	swait.ge [sflag:s4], $0x0  }
0x19: {  	s7 =	sld [smem:$0x3F9F]  }
0x1a: {  	s8 =	sadd.s32 $0xFFFFE003, lr  }
0x1b: {  	s9 =	sadd.s32 $0xFFFFFEF7, lr;
	s5 =	simm.s32 $0xFFFFFFFF;
	p2 =	slt.u32 s8, $0xFFFFF086  }
0x1c: {  	p1 =	slt.u32 s9, $0xF7A;
	s5 =	simm.s32 @!p2 $0x0  }
0x1d: {  	s5 =	simm.s32 @p1 $0x1;
	p0 =	seq.s32 s7, s2  }
0x1e: {  	s7 =	smul.u32 @!p0 $0xF7A, s2;
	p2 =	seq.s32 @!p0 s5, $0x0  }
0x1f: {  	s9 =	smul.u32 $0xF7A, s1;
	s8 =	simm.s32 @!p0 $0x1BF5;
	p2 =	por !p2, p0  }
0x20: {  	[sflag:s8] =	ssyncset.s32 @!p0 $0xFFFFF086;
	s6 =	sadd.s32 @!p0 s3, s7;
	s7 =	simm.s32 @!p0 $0x108  }
0x21: {  	s3 =	sadd.s32 s3, s9;
	s6 =	sadd.s32 @!p0 $0x88, s6;
	s7 =	simm.s32 @p2 $0x1082  }
0x22: {  	[simem:s7], [sflag:s8] =	dma.local @!p0 [hbm:s6], $0xF7A  }
0x23: {  	s9 =	sor.u32 $0xD0000000, s2;
	s6 =	simm.s32 $0x108;
	_ =	swait.ge @!p0 [sflag:s8], $0x0  }
0x24: {  	s3 =	sadd.s32 $0x88, s3;
	s6 =	simm.s32 @!p1 $0x1082;
	[sflag:s4] =	ssyncset.s32 $0xFFFFF086  }
0x25: {  	[simem:s6], [sflag:s4] =	dma.local [hbm:s3], $0xF7A  }
0x26: {  	[smem:$0x3F9F] =	sst s1;
	(tag) =	ssettag s2;
	_ =	strace s9  }
0x27: {  	s1 =	sld [smem:$0x3FAF]  }
0x28: {  	s2 =	sld [smem:$0x3FB0]  }
0x29: {  	s4 =	sld [smem:$0x3FB2]  }
0x2a: {  	p0 =	seq.s32 s5, $0x0;
	s5 =	sld [smem:$0x3FB3]  }
0x2b: {  	s6 =	sld [smem:$0x3FB4]  }
0x2c: {  	s7 =	sld [smem:$0x3FB5]  }
0x2d: {  	s3 =	simm.s32 $0x108;
	s8 =	sld [smem:$0x3FB6]  }
0x2e: {  	s3 =	simm.s32 @!p0 $0x1082;
	s9 =	sld [smem:$0x3FB7]  }
0x2f: {  	lr =	sadd.s32 s0, s3;
	s0 =	sld [smem:$0x3FAE]  }
0x30: {  	s3 =	sld [smem:$0x3FB1]  }
0x31: {  	[smem:$0x3FBA] =	sst s10  }
0x32: {  	s10 =	sld [smem:$0x3FB8];
	_ =	sdelay $0x3  }
0x33: {  	p0 =	seq.s32 s10, $0x1;
	s10 =	sld [smem:$0x3FBA];
	_ =	sdelay $0x3  }
0x34: {  	[smem:$0x3FBA] =	sst s10  }
0x35: {  	s10 =	sld [smem:$0x3FB9];
	_ =	sdelay $0x3  }
0x36: {  	p1 =	seq.s32 s10, $0x1;
	s10 =	sld [smem:$0x3FBA];
	_ =	sdelay $0x3  }
0x37: {  	[smem:$0x3FBA] =	sst s10  }
0x38: {  	s10 =	sld [smem:$0x3FBB]  }
0x39: {  	_ = 	snop;
	(pc) =	sbr.ind lr, $3  }
0x3a: {  	_ = 	snop  }
0x3b: {  	_ = 	snop  }
0x3c: {  	p2 =	seq.s32 s10, $0x1;
	s10 =	sld [smem:$0x3FBA]  }
0x3d: {  	_ =	shalt  }
0x3e: {  	_ =	shalt  }
0x3f: {  	_ =	shalt  }
0x40: {  	_ =	shalt  }
0x41: {  	_ =	shalt  }
0x42: {  	_ =	shalt  }
0x43: {  	_ =	shalt  }
0x44: {  	_ =	shalt  }
0x45: {  	_ =	shalt  }
0x46: {  	_ =	shalt  }
0x47: {  	_ =	shalt  }
0x48: {  	_ =	shalt  }
0x49: {  	_ =	shalt  }
0x4a: {  	_ =	shalt  }
0x4b: {  	_ =	shalt  }
0x4c: {  	_ =	shalt  }
0x4d: {  	_ =	shalt  }
0x4e: {  	_ =	shalt  }
0x4f: {  	_ =	shalt  }
0x50: {  	_ =	shalt  }
0x51: {  	_ =	shalt  }
0x52: {  	_ =	shalt  }
0x53: {  	_ =	shalt  }
0x54: {  	_ =	shalt  }
0x55: {  	_ =	shalt  }
0x56: {  	_ =	shalt  }
0x57: {  	_ =	shalt  }
0x58: {  	_ =	shalt  }
0x59: {  	_ =	shalt  }
0x5a: {  	_ =	shalt  }
0x5b: {  	_ =	shalt  }
0x5c: {  	_ =	shalt  }
0x5d: {  	_ =	shalt  }
0x5e: {  	_ =	shalt  }
0x5f: {  	_ =	shalt  }
0x60: {  	_ =	shalt  }
0x61: {  	_ =	shalt  }
0x62: {  	_ =	shalt  }
0x63: {  	_ =	shalt  }
0x64: {  	_ =	shalt  }
0x65: {  	_ =	shalt  }
0x66: {  	_ =	shalt  }
0x67: {  	_ =	shalt  }
0x68: {  	_ =	shalt  }
0x69: {  	_ =	shalt  }
0x6a: {  	_ =	shalt  }
0x6b: {  	_ =	shalt  }
0x6c: {  	_ =	shalt  }
0x6d: {  	_ =	shalt  }
0x6e: {  	_ =	shalt  }
0x6f: {  	_ =	shalt  }
0x70: {  	_ =	shalt  }
0x71: {  	_ =	shalt  }
0x72: {  	_ =	shalt  }
0x73: {  	_ =	shalt  }
0x74: {  	_ =	shalt  }
0x75: {  	_ =	shalt  }
0x76: {  	_ =	shalt  }
0x77: {  	_ =	shalt  }
0x78: {  	_ =	shalt  }
0x79: {  	_ =	shalt  }
0x7a: {  	_ =	shalt  }
0x7b: {  	_ =	shalt  }
0x7c: {  	_ =	shalt  }
0x7d: {  	_ =	shalt  }
0x7e: {  	_ =	shalt  }
0x7f: {  	_ =	shalt  }
0x80: {  	_ =	shalt  }
0x81: {  	_ =	shalt  }
0x82: {  	_ =	shalt  }
0x83: {  	_ =	shalt  }
0x84: {  	_ =	shalt  }
0x85: {  	_ =	shalt  }
0x86: {  	_ =	shalt  }
0x87: {  	_ =	shalt  }
.Lfunc_end0:
.L_simem_size_0:
called_computation_lowered:
.L_overlay_start_0:
0x88: {  	s2 =	sld [smem:$0x3FD9]  }
0x89: {  	s3 =	sld [smem:$0x3FFE];
	_ =	sdelay $0x1  }
0x8a: {  	s1 =	srdreg.scid  }
0x8b: {  	s0 =	sand.u32 $0x1, s1  }
0x8c: {  	s17 =	sshll.u32 s0, $0xA;
	s2 =	sadd.s32 s3, s2  }
0x8d: {  	s2 =	sadd.s32 s2, s17  }
0x8e: {  	[smem:$0x3FC6] =	sst s2  }
0x8f: {  	_ = 	snop  }
0x90: {  	s2 =	sld [smem:$0x3FD0];
	(tm) =	ssettm $0x1  }
0x91: {  	s18 =	sld [smem:$0x3FFB];
	_ =	sdelay $0x3  }
0x92: {  	_ =	strace s18  }
0x93: {  	s3 =	sld [smem:$0x3FFC];
	_ =	sdelay $0x3  }
0x94: {  	_ =	strace s3  }
0x95: {  	s3 =	sld [smem:$0x3FFD];
	_ =	sdelay $0x3  }
0x96: {  	_ =	strace s3  }
0x97: {  	_ =	strace $0x8FFFFFFF  }
0x98: {  	s19 =	sld [smem:$0x3FDB];
	_ =	sdelay $0x1  }
0x99: {  	s4 =	simm.s32 $_scs_section_size  }
0x9a: {  	s5 =	simm.s32 $_size__tile_overlayer_lowered;
	s6 =	simm.s32 $_tile_overlayer_lowered  }
0x9b: {  	s22 =	simm.s32 $0x1BFF;
	s21 =	sshll.u32 s6, $0x1;
	s3 =	sadd.s32 s4, s19  }
0x9c: {  	s7 =	simm.s32 $0x0;
	s20 =	sshll.u32 s5, $0x1;
	s5 =	sadd.s32 s21, s3  }
0x9d: {  	[timem:s7], [sflag:s22] =	dma.local [hbm:s5], s20  }
0x9e: {  	_ =	swait.ge [sflag:s22], s20  }
0x9f: {  	s4 =	ssub.s32 $0x0, s20;
	[sflag:s22] =	ssyncset.done $0x0  }
0xa0: {  	[sflag:s22] =	ssyncadd.s32 s4;
	_ =	sdelay $0x1  }
0xa1: {  	s23 =	simm.s32 $0x1B8B  }
0xa2: {  	_ =	swait.ge [sflag:s23], $0x1  }
0xa3: {  	[sflag:s23] =	ssyncset.done $0x0  }
0xa4: {  	s25 =	simm.s32 $0x1B8E;
	s24 =	sld [smem:$0x3FFE];
	[sflag:s23] =	ssyncadd.s32 $0xFFFFFFFF  }
0xa5: {  	s26 =	simm.s32 $execute0_lowered;
	[smem:$0x3FD2] =	sst s25  }
0xa6: {  	s5 =	sshll.u32 s26, $0x1;
	_ =	strace $0x80000046;
	[dreg:$0x1] =	wrdreg $0xFFFFFFFF  }
0xa7: {  	s28 =	simm.s32 $_size_execute0_lowered;
	s3 =	sadd.s32 s3, s5;
	[dreg:$0x0] =	wrdreg $0x0  }
0xa8: {  	s5 =	sshll.u32 s28, $0x1;
	[dreg:$0x2] =	wrdreg s3  }
0xa9: {  	[dreg:$0x3] =	wrdreg s5  }
0xaa: {  	[dreg:$0x4] =	wrdreg $0xC0  }
0xab: {  	_ =	task [dreg:s7], $0x5FFFF  }
0xac: {  	[dreg:$0x1] =	wrdreg $0xFFFFFFFF  }
0xad: {  	[dreg:$0x0] =	wrdreg $0x60  }
0xae: {  	[dreg:$0x2] =	wrdreg s24  }
0xaf: {  	[dreg:$0x3] =	wrdreg s2  }
0xb0: {  	[dreg:$0x4] =	wrdreg $0x9  }
0xb1: {  	_ =	task.clear_ibuf [dreg:s7], $0x5FFFF;
	_ =	strace $0x90000046  }
0xb2: {  	s29 =	simm.s32 $0x9;
	_ =	strace $0x80000048  }
0xb3: {  	_ =	swait.ge [sflag:s29], $0x1  }
0xb4: {  	[sflag:s29] =	ssyncadd.s32 $0xFFFFFFFF  }
0xb5: {  	_ =	strace $0x90000048  }
0xb6: {  	_ =	sfence  }
0xb7: {  	s30 =	sld [smem:$0x0];
	_ =	sdelay $0x2  }
0xb8: {  	s31 =	sshll.u32 s1, $0xD;
	s1 =	sshrl.u32 s1, $0x2  }
0xb9: {  	s3 =	sand.u32 $0x4000, s31;
	s1 =	sadd.s32 s1, s30  }
0xba: {  	s0 =	sor.u32 s3, s0;
	s1 =	sshll.u32 s1, $0x11  }
0xbb: {  	s0 =	sor.u32 s1, s0  }
0xbc: {  	s0 =	sadd.s32 $0x8F2B, s0  }
0xbd: {  	[sflag:s0] =	ssyncadd.remote.s32 $0x1  }
0xbe: {  	_ =	sfence.sel $0xFFFF  }
0xbf: {  	[dreg:$0x0] =	wrdreg $0xFFFFFFFF;
	(pc) =	sbr.abs _section_cstart, $3  }
0xc0: {  	[dreg:$0x1] =	wrdreg $0xFFFFFFFF  }
0xc1: {  	_ =	task.clear_ibuf [dreg:s7], $0x2FFFF;
	_ =	strace $0x9FFFFFFF  }
0xc2: {  	(tm) =	ssettm $0x7FFFFFFF  }
0xc3: {  	_ =	shalt  }
tec
execute0_lowered:
.L_overlay_start_1:
0x0: {  	(tag) =	ssettag $0x1  }
0x1: {  	s0 =	rddreg [dreg:$0x0]  }
0x2: {  	s2 =	rddreg [dreg:$0x1];
	s1 =	srdreg.scid;
	s3 =	simm.s32 $0x0  }
0x3: {  	s4 =	stileid.u32;
	s18 =	simm.s32 $0x1;
	s19 =	simm.s32 $0x80  }
0x4: {  	s28 =	simm.s32 $0x3;
	s29 =	simm.s32 $0x8400;
	s20 =	simm.s32 $0x2  }
0x5: {  	s24 =	simm.s32 $0x6;
	s1 =	sand.u32 $0x1, s1;
	[smem:$0x7FF] =	sst s3  }
0x6: {  	s4 =	sshll.u32 s4, $0x3;
	s14 =	sadd.s32 $0x4000, s2;
	s15 =	sadd.s32 $0x8000, s2  }
0x7: {  	s16 =	sadd.s32 $0xC000, s2;
	s5 =	sshll.u32 s1, $0x2;
	_ =	strace $0x80000047  }
0x8: {  	v0 =	vlaneseq.u32;
	s1 =	ssub.s32 $0x2, s1;
	s6 =	sor.u32 s5, s4;
	s4 =	sadd.s32 $0x600, s0  }
0x9: {  	v1 =	vimm.s32 $0x0;
	vm0 =	vcmask $0x300;
	v0 =	vmul.u32 $0x208, v0;
	s5 =	sadd.s32 $0xF42A00, s0;
	s30 =	sshrl.u32 s1, $0x1;
	s7 =	sshll.u32 s6, $0x4  }
0xa: {  	v1 =	vsel vm0, $0x3, v1;
	s0 =	ssub.s32 s1, s30;
	s31 =	sshll.u32 s6, $0x7;
	s10 =	sshll.u32 s6, $0xA  }
.Ltmp0:
0xb: {  	v2 =	vadd.s32 $0x2080, v0;
	v3 =	vor.u32 $0x1, v0;
	v4 =	vadd.s32 $0x2081, v0;
	s1 =	simm.s32 $0xC500;
	s7 =	sadd.s32 s4, s7;
	(pc) =	sbr.rel .LBB2_1-.Ltmp0, $4  }
0xc: {  	v5 =	vor.u32 $0x2, v0;
	v6 =	vadd.s32 $0x2082, v0;
	v7 =	vor.u32 $0x3, v0;
	s8 =	sor.u32 $0x8000, s31;
	s9 =	sor.u32 $0xC000, s31;
	s11 =	sor.u32 $0x400, s10  }
0xd: {  	v8 =	vadd.s32 $0x2083, v0;
	v9 =	vor.u32 $0x4, v0;
	v10 =	vadd.s32 $0x2084, v0;
	s12 =	sor.u32 $0x800, s10;
	s0 =	smax.u32 s0, $0x1;
	[dreg:$0x3] =	wrdreg s7  }
0xe: {  	v11 =	vor.u32 $0x5, v0;
	v12 =	vadd.s32 $0x2085, v0;
	v13 =	vor.u32 $0x6, v0;
	s13 =	sor.u32 $0xC00, s10;
	s7 =	sadd.s32 $0x800, s7;
	[dreg:$0x5] =	wrdreg s0  }
0xf: {  	v14 =	vadd.s32 $0x2086, v0;
	v15 =	vor.u32 $0x7, v0;
	v16 =	vadd.s32 $0x2087, v0;
	s0 =	simm.s32 $0x4;
	[dreg:$0x4] =	wrdreg s7;
	s7 =	simm.s32 $0x0  }
.LBB2_20:
0x10: {  	s6 =	simm.s32 $0x5  }
0x11: {  	_ =	swait.ge [sflag:s6], $0x400  }
0x12: {  	[sflag:s6] =	ssyncset.done $0x0  }
0x13: {  	[sflag:s6] =	ssyncadd.s32 $0xFFFFFC00  }
0x14: {  	_ =	swait.ge [sflag:s6], $0x400  }
0x15: {  	[sflag:s6] =	ssyncset.done $0x0  }
0x16: {  	[sflag:s6] =	ssyncadd.s32 $0xFFFFFC00  }
0x17: {  	_ =	swait.ge [sflag:s6], $0x400  }
0x18: {  	[sflag:s6] =	ssyncset.done $0x0  }
0x19: {  	[sflag:s6] =	ssyncadd.s32 $0xFFFFFC00  }
0x1a: {  	_ =	swait.ge [sflag:s6], $0x400  }
0x1b: {  	[sflag:s6] =	ssyncset.done $0x0  }
0x1c: {  	[sflag:s6] =	ssyncadd.s32 $0xFFFFFC00  }
0x1d: {  	_ =	swait.ge [sflag:s6], $0x400  }
0x1e: {  	[sflag:s6] =	ssyncset.done $0x0  }
0x1f: {  	[sflag:s6] =	ssyncadd.s32 $0xFFFFFC00  }
0x20: {  	_ =	swait.ge [sflag:s6], $0x400  }
0x21: {  	[sflag:s6] =	ssyncset.done $0x0  }
0x22: {  	[sflag:s6] =	ssyncadd.s32 $0xFFFFFC00  }
0x23: {  	_ =	swait.ge [sflag:s6], $0x400  }
0x24: {  	[sflag:s6] =	ssyncset.done $0x0  }
0x25: {  	[sflag:s6] =	ssyncadd.s32 $0xFFFFFC00  }
0x26: {  	_ =	swait.ge [sflag:s6], $0x400  }
0x27: {  	[sflag:s6] =	ssyncset.done $0x0  }
0x28: {  	[sflag:s6] =	ssyncadd.s32 $0xFFFFFC00  }
0x29: {  	_ =	swait.ge [sflag:s6], $0x400  }
0x2a: {  	[sflag:s6] =	ssyncset.done $0x0  }
0x2b: {  	[sflag:s6] =	ssyncadd.s32 $0xFFFFFC00  }
0x2c: {  	_ =	swait.ge [sflag:s6], $0x400  }
0x2d: {  	[sflag:s6] =	ssyncset.done $0x0  }
0x2e: {  	[sflag:s6] =	ssyncadd.s32 $0xFFFFFC00  }
0x2f: {  	_ =	swait.ge [sflag:s6], $0x400  }
0x30: {  	[sflag:s6] =	ssyncset.done $0x0  }
0x31: {  	[sflag:s6] =	ssyncadd.s32 $0xFFFFFC00  }
0x32: {  	_ =	swait.ge [sflag:s6], $0x400  }
0x33: {  	[sflag:s6] =	ssyncset.done $0x0  }
0x34: {  	[sflag:s6] =	ssyncadd.s32 $0xFFFFFC00  }
0x35: {  	_ =	swait.ge [sflag:s6], $0x400  }
0x36: {  	[sflag:s6] =	ssyncset.done $0x0  }
0x37: {  	[sflag:s6] =	ssyncadd.s32 $0xFFFFFC00  }
0x38: {  	_ =	swait.ge [sflag:s6], $0x400  }
0x39: {  	[sflag:s6] =	ssyncset.done $0x0  }
0x3a: {  	[sflag:s6] =	ssyncadd.s32 $0xFFFFFC00  }
0x3b: {  	_ =	swait.ge [sflag:s6], $0x400  }
0x3c: {  	[sflag:s6] =	ssyncset.done $0x0  }
0x3d: {  	[sflag:s6] =	ssyncadd.s32 $0xFFFFFC00  }
0x3e: {  	_ =	swait.ge [sflag:s6], $0x400  }
0x3f: {  	[sflag:s6] =	ssyncset.done $0x0  }
0x40: {  	[sflag:s6] =	ssyncadd.s32 $0xFFFFFC00  }
0x41: {  	_ =	swait.ge [sflag:s24], $0x400  }
0x42: {  	[sflag:s24] =	ssyncset.done $0x0  }
0x43: {  	[sflag:s24] =	ssyncadd.s32 $0xFFFFFC00  }
0x44: {  	_ =	swait.ge [sflag:s24], $0x400  }
0x45: {  	[sflag:s24] =	ssyncset.done $0x0  }
0x46: {  	[sflag:s24] =	ssyncadd.s32 $0xFFFFFC00  }
0x47: {  	_ =	swait.ge [sflag:s24], $0x400  }
0x48: {  	[sflag:s24] =	ssyncset.done $0x0  }
0x49: {  	[sflag:s24] =	ssyncadd.s32 $0xFFFFFC00  }
0x4a: {  	_ =	swait.ge [sflag:s24], $0x400  }
0x4b: {  	[sflag:s24] =	ssyncset.done $0x0  }
0x4c: {  	[sflag:s24] =	ssyncadd.s32 $0xFFFFFC00  }
0x4d: {  	_ =	swait.ge [sflag:s24], $0x400  }
0x4e: {  	[sflag:s24] =	ssyncset.done $0x0  }
0x4f: {  	[sflag:s24] =	ssyncadd.s32 $0xFFFFFC00  }
0x50: {  	_ =	swait.ge [sflag:s24], $0x400  }
0x51: {  	[sflag:s24] =	ssyncset.done $0x0  }
0x52: {  	[sflag:s24] =	ssyncadd.s32 $0xFFFFFC00  }
0x53: {  	_ =	swait.ge [sflag:s24], $0x400  }
0x54: {  	[sflag:s24] =	ssyncset.done $0x0  }
0x55: {  	[sflag:s24] =	ssyncadd.s32 $0xFFFFFC00  }
0x56: {  	_ =	swait.ge [sflag:s24], $0x400  }
0x57: {  	[sflag:s24] =	ssyncset.done $0x0  }
0x58: {  	[sflag:s24] =	ssyncadd.s32 $0xFFFFFC00  }
0x59: {  	_ =	swait.ge [sflag:s24], $0x400  }
0x5a: {  	[sflag:s24] =	ssyncset.done $0x0  }
0x5b: {  	[sflag:s24] =	ssyncadd.s32 $0xFFFFFC00  }
0x5c: {  	_ =	swait.ge [sflag:s24], $0x400  }
0x5d: {  	[sflag:s24] =	ssyncset.done $0x0  }
0x5e: {  	[sflag:s24] =	ssyncadd.s32 $0xFFFFFC00  }
0x5f: {  	_ =	swait.ge [sflag:s24], $0x400  }
0x60: {  	[sflag:s24] =	ssyncset.done $0x0  }
0x61: {  	[sflag:s24] =	ssyncadd.s32 $0xFFFFFC00  }
0x62: {  	_ =	swait.ge [sflag:s24], $0x400  }
0x63: {  	[sflag:s24] =	ssyncset.done $0x0  }
0x64: {  	[sflag:s24] =	ssyncadd.s32 $0xFFFFFC00  }
0x65: {  	_ =	swait.ge [sflag:s24], $0x400  }
0x66: {  	[sflag:s24] =	ssyncset.done $0x0  }
0x67: {  	[sflag:s24] =	ssyncadd.s32 $0xFFFFFC00  }
0x68: {  	_ =	swait.ge [sflag:s24], $0x400  }
0x69: {  	[sflag:s24] =	ssyncset.done $0x0  }
0x6a: {  	[sflag:s24] =	ssyncadd.s32 $0xFFFFFC00  }
0x6b: {  	_ =	swait.ge [sflag:s24], $0x400  }
0x6c: {  	[sflag:s24] =	ssyncset.done $0x0  }
0x6d: {  	[sflag:s24] =	ssyncadd.s32 $0xFFFFFC00  }
0x6e: {  	_ =	swait.ge [sflag:s24], $0x400  }
0x6f: {  	s7 =	rddreg [dreg:$0x6]  }
0x70: {  	s31 =	rddreg [dreg:$0x5];
	s7 =	sadd.s32 $0x1, s7  }
0x71: {  	p0 =	sne.s32 s7, s31  }
.Ltmp1:
0x72: {  	_ = 	snop;
	(pc) =	sbr.rel @!p0 .LBB2_21-.Ltmp1, $3  }
0x73: {  	_ =	sdelay $0x1  }
0x74: {  	[sflag:s24] =	ssyncset.done $0x0  }
0x75: {  	[sflag:s24] =	ssyncadd.s32 $0xFFFFFC00  }
.LBB2_1:
0x76: {  	[dreg:$0x6] =	wrdreg s7  }
0x77: {  	s6 =	rddreg [dreg:$0x3]  }
0x78: {  	[tilespmem:s3], [sflag:$0x1] =	stream.linear.gather [hbm4b:s6+s3], $0x200, $0x38;
	[tilespmem:$0x10600] =	vst v63  }
0x79: {  	_ =	swait.ge [sflag:s18], $0x200  }
0x7a: {  	[sflag:s18] =	ssyncset.done $0x0  }
0x7b: {  	s17 =	simm.s32 $0x400;
	[sflag:s18] =	ssyncadd.s32 $0xFFFFFE00  }
0x7c: {  	[tilespmem:s17], [sflag:$0x3] =	stream.indirect.gather [hbm4b:s5+s19], $0x20, s3, s19, $0xb8;
	[tilespmem:$0x10600] =	vst v63  }
0x7d: {  	s21 =	simm.s32 $0x1400  }
0x7e: {  	[tilespmem:s21], [sflag:$0x3] =	stream.indirect.gather [hbm4b:s5+s19], $0x20, s19, s19, $0xb8;
	[tilespmem:$0x10600] =	vst v63  }
0x7f: {  	s22 =	simm.s32 $0x100;
	s23 =	simm.s32 $0x2400  }
0x80: {  	[tilespmem:s23], [sflag:$0x3] =	stream.indirect.gather [hbm4b:s5+s19], $0x20, s22, s19, $0xb8;
	[tilespmem:$0x10600] =	vst v63  }
0x81: {  	s25 =	simm.s32 $0x180;
	s26 =	simm.s32 $0x3400  }
0x82: {  	[tilespmem:s26], [sflag:$0x3] =	stream.indirect.gather [hbm4b:s5+s19], $0x20, s25, s19, $0xb8;
	[tilespmem:$0x10600] =	vst v63  }
0x83: {  	s31 =	simm.s32 $0x200;
	s30 =	rddreg [dreg:$0x4];
	s25 =	simm.s32 $0x0  }
0x84: {  	[tilespmem:s31], [sflag:$0x2] =	stream.linear.gather [hbm4b:s30+s3], $0x200, $0x38;
	[tilespmem:$0x10600] =	vst v63  }
.LBB2_2:
0x85: {  	p1 =	seq.s32 s25, $0x0  }
0x86: {  	s6 =	simm.s32 @!p1 $0x5  }
0x87: {  	_ =	swait.ge @!p1 [sflag:s6], $0x400  }
0x88: {  	[sflag:s6] =	ssyncset.done @!p1 $0x0  }
0x89: {  	[sflag:s6] =	ssyncadd.s32 @!p1 $0xFFFFFC00  }
0x8a: {  	_ =	swait.ge @!p1 [sflag:s6], $0x400  }
0x8b: {  	[sflag:s6] =	ssyncset.done @!p1 $0x0  }
0x8c: {  	[sflag:s6] =	ssyncadd.s32 @!p1 $0xFFFFFC00  }
0x8d: {  	_ =	swait.ge @!p1 [sflag:s6], $0x400  }
0x8e: {  	[sflag:s6] =	ssyncset.done @!p1 $0x0  }
0x8f: {  	[sflag:s6] =	ssyncadd.s32 @!p1 $0xFFFFFC00  }
0x90: {  	_ =	swait.ge @!p1 [sflag:s6], $0x400  }
0x91: {  	[sflag:s6] =	ssyncset.done @!p1 $0x0  }
0x92: {  	[sflag:s6] =	ssyncadd.s32 @!p1 $0xFFFFFC00  }
0x93: {  	_ =	swait.ge @!p1 [sflag:s6], $0x400  }
0x94: {  	[sflag:s6] =	ssyncset.done @!p1 $0x0  }
0x95: {  	[sflag:s6] =	ssyncadd.s32 @!p1 $0xFFFFFC00  }
0x96: {  	_ =	swait.ge @!p1 [sflag:s6], $0x400  }
0x97: {  	[sflag:s6] =	ssyncset.done @!p1 $0x0  }
0x98: {  	[sflag:s6] =	ssyncadd.s32 @!p1 $0xFFFFFC00  }
0x99: {  	_ =	swait.ge @!p1 [sflag:s6], $0x400  }
0x9a: {  	[sflag:s6] =	ssyncset.done @!p1 $0x0  }
0x9b: {  	[sflag:s6] =	ssyncadd.s32 @!p1 $0xFFFFFC00  }
0x9c: {  	_ =	swait.ge @!p1 [sflag:s6], $0x400  }
0x9d: {  	[sflag:s6] =	ssyncset.done @!p1 $0x0  }
0x9e: {  	[sflag:s6] =	ssyncadd.s32 @!p1 $0xFFFFFC00  }
0x9f: {  	_ =	swait.ge @!p1 [sflag:s6], $0x400  }
0xa0: {  	[sflag:s6] =	ssyncset.done @!p1 $0x0  }
0xa1: {  	[sflag:s6] =	ssyncadd.s32 @!p1 $0xFFFFFC00  }
0xa2: {  	_ =	swait.ge @!p1 [sflag:s6], $0x400  }
0xa3: {  	[sflag:s6] =	ssyncset.done @!p1 $0x0  }
0xa4: {  	[sflag:s6] =	ssyncadd.s32 @!p1 $0xFFFFFC00  }
0xa5: {  	_ =	swait.ge @!p1 [sflag:s6], $0x400  }
0xa6: {  	[sflag:s6] =	ssyncset.done @!p1 $0x0  }
0xa7: {  	[sflag:s6] =	ssyncadd.s32 @!p1 $0xFFFFFC00  }
0xa8: {  	_ =	swait.ge @!p1 [sflag:s6], $0x400  }
0xa9: {  	[sflag:s6] =	ssyncset.done @!p1 $0x0  }
0xaa: {  	[sflag:s6] =	ssyncadd.s32 @!p1 $0xFFFFFC00  }
0xab: {  	_ =	swait.ge @!p1 [sflag:s6], $0x400  }
0xac: {  	[sflag:s6] =	ssyncset.done @!p1 $0x0  }
0xad: {  	[sflag:s6] =	ssyncadd.s32 @!p1 $0xFFFFFC00  }
0xae: {  	_ =	swait.ge @!p1 [sflag:s6], $0x400  }
0xaf: {  	[sflag:s6] =	ssyncset.done @!p1 $0x0  }
0xb0: {  	[sflag:s6] =	ssyncadd.s32 @!p1 $0xFFFFFC00  }
0xb1: {  	_ =	swait.ge @!p1 [sflag:s6], $0x400  }
0xb2: {  	[sflag:s6] =	ssyncset.done @!p1 $0x0  }
0xb3: {  	[sflag:s6] =	ssyncadd.s32 @!p1 $0xFFFFFC00  }
0xb4: {  	_ =	swait.ge @!p1 [sflag:s6], $0x400  }
0xb5: {  	[sflag:s6] =	ssyncset.done @!p1 $0x0  }
0xb6: {  	[sflag:s6] =	ssyncadd.s32 @!p1 $0xFFFFFC00  }
0xb7: {  	_ =	swait.ge [sflag:s28], $0x1000  }
0xb8: {  	[sflag:s28] =	ssyncset.done $0x0  }
0xb9: {  	s31 =	simm.s32 $0x480;
	[sflag:s28] =	ssyncadd.s32 $0xFFFFF000  }
0xba: {  	v17 =	vld [tilespmem:s31+$0x70]  }
0xbb: {  	v19 =	vld [tilespmem:s31+$0x60]  }
0xbc: {  	v18 =	vld [tilespmem:s31+$0x50]  }
0xbd: {  	v20 =	vld [tilespmem:s31+$0x40]  }
0xbe: {  	s23 =	simm.s32 $0x0;
	v21 =	vld [tilespmem:s31+$0x30]  }
0xbf: {  	v24 =	vmov s23;
	v22 =	vld [tilespmem:s31+$0x20]  }
0xc0: {  	s26 =	simm.s32 $0x1;
	v24 =	vshrl.u32 v24, $0x3;
	v23 =	vld [tilespmem:s31+$0x10]  }
0xc1: {  	v27 =	vmov s26;
	v24 =	vshll.u32 v24, v1;
	v25 =	vld [tilespmem:s31+$0x0]  }
0xc2: {  	s7 =	simm.s32 $0x2;
	v27 =	vshrl.u32 v27, $0x3;
	v24 =	vbroadcast v24, $0x0;
	v26 =	vld [tilespmem:s31+$0xFFFFFFF0]  }
0xc3: {  	v30 =	vmov s7;
	v27 =	vshll.u32 v27, v1;
	v28 =	vld [tilespmem:s31+$0xFFFFFFE0]  }
0xc4: {  	s17 =	simm.s32 $0x3;
	v30 =	vshrl.u32 v30, $0x3;
	v27 =	vbroadcast v27, $0x0;
	v32 =	vadd.s32 v0, v24;
	v31 =	vld [tilespmem:s31+$0xFFFFFF80]  }
0xc5: {  	v34 =	vmov s17;
	v30 =	vshll.u32 v30, v1;
	v24 =	vadd.s32 v2, v24;
	v33 =	vld [tilespmem:s31+$0xFFFFFF90]  }
0xc6: {  	s21 =	simm.s32 $0x4;
	v34 =	vshrl.u32 v34, $0x3;
	v30 =	vbroadcast v30, $0x0;
	v36 =	vadd.s32 v3, v27;
	v35 =	vld [tilespmem:s31+$0xFFFFFFA0]  }
0xc7: {  	v38 =	vmov s21;
	v34 =	vshll.u32 v34, v1;
	v27 =	vadd.s32 v4, v27;
	v37 =	vld [tilespmem:s31+$0xFFFFFFB0]  }
0xc8: {  	s22 =	simm.s32 $0x5;
	v38 =	vshrl.u32 v38, $0x3;
	v34 =	vbroadcast v34, $0x0;
	v40 =	vadd.s32 v5, v30;
	v39 =	vld [tilespmem:s31+$0xFFFFFFC0]  }
0xc9: {  	v50 =	vmov s22;
	v49 =	vshll.u32 v38, v1;
	v30 =	vadd.s32 v6, v30;
	v29 =	vld [tilespmem:s31+$0xFFFFFFD0];
	[tilespmem:v32+s29+$0x0] =	vst.idx.msk $0xffff, v31  }
0xca: {  	s23 =	simm.s32 $0x6;
	v51 =	vadd.s32 v7, v34;
	v31 =	vbroadcast v49, $0x0;
	v32 =	vshrl.u32 v50, $0x3;
	[tilespmem:v24+s29+$0x0] =	vst.idx.msk $0xffff, v33  }
0xcb: {  	v53 =	vmov s23;
	v52 =	vadd.s32 v8, v34;
	v32 =	vshll.u32 v32, v1;
	[tilespmem:v36+s29+$0x0] =	vst.idx.msk $0xffff, v35  }
0xcc: {  	v34 =	vshrl.u32 v53, $0x3;
	v54 =	vadd.s32 v9, v31;
	v32 =	vbroadcast v32, $0x0;
	[tilespmem:v27+s29+$0x0] =	vst.idx.msk $0xffff, v37  }
0xcd: {  	v34 =	vshll.u32 v34, v1;
	v31 =	vadd.s32 v10, v31;
	[tilespmem:v40+s29+$0x0] =	vst.idx.msk $0xffff, v39  }
0xce: {  	s26 =	simm.s32 $0x7;
	v57 =	vbroadcast v34, $0x0;
	v56 =	vadd.s32 v11, v32;
	[tilespmem:v30+s29+$0x0] =	vst.idx.msk $0xffff, v29  }
0xcf: {  	v55 =	vmov s26;
	v59 =	vadd.s32 v12, v32;
	[tilespmem:v51+s29+$0x0] =	vst.idx.msk $0xffff, v28  }
0xd0: {  	v58 =	vshrl.u32 v55, $0x3;
	v61 =	vadd.s32 v13, v57;
	[tilespmem:v52+s29+$0x0] =	vst.idx.msk $0xffff, v26  }
0xd1: {  	v60 =	vshll.u32 v58, v1;
	v62 =	vadd.s32 v14, v57;
	[tilespmem:v54+s29+$0x0] =	vst.idx.msk $0xffff, v25  }
0xd2: {  	v28 =	vbroadcast v60, $0x0;
	[tilespmem:v31+s29+$0x0] =	vst.idx.msk $0xffff, v23  }
0xd3: {  	[tilespmem:v56+s29+$0x0] =	vst.idx.msk $0xffff, v22  }
0xd4: {  	v63 =	vadd.s32 v15, v28;
	[tilespmem:v59+s29+$0x0] =	vst.idx.msk $0xffff, v21  }
0xd5: {  	[tilespmem:v61+s29+$0x0] =	vst.idx.msk $0xffff, v20  }
0xd6: {  	[tilespmem:v62+s29+$0x0] =	vst.idx.msk $0xffff, v18;
	v18 =	vadd.s32 v16, v28;
	_ =	sdelay $0x2  }
0xd7: {  	s30 =	sshll.u32 s25, $0x14;
	s6 =	simm.s32 $0xF;
	[tilespmem:v63+s29+$0x0] =	vst.idx.msk $0xffff, v19  }
.LBB2_3:
0xd8: {  	p0 =	sne.s32 s6, $0x7F  }
0xd9: {  	[tilespmem:v18+s29+$0x0] =	vst.idx.msk $0xffff, v17;
	s31 =	sadd.s32 $0x100, s31;
	s7 =	smov.u32 s6;
	s6 =	sadd.s32 $0x8, s6  }
0xda: {  	v17 =	vld [tilespmem:s31+$0x70]  }
0xdb: {  	v19 =	vld [tilespmem:s31+$0x60]  }
0xdc: {  	v20 =	vld [tilespmem:s31+$0x50]  }
0xdd: {  	v21 =	vld [tilespmem:s31+$0x40]  }
0xde: {  	v22 =	vld [tilespmem:s31+$0x30]  }
0xdf: {  	s17 =	sadd.s32 $0xFFFFFFF9, s7;
	v18 =	vld [tilespmem:s31+$0x20]  }
0xe0: {  	v24 =	vmov s17;
	v23 =	vld [tilespmem:s31+$0x10]  }
0xe1: {  	s17 =	sadd.s32 $0xFFFFFFFA, s7;
	v24 =	vshrl.u32 v24, $0x3;
	v25 =	vld [tilespmem:s31+$0x0]  }
0xe2: {  	v27 =	vmov s17;
	v24 =	vshll.u32 v24, v1;
	v26 =	vld [tilespmem:s31+$0xFFFFFFF0]  }
0xe3: {  	s17 =	sadd.s32 $0xFFFFFFFB, s7;
	v27 =	vshrl.u32 v27, $0x3;
	v24 =	vbroadcast v24, $0x0;
	v28 =	vld [tilespmem:s31+$0xFFFFFFE0]  }
0xe4: {  	v30 =	vmov s17;
	v27 =	vshll.u32 v27, v1;
	v29 =	vld [tilespmem:s31+$0xFFFFFFD0]  }
0xe5: {  	s17 =	sadd.s32 $0xFFFFFFFC, s7;
	v30 =	vshrl.u32 v30, $0x3;
	v27 =	vbroadcast v27, $0x0;
	v32 =	vadd.s32 v0, v24;
	v31 =	vld [tilespmem:s31+$0xFFFFFF80]  }
0xe6: {  	v34 =	vmov s17;
	v30 =	vshll.u32 v30, v1;
	v24 =	vadd.s32 v2, v24;
	v33 =	vld [tilespmem:s31+$0xFFFFFF90]  }
0xe7: {  	s17 =	sadd.s32 $0xFFFFFFFD, s7;
	v34 =	vshrl.u32 v34, $0x3;
	v30 =	vbroadcast v30, $0x0;
	v36 =	vadd.s32 v3, v27;
	v35 =	vld [tilespmem:s31+$0xFFFFFFA0]  }
0xe8: {  	v38 =	vmov s17;
	v34 =	vshll.u32 v34, v1;
	v27 =	vadd.s32 v4, v27;
	v37 =	vld [tilespmem:s31+$0xFFFFFFB0]  }
0xe9: {  	s17 =	sadd.s32 $0xFFFFFFFE, s7;
	v38 =	vshrl.u32 v38, $0x3;
	v34 =	vbroadcast v34, $0x0;
	v40 =	vadd.s32 v5, v30;
	v39 =	vld [tilespmem:s31+$0xFFFFFFC0]  }
0xea: {  	v30 =	vadd.s32 v6, v30;
	[tilespmem:v32+s29+$0x0] =	vst.idx.msk $0xffff, v31;
	v31 =	vshll.u32 v38, v1;
	v32 =	vmov s17  }
0xeb: {  	s17 =	sadd.s32 $0xFFFFFFFF, s7;
	[tilespmem:v24+s29+$0x0] =	vst.idx.msk $0xffff, v33;
	v24 =	vadd.s32 v7, v34;
	v31 =	vbroadcast v31, $0x0;
	v32 =	vshrl.u32 v32, $0x3  }
0xec: {  	v33 =	vadd.s32 v8, v34;
	v34 =	vmov s17;
	[tilespmem:v36+s29+$0x0] =	vst.idx.msk $0xffff, v35;
	v32 =	vshll.u32 v32, v1  }
0xed: {  	v34 =	vshrl.u32 v34, $0x3;
	[tilespmem:v27+s29+$0x0] =	vst.idx.msk $0xffff, v37;
	v27 =	vadd.s32 v9, v31;
	v32 =	vbroadcast v32, $0x0  }
0xee: {  	v35 =	vmov s7;
	v31 =	vadd.s32 v10, v31;
	v34 =	vshll.u32 v34, v1;
	[tilespmem:v40+s29+$0x0] =	vst.idx.msk $0xffff, v39  }
0xef: {  	[tilespmem:v30+s29+$0x0] =	vst.idx.msk $0xffff, v29;
	v29 =	vadd.s32 v11, v32;
	v30 =	vbroadcast v34, $0x0;
	v34 =	vshrl.u32 v35, $0x3  }
0xf0: {  	[tilespmem:v24+s29+$0x0] =	vst.idx.msk $0xffff, v28;
	v24 =	vadd.s32 v12, v32;
	v28 =	vshll.u32 v34, v1  }
0xf1: {  	[tilespmem:v33+s29+$0x0] =	vst.idx.msk $0xffff, v26;
	v26 =	vadd.s32 v13, v30;
	v28 =	vbroadcast v28, $0x0  }
0xf2: {  	[tilespmem:v27+s29+$0x0] =	vst.idx.msk $0xffff, v25;
	v25 =	vadd.s32 v14, v30  }
0xf3: {  	[tilespmem:v31+s29+$0x0] =	vst.idx.msk $0xffff, v23;
	v23 =	vadd.s32 v15, v28  }
.Ltmp2:
0xf4: {  	[tilespmem:v29+s29+$0x0] =	vst.idx.msk $0xffff, v18;
	v18 =	vadd.s32 v16, v28;
	(pc) =	sbr.rel @p0 .LBB2_3-.Ltmp2, $4  }
0xf5: {  	[tilespmem:v24+s29+$0x0] =	vst.idx.msk $0xffff, v22  }
0xf6: {  	[tilespmem:v26+s29+$0x0] =	vst.idx.msk $0xffff, v21  }
0xf7: {  	[tilespmem:v25+s29+$0x0] =	vst.idx.msk $0xffff, v20  }
0xf8: {  	[tilespmem:v23+s29+$0x0] =	vst.idx.msk $0xffff, v19  }
0xf9: {  	_ =	sdelay $0x3  }
0xfa: {  	[tilespmem:v18+s29+$0x0] =	vst.idx.msk $0xffff, v17  }
0xfb: {  	_ =	swait.ge [sflag:s28], $0x1000  }
0xfc: {  	[sflag:s28] =	ssyncset.done $0x0  }
0xfd: {  	s7 =	simm.s32 $0x14F0;
	[sflag:s28] =	ssyncadd.s32 $0xFFFFF000  }
0xfe: {  	v17 =	vld [tilespmem:s7+$0x0]  }
0xff: {  	v19 =	vld [tilespmem:s7+$0xFFFFFFF0]  }
0x100: {  	v18 =	vld [tilespmem:s7+$0xFFFFFFE0]  }
0x101: {  	v20 =	vld [tilespmem:s7+$0xFFFFFFD0]  }
0x102: {  	s6 =	simm.s32 $0x80;
	v21 =	vld [tilespmem:s7+$0xFFFFFFC0]  }
0x103: {  	v24 =	vmov s6;
	v22 =	vld [tilespmem:s7+$0xFFFFFFB0]  }
0x104: {  	s31 =	simm.s32 $0x81;
	v24 =	vshrl.u32 v24, $0x3;
	v23 =	vld [tilespmem:s7+$0xFFFFFFA0]  }
0x105: {  	v27 =	vmov s31;
	v24 =	vshll.u32 v24, v1;
	v25 =	vld [tilespmem:s7+$0xFFFFFF90]  }
0x106: {  	s17 =	simm.s32 $0x82;
	v27 =	vshrl.u32 v27, $0x3;
	v26 =	vld [tilespmem:s7+$0xFFFFFF80];
	v24 =	vbroadcast v24, $0x0  }
0x107: {  	v30 =	vmov s17;
	v27 =	vshll.u32 v27, v1;
	v28 =	vld [tilespmem:s7+$0xFFFFFF70]  }
0x108: {  	s21 =	simm.s32 $0x83;
	v30 =	vshrl.u32 v30, $0x3;
	v31 =	vld [tilespmem:s7+$0xFFFFFF10];
	v27 =	vbroadcast v27, $0x0;
	v32 =	vadd.s32 v0, v24  }
0x109: {  	v34 =	vmov s21;
	v30 =	vshll.u32 v30, v1;
	v33 =	vld [tilespmem:s7+$0xFFFFFF20];
	v24 =	vadd.s32 v2, v24  }
0x10a: {  	s22 =	simm.s32 $0x84;
	v34 =	vshrl.u32 v34, $0x3;
	v35 =	vld [tilespmem:s7+$0xFFFFFF30];
	v30 =	vbroadcast v30, $0x0;
	v36 =	vadd.s32 v3, v27  }
0x10b: {  	v38 =	vmov s22;
	v34 =	vshll.u32 v34, v1;
	v37 =	vld [tilespmem:s7+$0xFFFFFF40];
	v27 =	vadd.s32 v4, v27  }
0x10c: {  	s23 =	simm.s32 $0x85;
	v38 =	vshrl.u32 v38, $0x3;
	v39 =	vld [tilespmem:s7+$0xFFFFFF50];
	v34 =	vbroadcast v34, $0x0;
	v40 =	vadd.s32 v5, v30  }
0x10d: {  	v50 =	vmov s23;
	v49 =	vshll.u32 v38, v1;
	v29 =	vld [tilespmem:s7+$0xFFFFFF60];
	v30 =	vadd.s32 v6, v30;
	[tilespmem:v32+s29+$0x0] =	vst.idx.msk $0xffff, v31  }
0x10e: {  	s26 =	simm.s32 $0x86;
	v51 =	vadd.s32 v7, v34;
	v31 =	vbroadcast v49, $0x0;
	v32 =	vshrl.u32 v50, $0x3;
	[tilespmem:v24+s29+$0x0] =	vst.idx.msk $0xffff, v33  }
0x10f: {  	v53 =	vmov s26;
	v52 =	vadd.s32 v8, v34;
	v32 =	vshll.u32 v32, v1;
	[tilespmem:v36+s29+$0x0] =	vst.idx.msk $0xffff, v35  }
0x110: {  	v34 =	vshrl.u32 v53, $0x3;
	v54 =	vadd.s32 v9, v31;
	v32 =	vbroadcast v32, $0x0;
	[tilespmem:v27+s29+$0x0] =	vst.idx.msk $0xffff, v37  }
0x111: {  	v34 =	vshll.u32 v34, v1;
	v31 =	vadd.s32 v10, v31;
	[tilespmem:v40+s29+$0x0] =	vst.idx.msk $0xffff, v39  }
0x112: {  	s31 =	simm.s32 $0x87;
	v57 =	vbroadcast v34, $0x0;
	v56 =	vadd.s32 v11, v32;
	[tilespmem:v30+s29+$0x0] =	vst.idx.msk $0xffff, v29  }
0x113: {  	v55 =	vmov s31;
	v59 =	vadd.s32 v12, v32;
	[tilespmem:v51+s29+$0x0] =	vst.idx.msk $0xffff, v28  }
0x114: {  	v58 =	vshrl.u32 v55, $0x3;
	v61 =	vadd.s32 v13, v57;
	[tilespmem:v52+s29+$0x0] =	vst.idx.msk $0xffff, v26  }
0x115: {  	v60 =	vshll.u32 v58, v1;
	v62 =	vadd.s32 v14, v57;
	[tilespmem:v54+s29+$0x0] =	vst.idx.msk $0xffff, v25  }
0x116: {  	v28 =	vbroadcast v60, $0x0;
	[tilespmem:v31+s29+$0x0] =	vst.idx.msk $0xffff, v23  }
0x117: {  	[tilespmem:v56+s29+$0x0] =	vst.idx.msk $0xffff, v22  }
0x118: {  	v63 =	vadd.s32 v15, v28;
	[tilespmem:v59+s29+$0x0] =	vst.idx.msk $0xffff, v21  }
0x119: {  	[tilespmem:v61+s29+$0x0] =	vst.idx.msk $0xffff, v20  }
0x11a: {  	[tilespmem:v62+s29+$0x0] =	vst.idx.msk $0xffff, v18;
	v18 =	vadd.s32 v16, v28;
	_ =	sdelay $0x2  }
0x11b: {  	s6 =	simm.s32 $0x8F;
	[tilespmem:v63+s29+$0x0] =	vst.idx.msk $0xffff, v19  }
.LBB2_5:
0x11c: {  	p0 =	sne.s32 s6, $0xFF  }
0x11d: {  	[tilespmem:v18+s29+$0x0] =	vst.idx.msk $0xffff, v17;
	s7 =	sadd.s32 $0x100, s7;
	s17 =	smov.u32 s6;
	s6 =	sadd.s32 $0x8, s6  }
0x11e: {  	v17 =	vld [tilespmem:s7+$0x0]  }
0x11f: {  	v19 =	vld [tilespmem:s7+$0xFFFFFFF0]  }
0x120: {  	v20 =	vld [tilespmem:s7+$0xFFFFFFE0]  }
0x121: {  	v21 =	vld [tilespmem:s7+$0xFFFFFFD0]  }
0x122: {  	v22 =	vld [tilespmem:s7+$0xFFFFFFC0]  }
0x123: {  	s26 =	sadd.s32 $0xFFFFFFF9, s17;
	v18 =	vld [tilespmem:s7+$0xFFFFFFB0]  }
0x124: {  	v24 =	vmov s26;
	v23 =	vld [tilespmem:s7+$0xFFFFFFA0]  }
0x125: {  	s26 =	sadd.s32 $0xFFFFFFFA, s17;
	v24 =	vshrl.u32 v24, $0x3;
	v25 =	vld [tilespmem:s7+$0xFFFFFF90]  }
0x126: {  	v27 =	vmov s26;
	v24 =	vshll.u32 v24, v1;
	v26 =	vld [tilespmem:s7+$0xFFFFFF80]  }
0x127: {  	s26 =	sadd.s32 $0xFFFFFFFB, s17;
	v27 =	vshrl.u32 v27, $0x3;
	v24 =	vbroadcast v24, $0x0;
	v28 =	vld [tilespmem:s7+$0xFFFFFF70]  }
0x128: {  	v30 =	vmov s26;
	v27 =	vshll.u32 v27, v1;
	v29 =	vld [tilespmem:s7+$0xFFFFFF60]  }
0x129: {  	s26 =	sadd.s32 $0xFFFFFFFC, s17;
	v30 =	vshrl.u32 v30, $0x3;
	v27 =	vbroadcast v27, $0x0;
	v32 =	vadd.s32 v0, v24;
	v31 =	vld [tilespmem:s7+$0xFFFFFF10]  }
0x12a: {  	v34 =	vmov s26;
	v30 =	vshll.u32 v30, v1;
	v24 =	vadd.s32 v2, v24;
	v33 =	vld [tilespmem:s7+$0xFFFFFF20]  }
0x12b: {  	s26 =	sadd.s32 $0xFFFFFFFD, s17;
	v34 =	vshrl.u32 v34, $0x3;
	v30 =	vbroadcast v30, $0x0;
	v36 =	vadd.s32 v3, v27;
	v35 =	vld [tilespmem:s7+$0xFFFFFF30]  }
0x12c: {  	v38 =	vmov s26;
	v34 =	vshll.u32 v34, v1;
	v27 =	vadd.s32 v4, v27;
	v37 =	vld [tilespmem:s7+$0xFFFFFF40]  }
0x12d: {  	s26 =	sadd.s32 $0xFFFFFFFE, s17;
	v38 =	vshrl.u32 v38, $0x3;
	v34 =	vbroadcast v34, $0x0;
	v40 =	vadd.s32 v5, v30;
	v39 =	vld [tilespmem:s7+$0xFFFFFF50]  }
0x12e: {  	v30 =	vadd.s32 v6, v30;
	[tilespmem:v32+s29+$0x0] =	vst.idx.msk $0xffff, v31;
	v31 =	vshll.u32 v38, v1;
	v32 =	vmov s26  }
0x12f: {  	s26 =	sadd.s32 $0xFFFFFFFF, s17;
	[tilespmem:v24+s29+$0x0] =	vst.idx.msk $0xffff, v33;
	v24 =	vadd.s32 v7, v34;
	v31 =	vbroadcast v31, $0x0;
	v32 =	vshrl.u32 v32, $0x3  }
0x130: {  	v33 =	vadd.s32 v8, v34;
	v34 =	vmov s26;
	[tilespmem:v36+s29+$0x0] =	vst.idx.msk $0xffff, v35;
	v32 =	vshll.u32 v32, v1  }
0x131: {  	v34 =	vshrl.u32 v34, $0x3;
	[tilespmem:v27+s29+$0x0] =	vst.idx.msk $0xffff, v37;
	v27 =	vadd.s32 v9, v31;
	v32 =	vbroadcast v32, $0x0  }
0x132: {  	v35 =	vmov s17;
	v31 =	vadd.s32 v10, v31;
	v34 =	vshll.u32 v34, v1;
	[tilespmem:v40+s29+$0x0] =	vst.idx.msk $0xffff, v39  }
0x133: {  	[tilespmem:v30+s29+$0x0] =	vst.idx.msk $0xffff, v29;
	v29 =	vadd.s32 v11, v32;
	v30 =	vbroadcast v34, $0x0;
	v34 =	vshrl.u32 v35, $0x3  }
0x134: {  	[tilespmem:v24+s29+$0x0] =	vst.idx.msk $0xffff, v28;
	v24 =	vadd.s32 v12, v32;
	v28 =	vshll.u32 v34, v1  }
0x135: {  	[tilespmem:v33+s29+$0x0] =	vst.idx.msk $0xffff, v26;
	v26 =	vadd.s32 v13, v30;
	v28 =	vbroadcast v28, $0x0  }
0x136: {  	[tilespmem:v27+s29+$0x0] =	vst.idx.msk $0xffff, v25;
	v25 =	vadd.s32 v14, v30  }
0x137: {  	[tilespmem:v31+s29+$0x0] =	vst.idx.msk $0xffff, v23;
	v23 =	vadd.s32 v15, v28  }
.Ltmp3:
0x138: {  	[tilespmem:v29+s29+$0x0] =	vst.idx.msk $0xffff, v18;
	v18 =	vadd.s32 v16, v28;
	(pc) =	sbr.rel @p0 .LBB2_5-.Ltmp3, $4  }
0x139: {  	[tilespmem:v24+s29+$0x0] =	vst.idx.msk $0xffff, v22  }
0x13a: {  	[tilespmem:v26+s29+$0x0] =	vst.idx.msk $0xffff, v21  }
0x13b: {  	[tilespmem:v25+s29+$0x0] =	vst.idx.msk $0xffff, v20  }
0x13c: {  	[tilespmem:v23+s29+$0x0] =	vst.idx.msk $0xffff, v19  }
0x13d: {  	_ =	sdelay $0x3  }
0x13e: {  	[tilespmem:v18+s29+$0x0] =	vst.idx.msk $0xffff, v17  }
0x13f: {  	_ =	swait.ge [sflag:s28], $0x1000  }
0x140: {  	[sflag:s28] =	ssyncset.done $0x0  }
0x141: {  	s7 =	simm.s32 $0x24F0;
	[sflag:s28] =	ssyncadd.s32 $0xFFFFF000  }
0x142: {  	v17 =	vld [tilespmem:s7+$0x0]  }
0x143: {  	v19 =	vld [tilespmem:s7+$0xFFFFFFF0]  }
0x144: {  	v18 =	vld [tilespmem:s7+$0xFFFFFFE0]  }
0x145: {  	v20 =	vld [tilespmem:s7+$0xFFFFFFD0]  }
0x146: {  	s6 =	simm.s32 $0x100;
	v21 =	vld [tilespmem:s7+$0xFFFFFFC0]  }
0x147: {  	v24 =	vmov s6;
	v22 =	vld [tilespmem:s7+$0xFFFFFFB0]  }
0x148: {  	s31 =	simm.s32 $0x101;
	v24 =	vshrl.u32 v24, $0x3;
	v23 =	vld [tilespmem:s7+$0xFFFFFFA0]  }
0x149: {  	v27 =	vmov s31;
	v24 =	vshll.u32 v24, v1;
	v25 =	vld [tilespmem:s7+$0xFFFFFF90]  }
0x14a: {  	s17 =	simm.s32 $0x102;
	v27 =	vshrl.u32 v27, $0x3;
	v26 =	vld [tilespmem:s7+$0xFFFFFF80];
	v24 =	vbroadcast v24, $0x0  }
0x14b: {  	v30 =	vmov s17;
	v27 =	vshll.u32 v27, v1;
	v28 =	vld [tilespmem:s7+$0xFFFFFF70]  }
0x14c: {  	s21 =	simm.s32 $0x103;
	v30 =	vshrl.u32 v30, $0x3;
	v31 =	vld [tilespmem:s7+$0xFFFFFF10];
	v27 =	vbroadcast v27, $0x0;
	v32 =	vadd.s32 v0, v24  }
0x14d: {  	v34 =	vmov s21;
	v30 =	vshll.u32 v30, v1;
	v33 =	vld [tilespmem:s7+$0xFFFFFF20];
	v24 =	vadd.s32 v2, v24  }
0x14e: {  	s22 =	simm.s32 $0x104;
	v34 =	vshrl.u32 v34, $0x3;
	v35 =	vld [tilespmem:s7+$0xFFFFFF30];
	v30 =	vbroadcast v30, $0x0;
	v36 =	vadd.s32 v3, v27  }
0x14f: {  	v38 =	vmov s22;
	v34 =	vshll.u32 v34, v1;
	v37 =	vld [tilespmem:s7+$0xFFFFFF40];
	v27 =	vadd.s32 v4, v27  }
0x150: {  	s23 =	simm.s32 $0x105;
	v38 =	vshrl.u32 v38, $0x3;
	v39 =	vld [tilespmem:s7+$0xFFFFFF50];
	v34 =	vbroadcast v34, $0x0;
	v40 =	vadd.s32 v5, v30  }
0x151: {  	v50 =	vmov s23;
	v49 =	vshll.u32 v38, v1;
	v29 =	vld [tilespmem:s7+$0xFFFFFF60];
	v30 =	vadd.s32 v6, v30;
	[tilespmem:v32+s29+$0x0] =	vst.idx.msk $0xffff, v31  }
0x152: {  	s26 =	simm.s32 $0x106;
	v51 =	vadd.s32 v7, v34;
	v31 =	vbroadcast v49, $0x0;
	v32 =	vshrl.u32 v50, $0x3;
	[tilespmem:v24+s29+$0x0] =	vst.idx.msk $0xffff, v33  }
0x153: {  	v53 =	vmov s26;
	v52 =	vadd.s32 v8, v34;
	v32 =	vshll.u32 v32, v1;
	[tilespmem:v36+s29+$0x0] =	vst.idx.msk $0xffff, v35  }
0x154: {  	v34 =	vshrl.u32 v53, $0x3;
	v54 =	vadd.s32 v9, v31;
	v32 =	vbroadcast v32, $0x0;
	[tilespmem:v27+s29+$0x0] =	vst.idx.msk $0xffff, v37  }
0x155: {  	v34 =	vshll.u32 v34, v1;
	v31 =	vadd.s32 v10, v31;
	[tilespmem:v40+s29+$0x0] =	vst.idx.msk $0xffff, v39  }
0x156: {  	s31 =	simm.s32 $0x107;
	v57 =	vbroadcast v34, $0x0;
	v56 =	vadd.s32 v11, v32;
	[tilespmem:v30+s29+$0x0] =	vst.idx.msk $0xffff, v29  }
0x157: {  	v55 =	vmov s31;
	v59 =	vadd.s32 v12, v32;
	[tilespmem:v51+s29+$0x0] =	vst.idx.msk $0xffff, v28  }
0x158: {  	v58 =	vshrl.u32 v55, $0x3;
	v61 =	vadd.s32 v13, v57;
	[tilespmem:v52+s29+$0x0] =	vst.idx.msk $0xffff, v26  }
0x159: {  	v60 =	vshll.u32 v58, v1;
	v62 =	vadd.s32 v14, v57;
	[tilespmem:v54+s29+$0x0] =	vst.idx.msk $0xffff, v25  }
0x15a: {  	v28 =	vbroadcast v60, $0x0;
	[tilespmem:v31+s29+$0x0] =	vst.idx.msk $0xffff, v23  }
0x15b: {  	[tilespmem:v56+s29+$0x0] =	vst.idx.msk $0xffff, v22  }
0x15c: {  	v63 =	vadd.s32 v15, v28;
	[tilespmem:v59+s29+$0x0] =	vst.idx.msk $0xffff, v21  }
0x15d: {  	[tilespmem:v61+s29+$0x0] =	vst.idx.msk $0xffff, v20  }
0x15e: {  	[tilespmem:v62+s29+$0x0] =	vst.idx.msk $0xffff, v18;
	v18 =	vadd.s32 v16, v28;
	_ =	sdelay $0x2  }
0x15f: {  	s6 =	simm.s32 $0x10F;
	[tilespmem:v63+s29+$0x0] =	vst.idx.msk $0xffff, v19  }
.LBB2_7:
0x160: {  	p0 =	sne.s32 s6, $0x17F  }
0x161: {  	[tilespmem:v18+s29+$0x0] =	vst.idx.msk $0xffff, v17;
	s7 =	sadd.s32 $0x100, s7;
	s17 =	smov.u32 s6;
	s6 =	sadd.s32 $0x8, s6  }
0x162: {  	v17 =	vld [tilespmem:s7+$0x0]  }
0x163: {  	v19 =	vld [tilespmem:s7+$0xFFFFFFF0]  }
0x164: {  	v20 =	vld [tilespmem:s7+$0xFFFFFFE0]  }
0x165: {  	v21 =	vld [tilespmem:s7+$0xFFFFFFD0]  }
0x166: {  	v22 =	vld [tilespmem:s7+$0xFFFFFFC0]  }
0x167: {  	s26 =	sadd.s32 $0xFFFFFFF9, s17;
	v18 =	vld [tilespmem:s7+$0xFFFFFFB0]  }
0x168: {  	v24 =	vmov s26;
	v23 =	vld [tilespmem:s7+$0xFFFFFFA0]  }
0x169: {  	s26 =	sadd.s32 $0xFFFFFFFA, s17;
	v24 =	vshrl.u32 v24, $0x3;
	v25 =	vld [tilespmem:s7+$0xFFFFFF90]  }
0x16a: {  	v27 =	vmov s26;
	v24 =	vshll.u32 v24, v1;
	v26 =	vld [tilespmem:s7+$0xFFFFFF80]  }
0x16b: {  	s26 =	sadd.s32 $0xFFFFFFFB, s17;
	v27 =	vshrl.u32 v27, $0x3;
	v24 =	vbroadcast v24, $0x0;
	v28 =	vld [tilespmem:s7+$0xFFFFFF70]  }
0x16c: {  	v30 =	vmov s26;
	v27 =	vshll.u32 v27, v1;
	v29 =	vld [tilespmem:s7+$0xFFFFFF60]  }
0x16d: {  	s26 =	sadd.s32 $0xFFFFFFFC, s17;
	v30 =	vshrl.u32 v30, $0x3;
	v27 =	vbroadcast v27, $0x0;
	v32 =	vadd.s32 v0, v24;
	v31 =	vld [tilespmem:s7+$0xFFFFFF10]  }
0x16e: {  	v34 =	vmov s26;
	v30 =	vshll.u32 v30, v1;
	v24 =	vadd.s32 v2, v24;
	v33 =	vld [tilespmem:s7+$0xFFFFFF20]  }
0x16f: {  	s26 =	sadd.s32 $0xFFFFFFFD, s17;
	v34 =	vshrl.u32 v34, $0x3;
	v30 =	vbroadcast v30, $0x0;
	v36 =	vadd.s32 v3, v27;
	v35 =	vld [tilespmem:s7+$0xFFFFFF30]  }
0x170: {  	v38 =	vmov s26;
	v34 =	vshll.u32 v34, v1;
	v27 =	vadd.s32 v4, v27;
	v37 =	vld [tilespmem:s7+$0xFFFFFF40]  }
0x171: {  	s26 =	sadd.s32 $0xFFFFFFFE, s17;
	v38 =	vshrl.u32 v38, $0x3;
	v34 =	vbroadcast v34, $0x0;
	v40 =	vadd.s32 v5, v30;
	v39 =	vld [tilespmem:s7+$0xFFFFFF50]  }
0x172: {  	v30 =	vadd.s32 v6, v30;
	[tilespmem:v32+s29+$0x0] =	vst.idx.msk $0xffff, v31;
	v31 =	vshll.u32 v38, v1;
	v32 =	vmov s26  }
0x173: {  	s26 =	sadd.s32 $0xFFFFFFFF, s17;
	[tilespmem:v24+s29+$0x0] =	vst.idx.msk $0xffff, v33;
	v24 =	vadd.s32 v7, v34;
	v31 =	vbroadcast v31, $0x0;
	v32 =	vshrl.u32 v32, $0x3  }
0x174: {  	v33 =	vadd.s32 v8, v34;
	v34 =	vmov s26;
	[tilespmem:v36+s29+$0x0] =	vst.idx.msk $0xffff, v35;
	v32 =	vshll.u32 v32, v1  }
0x175: {  	v34 =	vshrl.u32 v34, $0x3;
	[tilespmem:v27+s29+$0x0] =	vst.idx.msk $0xffff, v37;
	v27 =	vadd.s32 v9, v31;
	v32 =	vbroadcast v32, $0x0  }
0x176: {  	v35 =	vmov s17;
	v31 =	vadd.s32 v10, v31;
	v34 =	vshll.u32 v34, v1;
	[tilespmem:v40+s29+$0x0] =	vst.idx.msk $0xffff, v39  }
0x177: {  	[tilespmem:v30+s29+$0x0] =	vst.idx.msk $0xffff, v29;
	v29 =	vadd.s32 v11, v32;
	v30 =	vbroadcast v34, $0x0;
	v34 =	vshrl.u32 v35, $0x3  }
0x178: {  	[tilespmem:v24+s29+$0x0] =	vst.idx.msk $0xffff, v28;
	v24 =	vadd.s32 v12, v32;
	v28 =	vshll.u32 v34, v1  }
0x179: {  	[tilespmem:v33+s29+$0x0] =	vst.idx.msk $0xffff, v26;
	v26 =	vadd.s32 v13, v30;
	v28 =	vbroadcast v28, $0x0  }
0x17a: {  	[tilespmem:v27+s29+$0x0] =	vst.idx.msk $0xffff, v25;
	v25 =	vadd.s32 v14, v30  }
0x17b: {  	[tilespmem:v31+s29+$0x0] =	vst.idx.msk $0xffff, v23;
	v23 =	vadd.s32 v15, v28  }
.Ltmp4:
0x17c: {  	[tilespmem:v29+s29+$0x0] =	vst.idx.msk $0xffff, v18;
	v18 =	vadd.s32 v16, v28;
	(pc) =	sbr.rel @p0 .LBB2_7-.Ltmp4, $4  }
0x17d: {  	[tilespmem:v24+s29+$0x0] =	vst.idx.msk $0xffff, v22  }
0x17e: {  	[tilespmem:v26+s29+$0x0] =	vst.idx.msk $0xffff, v21  }
0x17f: {  	[tilespmem:v25+s29+$0x0] =	vst.idx.msk $0xffff, v20  }
0x180: {  	[tilespmem:v23+s29+$0x0] =	vst.idx.msk $0xffff, v19  }
0x181: {  	_ =	sdelay $0x3  }
0x182: {  	[tilespmem:v18+s29+$0x0] =	vst.idx.msk $0xffff, v17  }
0x183: {  	_ =	swait.ge [sflag:s28], $0x1000  }
0x184: {  	[sflag:s28] =	ssyncset.done $0x0  }
0x185: {  	s7 =	simm.s32 $0x34F0;
	[sflag:s28] =	ssyncadd.s32 $0xFFFFF000  }
0x186: {  	v17 =	vld [tilespmem:s7+$0x0]  }
0x187: {  	v19 =	vld [tilespmem:s7+$0xFFFFFFF0]  }
0x188: {  	v18 =	vld [tilespmem:s7+$0xFFFFFFE0]  }
0x189: {  	v20 =	vld [tilespmem:s7+$0xFFFFFFD0]  }
0x18a: {  	s6 =	simm.s32 $0x180;
	v21 =	vld [tilespmem:s7+$0xFFFFFFC0]  }
0x18b: {  	v24 =	vmov s6;
	v22 =	vld [tilespmem:s7+$0xFFFFFFB0]  }
0x18c: {  	s31 =	simm.s32 $0x181;
	v24 =	vshrl.u32 v24, $0x3;
	v23 =	vld [tilespmem:s7+$0xFFFFFFA0]  }
0x18d: {  	v27 =	vmov s31;
	v24 =	vshll.u32 v24, v1;
	v25 =	vld [tilespmem:s7+$0xFFFFFF90]  }
0x18e: {  	s17 =	simm.s32 $0x182;
	v27 =	vshrl.u32 v27, $0x3;
	v26 =	vld [tilespmem:s7+$0xFFFFFF80];
	v24 =	vbroadcast v24, $0x0  }
0x18f: {  	v30 =	vmov s17;
	v27 =	vshll.u32 v27, v1;
	v28 =	vld [tilespmem:s7+$0xFFFFFF70]  }
0x190: {  	s21 =	simm.s32 $0x183;
	v30 =	vshrl.u32 v30, $0x3;
	v31 =	vld [tilespmem:s7+$0xFFFFFF10];
	v27 =	vbroadcast v27, $0x0;
	v32 =	vadd.s32 v0, v24  }
0x191: {  	v34 =	vmov s21;
	v30 =	vshll.u32 v30, v1;
	v33 =	vld [tilespmem:s7+$0xFFFFFF20];
	v24 =	vadd.s32 v2, v24  }
0x192: {  	s22 =	simm.s32 $0x184;
	v34 =	vshrl.u32 v34, $0x3;
	v35 =	vld [tilespmem:s7+$0xFFFFFF30];
	v30 =	vbroadcast v30, $0x0;
	v36 =	vadd.s32 v3, v27  }
0x193: {  	v38 =	vmov s22;
	v34 =	vshll.u32 v34, v1;
	v37 =	vld [tilespmem:s7+$0xFFFFFF40];
	v27 =	vadd.s32 v4, v27  }
0x194: {  	s23 =	simm.s32 $0x185;
	v38 =	vshrl.u32 v38, $0x3;
	v39 =	vld [tilespmem:s7+$0xFFFFFF50];
	v34 =	vbroadcast v34, $0x0;
	v40 =	vadd.s32 v5, v30  }
0x195: {  	v50 =	vmov s23;
	v49 =	vshll.u32 v38, v1;
	v29 =	vld [tilespmem:s7+$0xFFFFFF60];
	v30 =	vadd.s32 v6, v30;
	[tilespmem:v32+s29+$0x0] =	vst.idx.msk $0xffff, v31  }
0x196: {  	s26 =	simm.s32 $0x186;
	v51 =	vadd.s32 v7, v34;
	v31 =	vbroadcast v49, $0x0;
	v32 =	vshrl.u32 v50, $0x3;
	[tilespmem:v24+s29+$0x0] =	vst.idx.msk $0xffff, v33  }
0x197: {  	v53 =	vmov s26;
	v52 =	vadd.s32 v8, v34;
	v32 =	vshll.u32 v32, v1;
	[tilespmem:v36+s29+$0x0] =	vst.idx.msk $0xffff, v35  }
0x198: {  	v34 =	vshrl.u32 v53, $0x3;
	v54 =	vadd.s32 v9, v31;
	v32 =	vbroadcast v32, $0x0;
	[tilespmem:v27+s29+$0x0] =	vst.idx.msk $0xffff, v37  }
0x199: {  	v34 =	vshll.u32 v34, v1;
	v31 =	vadd.s32 v10, v31;
	[tilespmem:v40+s29+$0x0] =	vst.idx.msk $0xffff, v39  }
0x19a: {  	s31 =	simm.s32 $0x187;
	v57 =	vbroadcast v34, $0x0;
	v56 =	vadd.s32 v11, v32;
	[tilespmem:v30+s29+$0x0] =	vst.idx.msk $0xffff, v29  }
0x19b: {  	v55 =	vmov s31;
	v59 =	vadd.s32 v12, v32;
	[tilespmem:v51+s29+$0x0] =	vst.idx.msk $0xffff, v28  }
0x19c: {  	v58 =	vshrl.u32 v55, $0x3;
	v61 =	vadd.s32 v13, v57;
	[tilespmem:v52+s29+$0x0] =	vst.idx.msk $0xffff, v26  }
0x19d: {  	v60 =	vshll.u32 v58, v1;
	v62 =	vadd.s32 v14, v57;
	[tilespmem:v54+s29+$0x0] =	vst.idx.msk $0xffff, v25  }
0x19e: {  	v28 =	vbroadcast v60, $0x0;
	[tilespmem:v31+s29+$0x0] =	vst.idx.msk $0xffff, v23  }
0x19f: {  	[tilespmem:v56+s29+$0x0] =	vst.idx.msk $0xffff, v22  }
0x1a0: {  	v63 =	vadd.s32 v15, v28;
	[tilespmem:v59+s29+$0x0] =	vst.idx.msk $0xffff, v21  }
0x1a1: {  	[tilespmem:v61+s29+$0x0] =	vst.idx.msk $0xffff, v20  }
0x1a2: {  	[tilespmem:v62+s29+$0x0] =	vst.idx.msk $0xffff, v18;
	v18 =	vadd.s32 v16, v28;
	_ =	sdelay $0x2  }
0x1a3: {  	s6 =	simm.s32 $0x18F;
	[tilespmem:v63+s29+$0x0] =	vst.idx.msk $0xffff, v19  }
.LBB2_9:
0x1a4: {  	p0 =	sne.s32 s6, $0x1FF  }
0x1a5: {  	[tilespmem:v18+s29+$0x0] =	vst.idx.msk $0xffff, v17;
	s7 =	sadd.s32 $0x100, s7;
	s17 =	smov.u32 s6;
	s6 =	sadd.s32 $0x8, s6  }
0x1a6: {  	v17 =	vld [tilespmem:s7+$0x0]  }
0x1a7: {  	v19 =	vld [tilespmem:s7+$0xFFFFFFF0]  }
0x1a8: {  	v20 =	vld [tilespmem:s7+$0xFFFFFFE0]  }
0x1a9: {  	v21 =	vld [tilespmem:s7+$0xFFFFFFD0]  }
0x1aa: {  	v22 =	vld [tilespmem:s7+$0xFFFFFFC0]  }
0x1ab: {  	s26 =	sadd.s32 $0xFFFFFFF9, s17;
	v18 =	vld [tilespmem:s7+$0xFFFFFFB0]  }
0x1ac: {  	v24 =	vmov s26;
	v23 =	vld [tilespmem:s7+$0xFFFFFFA0]  }
0x1ad: {  	s26 =	sadd.s32 $0xFFFFFFFA, s17;
	v24 =	vshrl.u32 v24, $0x3;
	v25 =	vld [tilespmem:s7+$0xFFFFFF90]  }
0x1ae: {  	v27 =	vmov s26;
	v24 =	vshll.u32 v24, v1;
	v26 =	vld [tilespmem:s7+$0xFFFFFF80]  }
0x1af: {  	s26 =	sadd.s32 $0xFFFFFFFB, s17;
	v27 =	vshrl.u32 v27, $0x3;
	v24 =	vbroadcast v24, $0x0;
	v28 =	vld [tilespmem:s7+$0xFFFFFF70]  }
0x1b0: {  	v30 =	vmov s26;
	v27 =	vshll.u32 v27, v1;
	v29 =	vld [tilespmem:s7+$0xFFFFFF60]  }
0x1b1: {  	s26 =	sadd.s32 $0xFFFFFFFC, s17;
	v30 =	vshrl.u32 v30, $0x3;
	v27 =	vbroadcast v27, $0x0;
	v32 =	vadd.s32 v0, v24;
	v31 =	vld [tilespmem:s7+$0xFFFFFF10]  }
0x1b2: {  	v34 =	vmov s26;
	v30 =	vshll.u32 v30, v1;
	v24 =	vadd.s32 v2, v24;
	v33 =	vld [tilespmem:s7+$0xFFFFFF20]  }
0x1b3: {  	s26 =	sadd.s32 $0xFFFFFFFD, s17;
	v34 =	vshrl.u32 v34, $0x3;
	v30 =	vbroadcast v30, $0x0;
	v36 =	vadd.s32 v3, v27;
	v35 =	vld [tilespmem:s7+$0xFFFFFF30]  }
0x1b4: {  	v38 =	vmov s26;
	v34 =	vshll.u32 v34, v1;
	v27 =	vadd.s32 v4, v27;
	v37 =	vld [tilespmem:s7+$0xFFFFFF40]  }
0x1b5: {  	s26 =	sadd.s32 $0xFFFFFFFE, s17;
	v38 =	vshrl.u32 v38, $0x3;
	v34 =	vbroadcast v34, $0x0;
	v40 =	vadd.s32 v5, v30;
	v39 =	vld [tilespmem:s7+$0xFFFFFF50]  }
0x1b6: {  	v30 =	vadd.s32 v6, v30;
	[tilespmem:v32+s29+$0x0] =	vst.idx.msk $0xffff, v31;
	v31 =	vshll.u32 v38, v1;
	v32 =	vmov s26  }
0x1b7: {  	s26 =	sadd.s32 $0xFFFFFFFF, s17;
	[tilespmem:v24+s29+$0x0] =	vst.idx.msk $0xffff, v33;
	v24 =	vadd.s32 v7, v34;
	v31 =	vbroadcast v31, $0x0;
	v32 =	vshrl.u32 v32, $0x3  }
0x1b8: {  	v33 =	vadd.s32 v8, v34;
	v34 =	vmov s26;
	[tilespmem:v36+s29+$0x0] =	vst.idx.msk $0xffff, v35;
	v32 =	vshll.u32 v32, v1  }
0x1b9: {  	v34 =	vshrl.u32 v34, $0x3;
	[tilespmem:v27+s29+$0x0] =	vst.idx.msk $0xffff, v37;
	v27 =	vadd.s32 v9, v31;
	v32 =	vbroadcast v32, $0x0  }
0x1ba: {  	v35 =	vmov s17;
	v31 =	vadd.s32 v10, v31;
	v34 =	vshll.u32 v34, v1;
	[tilespmem:v40+s29+$0x0] =	vst.idx.msk $0xffff, v39  }
0x1bb: {  	[tilespmem:v30+s29+$0x0] =	vst.idx.msk $0xffff, v29;
	v29 =	vadd.s32 v11, v32;
	v30 =	vbroadcast v34, $0x0;
	v34 =	vshrl.u32 v35, $0x3  }
0x1bc: {  	[tilespmem:v24+s29+$0x0] =	vst.idx.msk $0xffff, v28;
	v24 =	vadd.s32 v12, v32;
	v28 =	vshll.u32 v34, v1  }
0x1bd: {  	[tilespmem:v33+s29+$0x0] =	vst.idx.msk $0xffff, v26;
	v26 =	vadd.s32 v13, v30;
	v28 =	vbroadcast v28, $0x0  }
0x1be: {  	[tilespmem:v27+s29+$0x0] =	vst.idx.msk $0xffff, v25;
	v25 =	vadd.s32 v14, v30  }
0x1bf: {  	[tilespmem:v31+s29+$0x0] =	vst.idx.msk $0xffff, v23;
	v23 =	vadd.s32 v15, v28  }
.Ltmp5:
0x1c0: {  	[tilespmem:v29+s29+$0x0] =	vst.idx.msk $0xffff, v18;
	v18 =	vadd.s32 v16, v28;
	(pc) =	sbr.rel @p0 .LBB2_9-.Ltmp5, $4  }
0x1c1: {  	[tilespmem:v24+s29+$0x0] =	vst.idx.msk $0xffff, v22  }
0x1c2: {  	[tilespmem:v26+s29+$0x0] =	vst.idx.msk $0xffff, v21  }
0x1c3: {  	[tilespmem:v25+s29+$0x0] =	vst.idx.msk $0xffff, v20  }
0x1c4: {  	[tilespmem:v23+s29+$0x0] =	vst.idx.msk $0xffff, v19  }
0x1c5: {  	p0 =	seq.s32 s25, $0x63  }
0x1c6: {  	s31 =	sshll.u32 @!p0 s25, $0xF  }
0x1c7: {  	s6 =	sadd.s32 @!p0 s8, s31  }
0x1c8: {  	s6 =	sshrl.u32 @!p0 s6, $0x3  }
0x1c9: {  	[tilespmem:v18+s29+$0x0] =	vst.idx.msk $0xffff, v17;
	s17 =	sor.u32 s10, s30;
	s7 =	simm.s32 @!p0 $0x0;
	s6 =	sadd.s32 @!p0 s4, s6  }
0x1ca: {  	[tilespmem:s7], [sflag:$0x1] =	stream.linear.gather @!p0 [hbm4b:s6+s7], $0x200, $0x38;
	[tilespmem:$0x10600] =	vst v63  }
0x1cb: {  	s7 =	sshrl.u32 s17, $0x3  }
0x1cc: {  	s6 =	sadd.s32 s2, s7  }
0x1cd: {  	[hbm4b:s6+s3] =	stream.linear.scatter [tilespmem:s29], [sflag:$0x5], $0x80, $0x38;
	[tilespmem:$0x10600] =	vst v63  }
0x1ce: {  	s21 =	simm.s32 $0x8608;
	s17 =	sadd.s32 $0x10, s6  }
0x1cf: {  	[hbm4b:s17+s3] =	stream.linear.scatter [tilespmem:s21], [sflag:$0x5], $0x80, $0x38;
	[tilespmem:$0x10600] =	vst v63  }
0x1d0: {  	s22 =	simm.s32 $0x8810;
	s21 =	sadd.s32 $0x20, s6  }
0x1d1: {  	[hbm4b:s21+s3] =	stream.linear.scatter [tilespmem:s22], [sflag:$0x5], $0x80, $0x38;
	[tilespmem:$0x10600] =	vst v63  }
0x1d2: {  	s26 =	simm.s32 $0x8A18;
	s23 =	sadd.s32 $0x30, s6  }
0x1d3: {  	[hbm4b:s23+s3] =	stream.linear.scatter [tilespmem:s26], [sflag:$0x5], $0x80, $0x38;
	[tilespmem:$0x10600] =	vst v63  }
0x1d4: {  	s21 =	sadd.s32 $0x40, s6;
	s22 =	simm.s32 $0x8C20  }
0x1d5: {  	[hbm4b:s21+s3] =	stream.linear.scatter [tilespmem:s22], [sflag:$0x5], $0x80, $0x38;
	[tilespmem:$0x10600] =	vst v63  }
0x1d6: {  	s23 =	sadd.s32 $0x50, s6;
	s26 =	simm.s32 $0x8E28  }
0x1d7: {  	[hbm4b:s23+s3] =	stream.linear.scatter [tilespmem:s26], [sflag:$0x5], $0x80, $0x38;
	[tilespmem:$0x10600] =	vst v63  }
0x1d8: {  	s22 =	sadd.s32 $0x60, s6;
	s21 =	sor.u32 s11, s30;
	s23 =	simm.s32 $0x9030  }
0x1d9: {  	[hbm4b:s22+s3] =	stream.linear.scatter [tilespmem:s23], [sflag:$0x5], $0x80, $0x38;
	[tilespmem:$0x10600] =	vst v63  }
0x1da: {  	s6 =	sadd.s32 $0x70, s6;
	s17 =	sshrl.u32 s21, $0x3;
	s26 =	simm.s32 $0x9238  }
0x1db: {  	[hbm4b:s6+s3] =	stream.linear.scatter [tilespmem:s26], [sflag:$0x5], $0x80, $0x38;
	[tilespmem:$0x10600] =	vst v63  }
0x1dc: {  	s22 =	simm.s32 $0x8480;
	s6 =	sadd.s32 s2, s17  }
0x1dd: {  	[hbm4b:s6+s3] =	stream.linear.scatter [tilespmem:s22], [sflag:$0x5], $0x80, $0x38;
	[tilespmem:$0x10600] =	vst v63  }
0x1de: {  	s23 =	simm.s32 $0x8688;
	s26 =	sadd.s32 $0x10, s6  }
0x1df: {  	[hbm4b:s26+s3] =	stream.linear.scatter [tilespmem:s23], [sflag:$0x5], $0x80, $0x38;
	[tilespmem:$0x10600] =	vst v63  }
0x1e0: {  	s22 =	sadd.s32 $0x20, s6;
	s23 =	simm.s32 $0x8890  }
0x1e1: {  	[hbm4b:s22+s3] =	stream.linear.scatter [tilespmem:s23], [sflag:$0x5], $0x80, $0x38;
	[tilespmem:$0x10600] =	vst v63  }
0x1e2: {  	s22 =	sadd.s32 $0x30, s6;
	s23 =	simm.s32 $0x8A98  }
0x1e3: {  	[hbm4b:s22+s3] =	stream.linear.scatter [tilespmem:s23], [sflag:$0x5], $0x80, $0x38;
	[tilespmem:$0x10600] =	vst v63  }
0x1e4: {  	s22 =	sadd.s32 $0x40, s6;
	s23 =	simm.s32 $0x8CA0  }
0x1e5: {  	[hbm4b:s22+s3] =	stream.linear.scatter [tilespmem:s23], [sflag:$0x5], $0x80, $0x38;
	[tilespmem:$0x10600] =	vst v63  }
0x1e6: {  	s22 =	sadd.s32 $0x50, s6;
	s23 =	simm.s32 $0x8EA8  }
0x1e7: {  	[hbm4b:s22+s3] =	stream.linear.scatter [tilespmem:s23], [sflag:$0x5], $0x80, $0x38;
	[tilespmem:$0x10600] =	vst v63  }
0x1e8: {  	s22 =	sadd.s32 $0x60, s6;
	s23 =	simm.s32 $0x90B0  }
0x1e9: {  	[hbm4b:s22+s3] =	stream.linear.scatter [tilespmem:s23], [sflag:$0x5], $0x80, $0x38;
	[tilespmem:$0x10600] =	vst v63  }
0x1ea: {  	s21 =	sor.u32 s12, s30;
	s26 =	simm.s32 $0x92B8;
	s6 =	sadd.s32 $0x70, s6  }
0x1eb: {  	[hbm4b:s6+s3] =	stream.linear.scatter [tilespmem:s26], [sflag:$0x5], $0x80, $0x38;
	[tilespmem:$0x10600] =	vst v63  }
0x1ec: {  	s26 =	sshrl.u32 s21, $0x3  }
0x1ed: {  	s22 =	simm.s32 $0x8500;
	s6 =	sadd.s32 s2, s26  }
0x1ee: {  	[hbm4b:s6+s3] =	stream.linear.scatter [tilespmem:s22], [sflag:$0x5], $0x80, $0x38;
	[tilespmem:$0x10600] =	vst v63  }
0x1ef: {  	s23 =	sadd.s32 $0x10, s6;
	s22 =	simm.s32 $0x8708  }
0x1f0: {  	[hbm4b:s23+s3] =	stream.linear.scatter [tilespmem:s22], [sflag:$0x5], $0x80, $0x38;
	[tilespmem:$0x10600] =	vst v63  }
0x1f1: {  	s22 =	sadd.s32 $0x20, s6;
	s23 =	simm.s32 $0x8910  }
0x1f2: {  	[hbm4b:s22+s3] =	stream.linear.scatter [tilespmem:s23], [sflag:$0x5], $0x80, $0x38;
	[tilespmem:$0x10600] =	vst v63  }
0x1f3: {  	s22 =	sadd.s32 $0x30, s6;
	s23 =	simm.s32 $0x8B18  }
0x1f4: {  	[hbm4b:s22+s3] =	stream.linear.scatter [tilespmem:s23], [sflag:$0x5], $0x80, $0x38;
	[tilespmem:$0x10600] =	vst v63  }
0x1f5: {  	s22 =	sadd.s32 $0x40, s6;
	s23 =	simm.s32 $0x8D20  }
0x1f6: {  	[hbm4b:s22+s3] =	stream.linear.scatter [tilespmem:s23], [sflag:$0x5], $0x80, $0x38;
	[tilespmem:$0x10600] =	vst v63  }
0x1f7: {  	s22 =	sadd.s32 $0x50, s6;
	s23 =	simm.s32 $0x8F28  }
0x1f8: {  	[hbm4b:s22+s3] =	stream.linear.scatter [tilespmem:s23], [sflag:$0x5], $0x80, $0x38;
	[tilespmem:$0x10600] =	vst v63  }
0x1f9: {  	s22 =	sadd.s32 $0x60, s6;
	s23 =	simm.s32 $0x9130  }
0x1fa: {  	[hbm4b:s22+s3] =	stream.linear.scatter [tilespmem:s23], [sflag:$0x5], $0x80, $0x38;
	[tilespmem:$0x10600] =	vst v63  }
0x1fb: {  	s6 =	sadd.s32 $0x70, s6;
	s23 =	simm.s32 $0x9338;
	s22 =	sor.u32 s13, s30  }
0x1fc: {  	[hbm4b:s6+s3] =	stream.linear.scatter [tilespmem:s23], [sflag:$0x5], $0x80, $0x38;
	[tilespmem:$0x10600] =	vst v63  }
0x1fd: {  	s6 =	sshrl.u32 s22, $0x3  }
0x1fe: {  	s23 =	simm.s32 $0x8580;
	s21 =	sadd.s32 s2, s6  }
0x1ff: {  	[hbm4b:s21+s3] =	stream.linear.scatter [tilespmem:s23], [sflag:$0x5], $0x80, $0x38;
	[tilespmem:$0x10600] =	vst v63  }
0x200: {  	s22 =	sadd.s32 $0x10, s21;
	s23 =	simm.s32 $0x8788  }
0x201: {  	[hbm4b:s22+s3] =	stream.linear.scatter [tilespmem:s23], [sflag:$0x5], $0x80, $0x38;
	[tilespmem:$0x10600] =	vst v63  }
0x202: {  	s22 =	sadd.s32 $0x20, s21;
	s23 =	simm.s32 $0x8990  }
0x203: {  	[hbm4b:s22+s3] =	stream.linear.scatter [tilespmem:s23], [sflag:$0x5], $0x80, $0x38;
	[tilespmem:$0x10600] =	vst v63  }
0x204: {  	s22 =	sadd.s32 $0x30, s21;
	s23 =	simm.s32 $0x8B98  }
0x205: {  	[hbm4b:s22+s3] =	stream.linear.scatter [tilespmem:s23], [sflag:$0x5], $0x80, $0x38;
	[tilespmem:$0x10600] =	vst v63  }
0x206: {  	s22 =	sadd.s32 $0x40, s21;
	s23 =	simm.s32 $0x8DA0  }
0x207: {  	[hbm4b:s22+s3] =	stream.linear.scatter [tilespmem:s23], [sflag:$0x5], $0x80, $0x38;
	[tilespmem:$0x10600] =	vst v63  }
0x208: {  	s22 =	sadd.s32 $0x50, s21;
	s23 =	simm.s32 $0x8FA8  }
0x209: {  	[hbm4b:s22+s3] =	stream.linear.scatter [tilespmem:s23], [sflag:$0x5], $0x80, $0x38;
	[tilespmem:$0x10600] =	vst v63  }
0x20a: {  	s22 =	sadd.s32 $0x60, s21;
	s23 =	simm.s32 $0x91B0  }
0x20b: {  	[hbm4b:s22+s3] =	stream.linear.scatter [tilespmem:s23], [sflag:$0x5], $0x80, $0x38;
	[tilespmem:$0x10600] =	vst v63  }
0x20c: {  	s21 =	sadd.s32 $0x70, s21;
	s23 =	simm.s32 $0x93B8  }
0x20d: {  	[hbm4b:s21+s3] =	stream.linear.scatter [tilespmem:s23], [sflag:$0x5], $0x80, $0x38;
	[tilespmem:$0x10600] =	vst v63  }
0x20e: {  	s21 =	sadd.s32 s7, s14;
	s23 =	simm.s32 $0x9440  }
0x20f: {  	[hbm4b:s21+s3] =	stream.linear.scatter [tilespmem:s23], [sflag:$0x5], $0x80, $0x38;
	[tilespmem:$0x10600] =	vst v63  }
0x210: {  	s22 =	sadd.s32 $0x10, s21;
	s23 =	simm.s32 $0x9648  }
0x211: {  	[hbm4b:s22+s3] =	stream.linear.scatter [tilespmem:s23], [sflag:$0x5], $0x80, $0x38;
	[tilespmem:$0x10600] =	vst v63  }
0x212: {  	s22 =	sadd.s32 $0x20, s21;
	s23 =	simm.s32 $0x9850  }
0x213: {  	[hbm4b:s22+s3] =	stream.linear.scatter [tilespmem:s23], [sflag:$0x5], $0x80, $0x38;
	[tilespmem:$0x10600] =	vst v63  }
0x214: {  	s22 =	sadd.s32 $0x30, s21;
	s23 =	simm.s32 $0x9A58  }
0x215: {  	[hbm4b:s22+s3] =	stream.linear.scatter [tilespmem:s23], [sflag:$0x5], $0x80, $0x38;
	[tilespmem:$0x10600] =	vst v63  }
0x216: {  	s22 =	sadd.s32 $0x40, s21;
	s23 =	simm.s32 $0x9C60  }
0x217: {  	[hbm4b:s22+s3] =	stream.linear.scatter [tilespmem:s23], [sflag:$0x5], $0x80, $0x38;
	[tilespmem:$0x10600] =	vst v63  }
0x218: {  	s22 =	sadd.s32 $0x50, s21;
	s23 =	simm.s32 $0x9E68  }
0x219: {  	[hbm4b:s22+s3] =	stream.linear.scatter [tilespmem:s23], [sflag:$0x5], $0x80, $0x38;
	[tilespmem:$0x10600] =	vst v63  }
0x21a: {  	s22 =	sadd.s32 $0x60, s21;
	s23 =	simm.s32 $0xA070  }
0x21b: {  	[hbm4b:s22+s3] =	stream.linear.scatter [tilespmem:s23], [sflag:$0x5], $0x80, $0x38;
	[tilespmem:$0x10600] =	vst v63  }
0x21c: {  	s21 =	sadd.s32 $0x70, s21;
	s23 =	simm.s32 $0xA278;
	s22 =	sor.u32 $0x4000, s17  }
0x21d: {  	[hbm4b:s21+s3] =	stream.linear.scatter [tilespmem:s23], [sflag:$0x5], $0x80, $0x38;
	[tilespmem:$0x10600] =	vst v63  }
0x21e: {  	s21 =	sadd.s32 s2, s22;
	s23 =	simm.s32 $0x94C0  }
0x21f: {  	[hbm4b:s21+s3] =	stream.linear.scatter [tilespmem:s23], [sflag:$0x5], $0x80, $0x38;
	[tilespmem:$0x10600] =	vst v63  }
0x220: {  	s22 =	sadd.s32 $0x10, s21;
	s23 =	simm.s32 $0x96C8  }
0x221: {  	[hbm4b:s22+s3] =	stream.linear.scatter [tilespmem:s23], [sflag:$0x5], $0x80, $0x38;
	[tilespmem:$0x10600] =	vst v63  }
0x222: {  	s22 =	sadd.s32 $0x20, s21;
	s23 =	simm.s32 $0x98D0  }
0x223: {  	[hbm4b:s22+s3] =	stream.linear.scatter [tilespmem:s23], [sflag:$0x5], $0x80, $0x38;
	[tilespmem:$0x10600] =	vst v63  }
0x224: {  	s22 =	sadd.s32 $0x30, s21;
	s23 =	simm.s32 $0x9AD8  }
0x225: {  	[hbm4b:s22+s3] =	stream.linear.scatter [tilespmem:s23], [sflag:$0x5], $0x80, $0x38;
	[tilespmem:$0x10600] =	vst v63  }
0x226: {  	s22 =	sadd.s32 $0x40, s21;
	s23 =	simm.s32 $0x9CE0  }
0x227: {  	[hbm4b:s22+s3] =	stream.linear.scatter [tilespmem:s23], [sflag:$0x5], $0x80, $0x38;
	[tilespmem:$0x10600] =	vst v63  }
0x228: {  	s22 =	sadd.s32 $0x50, s21;
	s23 =	simm.s32 $0x9EE8  }
0x229: {  	[hbm4b:s22+s3] =	stream.linear.scatter [tilespmem:s23], [sflag:$0x5], $0x80, $0x38;
	[tilespmem:$0x10600] =	vst v63  }
0x22a: {  	s22 =	sadd.s32 $0x60, s21;
	s23 =	simm.s32 $0xA0F0  }
0x22b: {  	[hbm4b:s22+s3] =	stream.linear.scatter [tilespmem:s23], [sflag:$0x5], $0x80, $0x38;
	[tilespmem:$0x10600] =	vst v63  }
0x22c: {  	s21 =	sadd.s32 $0x70, s21;
	s23 =	simm.s32 $0xA2F8;
	s22 =	sor.u32 $0x4000, s26  }
0x22d: {  	[hbm4b:s21+s3] =	stream.linear.scatter [tilespmem:s23], [sflag:$0x5], $0x80, $0x38;
	[tilespmem:$0x10600] =	vst v63  }
0x22e: {  	s21 =	sadd.s32 s2, s22;
	s23 =	simm.s32 $0x9540  }
0x22f: {  	[hbm4b:s21+s3] =	stream.linear.scatter [tilespmem:s23], [sflag:$0x5], $0x80, $0x38;
	[tilespmem:$0x10600] =	vst v63  }
0x230: {  	s22 =	sadd.s32 $0x10, s21;
	s23 =	simm.s32 $0x9748  }
0x231: {  	[hbm4b:s22+s3] =	stream.linear.scatter [tilespmem:s23], [sflag:$0x5], $0x80, $0x38;
	[tilespmem:$0x10600] =	vst v63  }
0x232: {  	s22 =	sadd.s32 $0x20, s21;
	s23 =	simm.s32 $0x9950  }
0x233: {  	[hbm4b:s22+s3] =	stream.linear.scatter [tilespmem:s23], [sflag:$0x5], $0x80, $0x38;
	[tilespmem:$0x10600] =	vst v63  }
0x234: {  	s22 =	sadd.s32 $0x30, s21;
	s23 =	simm.s32 $0x9B58  }
0x235: {  	[hbm4b:s22+s3] =	stream.linear.scatter [tilespmem:s23], [sflag:$0x5], $0x80, $0x38;
	[tilespmem:$0x10600] =	vst v63  }
0x236: {  	s22 =	sadd.s32 $0x40, s21;
	s23 =	simm.s32 $0x9D60  }
0x237: {  	[hbm4b:s22+s3] =	stream.linear.scatter [tilespmem:s23], [sflag:$0x5], $0x80, $0x38;
	[tilespmem:$0x10600] =	vst v63  }
0x238: {  	s22 =	sadd.s32 $0x50, s21;
	s23 =	simm.s32 $0x9F68  }
0x239: {  	[hbm4b:s22+s3] =	stream.linear.scatter [tilespmem:s23], [sflag:$0x5], $0x80, $0x38;
	[tilespmem:$0x10600] =	vst v63  }
0x23a: {  	s22 =	sadd.s32 $0x60, s21;
	s23 =	simm.s32 $0xA170  }
0x23b: {  	[hbm4b:s22+s3] =	stream.linear.scatter [tilespmem:s23], [sflag:$0x5], $0x80, $0x38;
	[tilespmem:$0x10600] =	vst v63  }
0x23c: {  	s21 =	sadd.s32 $0x70, s21;
	s23 =	simm.s32 $0xA378;
	s22 =	sor.u32 $0x4000, s6  }
0x23d: {  	[hbm4b:s21+s3] =	stream.linear.scatter [tilespmem:s23], [sflag:$0x5], $0x80, $0x38;
	[tilespmem:$0x10600] =	vst v63  }
0x23e: {  	s21 =	sadd.s32 s2, s22;
	s23 =	simm.s32 $0x95C0  }
0x23f: {  	[hbm4b:s21+s3] =	stream.linear.scatter [tilespmem:s23], [sflag:$0x5], $0x80, $0x38;
	[tilespmem:$0x10600] =	vst v63  }
0x240: {  	s22 =	sadd.s32 $0x10, s21;
	s23 =	simm.s32 $0x97C8  }
0x241: {  	[hbm4b:s22+s3] =	stream.linear.scatter [tilespmem:s23], [sflag:$0x5], $0x80, $0x38;
	[tilespmem:$0x10600] =	vst v63  }
0x242: {  	s22 =	sadd.s32 $0x20, s21;
	s23 =	simm.s32 $0x99D0  }
0x243: {  	[hbm4b:s22+s3] =	stream.linear.scatter [tilespmem:s23], [sflag:$0x5], $0x80, $0x38;
	[tilespmem:$0x10600] =	vst v63  }
0x244: {  	s22 =	sadd.s32 $0x30, s21;
	s23 =	simm.s32 $0x9BD8  }
0x245: {  	[hbm4b:s22+s3] =	stream.linear.scatter [tilespmem:s23], [sflag:$0x5], $0x80, $0x38;
	[tilespmem:$0x10600] =	vst v63  }
0x246: {  	s22 =	sadd.s32 $0x40, s21;
	s23 =	simm.s32 $0x9DE0  }
0x247: {  	[hbm4b:s22+s3] =	stream.linear.scatter [tilespmem:s23], [sflag:$0x5], $0x80, $0x38;
	[tilespmem:$0x10600] =	vst v63  }
0x248: {  	s22 =	sadd.s32 $0x50, s21;
	s23 =	simm.s32 $0x9FE8  }
0x249: {  	[hbm4b:s22+s3] =	stream.linear.scatter [tilespmem:s23], [sflag:$0x5], $0x80, $0x38;
	[tilespmem:$0x10600] =	vst v63  }
0x24a: {  	s22 =	sadd.s32 $0x60, s21;
	s23 =	simm.s32 $0xA1F0  }
0x24b: {  	[hbm4b:s22+s3] =	stream.linear.scatter [tilespmem:s23], [sflag:$0x5], $0x80, $0x38;
	[tilespmem:$0x10600] =	vst v63  }
0x24c: {  	s21 =	sadd.s32 $0x70, s21;
	s23 =	simm.s32 $0xA3F8  }
0x24d: {  	[hbm4b:s21+s3] =	stream.linear.scatter [tilespmem:s23], [sflag:$0x5], $0x80, $0x38;
	[tilespmem:$0x10600] =	vst v63  }
0x24e: {  	s21 =	sadd.s32 s7, s15;
	s23 =	simm.s32 $0xA480  }
0x24f: {  	[hbm4b:s21+s3] =	stream.linear.scatter [tilespmem:s23], [sflag:$0x5], $0x80, $0x38;
	[tilespmem:$0x10600] =	vst v63  }
0x250: {  	s22 =	sadd.s32 $0x10, s21;
	s23 =	simm.s32 $0xA688  }
0x251: {  	[hbm4b:s22+s3] =	stream.linear.scatter [tilespmem:s23], [sflag:$0x5], $0x80, $0x38;
	[tilespmem:$0x10600] =	vst v63  }
0x252: {  	s22 =	sadd.s32 $0x20, s21;
	s23 =	simm.s32 $0xA890  }
0x253: {  	[hbm4b:s22+s3] =	stream.linear.scatter [tilespmem:s23], [sflag:$0x5], $0x80, $0x38;
	[tilespmem:$0x10600] =	vst v63  }
0x254: {  	s22 =	sadd.s32 $0x30, s21;
	s23 =	simm.s32 $0xAA98  }
0x255: {  	[hbm4b:s22+s3] =	stream.linear.scatter [tilespmem:s23], [sflag:$0x5], $0x80, $0x38;
	[tilespmem:$0x10600] =	vst v63  }
0x256: {  	s22 =	sadd.s32 $0x40, s21;
	s23 =	simm.s32 $0xACA0  }
0x257: {  	[hbm4b:s22+s3] =	stream.linear.scatter [tilespmem:s23], [sflag:$0x5], $0x80, $0x38;
	[tilespmem:$0x10600] =	vst v63  }
0x258: {  	s22 =	sadd.s32 $0x50, s21;
	s23 =	simm.s32 $0xAEA8  }
0x259: {  	[hbm4b:s22+s3] =	stream.linear.scatter [tilespmem:s23], [sflag:$0x5], $0x80, $0x38;
	[tilespmem:$0x10600] =	vst v63  }
0x25a: {  	s22 =	sadd.s32 $0x60, s21;
	s23 =	simm.s32 $0xB0B0  }
0x25b: {  	[hbm4b:s22+s3] =	stream.linear.scatter [tilespmem:s23], [sflag:$0x5], $0x80, $0x38;
	[tilespmem:$0x10600] =	vst v63  }
0x25c: {  	s21 =	sadd.s32 $0x70, s21;
	s23 =	simm.s32 $0xB2B8;
	s22 =	sor.u32 $0x8000, s17  }
0x25d: {  	[hbm4b:s21+s3] =	stream.linear.scatter [tilespmem:s23], [sflag:$0x5], $0x80, $0x38;
	[tilespmem:$0x10600] =	vst v63  }
0x25e: {  	s21 =	sadd.s32 s2, s22;
	s23 =	simm.s32 $0xA500  }
0x25f: {  	[hbm4b:s21+s3] =	stream.linear.scatter [tilespmem:s23], [sflag:$0x5], $0x80, $0x38;
	[tilespmem:$0x10600] =	vst v63  }
0x260: {  	s22 =	sadd.s32 $0x10, s21;
	s23 =	simm.s32 $0xA708  }
0x261: {  	[hbm4b:s22+s3] =	stream.linear.scatter [tilespmem:s23], [sflag:$0x5], $0x80, $0x38;
	[tilespmem:$0x10600] =	vst v63  }
0x262: {  	s22 =	sadd.s32 $0x20, s21;
	s23 =	simm.s32 $0xA910  }
0x263: {  	[hbm4b:s22+s3] =	stream.linear.scatter [tilespmem:s23], [sflag:$0x5], $0x80, $0x38;
	[tilespmem:$0x10600] =	vst v63  }
0x264: {  	s22 =	sadd.s32 $0x30, s21;
	s23 =	simm.s32 $0xAB18  }
0x265: {  	[hbm4b:s22+s3] =	stream.linear.scatter [tilespmem:s23], [sflag:$0x5], $0x80, $0x38;
	[tilespmem:$0x10600] =	vst v63  }
0x266: {  	s22 =	sadd.s32 $0x40, s21;
	s23 =	simm.s32 $0xAD20  }
0x267: {  	[hbm4b:s22+s3] =	stream.linear.scatter [tilespmem:s23], [sflag:$0x5], $0x80, $0x38;
	[tilespmem:$0x10600] =	vst v63  }
0x268: {  	s22 =	sadd.s32 $0x50, s21;
	s23 =	simm.s32 $0xAF28  }
0x269: {  	[hbm4b:s22+s3] =	stream.linear.scatter [tilespmem:s23], [sflag:$0x5], $0x80, $0x38;
	[tilespmem:$0x10600] =	vst v63  }
0x26a: {  	s22 =	sadd.s32 $0x60, s21;
	s23 =	simm.s32 $0xB130  }
0x26b: {  	[hbm4b:s22+s3] =	stream.linear.scatter [tilespmem:s23], [sflag:$0x5], $0x80, $0x38;
	[tilespmem:$0x10600] =	vst v63  }
0x26c: {  	s21 =	sadd.s32 $0x70, s21;
	s23 =	simm.s32 $0xB338;
	s22 =	sor.u32 $0x8000, s26  }
0x26d: {  	[hbm4b:s21+s3] =	stream.linear.scatter [tilespmem:s23], [sflag:$0x5], $0x80, $0x38;
	[tilespmem:$0x10600] =	vst v63  }
0x26e: {  	s21 =	sadd.s32 s2, s22;
	s23 =	simm.s32 $0xA580  }
0x26f: {  	[hbm4b:s21+s3] =	stream.linear.scatter [tilespmem:s23], [sflag:$0x5], $0x80, $0x38;
	[tilespmem:$0x10600] =	vst v63  }
0x270: {  	s22 =	sadd.s32 $0x10, s21;
	s23 =	simm.s32 $0xA788  }
0x271: {  	[hbm4b:s22+s3] =	stream.linear.scatter [tilespmem:s23], [sflag:$0x5], $0x80, $0x38;
	[tilespmem:$0x10600] =	vst v63  }
0x272: {  	s22 =	sadd.s32 $0x20, s21;
	s23 =	simm.s32 $0xA990  }
0x273: {  	[hbm4b:s22+s3] =	stream.linear.scatter [tilespmem:s23], [sflag:$0x5], $0x80, $0x38;
	[tilespmem:$0x10600] =	vst v63  }
0x274: {  	s22 =	sadd.s32 $0x30, s21;
	s23 =	simm.s32 $0xAB98  }
0x275: {  	[hbm4b:s22+s3] =	stream.linear.scatter [tilespmem:s23], [sflag:$0x5], $0x80, $0x38;
	[tilespmem:$0x10600] =	vst v63  }
0x276: {  	s22 =	sadd.s32 $0x40, s21;
	s23 =	simm.s32 $0xADA0  }
0x277: {  	[hbm4b:s22+s3] =	stream.linear.scatter [tilespmem:s23], [sflag:$0x5], $0x80, $0x38;
	[tilespmem:$0x10600] =	vst v63  }
0x278: {  	s22 =	sadd.s32 $0x50, s21;
	s23 =	simm.s32 $0xAFA8  }
0x279: {  	[hbm4b:s22+s3] =	stream.linear.scatter [tilespmem:s23], [sflag:$0x5], $0x80, $0x38;
	[tilespmem:$0x10600] =	vst v63  }
0x27a: {  	s22 =	sadd.s32 $0x60, s21;
	s23 =	simm.s32 $0xB1B0  }
0x27b: {  	[hbm4b:s22+s3] =	stream.linear.scatter [tilespmem:s23], [sflag:$0x5], $0x80, $0x38;
	[tilespmem:$0x10600] =	vst v63  }
0x27c: {  	s21 =	sadd.s32 $0x70, s21;
	s23 =	simm.s32 $0xB3B8;
	s22 =	sor.u32 $0x8000, s6  }
0x27d: {  	[hbm4b:s21+s3] =	stream.linear.scatter [tilespmem:s23], [sflag:$0x5], $0x80, $0x38;
	[tilespmem:$0x10600] =	vst v63  }
0x27e: {  	s21 =	sadd.s32 s2, s22;
	s23 =	simm.s32 $0xA600  }
0x27f: {  	[hbm4b:s21+s3] =	stream.linear.scatter [tilespmem:s23], [sflag:$0x5], $0x80, $0x38;
	[tilespmem:$0x10600] =	vst v63  }
0x280: {  	s22 =	sadd.s32 $0x10, s21;
	s23 =	simm.s32 $0xA808  }
0x281: {  	[hbm4b:s22+s3] =	stream.linear.scatter [tilespmem:s23], [sflag:$0x5], $0x80, $0x38;
	[tilespmem:$0x10600] =	vst v63  }
0x282: {  	s22 =	sadd.s32 $0x20, s21;
	s23 =	simm.s32 $0xAA10  }
0x283: {  	[hbm4b:s22+s3] =	stream.linear.scatter [tilespmem:s23], [sflag:$0x5], $0x80, $0x38;
	[tilespmem:$0x10600] =	vst v63  }
0x284: {  	s22 =	sadd.s32 $0x30, s21;
	s23 =	simm.s32 $0xAC18  }
0x285: {  	[hbm4b:s22+s3] =	stream.linear.scatter [tilespmem:s23], [sflag:$0x5], $0x80, $0x38;
	[tilespmem:$0x10600] =	vst v63  }
0x286: {  	s22 =	sadd.s32 $0x40, s21;
	s23 =	simm.s32 $0xAE20  }
0x287: {  	[hbm4b:s22+s3] =	stream.linear.scatter [tilespmem:s23], [sflag:$0x5], $0x80, $0x38;
	[tilespmem:$0x10600] =	vst v63  }
0x288: {  	s22 =	sadd.s32 $0x50, s21;
	s23 =	simm.s32 $0xB028  }
0x289: {  	[hbm4b:s22+s3] =	stream.linear.scatter [tilespmem:s23], [sflag:$0x5], $0x80, $0x38;
	[tilespmem:$0x10600] =	vst v63  }
0x28a: {  	s22 =	sadd.s32 $0x60, s21;
	s23 =	simm.s32 $0xB230  }
0x28b: {  	[hbm4b:s22+s3] =	stream.linear.scatter [tilespmem:s23], [sflag:$0x5], $0x80, $0x38;
	[tilespmem:$0x10600] =	vst v63  }
0x28c: {  	s21 =	sadd.s32 $0x70, s21;
	s23 =	simm.s32 $0xB438  }
0x28d: {  	[hbm4b:s21+s3] =	stream.linear.scatter [tilespmem:s23], [sflag:$0x5], $0x80, $0x38;
	[tilespmem:$0x10600] =	vst v63  }
0x28e: {  	s7 =	sadd.s32 s7, s16;
	s23 =	simm.s32 $0xB4C0  }
0x28f: {  	[hbm4b:s7+s3] =	stream.linear.scatter [tilespmem:s23], [sflag:$0x5], $0x80, $0x38;
	[tilespmem:$0x10600] =	vst v63  }
0x290: {  	s22 =	sadd.s32 $0x10, s7;
	s23 =	simm.s32 $0xB6C8  }
0x291: {  	[hbm4b:s22+s3] =	stream.linear.scatter [tilespmem:s23], [sflag:$0x5], $0x80, $0x38;
	[tilespmem:$0x10600] =	vst v63  }
0x292: {  	s22 =	sadd.s32 $0x20, s7;
	s23 =	simm.s32 $0xB8D0  }
0x293: {  	[hbm4b:s22+s3] =	stream.linear.scatter [tilespmem:s23], [sflag:$0x5], $0x80, $0x38;
	[tilespmem:$0x10600] =	vst v63  }
0x294: {  	s22 =	sadd.s32 $0x30, s7;
	s23 =	simm.s32 $0xBAD8  }
0x295: {  	[hbm4b:s22+s3] =	stream.linear.scatter [tilespmem:s23], [sflag:$0x5], $0x80, $0x38;
	[tilespmem:$0x10600] =	vst v63  }
0x296: {  	s22 =	sadd.s32 $0x40, s7;
	s23 =	simm.s32 $0xBCE0  }
0x297: {  	[hbm4b:s22+s3] =	stream.linear.scatter [tilespmem:s23], [sflag:$0x5], $0x80, $0x38;
	[tilespmem:$0x10600] =	vst v63  }
0x298: {  	s22 =	sadd.s32 $0x50, s7;
	s23 =	simm.s32 $0xBEE8  }
0x299: {  	[hbm4b:s22+s3] =	stream.linear.scatter [tilespmem:s23], [sflag:$0x5], $0x80, $0x38;
	[tilespmem:$0x10600] =	vst v63  }
0x29a: {  	s22 =	sadd.s32 $0x60, s7;
	s23 =	simm.s32 $0xC0F0  }
0x29b: {  	[hbm4b:s22+s3] =	stream.linear.scatter [tilespmem:s23], [sflag:$0x5], $0x80, $0x38;
	[tilespmem:$0x10600] =	vst v63  }
0x29c: {  	s17 =	sor.u32 $0xC000, s17;
	s7 =	sadd.s32 $0x70, s7;
	s23 =	simm.s32 $0xC2F8  }
0x29d: {  	[hbm4b:s7+s3] =	stream.linear.scatter [tilespmem:s23], [sflag:$0x5], $0x80, $0x38;
	[tilespmem:$0x10600] =	vst v63  }
0x29e: {  	s21 =	simm.s32 $0xB540;
	s7 =	sadd.s32 s2, s17  }
0x29f: {  	[hbm4b:s7+s3] =	stream.linear.scatter [tilespmem:s21], [sflag:$0x5], $0x80, $0x38;
	[tilespmem:$0x10600] =	vst v63  }
0x2a0: {  	s23 =	simm.s32 $0xB748;
	s22 =	sadd.s32 $0x10, s7  }
0x2a1: {  	[hbm4b:s22+s3] =	stream.linear.scatter [tilespmem:s23], [sflag:$0x5], $0x80, $0x38;
	[tilespmem:$0x10600] =	vst v63  }
0x2a2: {  	s22 =	sadd.s32 $0x20, s7;
	s23 =	simm.s32 $0xB950  }
0x2a3: {  	[hbm4b:s22+s3] =	stream.linear.scatter [tilespmem:s23], [sflag:$0x5], $0x80, $0x38;
	[tilespmem:$0x10600] =	vst v63  }
0x2a4: {  	s22 =	sadd.s32 $0x30, s7;
	s23 =	simm.s32 $0xBB58  }
0x2a5: {  	[hbm4b:s22+s3] =	stream.linear.scatter [tilespmem:s23], [sflag:$0x5], $0x80, $0x38;
	[tilespmem:$0x10600] =	vst v63  }
0x2a6: {  	s22 =	sadd.s32 $0x40, s7;
	s23 =	simm.s32 $0xBD60  }
0x2a7: {  	[hbm4b:s22+s3] =	stream.linear.scatter [tilespmem:s23], [sflag:$0x5], $0x80, $0x38;
	[tilespmem:$0x10600] =	vst v63  }
0x2a8: {  	s22 =	sadd.s32 $0x50, s7;
	s23 =	simm.s32 $0xBF68  }
0x2a9: {  	[hbm4b:s22+s3] =	stream.linear.scatter [tilespmem:s23], [sflag:$0x5], $0x80, $0x38;
	[tilespmem:$0x10600] =	vst v63  }
0x2aa: {  	s21 =	sadd.s32 $0x60, s7;
	s22 =	simm.s32 $0xC170  }
0x2ab: {  	[hbm4b:s21+s3] =	stream.linear.scatter [tilespmem:s22], [sflag:$0x5], $0x80, $0x38;
	[tilespmem:$0x10600] =	vst v63  }
0x2ac: {  	s7 =	sadd.s32 $0x70, s7;
	s23 =	simm.s32 $0xC378;
	s21 =	sor.u32 $0xC000, s26  }
0x2ad: {  	[hbm4b:s7+s3] =	stream.linear.scatter [tilespmem:s23], [sflag:$0x5], $0x80, $0x38;
	[tilespmem:$0x10600] =	vst v63  }
0x2ae: {  	s22 =	simm.s32 $0xB5C0;
	s7 =	sadd.s32 s2, s21  }
0x2af: {  	[hbm4b:s7+s3] =	stream.linear.scatter [tilespmem:s22], [sflag:$0x5], $0x80, $0x38;
	[tilespmem:$0x10600] =	vst v63  }
0x2b0: {  	s26 =	simm.s32 $0xB7C8;
	s23 =	sadd.s32 $0x10, s7  }
0x2b1: {  	[hbm4b:s23+s3] =	stream.linear.scatter [tilespmem:s26], [sflag:$0x5], $0x80, $0x38;
	[tilespmem:$0x10600] =	vst v63  }
0x2b2: {  	s21 =	sadd.s32 $0x20, s7;
	s22 =	simm.s32 $0xB9D0  }
0x2b3: {  	[hbm4b:s21+s3] =	stream.linear.scatter [tilespmem:s22], [sflag:$0x5], $0x80, $0x38;
	[tilespmem:$0x10600] =	vst v63  }
0x2b4: {  	s23 =	sadd.s32 $0x30, s7;
	s26 =	simm.s32 $0xBBD8  }
0x2b5: {  	[hbm4b:s23+s3] =	stream.linear.scatter [tilespmem:s26], [sflag:$0x5], $0x80, $0x38;
	[tilespmem:$0x10600] =	vst v63  }
0x2b6: {  	s21 =	sadd.s32 $0x40, s7;
	s22 =	simm.s32 $0xBDE0  }
0x2b7: {  	[hbm4b:s21+s3] =	stream.linear.scatter [tilespmem:s22], [sflag:$0x5], $0x80, $0x38;
	[tilespmem:$0x10600] =	vst v63  }
0x2b8: {  	s23 =	sadd.s32 $0x50, s7;
	s26 =	simm.s32 $0xBFE8  }
0x2b9: {  	[hbm4b:s23+s3] =	stream.linear.scatter [tilespmem:s26], [sflag:$0x5], $0x80, $0x38;
	[tilespmem:$0x10600] =	vst v63  }
0x2ba: {  	s22 =	sadd.s32 $0x60, s7;
	s23 =	simm.s32 $0xC1F0  }
0x2bb: {  	[hbm4b:s22+s3] =	stream.linear.scatter [tilespmem:s23], [sflag:$0x5], $0x80, $0x38;
	[tilespmem:$0x10600] =	vst v63  }
0x2bc: {  	s6 =	sor.u32 $0xC000, s6;
	s7 =	sadd.s32 $0x70, s7;
	s26 =	simm.s32 $0xC3F8  }
0x2bd: {  	[hbm4b:s7+s3] =	stream.linear.scatter [tilespmem:s26], [sflag:$0x5], $0x80, $0x38;
	[tilespmem:$0x10600] =	vst v63  }
0x2be: {  	s6 =	sadd.s32 s2, s6;
	s17 =	simm.s32 $0xB640  }
0x2bf: {  	[hbm4b:s6+s3] =	stream.linear.scatter [tilespmem:s17], [sflag:$0x5], $0x80, $0x38;
	[tilespmem:$0x10600] =	vst v63  }
0x2c0: {  	s21 =	sadd.s32 $0x10, s6;
	s22 =	simm.s32 $0xB848  }
0x2c1: {  	[hbm4b:s21+s3] =	stream.linear.scatter [tilespmem:s22], [sflag:$0x5], $0x80, $0x38;
	[tilespmem:$0x10600] =	vst v63  }
0x2c2: {  	s23 =	sadd.s32 $0x20, s6;
	s26 =	simm.s32 $0xBA50  }
0x2c3: {  	[hbm4b:s23+s3] =	stream.linear.scatter [tilespmem:s26], [sflag:$0x5], $0x80, $0x38;
	[tilespmem:$0x10600] =	vst v63  }
0x2c4: {  	s21 =	sadd.s32 $0x30, s6;
	s22 =	simm.s32 $0xBC58  }
0x2c5: {  	[hbm4b:s21+s3] =	stream.linear.scatter [tilespmem:s22], [sflag:$0x5], $0x80, $0x38;
	[tilespmem:$0x10600] =	vst v63  }
0x2c6: {  	s23 =	sadd.s32 $0x40, s6;
	s26 =	simm.s32 $0xBE60  }
0x2c7: {  	[hbm4b:s23+s3] =	stream.linear.scatter [tilespmem:s26], [sflag:$0x5], $0x80, $0x38;
	[tilespmem:$0x10600] =	vst v63  }
0x2c8: {  	s17 =	sadd.s32 $0x50, s6;
	s21 =	simm.s32 $0xC068  }
0x2c9: {  	[hbm4b:s17+s3] =	stream.linear.scatter [tilespmem:s21], [sflag:$0x5], $0x80, $0x38;
	[tilespmem:$0x10600] =	vst v63  }
0x2ca: {  	s22 =	sadd.s32 $0x60, s6;
	s23 =	simm.s32 $0xC270  }
0x2cb: {  	[hbm4b:s22+s3] =	stream.linear.scatter [tilespmem:s23], [sflag:$0x5], $0x80, $0x38;
	[tilespmem:$0x10600] =	vst v63  }
0x2cc: {  	s6 =	sadd.s32 $0x70, s6;
	s26 =	simm.s32 $0xC478  }
0x2cd: {  	[hbm4b:s6+s3] =	stream.linear.scatter [tilespmem:s26], [sflag:$0x5], $0x80, $0x38;
	[tilespmem:$0x10600] =	vst v63  }
0x2ce: {  	_ =	swait.ge [sflag:s20], $0x200  }
0x2cf: {  	[sflag:s20] =	ssyncset.done $0x0  }
0x2d0: {  	s7 =	simm.s32 $0x200;
	s17 =	simm.s32 $0x4400;
	[sflag:s20] =	ssyncadd.s32 $0xFFFFFE00  }
0x2d1: {  	[tilespmem:s17], [sflag:$0x4] =	stream.indirect.gather [hbm4b:s5+s19], $0x20, s7, s19, $0xb8;
	[tilespmem:$0x10600] =	vst v63  }
0x2d2: {  	s21 =	simm.s32 $0x280;
	s22 =	simm.s32 $0x5400  }
0x2d3: {  	[tilespmem:s22], [sflag:$0x4] =	stream.indirect.gather [hbm4b:s5+s19], $0x20, s21, s19, $0xb8;
	[tilespmem:$0x10600] =	vst v63  }
0x2d4: {  	s23 =	simm.s32 $0x300;
	s26 =	simm.s32 $0x6400  }
0x2d5: {  	[tilespmem:s26], [sflag:$0x4] =	stream.indirect.gather [hbm4b:s5+s19], $0x20, s23, s19, $0xb8;
	[tilespmem:$0x10600] =	vst v63  }
0x2d6: {  	s6 =	simm.s32 @!p1 $0x6;
	s17 =	simm.s32 $0x380;
	s21 =	simm.s32 $0x7400  }
0x2d7: {  	[tilespmem:s21], [sflag:$0x4] =	stream.indirect.gather [hbm4b:s5+s19], $0x20, s17, s19, $0xb8;
	[tilespmem:$0x10600] =	vst v63  }
0x2d8: {  	_ =	swait.ge @!p1 [sflag:s6], $0x400  }
0x2d9: {  	[sflag:s6] =	ssyncset.done @!p1 $0x0  }
0x2da: {  	[sflag:s6] =	ssyncadd.s32 @!p1 $0xFFFFFC00  }
0x2db: {  	_ =	swait.ge @!p1 [sflag:s6], $0x400  }
0x2dc: {  	[sflag:s6] =	ssyncset.done @!p1 $0x0  }
0x2dd: {  	[sflag:s6] =	ssyncadd.s32 @!p1 $0xFFFFFC00  }
0x2de: {  	_ =	swait.ge @!p1 [sflag:s6], $0x400  }
0x2df: {  	[sflag:s6] =	ssyncset.done @!p1 $0x0  }
0x2e0: {  	[sflag:s6] =	ssyncadd.s32 @!p1 $0xFFFFFC00  }
0x2e1: {  	_ =	swait.ge @!p1 [sflag:s6], $0x400  }
0x2e2: {  	[sflag:s6] =	ssyncset.done @!p1 $0x0  }
0x2e3: {  	[sflag:s6] =	ssyncadd.s32 @!p1 $0xFFFFFC00  }
0x2e4: {  	_ =	swait.ge @!p1 [sflag:s6], $0x400  }
0x2e5: {  	[sflag:s6] =	ssyncset.done @!p1 $0x0  }
0x2e6: {  	[sflag:s6] =	ssyncadd.s32 @!p1 $0xFFFFFC00  }
0x2e7: {  	_ =	swait.ge @!p1 [sflag:s6], $0x400  }
0x2e8: {  	[sflag:s6] =	ssyncset.done @!p1 $0x0  }
0x2e9: {  	[sflag:s6] =	ssyncadd.s32 @!p1 $0xFFFFFC00  }
0x2ea: {  	_ =	swait.ge @!p1 [sflag:s6], $0x400  }
0x2eb: {  	[sflag:s6] =	ssyncset.done @!p1 $0x0  }
0x2ec: {  	[sflag:s6] =	ssyncadd.s32 @!p1 $0xFFFFFC00  }
0x2ed: {  	_ =	swait.ge @!p1 [sflag:s6], $0x400  }
0x2ee: {  	[sflag:s6] =	ssyncset.done @!p1 $0x0  }
0x2ef: {  	[sflag:s6] =	ssyncadd.s32 @!p1 $0xFFFFFC00  }
0x2f0: {  	_ =	swait.ge @!p1 [sflag:s6], $0x400  }
0x2f1: {  	[sflag:s6] =	ssyncset.done @!p1 $0x0  }
0x2f2: {  	[sflag:s6] =	ssyncadd.s32 @!p1 $0xFFFFFC00  }
0x2f3: {  	_ =	swait.ge @!p1 [sflag:s6], $0x400  }
0x2f4: {  	[sflag:s6] =	ssyncset.done @!p1 $0x0  }
0x2f5: {  	[sflag:s6] =	ssyncadd.s32 @!p1 $0xFFFFFC00  }
0x2f6: {  	_ =	swait.ge @!p1 [sflag:s6], $0x400  }
0x2f7: {  	[sflag:s6] =	ssyncset.done @!p1 $0x0  }
0x2f8: {  	[sflag:s6] =	ssyncadd.s32 @!p1 $0xFFFFFC00  }
0x2f9: {  	_ =	swait.ge @!p1 [sflag:s6], $0x400  }
0x2fa: {  	[sflag:s6] =	ssyncset.done @!p1 $0x0  }
0x2fb: {  	[sflag:s6] =	ssyncadd.s32 @!p1 $0xFFFFFC00  }
0x2fc: {  	_ =	swait.ge @!p1 [sflag:s6], $0x400  }
0x2fd: {  	[sflag:s6] =	ssyncset.done @!p1 $0x0  }
0x2fe: {  	[sflag:s6] =	ssyncadd.s32 @!p1 $0xFFFFFC00  }
0x2ff: {  	_ =	swait.ge @!p1 [sflag:s6], $0x400  }
0x300: {  	[sflag:s6] =	ssyncset.done @!p1 $0x0  }
0x301: {  	[sflag:s6] =	ssyncadd.s32 @!p1 $0xFFFFFC00  }
0x302: {  	_ =	swait.ge @!p1 [sflag:s6], $0x400  }
0x303: {  	[sflag:s6] =	ssyncset.done @!p1 $0x0  }
0x304: {  	[sflag:s6] =	ssyncadd.s32 @!p1 $0xFFFFFC00  }
0x305: {  	_ =	swait.ge @!p1 [sflag:s6], $0x400  }
0x306: {  	[sflag:s6] =	ssyncset.done @!p1 $0x0  }
0x307: {  	[sflag:s6] =	ssyncadd.s32 @!p1 $0xFFFFFC00  }
0x308: {  	_ =	swait.ge [sflag:s0], $0x1000  }
0x309: {  	[sflag:s0] =	ssyncset.done $0x0  }
0x30a: {  	s7 =	simm.s32 $0x4480;
	[sflag:s0] =	ssyncadd.s32 $0xFFFFF000  }
0x30b: {  	v17 =	vld [tilespmem:s7+$0x70]  }
0x30c: {  	v19 =	vld [tilespmem:s7+$0x60]  }
0x30d: {  	v18 =	vld [tilespmem:s7+$0x50]  }
0x30e: {  	v20 =	vld [tilespmem:s7+$0x40]  }
0x30f: {  	s22 =	simm.s32 $0x0;
	v21 =	vld [tilespmem:s7+$0x30]  }
0x310: {  	v24 =	vmov s22;
	v22 =	vld [tilespmem:s7+$0x20]  }
0x311: {  	s23 =	simm.s32 $0x1;
	v24 =	vshrl.u32 v24, $0x3;
	v23 =	vld [tilespmem:s7+$0x10]  }
0x312: {  	v24 =	vshll.u32 v24, v1;
	v27 =	vmov s23;
	v25 =	vld [tilespmem:s7+$0x0]  }
0x313: {  	s26 =	simm.s32 $0x2;
	v24 =	vbroadcast v24, $0x0;
	v27 =	vshrl.u32 v27, $0x3;
	v26 =	vld [tilespmem:s7+$0xFFFFFFF0]  }
0x314: {  	v30 =	vmov s26;
	v27 =	vshll.u32 v27, v1;
	v28 =	vld [tilespmem:s7+$0xFFFFFFE0]  }
0x315: {  	s17 =	simm.s32 $0x3;
	v30 =	vshrl.u32 v30, $0x3;
	v32 =	vadd.s32 v0, v24;
	v27 =	vbroadcast v27, $0x0;
	v31 =	vld [tilespmem:s7+$0xFFFFFF80]  }
0x316: {  	v30 =	vshll.u32 v30, v1;
	v34 =	vmov s17;
	v24 =	vadd.s32 v2, v24;
	v33 =	vld [tilespmem:s7+$0xFFFFFF90]  }
0x317: {  	s21 =	simm.s32 $0x4;
	v30 =	vbroadcast v30, $0x0;
	v34 =	vshrl.u32 v34, $0x3;
	v36 =	vadd.s32 v3, v27;
	v35 =	vld [tilespmem:s7+$0xFFFFFFA0]  }
0x318: {  	v38 =	vmov s21;
	v34 =	vshll.u32 v34, v1;
	v27 =	vadd.s32 v4, v27;
	v37 =	vld [tilespmem:s7+$0xFFFFFFB0]  }
0x319: {  	s22 =	simm.s32 $0x5;
	v38 =	vshrl.u32 v38, $0x3;
	v40 =	vadd.s32 v5, v30;
	v34 =	vbroadcast v34, $0x0;
	v39 =	vld [tilespmem:s7+$0xFFFFFFC0]  }
0x31a: {  	v50 =	vmov s22;
	v49 =	vshll.u32 v38, v1;
	v30 =	vadd.s32 v6, v30;
	v29 =	vld [tilespmem:s7+$0xFFFFFFD0];
	[tilespmem:v32+s1+$0x0] =	vst.idx.msk $0xffff, v31  }
0x31b: {  	s23 =	simm.s32 $0x6;
	v51 =	vadd.s32 v7, v34;
	v31 =	vbroadcast v49, $0x0;
	v32 =	vshrl.u32 v50, $0x3;
	[tilespmem:v24+s1+$0x0] =	vst.idx.msk $0xffff, v33  }
0x31c: {  	v53 =	vmov s23;
	v52 =	vadd.s32 v8, v34;
	v32 =	vshll.u32 v32, v1;
	[tilespmem:v36+s1+$0x0] =	vst.idx.msk $0xffff, v35  }
0x31d: {  	v34 =	vshrl.u32 v53, $0x3;
	v54 =	vadd.s32 v9, v31;
	v32 =	vbroadcast v32, $0x0;
	[tilespmem:v27+s1+$0x0] =	vst.idx.msk $0xffff, v37  }
0x31e: {  	v34 =	vshll.u32 v34, v1;
	v31 =	vadd.s32 v10, v31;
	[tilespmem:v40+s1+$0x0] =	vst.idx.msk $0xffff, v39  }
0x31f: {  	s26 =	simm.s32 $0x7;
	v57 =	vbroadcast v34, $0x0;
	v56 =	vadd.s32 v11, v32;
	[tilespmem:v30+s1+$0x0] =	vst.idx.msk $0xffff, v29  }
0x320: {  	v55 =	vmov s26;
	v59 =	vadd.s32 v12, v32;
	[tilespmem:v51+s1+$0x0] =	vst.idx.msk $0xffff, v28  }
0x321: {  	v58 =	vshrl.u32 v55, $0x3;
	v61 =	vadd.s32 v13, v57;
	[tilespmem:v52+s1+$0x0] =	vst.idx.msk $0xffff, v26  }
0x322: {  	v60 =	vshll.u32 v58, v1;
	v62 =	vadd.s32 v14, v57;
	[tilespmem:v54+s1+$0x0] =	vst.idx.msk $0xffff, v25  }
0x323: {  	v28 =	vbroadcast v60, $0x0;
	[tilespmem:v31+s1+$0x0] =	vst.idx.msk $0xffff, v23  }
0x324: {  	[tilespmem:v56+s1+$0x0] =	vst.idx.msk $0xffff, v22  }
0x325: {  	v63 =	vadd.s32 v15, v28;
	[tilespmem:v59+s1+$0x0] =	vst.idx.msk $0xffff, v21  }
0x326: {  	[tilespmem:v61+s1+$0x0] =	vst.idx.msk $0xffff, v20  }
0x327: {  	[tilespmem:v62+s1+$0x0] =	vst.idx.msk $0xffff, v18;
	v18 =	vadd.s32 v16, v28;
	_ =	sdelay $0x2  }
0x328: {  	s30 =	sor.u32 $0x80000, s30;
	s6 =	simm.s32 $0xF;
	[tilespmem:v63+s1+$0x0] =	vst.idx.msk $0xffff, v19  }
.LBB2_11:
0x329: {  	p1 =	sne.s32 s6, $0x7F  }
0x32a: {  	[tilespmem:v18+s1+$0x0] =	vst.idx.msk $0xffff, v17;
	s7 =	sadd.s32 $0x100, s7;
	s17 =	smov.u32 s6;
	s6 =	sadd.s32 $0x8, s6  }
0x32b: {  	v17 =	vld [tilespmem:s7+$0x70]  }
0x32c: {  	v19 =	vld [tilespmem:s7+$0x60]  }
0x32d: {  	v20 =	vld [tilespmem:s7+$0x50]  }
0x32e: {  	v21 =	vld [tilespmem:s7+$0x40]  }
0x32f: {  	v22 =	vld [tilespmem:s7+$0x30]  }
0x330: {  	s21 =	sadd.s32 $0xFFFFFFF9, s17;
	v18 =	vld [tilespmem:s7+$0x20]  }
0x331: {  	v24 =	vmov s21;
	v23 =	vld [tilespmem:s7+$0x10]  }
0x332: {  	s21 =	sadd.s32 $0xFFFFFFFA, s17;
	v24 =	vshrl.u32 v24, $0x3;
	v25 =	vld [tilespmem:s7+$0x0]  }
0x333: {  	v27 =	vmov s21;
	v24 =	vshll.u32 v24, v1;
	v26 =	vld [tilespmem:s7+$0xFFFFFFF0]  }
0x334: {  	s21 =	sadd.s32 $0xFFFFFFFB, s17;
	v27 =	vshrl.u32 v27, $0x3;
	v24 =	vbroadcast v24, $0x0;
	v28 =	vld [tilespmem:s7+$0xFFFFFFE0]  }
0x335: {  	v30 =	vmov s21;
	v27 =	vshll.u32 v27, v1;
	v29 =	vld [tilespmem:s7+$0xFFFFFFD0]  }
0x336: {  	s21 =	sadd.s32 $0xFFFFFFFC, s17;
	v30 =	vshrl.u32 v30, $0x3;
	v27 =	vbroadcast v27, $0x0;
	v32 =	vadd.s32 v0, v24;
	v31 =	vld [tilespmem:s7+$0xFFFFFF80]  }
0x337: {  	v34 =	vmov s21;
	v30 =	vshll.u32 v30, v1;
	v24 =	vadd.s32 v2, v24;
	v33 =	vld [tilespmem:s7+$0xFFFFFF90]  }
0x338: {  	s21 =	sadd.s32 $0xFFFFFFFD, s17;
	v34 =	vshrl.u32 v34, $0x3;
	v30 =	vbroadcast v30, $0x0;
	v36 =	vadd.s32 v3, v27;
	v35 =	vld [tilespmem:s7+$0xFFFFFFA0]  }
0x339: {  	v38 =	vmov s21;
	v34 =	vshll.u32 v34, v1;
	v27 =	vadd.s32 v4, v27;
	v37 =	vld [tilespmem:s7+$0xFFFFFFB0]  }
0x33a: {  	s21 =	sadd.s32 $0xFFFFFFFE, s17;
	v38 =	vshrl.u32 v38, $0x3;
	v34 =	vbroadcast v34, $0x0;
	v40 =	vadd.s32 v5, v30;
	v39 =	vld [tilespmem:s7+$0xFFFFFFC0]  }
0x33b: {  	v30 =	vadd.s32 v6, v30;
	[tilespmem:v32+s1+$0x0] =	vst.idx.msk $0xffff, v31;
	v31 =	vshll.u32 v38, v1;
	v32 =	vmov s21  }
0x33c: {  	s21 =	sadd.s32 $0xFFFFFFFF, s17;
	[tilespmem:v24+s1+$0x0] =	vst.idx.msk $0xffff, v33;
	v24 =	vadd.s32 v7, v34;
	v31 =	vbroadcast v31, $0x0;
	v32 =	vshrl.u32 v32, $0x3  }
0x33d: {  	v33 =	vadd.s32 v8, v34;
	v34 =	vmov s21;
	[tilespmem:v36+s1+$0x0] =	vst.idx.msk $0xffff, v35;
	v32 =	vshll.u32 v32, v1  }
0x33e: {  	v34 =	vshrl.u32 v34, $0x3;
	[tilespmem:v27+s1+$0x0] =	vst.idx.msk $0xffff, v37;
	v27 =	vadd.s32 v9, v31;
	v32 =	vbroadcast v32, $0x0  }
0x33f: {  	v35 =	vmov s17;
	v31 =	vadd.s32 v10, v31;
	v34 =	vshll.u32 v34, v1;
	[tilespmem:v40+s1+$0x0] =	vst.idx.msk $0xffff, v39  }
0x340: {  	[tilespmem:v30+s1+$0x0] =	vst.idx.msk $0xffff, v29;
	v29 =	vadd.s32 v11, v32;
	v30 =	vbroadcast v34, $0x0;
	v34 =	vshrl.u32 v35, $0x3  }
0x341: {  	[tilespmem:v24+s1+$0x0] =	vst.idx.msk $0xffff, v28;
	v24 =	vadd.s32 v12, v32;
	v28 =	vshll.u32 v34, v1  }
0x342: {  	[tilespmem:v33+s1+$0x0] =	vst.idx.msk $0xffff, v26;
	v26 =	vadd.s32 v13, v30;
	v28 =	vbroadcast v28, $0x0  }
0x343: {  	[tilespmem:v27+s1+$0x0] =	vst.idx.msk $0xffff, v25;
	v25 =	vadd.s32 v14, v30  }
0x344: {  	[tilespmem:v31+s1+$0x0] =	vst.idx.msk $0xffff, v23;
	v23 =	vadd.s32 v15, v28  }
.Ltmp6:
0x345: {  	[tilespmem:v29+s1+$0x0] =	vst.idx.msk $0xffff, v18;
	v18 =	vadd.s32 v16, v28;
	(pc) =	sbr.rel @p1 .LBB2_11-.Ltmp6, $4  }
0x346: {  	[tilespmem:v24+s1+$0x0] =	vst.idx.msk $0xffff, v22  }
0x347: {  	[tilespmem:v26+s1+$0x0] =	vst.idx.msk $0xffff, v21  }
0x348: {  	[tilespmem:v25+s1+$0x0] =	vst.idx.msk $0xffff, v20  }
0x349: {  	[tilespmem:v23+s1+$0x0] =	vst.idx.msk $0xffff, v19  }
0x34a: {  	_ =	sdelay $0x3  }
0x34b: {  	[tilespmem:v18+s1+$0x0] =	vst.idx.msk $0xffff, v17  }
0x34c: {  	_ =	swait.ge [sflag:s0], $0x1000  }
0x34d: {  	[sflag:s0] =	ssyncset.done $0x0  }
0x34e: {  	s7 =	simm.s32 $0x54F0;
	[sflag:s0] =	ssyncadd.s32 $0xFFFFF000  }
0x34f: {  	v17 =	vld [tilespmem:s7+$0x0]  }
0x350: {  	v19 =	vld [tilespmem:s7+$0xFFFFFFF0]  }
0x351: {  	v18 =	vld [tilespmem:s7+$0xFFFFFFE0]  }
0x352: {  	v20 =	vld [tilespmem:s7+$0xFFFFFFD0]  }
0x353: {  	s6 =	simm.s32 $0x80;
	v21 =	vld [tilespmem:s7+$0xFFFFFFC0]  }
0x354: {  	v24 =	vmov s6;
	v22 =	vld [tilespmem:s7+$0xFFFFFFB0]  }
0x355: {  	s23 =	simm.s32 $0x81;
	v24 =	vshrl.u32 v24, $0x3;
	v23 =	vld [tilespmem:s7+$0xFFFFFFA0]  }
0x356: {  	v27 =	vmov s23;
	v24 =	vshll.u32 v24, v1;
	v25 =	vld [tilespmem:s7+$0xFFFFFF90]  }
0x357: {  	s26 =	simm.s32 $0x82;
	v27 =	vshrl.u32 v27, $0x3;
	v26 =	vld [tilespmem:s7+$0xFFFFFF80];
	v24 =	vbroadcast v24, $0x0  }
0x358: {  	v30 =	vmov s26;
	v27 =	vshll.u32 v27, v1;
	v28 =	vld [tilespmem:s7+$0xFFFFFF70]  }
0x359: {  	s17 =	simm.s32 $0x83;
	v30 =	vshrl.u32 v30, $0x3;
	v31 =	vld [tilespmem:s7+$0xFFFFFF10];
	v27 =	vbroadcast v27, $0x0;
	v32 =	vadd.s32 v0, v24  }
0x35a: {  	v34 =	vmov s17;
	v30 =	vshll.u32 v30, v1;
	v33 =	vld [tilespmem:s7+$0xFFFFFF20];
	v24 =	vadd.s32 v2, v24  }
0x35b: {  	s21 =	simm.s32 $0x84;
	v34 =	vshrl.u32 v34, $0x3;
	v35 =	vld [tilespmem:s7+$0xFFFFFF30];
	v30 =	vbroadcast v30, $0x0;
	v36 =	vadd.s32 v3, v27  }
0x35c: {  	v38 =	vmov s21;
	v34 =	vshll.u32 v34, v1;
	v37 =	vld [tilespmem:s7+$0xFFFFFF40];
	v27 =	vadd.s32 v4, v27  }
0x35d: {  	s22 =	simm.s32 $0x85;
	v38 =	vshrl.u32 v38, $0x3;
	v39 =	vld [tilespmem:s7+$0xFFFFFF50];
	v34 =	vbroadcast v34, $0x0;
	v40 =	vadd.s32 v5, v30  }
0x35e: {  	v50 =	vmov s22;
	v49 =	vshll.u32 v38, v1;
	v29 =	vld [tilespmem:s7+$0xFFFFFF60];
	v30 =	vadd.s32 v6, v30;
	[tilespmem:v32+s1+$0x0] =	vst.idx.msk $0xffff, v31  }
0x35f: {  	s23 =	simm.s32 $0x86;
	v51 =	vadd.s32 v7, v34;
	v31 =	vbroadcast v49, $0x0;
	v32 =	vshrl.u32 v50, $0x3;
	[tilespmem:v24+s1+$0x0] =	vst.idx.msk $0xffff, v33  }
0x360: {  	v53 =	vmov s23;
	v52 =	vadd.s32 v8, v34;
	v32 =	vshll.u32 v32, v1;
	[tilespmem:v36+s1+$0x0] =	vst.idx.msk $0xffff, v35  }
0x361: {  	v34 =	vshrl.u32 v53, $0x3;
	v54 =	vadd.s32 v9, v31;
	v32 =	vbroadcast v32, $0x0;
	[tilespmem:v27+s1+$0x0] =	vst.idx.msk $0xffff, v37  }
0x362: {  	v34 =	vshll.u32 v34, v1;
	v31 =	vadd.s32 v10, v31;
	[tilespmem:v40+s1+$0x0] =	vst.idx.msk $0xffff, v39  }
0x363: {  	s26 =	simm.s32 $0x87;
	v57 =	vbroadcast v34, $0x0;
	v56 =	vadd.s32 v11, v32;
	[tilespmem:v30+s1+$0x0] =	vst.idx.msk $0xffff, v29  }
0x364: {  	v55 =	vmov s26;
	v59 =	vadd.s32 v12, v32;
	[tilespmem:v51+s1+$0x0] =	vst.idx.msk $0xffff, v28  }
0x365: {  	v58 =	vshrl.u32 v55, $0x3;
	v61 =	vadd.s32 v13, v57;
	[tilespmem:v52+s1+$0x0] =	vst.idx.msk $0xffff, v26  }
0x366: {  	v60 =	vshll.u32 v58, v1;
	v62 =	vadd.s32 v14, v57;
	[tilespmem:v54+s1+$0x0] =	vst.idx.msk $0xffff, v25  }
0x367: {  	v28 =	vbroadcast v60, $0x0;
	[tilespmem:v31+s1+$0x0] =	vst.idx.msk $0xffff, v23  }
0x368: {  	[tilespmem:v56+s1+$0x0] =	vst.idx.msk $0xffff, v22  }
0x369: {  	v63 =	vadd.s32 v15, v28;
	[tilespmem:v59+s1+$0x0] =	vst.idx.msk $0xffff, v21  }
0x36a: {  	[tilespmem:v61+s1+$0x0] =	vst.idx.msk $0xffff, v20  }
0x36b: {  	[tilespmem:v62+s1+$0x0] =	vst.idx.msk $0xffff, v18;
	v18 =	vadd.s32 v16, v28;
	_ =	sdelay $0x2  }
0x36c: {  	s6 =	simm.s32 $0x8F;
	[tilespmem:v63+s1+$0x0] =	vst.idx.msk $0xffff, v19  }
.LBB2_13:
0x36d: {  	p1 =	sne.s32 s6, $0xFF  }
0x36e: {  	[tilespmem:v18+s1+$0x0] =	vst.idx.msk $0xffff, v17;
	s7 =	sadd.s32 $0x100, s7;
	s17 =	smov.u32 s6;
	s6 =	sadd.s32 $0x8, s6  }
0x36f: {  	v17 =	vld [tilespmem:s7+$0x0]  }
0x370: {  	v19 =	vld [tilespmem:s7+$0xFFFFFFF0]  }
0x371: {  	v20 =	vld [tilespmem:s7+$0xFFFFFFE0]  }
0x372: {  	v21 =	vld [tilespmem:s7+$0xFFFFFFD0]  }
0x373: {  	v22 =	vld [tilespmem:s7+$0xFFFFFFC0]  }
0x374: {  	s21 =	sadd.s32 $0xFFFFFFF9, s17;
	v18 =	vld [tilespmem:s7+$0xFFFFFFB0]  }
0x375: {  	v24 =	vmov s21;
	v23 =	vld [tilespmem:s7+$0xFFFFFFA0]  }
0x376: {  	s21 =	sadd.s32 $0xFFFFFFFA, s17;
	v24 =	vshrl.u32 v24, $0x3;
	v25 =	vld [tilespmem:s7+$0xFFFFFF90]  }
0x377: {  	v27 =	vmov s21;
	v24 =	vshll.u32 v24, v1;
	v26 =	vld [tilespmem:s7+$0xFFFFFF80]  }
0x378: {  	s21 =	sadd.s32 $0xFFFFFFFB, s17;
	v27 =	vshrl.u32 v27, $0x3;
	v24 =	vbroadcast v24, $0x0;
	v28 =	vld [tilespmem:s7+$0xFFFFFF70]  }
0x379: {  	v30 =	vmov s21;
	v27 =	vshll.u32 v27, v1;
	v29 =	vld [tilespmem:s7+$0xFFFFFF60]  }
0x37a: {  	s21 =	sadd.s32 $0xFFFFFFFC, s17;
	v30 =	vshrl.u32 v30, $0x3;
	v27 =	vbroadcast v27, $0x0;
	v32 =	vadd.s32 v0, v24;
	v31 =	vld [tilespmem:s7+$0xFFFFFF10]  }
0x37b: {  	v34 =	vmov s21;
	v30 =	vshll.u32 v30, v1;
	v24 =	vadd.s32 v2, v24;
	v33 =	vld [tilespmem:s7+$0xFFFFFF20]  }
0x37c: {  	s21 =	sadd.s32 $0xFFFFFFFD, s17;
	v34 =	vshrl.u32 v34, $0x3;
	v30 =	vbroadcast v30, $0x0;
	v36 =	vadd.s32 v3, v27;
	v35 =	vld [tilespmem:s7+$0xFFFFFF30]  }
0x37d: {  	v38 =	vmov s21;
	v34 =	vshll.u32 v34, v1;
	v27 =	vadd.s32 v4, v27;
	v37 =	vld [tilespmem:s7+$0xFFFFFF40]  }
0x37e: {  	s21 =	sadd.s32 $0xFFFFFFFE, s17;
	v38 =	vshrl.u32 v38, $0x3;
	v34 =	vbroadcast v34, $0x0;
	v40 =	vadd.s32 v5, v30;
	v39 =	vld [tilespmem:s7+$0xFFFFFF50]  }
0x37f: {  	v30 =	vadd.s32 v6, v30;
	[tilespmem:v32+s1+$0x0] =	vst.idx.msk $0xffff, v31;
	v31 =	vshll.u32 v38, v1;
	v32 =	vmov s21  }
0x380: {  	s21 =	sadd.s32 $0xFFFFFFFF, s17;
	[tilespmem:v24+s1+$0x0] =	vst.idx.msk $0xffff, v33;
	v24 =	vadd.s32 v7, v34;
	v31 =	vbroadcast v31, $0x0;
	v32 =	vshrl.u32 v32, $0x3  }
0x381: {  	v33 =	vadd.s32 v8, v34;
	v34 =	vmov s21;
	[tilespmem:v36+s1+$0x0] =	vst.idx.msk $0xffff, v35;
	v32 =	vshll.u32 v32, v1  }
0x382: {  	v34 =	vshrl.u32 v34, $0x3;
	[tilespmem:v27+s1+$0x0] =	vst.idx.msk $0xffff, v37;
	v27 =	vadd.s32 v9, v31;
	v32 =	vbroadcast v32, $0x0  }
0x383: {  	v35 =	vmov s17;
	v31 =	vadd.s32 v10, v31;
	v34 =	vshll.u32 v34, v1;
	[tilespmem:v40+s1+$0x0] =	vst.idx.msk $0xffff, v39  }
0x384: {  	[tilespmem:v30+s1+$0x0] =	vst.idx.msk $0xffff, v29;
	v29 =	vadd.s32 v11, v32;
	v30 =	vbroadcast v34, $0x0;
	v34 =	vshrl.u32 v35, $0x3  }
0x385: {  	[tilespmem:v24+s1+$0x0] =	vst.idx.msk $0xffff, v28;
	v24 =	vadd.s32 v12, v32;
	v28 =	vshll.u32 v34, v1  }
0x386: {  	[tilespmem:v33+s1+$0x0] =	vst.idx.msk $0xffff, v26;
	v26 =	vadd.s32 v13, v30;
	v28 =	vbroadcast v28, $0x0  }
0x387: {  	[tilespmem:v27+s1+$0x0] =	vst.idx.msk $0xffff, v25;
	v25 =	vadd.s32 v14, v30  }
0x388: {  	[tilespmem:v31+s1+$0x0] =	vst.idx.msk $0xffff, v23;
	v23 =	vadd.s32 v15, v28  }
.Ltmp7:
0x389: {  	[tilespmem:v29+s1+$0x0] =	vst.idx.msk $0xffff, v18;
	v18 =	vadd.s32 v16, v28;
	(pc) =	sbr.rel @p1 .LBB2_13-.Ltmp7, $4  }
0x38a: {  	[tilespmem:v24+s1+$0x0] =	vst.idx.msk $0xffff, v22  }
0x38b: {  	[tilespmem:v26+s1+$0x0] =	vst.idx.msk $0xffff, v21  }
0x38c: {  	[tilespmem:v25+s1+$0x0] =	vst.idx.msk $0xffff, v20  }
0x38d: {  	[tilespmem:v23+s1+$0x0] =	vst.idx.msk $0xffff, v19  }
0x38e: {  	_ =	sdelay $0x3  }
0x38f: {  	[tilespmem:v18+s1+$0x0] =	vst.idx.msk $0xffff, v17  }
0x390: {  	_ =	swait.ge [sflag:s0], $0x1000  }
0x391: {  	[sflag:s0] =	ssyncset.done $0x0  }
0x392: {  	s7 =	simm.s32 $0x64F0;
	[sflag:s0] =	ssyncadd.s32 $0xFFFFF000  }
0x393: {  	v17 =	vld [tilespmem:s7+$0x0]  }
0x394: {  	v19 =	vld [tilespmem:s7+$0xFFFFFFF0]  }
0x395: {  	v18 =	vld [tilespmem:s7+$0xFFFFFFE0]  }
0x396: {  	v20 =	vld [tilespmem:s7+$0xFFFFFFD0]  }
0x397: {  	s6 =	simm.s32 $0x100;
	v21 =	vld [tilespmem:s7+$0xFFFFFFC0]  }
0x398: {  	v24 =	vmov s6;
	v22 =	vld [tilespmem:s7+$0xFFFFFFB0]  }
0x399: {  	s23 =	simm.s32 $0x101;
	v24 =	vshrl.u32 v24, $0x3;
	v23 =	vld [tilespmem:s7+$0xFFFFFFA0]  }
0x39a: {  	v27 =	vmov s23;
	v24 =	vshll.u32 v24, v1;
	v25 =	vld [tilespmem:s7+$0xFFFFFF90]  }
0x39b: {  	s26 =	simm.s32 $0x102;
	v27 =	vshrl.u32 v27, $0x3;
	v26 =	vld [tilespmem:s7+$0xFFFFFF80];
	v24 =	vbroadcast v24, $0x0  }
0x39c: {  	v30 =	vmov s26;
	v27 =	vshll.u32 v27, v1;
	v28 =	vld [tilespmem:s7+$0xFFFFFF70]  }
0x39d: {  	s17 =	simm.s32 $0x103;
	v30 =	vshrl.u32 v30, $0x3;
	v31 =	vld [tilespmem:s7+$0xFFFFFF10];
	v27 =	vbroadcast v27, $0x0;
	v32 =	vadd.s32 v0, v24  }
0x39e: {  	v34 =	vmov s17;
	v30 =	vshll.u32 v30, v1;
	v33 =	vld [tilespmem:s7+$0xFFFFFF20];
	v24 =	vadd.s32 v2, v24  }
0x39f: {  	s21 =	simm.s32 $0x104;
	v34 =	vshrl.u32 v34, $0x3;
	v35 =	vld [tilespmem:s7+$0xFFFFFF30];
	v30 =	vbroadcast v30, $0x0;
	v36 =	vadd.s32 v3, v27  }
0x3a0: {  	v38 =	vmov s21;
	v34 =	vshll.u32 v34, v1;
	v37 =	vld [tilespmem:s7+$0xFFFFFF40];
	v27 =	vadd.s32 v4, v27  }
0x3a1: {  	s22 =	simm.s32 $0x105;
	v38 =	vshrl.u32 v38, $0x3;
	v39 =	vld [tilespmem:s7+$0xFFFFFF50];
	v34 =	vbroadcast v34, $0x0;
	v40 =	vadd.s32 v5, v30  }
0x3a2: {  	v50 =	vmov s22;
	v49 =	vshll.u32 v38, v1;
	v29 =	vld [tilespmem:s7+$0xFFFFFF60];
	v30 =	vadd.s32 v6, v30;
	[tilespmem:v32+s1+$0x0] =	vst.idx.msk $0xffff, v31  }
0x3a3: {  	s23 =	simm.s32 $0x106;
	v51 =	vadd.s32 v7, v34;
	v31 =	vbroadcast v49, $0x0;
	v32 =	vshrl.u32 v50, $0x3;
	[tilespmem:v24+s1+$0x0] =	vst.idx.msk $0xffff, v33  }
0x3a4: {  	v53 =	vmov s23;
	v52 =	vadd.s32 v8, v34;
	v32 =	vshll.u32 v32, v1;
	[tilespmem:v36+s1+$0x0] =	vst.idx.msk $0xffff, v35  }
0x3a5: {  	v34 =	vshrl.u32 v53, $0x3;
	v54 =	vadd.s32 v9, v31;
	v32 =	vbroadcast v32, $0x0;
	[tilespmem:v27+s1+$0x0] =	vst.idx.msk $0xffff, v37  }
0x3a6: {  	v34 =	vshll.u32 v34, v1;
	v31 =	vadd.s32 v10, v31;
	[tilespmem:v40+s1+$0x0] =	vst.idx.msk $0xffff, v39  }
0x3a7: {  	s26 =	simm.s32 $0x107;
	v57 =	vbroadcast v34, $0x0;
	v56 =	vadd.s32 v11, v32;
	[tilespmem:v30+s1+$0x0] =	vst.idx.msk $0xffff, v29  }
0x3a8: {  	v55 =	vmov s26;
	v59 =	vadd.s32 v12, v32;
	[tilespmem:v51+s1+$0x0] =	vst.idx.msk $0xffff, v28  }
0x3a9: {  	v58 =	vshrl.u32 v55, $0x3;
	v61 =	vadd.s32 v13, v57;
	[tilespmem:v52+s1+$0x0] =	vst.idx.msk $0xffff, v26  }
0x3aa: {  	v60 =	vshll.u32 v58, v1;
	v62 =	vadd.s32 v14, v57;
	[tilespmem:v54+s1+$0x0] =	vst.idx.msk $0xffff, v25  }
0x3ab: {  	v28 =	vbroadcast v60, $0x0;
	[tilespmem:v31+s1+$0x0] =	vst.idx.msk $0xffff, v23  }
0x3ac: {  	[tilespmem:v56+s1+$0x0] =	vst.idx.msk $0xffff, v22  }
0x3ad: {  	v63 =	vadd.s32 v15, v28;
	[tilespmem:v59+s1+$0x0] =	vst.idx.msk $0xffff, v21  }
0x3ae: {  	[tilespmem:v61+s1+$0x0] =	vst.idx.msk $0xffff, v20  }
0x3af: {  	[tilespmem:v62+s1+$0x0] =	vst.idx.msk $0xffff, v18;
	v18 =	vadd.s32 v16, v28;
	_ =	sdelay $0x2  }
0x3b0: {  	s6 =	simm.s32 $0x10F;
	[tilespmem:v63+s1+$0x0] =	vst.idx.msk $0xffff, v19  }
.LBB2_15:
0x3b1: {  	p1 =	sne.s32 s6, $0x17F  }
0x3b2: {  	[tilespmem:v18+s1+$0x0] =	vst.idx.msk $0xffff, v17;
	s7 =	sadd.s32 $0x100, s7;
	s17 =	smov.u32 s6;
	s6 =	sadd.s32 $0x8, s6  }
0x3b3: {  	v17 =	vld [tilespmem:s7+$0x0]  }
0x3b4: {  	v19 =	vld [tilespmem:s7+$0xFFFFFFF0]  }
0x3b5: {  	v20 =	vld [tilespmem:s7+$0xFFFFFFE0]  }
0x3b6: {  	v21 =	vld [tilespmem:s7+$0xFFFFFFD0]  }
0x3b7: {  	v22 =	vld [tilespmem:s7+$0xFFFFFFC0]  }
0x3b8: {  	s21 =	sadd.s32 $0xFFFFFFF9, s17;
	v18 =	vld [tilespmem:s7+$0xFFFFFFB0]  }
0x3b9: {  	v24 =	vmov s21;
	v23 =	vld [tilespmem:s7+$0xFFFFFFA0]  }
0x3ba: {  	s21 =	sadd.s32 $0xFFFFFFFA, s17;
	v24 =	vshrl.u32 v24, $0x3;
	v25 =	vld [tilespmem:s7+$0xFFFFFF90]  }
0x3bb: {  	v27 =	vmov s21;
	v24 =	vshll.u32 v24, v1;
	v26 =	vld [tilespmem:s7+$0xFFFFFF80]  }
0x3bc: {  	s21 =	sadd.s32 $0xFFFFFFFB, s17;
	v27 =	vshrl.u32 v27, $0x3;
	v24 =	vbroadcast v24, $0x0;
	v28 =	vld [tilespmem:s7+$0xFFFFFF70]  }
0x3bd: {  	v30 =	vmov s21;
	v27 =	vshll.u32 v27, v1;
	v29 =	vld [tilespmem:s7+$0xFFFFFF60]  }
0x3be: {  	s21 =	sadd.s32 $0xFFFFFFFC, s17;
	v30 =	vshrl.u32 v30, $0x3;
	v27 =	vbroadcast v27, $0x0;
	v32 =	vadd.s32 v0, v24;
	v31 =	vld [tilespmem:s7+$0xFFFFFF10]  }
0x3bf: {  	v34 =	vmov s21;
	v30 =	vshll.u32 v30, v1;
	v24 =	vadd.s32 v2, v24;
	v33 =	vld [tilespmem:s7+$0xFFFFFF20]  }
0x3c0: {  	s21 =	sadd.s32 $0xFFFFFFFD, s17;
	v34 =	vshrl.u32 v34, $0x3;
	v30 =	vbroadcast v30, $0x0;
	v36 =	vadd.s32 v3, v27;
	v35 =	vld [tilespmem:s7+$0xFFFFFF30]  }
0x3c1: {  	v38 =	vmov s21;
	v34 =	vshll.u32 v34, v1;
	v27 =	vadd.s32 v4, v27;
	v37 =	vld [tilespmem:s7+$0xFFFFFF40]  }
0x3c2: {  	s21 =	sadd.s32 $0xFFFFFFFE, s17;
	v38 =	vshrl.u32 v38, $0x3;
	v34 =	vbroadcast v34, $0x0;
	v40 =	vadd.s32 v5, v30;
	v39 =	vld [tilespmem:s7+$0xFFFFFF50]  }
0x3c3: {  	v30 =	vadd.s32 v6, v30;
	[tilespmem:v32+s1+$0x0] =	vst.idx.msk $0xffff, v31;
	v31 =	vshll.u32 v38, v1;
	v32 =	vmov s21  }
0x3c4: {  	s21 =	sadd.s32 $0xFFFFFFFF, s17;
	[tilespmem:v24+s1+$0x0] =	vst.idx.msk $0xffff, v33;
	v24 =	vadd.s32 v7, v34;
	v31 =	vbroadcast v31, $0x0;
	v32 =	vshrl.u32 v32, $0x3  }
0x3c5: {  	v33 =	vadd.s32 v8, v34;
	v34 =	vmov s21;
	[tilespmem:v36+s1+$0x0] =	vst.idx.msk $0xffff, v35;
	v32 =	vshll.u32 v32, v1  }
0x3c6: {  	v34 =	vshrl.u32 v34, $0x3;
	[tilespmem:v27+s1+$0x0] =	vst.idx.msk $0xffff, v37;
	v27 =	vadd.s32 v9, v31;
	v32 =	vbroadcast v32, $0x0  }
0x3c7: {  	v35 =	vmov s17;
	v31 =	vadd.s32 v10, v31;
	v34 =	vshll.u32 v34, v1;
	[tilespmem:v40+s1+$0x0] =	vst.idx.msk $0xffff, v39  }
0x3c8: {  	[tilespmem:v30+s1+$0x0] =	vst.idx.msk $0xffff, v29;
	v29 =	vadd.s32 v11, v32;
	v30 =	vbroadcast v34, $0x0;
	v34 =	vshrl.u32 v35, $0x3  }
0x3c9: {  	[tilespmem:v24+s1+$0x0] =	vst.idx.msk $0xffff, v28;
	v24 =	vadd.s32 v12, v32;
	v28 =	vshll.u32 v34, v1  }
0x3ca: {  	[tilespmem:v33+s1+$0x0] =	vst.idx.msk $0xffff, v26;
	v26 =	vadd.s32 v13, v30;
	v28 =	vbroadcast v28, $0x0  }
0x3cb: {  	[tilespmem:v27+s1+$0x0] =	vst.idx.msk $0xffff, v25;
	v25 =	vadd.s32 v14, v30  }
0x3cc: {  	[tilespmem:v31+s1+$0x0] =	vst.idx.msk $0xffff, v23;
	v23 =	vadd.s32 v15, v28  }
.Ltmp8:
0x3cd: {  	[tilespmem:v29+s1+$0x0] =	vst.idx.msk $0xffff, v18;
	v18 =	vadd.s32 v16, v28;
	(pc) =	sbr.rel @p1 .LBB2_15-.Ltmp8, $4  }
0x3ce: {  	[tilespmem:v24+s1+$0x0] =	vst.idx.msk $0xffff, v22  }
0x3cf: {  	[tilespmem:v26+s1+$0x0] =	vst.idx.msk $0xffff, v21  }
0x3d0: {  	[tilespmem:v25+s1+$0x0] =	vst.idx.msk $0xffff, v20  }
0x3d1: {  	[tilespmem:v23+s1+$0x0] =	vst.idx.msk $0xffff, v19  }
0x3d2: {  	_ =	sdelay $0x3  }
0x3d3: {  	[tilespmem:v18+s1+$0x0] =	vst.idx.msk $0xffff, v17  }
0x3d4: {  	_ =	swait.ge [sflag:s0], $0x1000  }
0x3d5: {  	[sflag:s0] =	ssyncset.done $0x0  }
0x3d6: {  	s7 =	simm.s32 $0x74F0;
	[sflag:s0] =	ssyncadd.s32 $0xFFFFF000  }
0x3d7: {  	v17 =	vld [tilespmem:s7+$0x0]  }
0x3d8: {  	v19 =	vld [tilespmem:s7+$0xFFFFFFF0]  }
0x3d9: {  	v18 =	vld [tilespmem:s7+$0xFFFFFFE0]  }
0x3da: {  	v20 =	vld [tilespmem:s7+$0xFFFFFFD0]  }
0x3db: {  	s6 =	simm.s32 $0x180;
	v21 =	vld [tilespmem:s7+$0xFFFFFFC0]  }
0x3dc: {  	v24 =	vmov s6;
	v22 =	vld [tilespmem:s7+$0xFFFFFFB0]  }
0x3dd: {  	s23 =	simm.s32 $0x181;
	v24 =	vshrl.u32 v24, $0x3;
	v23 =	vld [tilespmem:s7+$0xFFFFFFA0]  }
0x3de: {  	v27 =	vmov s23;
	v24 =	vshll.u32 v24, v1;
	v25 =	vld [tilespmem:s7+$0xFFFFFF90]  }
0x3df: {  	s26 =	simm.s32 $0x182;
	v27 =	vshrl.u32 v27, $0x3;
	v26 =	vld [tilespmem:s7+$0xFFFFFF80];
	v24 =	vbroadcast v24, $0x0  }
0x3e0: {  	v30 =	vmov s26;
	v27 =	vshll.u32 v27, v1;
	v28 =	vld [tilespmem:s7+$0xFFFFFF70]  }
0x3e1: {  	s17 =	simm.s32 $0x183;
	v30 =	vshrl.u32 v30, $0x3;
	v31 =	vld [tilespmem:s7+$0xFFFFFF10];
	v27 =	vbroadcast v27, $0x0;
	v32 =	vadd.s32 v0, v24  }
0x3e2: {  	v34 =	vmov s17;
	v30 =	vshll.u32 v30, v1;
	v33 =	vld [tilespmem:s7+$0xFFFFFF20];
	v24 =	vadd.s32 v2, v24  }
0x3e3: {  	s21 =	simm.s32 $0x184;
	v34 =	vshrl.u32 v34, $0x3;
	v35 =	vld [tilespmem:s7+$0xFFFFFF30];
	v30 =	vbroadcast v30, $0x0;
	v36 =	vadd.s32 v3, v27  }
0x3e4: {  	v38 =	vmov s21;
	v34 =	vshll.u32 v34, v1;
	v37 =	vld [tilespmem:s7+$0xFFFFFF40];
	v27 =	vadd.s32 v4, v27  }
0x3e5: {  	s22 =	simm.s32 $0x185;
	v38 =	vshrl.u32 v38, $0x3;
	v39 =	vld [tilespmem:s7+$0xFFFFFF50];
	v34 =	vbroadcast v34, $0x0;
	v40 =	vadd.s32 v5, v30  }
0x3e6: {  	v50 =	vmov s22;
	v49 =	vshll.u32 v38, v1;
	v29 =	vld [tilespmem:s7+$0xFFFFFF60];
	v30 =	vadd.s32 v6, v30;
	[tilespmem:v32+s1+$0x0] =	vst.idx.msk $0xffff, v31  }
0x3e7: {  	s23 =	simm.s32 $0x186;
	v51 =	vadd.s32 v7, v34;
	v31 =	vbroadcast v49, $0x0;
	v32 =	vshrl.u32 v50, $0x3;
	[tilespmem:v24+s1+$0x0] =	vst.idx.msk $0xffff, v33  }
0x3e8: {  	v53 =	vmov s23;
	v52 =	vadd.s32 v8, v34;
	v32 =	vshll.u32 v32, v1;
	[tilespmem:v36+s1+$0x0] =	vst.idx.msk $0xffff, v35  }
0x3e9: {  	v34 =	vshrl.u32 v53, $0x3;
	v54 =	vadd.s32 v9, v31;
	v32 =	vbroadcast v32, $0x0;
	[tilespmem:v27+s1+$0x0] =	vst.idx.msk $0xffff, v37  }
0x3ea: {  	v34 =	vshll.u32 v34, v1;
	v31 =	vadd.s32 v10, v31;
	[tilespmem:v40+s1+$0x0] =	vst.idx.msk $0xffff, v39  }
0x3eb: {  	s26 =	simm.s32 $0x187;
	v57 =	vbroadcast v34, $0x0;
	v56 =	vadd.s32 v11, v32;
	[tilespmem:v30+s1+$0x0] =	vst.idx.msk $0xffff, v29  }
0x3ec: {  	v55 =	vmov s26;
	v59 =	vadd.s32 v12, v32;
	[tilespmem:v51+s1+$0x0] =	vst.idx.msk $0xffff, v28  }
0x3ed: {  	v58 =	vshrl.u32 v55, $0x3;
	v61 =	vadd.s32 v13, v57;
	[tilespmem:v52+s1+$0x0] =	vst.idx.msk $0xffff, v26  }
0x3ee: {  	v60 =	vshll.u32 v58, v1;
	v62 =	vadd.s32 v14, v57;
	[tilespmem:v54+s1+$0x0] =	vst.idx.msk $0xffff, v25  }
0x3ef: {  	v28 =	vbroadcast v60, $0x0;
	[tilespmem:v31+s1+$0x0] =	vst.idx.msk $0xffff, v23  }
0x3f0: {  	[tilespmem:v56+s1+$0x0] =	vst.idx.msk $0xffff, v22  }
0x3f1: {  	v63 =	vadd.s32 v15, v28;
	[tilespmem:v59+s1+$0x0] =	vst.idx.msk $0xffff, v21  }
0x3f2: {  	[tilespmem:v61+s1+$0x0] =	vst.idx.msk $0xffff, v20  }
0x3f3: {  	[tilespmem:v62+s1+$0x0] =	vst.idx.msk $0xffff, v18;
	v18 =	vadd.s32 v16, v28;
	_ =	sdelay $0x2  }
0x3f4: {  	s6 =	simm.s32 $0x18F;
	[tilespmem:v63+s1+$0x0] =	vst.idx.msk $0xffff, v19  }
.LBB2_17:
0x3f5: {  	p1 =	sne.s32 s6, $0x1FF  }
0x3f6: {  	[tilespmem:v18+s1+$0x0] =	vst.idx.msk $0xffff, v17;
	s7 =	sadd.s32 $0x100, s7;
	s17 =	smov.u32 s6;
	s6 =	sadd.s32 $0x8, s6  }
0x3f7: {  	v17 =	vld [tilespmem:s7+$0x0]  }
0x3f8: {  	v19 =	vld [tilespmem:s7+$0xFFFFFFF0]  }
0x3f9: {  	v20 =	vld [tilespmem:s7+$0xFFFFFFE0]  }
0x3fa: {  	v21 =	vld [tilespmem:s7+$0xFFFFFFD0]  }
0x3fb: {  	v22 =	vld [tilespmem:s7+$0xFFFFFFC0]  }
0x3fc: {  	s21 =	sadd.s32 $0xFFFFFFF9, s17;
	v18 =	vld [tilespmem:s7+$0xFFFFFFB0]  }
0x3fd: {  	v24 =	vmov s21;
	v23 =	vld [tilespmem:s7+$0xFFFFFFA0]  }
0x3fe: {  	s21 =	sadd.s32 $0xFFFFFFFA, s17;
	v24 =	vshrl.u32 v24, $0x3;
	v25 =	vld [tilespmem:s7+$0xFFFFFF90]  }
0x3ff: {  	v27 =	vmov s21;
	v24 =	vshll.u32 v24, v1;
	v26 =	vld [tilespmem:s7+$0xFFFFFF80]  }
0x400: {  	s21 =	sadd.s32 $0xFFFFFFFB, s17;
	v27 =	vshrl.u32 v27, $0x3;
	v24 =	vbroadcast v24, $0x0;
	v28 =	vld [tilespmem:s7+$0xFFFFFF70]  }
0x401: {  	v30 =	vmov s21;
	v27 =	vshll.u32 v27, v1;
	v29 =	vld [tilespmem:s7+$0xFFFFFF60]  }
0x402: {  	s21 =	sadd.s32 $0xFFFFFFFC, s17;
	v30 =	vshrl.u32 v30, $0x3;
	v27 =	vbroadcast v27, $0x0;
	v32 =	vadd.s32 v0, v24;
	v31 =	vld [tilespmem:s7+$0xFFFFFF10]  }
0x403: {  	v34 =	vmov s21;
	v30 =	vshll.u32 v30, v1;
	v24 =	vadd.s32 v2, v24;
	v33 =	vld [tilespmem:s7+$0xFFFFFF20]  }
0x404: {  	s21 =	sadd.s32 $0xFFFFFFFD, s17;
	v34 =	vshrl.u32 v34, $0x3;
	v30 =	vbroadcast v30, $0x0;
	v36 =	vadd.s32 v3, v27;
	v35 =	vld [tilespmem:s7+$0xFFFFFF30]  }
0x405: {  	v38 =	vmov s21;
	v34 =	vshll.u32 v34, v1;
	v27 =	vadd.s32 v4, v27;
	v37 =	vld [tilespmem:s7+$0xFFFFFF40]  }
0x406: {  	s21 =	sadd.s32 $0xFFFFFFFE, s17;
	v38 =	vshrl.u32 v38, $0x3;
	v34 =	vbroadcast v34, $0x0;
	v40 =	vadd.s32 v5, v30;
	v39 =	vld [tilespmem:s7+$0xFFFFFF50]  }
0x407: {  	v30 =	vadd.s32 v6, v30;
	[tilespmem:v32+s1+$0x0] =	vst.idx.msk $0xffff, v31;
	v31 =	vshll.u32 v38, v1;
	v32 =	vmov s21  }
0x408: {  	s21 =	sadd.s32 $0xFFFFFFFF, s17;
	[tilespmem:v24+s1+$0x0] =	vst.idx.msk $0xffff, v33;
	v24 =	vadd.s32 v7, v34;
	v31 =	vbroadcast v31, $0x0;
	v32 =	vshrl.u32 v32, $0x3  }
0x409: {  	v33 =	vadd.s32 v8, v34;
	v34 =	vmov s21;
	[tilespmem:v36+s1+$0x0] =	vst.idx.msk $0xffff, v35;
	v32 =	vshll.u32 v32, v1  }
0x40a: {  	v34 =	vshrl.u32 v34, $0x3;
	[tilespmem:v27+s1+$0x0] =	vst.idx.msk $0xffff, v37;
	v27 =	vadd.s32 v9, v31;
	v32 =	vbroadcast v32, $0x0  }
0x40b: {  	v35 =	vmov s17;
	v31 =	vadd.s32 v10, v31;
	v34 =	vshll.u32 v34, v1;
	[tilespmem:v40+s1+$0x0] =	vst.idx.msk $0xffff, v39  }
0x40c: {  	[tilespmem:v30+s1+$0x0] =	vst.idx.msk $0xffff, v29;
	v29 =	vadd.s32 v11, v32;
	v30 =	vbroadcast v34, $0x0;
	v34 =	vshrl.u32 v35, $0x3  }
0x40d: {  	[tilespmem:v24+s1+$0x0] =	vst.idx.msk $0xffff, v28;
	v24 =	vadd.s32 v12, v32;
	v28 =	vshll.u32 v34, v1  }
0x40e: {  	[tilespmem:v33+s1+$0x0] =	vst.idx.msk $0xffff, v26;
	v26 =	vadd.s32 v13, v30;
	v28 =	vbroadcast v28, $0x0  }
0x40f: {  	[tilespmem:v27+s1+$0x0] =	vst.idx.msk $0xffff, v25;
	v25 =	vadd.s32 v14, v30  }
0x410: {  	[tilespmem:v31+s1+$0x0] =	vst.idx.msk $0xffff, v23;
	v23 =	vadd.s32 v15, v28  }
.Ltmp9:
0x411: {  	[tilespmem:v29+s1+$0x0] =	vst.idx.msk $0xffff, v18;
	v18 =	vadd.s32 v16, v28;
	(pc) =	sbr.rel @p1 .LBB2_17-.Ltmp9, $4  }
0x412: {  	[tilespmem:v24+s1+$0x0] =	vst.idx.msk $0xffff, v22  }
0x413: {  	[tilespmem:v26+s1+$0x0] =	vst.idx.msk $0xffff, v21  }
0x414: {  	[tilespmem:v25+s1+$0x0] =	vst.idx.msk $0xffff, v20  }
0x415: {  	[tilespmem:v23+s1+$0x0] =	vst.idx.msk $0xffff, v19  }
0x416: {  	_ =	sdelay $0x1  }
0x417: {  	s6 =	sadd.s32 @!p0 s9, s31  }
0x418: {  	s7 =	simm.s32 @!p0 $0x0;
	s6 =	sshrl.u32 @!p0 s6, $0x3  }
0x419: {  	[tilespmem:v18+s1+$0x0] =	vst.idx.msk $0xffff, v17;
	s17 =	simm.s32 @!p0 $0x200;
	s22 =	sor.u32 s10, s30;
	s6 =	sadd.s32 @!p0 s4, s6  }
0x41a: {  	[tilespmem:s17], [sflag:$0x2] =	stream.linear.gather @!p0 [hbm4b:s6+s7], $0x200, $0x38;
	[tilespmem:$0x10600] =	vst v63  }
0x41b: {  	s7 =	sshrl.u32 s22, $0x3  }
0x41c: {  	s6 =	sadd.s32 s2, s7  }
0x41d: {  	[hbm4b:s6+s3] =	stream.linear.scatter [tilespmem:s1], [sflag:$0x6], $0x80, $0x38;
	[tilespmem:$0x10600] =	vst v63  }
0x41e: {  	s21 =	simm.s32 $0xC708;
	s23 =	sadd.s32 $0x10, s6  }
0x41f: {  	[hbm4b:s23+s3] =	stream.linear.scatter [tilespmem:s21], [sflag:$0x6], $0x80, $0x38;
	[tilespmem:$0x10600] =	vst v63  }
0x420: {  	s31 =	simm.s32 $0xC910;
	s26 =	sadd.s32 $0x20, s6  }
0x421: {  	[hbm4b:s26+s3] =	stream.linear.scatter [tilespmem:s31], [sflag:$0x6], $0x80, $0x38;
	[tilespmem:$0x10600] =	vst v63  }
0x422: {  	s22 =	sadd.s32 $0x30, s6;
	s23 =	simm.s32 $0xCB18  }
0x423: {  	[hbm4b:s22+s3] =	stream.linear.scatter [tilespmem:s23], [sflag:$0x6], $0x80, $0x38;
	[tilespmem:$0x10600] =	vst v63  }
0x424: {  	s26 =	sadd.s32 $0x40, s6;
	s31 =	simm.s32 $0xCD20  }
0x425: {  	[hbm4b:s26+s3] =	stream.linear.scatter [tilespmem:s31], [sflag:$0x6], $0x80, $0x38;
	[tilespmem:$0x10600] =	vst v63  }
0x426: {  	s22 =	sadd.s32 $0x50, s6;
	s23 =	simm.s32 $0xCF28  }
0x427: {  	[hbm4b:s22+s3] =	stream.linear.scatter [tilespmem:s23], [sflag:$0x6], $0x80, $0x38;
	[tilespmem:$0x10600] =	vst v63  }
0x428: {  	s26 =	sadd.s32 $0x60, s6;
	s31 =	simm.s32 $0xD130;
	s23 =	sor.u32 s11, s30  }
0x429: {  	[hbm4b:s26+s3] =	stream.linear.scatter [tilespmem:s31], [sflag:$0x6], $0x80, $0x38;
	[tilespmem:$0x10600] =	vst v63  }
0x42a: {  	s6 =	sadd.s32 $0x70, s6;
	s22 =	simm.s32 $0xD338;
	s17 =	sshrl.u32 s23, $0x3  }
0x42b: {  	[hbm4b:s6+s3] =	stream.linear.scatter [tilespmem:s22], [sflag:$0x6], $0x80, $0x38;
	[tilespmem:$0x10600] =	vst v63  }
0x42c: {  	s26 =	simm.s32 $0xC580;
	s6 =	sadd.s32 s2, s17  }
0x42d: {  	[hbm4b:s6+s3] =	stream.linear.scatter [tilespmem:s26], [sflag:$0x6], $0x80, $0x38;
	[tilespmem:$0x10600] =	vst v63  }
0x42e: {  	s22 =	simm.s32 $0xC788;
	s31 =	sadd.s32 $0x10, s6  }
0x42f: {  	[hbm4b:s31+s3] =	stream.linear.scatter [tilespmem:s22], [sflag:$0x6], $0x80, $0x38;
	[tilespmem:$0x10600] =	vst v63  }
0x430: {  	s23 =	simm.s32 $0xC990;
	s22 =	sadd.s32 $0x20, s6  }
0x431: {  	[hbm4b:s22+s3] =	stream.linear.scatter [tilespmem:s23], [sflag:$0x6], $0x80, $0x38;
	[tilespmem:$0x10600] =	vst v63  }
0x432: {  	s26 =	sadd.s32 $0x30, s6;
	s31 =	simm.s32 $0xCB98  }
0x433: {  	[hbm4b:s26+s3] =	stream.linear.scatter [tilespmem:s31], [sflag:$0x6], $0x80, $0x38;
	[tilespmem:$0x10600] =	vst v63  }
0x434: {  	s22 =	sadd.s32 $0x40, s6;
	s23 =	simm.s32 $0xCDA0  }
0x435: {  	[hbm4b:s22+s3] =	stream.linear.scatter [tilespmem:s23], [sflag:$0x6], $0x80, $0x38;
	[tilespmem:$0x10600] =	vst v63  }
0x436: {  	s26 =	sadd.s32 $0x50, s6;
	s31 =	simm.s32 $0xCFA8  }
0x437: {  	[hbm4b:s26+s3] =	stream.linear.scatter [tilespmem:s31], [sflag:$0x6], $0x80, $0x38;
	[tilespmem:$0x10600] =	vst v63  }
0x438: {  	s21 =	sor.u32 s12, s30;
	s23 =	sadd.s32 $0x60, s6;
	s26 =	simm.s32 $0xD1B0  }
0x439: {  	[hbm4b:s23+s3] =	stream.linear.scatter [tilespmem:s26], [sflag:$0x6], $0x80, $0x38;
	[tilespmem:$0x10600] =	vst v63  }
0x43a: {  	s6 =	sadd.s32 $0x70, s6;
	s31 =	simm.s32 $0xD3B8;
	s26 =	sshrl.u32 s21, $0x3  }
0x43b: {  	[hbm4b:s6+s3] =	stream.linear.scatter [tilespmem:s31], [sflag:$0x6], $0x80, $0x38;
	[tilespmem:$0x10600] =	vst v63  }
0x43c: {  	s22 =	simm.s32 $0xC600;
	s6 =	sadd.s32 s2, s26  }
0x43d: {  	[hbm4b:s6+s3] =	stream.linear.scatter [tilespmem:s22], [sflag:$0x6], $0x80, $0x38;
	[tilespmem:$0x10600] =	vst v63  }
0x43e: {  	s31 =	simm.s32 $0xC808;
	s23 =	sadd.s32 $0x10, s6  }
0x43f: {  	[hbm4b:s23+s3] =	stream.linear.scatter [tilespmem:s31], [sflag:$0x6], $0x80, $0x38;
	[tilespmem:$0x10600] =	vst v63  }
0x440: {  	s23 =	sadd.s32 $0x20, s6;
	s31 =	simm.s32 $0xCA10  }
0x441: {  	[hbm4b:s23+s3] =	stream.linear.scatter [tilespmem:s31], [sflag:$0x6], $0x80, $0x38;
	[tilespmem:$0x10600] =	vst v63  }
0x442: {  	s23 =	sadd.s32 $0x30, s6;
	s31 =	simm.s32 $0xCC18  }
0x443: {  	[hbm4b:s23+s3] =	stream.linear.scatter [tilespmem:s31], [sflag:$0x6], $0x80, $0x38;
	[tilespmem:$0x10600] =	vst v63  }
0x444: {  	s23 =	sadd.s32 $0x40, s6;
	s31 =	simm.s32 $0xCE20  }
0x445: {  	[hbm4b:s23+s3] =	stream.linear.scatter [tilespmem:s31], [sflag:$0x6], $0x80, $0x38;
	[tilespmem:$0x10600] =	vst v63  }
0x446: {  	s23 =	sadd.s32 $0x50, s6;
	s31 =	simm.s32 $0xD028  }
0x447: {  	[hbm4b:s23+s3] =	stream.linear.scatter [tilespmem:s31], [sflag:$0x6], $0x80, $0x38;
	[tilespmem:$0x10600] =	vst v63  }
0x448: {  	s23 =	sadd.s32 $0x60, s6;
	s31 =	simm.s32 $0xD230  }
0x449: {  	[hbm4b:s23+s3] =	stream.linear.scatter [tilespmem:s31], [sflag:$0x6], $0x80, $0x38;
	[tilespmem:$0x10600] =	vst v63  }
0x44a: {  	s22 =	simm.s32 $0xD438;
	s6 =	sadd.s32 $0x70, s6;
	s23 =	sor.u32 s13, s30  }
0x44b: {  	[hbm4b:s6+s3] =	stream.linear.scatter [tilespmem:s22], [sflag:$0x6], $0x80, $0x38;
	[tilespmem:$0x10600] =	vst v63  }
0x44c: {  	s6 =	sshrl.u32 s23, $0x3  }
0x44d: {  	s30 =	simm.s32 $0xC680;
	s21 =	sadd.s32 s2, s6  }
0x44e: {  	[hbm4b:s21+s3] =	stream.linear.scatter [tilespmem:s30], [sflag:$0x6], $0x80, $0x38;
	[tilespmem:$0x10600] =	vst v63  }
0x44f: {  	s23 =	simm.s32 $0xC888;
	s31 =	sadd.s32 $0x10, s21  }
0x450: {  	[hbm4b:s31+s3] =	stream.linear.scatter [tilespmem:s23], [sflag:$0x6], $0x80, $0x38;
	[tilespmem:$0x10600] =	vst v63  }
0x451: {  	s30 =	sadd.s32 $0x20, s21;
	s31 =	simm.s32 $0xCA90  }
0x452: {  	[hbm4b:s30+s3] =	stream.linear.scatter [tilespmem:s31], [sflag:$0x6], $0x80, $0x38;
	[tilespmem:$0x10600] =	vst v63  }
0x453: {  	s30 =	sadd.s32 $0x30, s21;
	s31 =	simm.s32 $0xCC98  }
0x454: {  	[hbm4b:s30+s3] =	stream.linear.scatter [tilespmem:s31], [sflag:$0x6], $0x80, $0x38;
	[tilespmem:$0x10600] =	vst v63  }
0x455: {  	s30 =	sadd.s32 $0x40, s21;
	s31 =	simm.s32 $0xCEA0  }
0x456: {  	[hbm4b:s30+s3] =	stream.linear.scatter [tilespmem:s31], [sflag:$0x6], $0x80, $0x38;
	[tilespmem:$0x10600] =	vst v63  }
0x457: {  	s30 =	sadd.s32 $0x50, s21;
	s31 =	simm.s32 $0xD0A8  }
0x458: {  	[hbm4b:s30+s3] =	stream.linear.scatter [tilespmem:s31], [sflag:$0x6], $0x80, $0x38;
	[tilespmem:$0x10600] =	vst v63  }
0x459: {  	s23 =	sadd.s32 $0x60, s21;
	s30 =	simm.s32 $0xD2B0  }
0x45a: {  	[hbm4b:s23+s3] =	stream.linear.scatter [tilespmem:s30], [sflag:$0x6], $0x80, $0x38;
	[tilespmem:$0x10600] =	vst v63  }
0x45b: {  	s21 =	sadd.s32 $0x70, s21;
	s31 =	simm.s32 $0xD4B8  }
0x45c: {  	[hbm4b:s21+s3] =	stream.linear.scatter [tilespmem:s31], [sflag:$0x6], $0x80, $0x38;
	[tilespmem:$0x10600] =	vst v63  }
0x45d: {  	s23 =	simm.s32 $0xD540;
	s21 =	sadd.s32 s7, s14  }
0x45e: {  	[hbm4b:s21+s3] =	stream.linear.scatter [tilespmem:s23], [sflag:$0x6], $0x80, $0x38;
	[tilespmem:$0x10600] =	vst v63  }
0x45f: {  	s31 =	simm.s32 $0xD748;
	s30 =	sadd.s32 $0x10, s21  }
0x460: {  	[hbm4b:s30+s3] =	stream.linear.scatter [tilespmem:s31], [sflag:$0x6], $0x80, $0x38;
	[tilespmem:$0x10600] =	vst v63  }
0x461: {  	s30 =	sadd.s32 $0x20, s21;
	s31 =	simm.s32 $0xD950  }
0x462: {  	[hbm4b:s30+s3] =	stream.linear.scatter [tilespmem:s31], [sflag:$0x6], $0x80, $0x38;
	[tilespmem:$0x10600] =	vst v63  }
0x463: {  	s30 =	sadd.s32 $0x30, s21;
	s31 =	simm.s32 $0xDB58  }
0x464: {  	[hbm4b:s30+s3] =	stream.linear.scatter [tilespmem:s31], [sflag:$0x6], $0x80, $0x38;
	[tilespmem:$0x10600] =	vst v63  }
0x465: {  	s30 =	sadd.s32 $0x40, s21;
	s31 =	simm.s32 $0xDD60  }
0x466: {  	[hbm4b:s30+s3] =	stream.linear.scatter [tilespmem:s31], [sflag:$0x6], $0x80, $0x38;
	[tilespmem:$0x10600] =	vst v63  }
0x467: {  	s30 =	sadd.s32 $0x50, s21;
	s31 =	simm.s32 $0xDF68  }
0x468: {  	[hbm4b:s30+s3] =	stream.linear.scatter [tilespmem:s31], [sflag:$0x6], $0x80, $0x38;
	[tilespmem:$0x10600] =	vst v63  }
0x469: {  	s23 =	sadd.s32 $0x60, s21;
	s30 =	simm.s32 $0xE170  }
0x46a: {  	[hbm4b:s23+s3] =	stream.linear.scatter [tilespmem:s30], [sflag:$0x6], $0x80, $0x38;
	[tilespmem:$0x10600] =	vst v63  }
0x46b: {  	s22 =	sor.u32 $0x4000, s17;
	s21 =	sadd.s32 $0x70, s21;
	s31 =	simm.s32 $0xE378  }
0x46c: {  	[hbm4b:s21+s3] =	stream.linear.scatter [tilespmem:s31], [sflag:$0x6], $0x80, $0x38;
	[tilespmem:$0x10600] =	vst v63  }
0x46d: {  	s23 =	simm.s32 $0xD5C0;
	s21 =	sadd.s32 s2, s22  }
0x46e: {  	[hbm4b:s21+s3] =	stream.linear.scatter [tilespmem:s23], [sflag:$0x6], $0x80, $0x38;
	[tilespmem:$0x10600] =	vst v63  }
0x46f: {  	s31 =	simm.s32 $0xD7C8;
	s30 =	sadd.s32 $0x10, s21  }
0x470: {  	[hbm4b:s30+s3] =	stream.linear.scatter [tilespmem:s31], [sflag:$0x6], $0x80, $0x38;
	[tilespmem:$0x10600] =	vst v63  }
0x471: {  	s30 =	sadd.s32 $0x20, s21;
	s31 =	simm.s32 $0xD9D0  }
0x472: {  	[hbm4b:s30+s3] =	stream.linear.scatter [tilespmem:s31], [sflag:$0x6], $0x80, $0x38;
	[tilespmem:$0x10600] =	vst v63  }
0x473: {  	s30 =	sadd.s32 $0x30, s21;
	s31 =	simm.s32 $0xDBD8  }
0x474: {  	[hbm4b:s30+s3] =	stream.linear.scatter [tilespmem:s31], [sflag:$0x6], $0x80, $0x38;
	[tilespmem:$0x10600] =	vst v63  }
0x475: {  	s30 =	sadd.s32 $0x40, s21;
	s31 =	simm.s32 $0xDDE0  }
0x476: {  	[hbm4b:s30+s3] =	stream.linear.scatter [tilespmem:s31], [sflag:$0x6], $0x80, $0x38;
	[tilespmem:$0x10600] =	vst v63  }
0x477: {  	s30 =	sadd.s32 $0x50, s21;
	s31 =	simm.s32 $0xDFE8  }
0x478: {  	[hbm4b:s30+s3] =	stream.linear.scatter [tilespmem:s31], [sflag:$0x6], $0x80, $0x38;
	[tilespmem:$0x10600] =	vst v63  }
0x479: {  	s23 =	sadd.s32 $0x60, s21;
	s30 =	simm.s32 $0xE1F0  }
0x47a: {  	[hbm4b:s23+s3] =	stream.linear.scatter [tilespmem:s30], [sflag:$0x6], $0x80, $0x38;
	[tilespmem:$0x10600] =	vst v63  }
0x47b: {  	s22 =	sor.u32 $0x4000, s26;
	s21 =	sadd.s32 $0x70, s21;
	s31 =	simm.s32 $0xE3F8  }
0x47c: {  	[hbm4b:s21+s3] =	stream.linear.scatter [tilespmem:s31], [sflag:$0x6], $0x80, $0x38;
	[tilespmem:$0x10600] =	vst v63  }
0x47d: {  	s23 =	simm.s32 $0xD640;
	s21 =	sadd.s32 s2, s22  }
0x47e: {  	[hbm4b:s21+s3] =	stream.linear.scatter [tilespmem:s23], [sflag:$0x6], $0x80, $0x38;
	[tilespmem:$0x10600] =	vst v63  }
0x47f: {  	s31 =	simm.s32 $0xD848;
	s30 =	sadd.s32 $0x10, s21  }
0x480: {  	[hbm4b:s30+s3] =	stream.linear.scatter [tilespmem:s31], [sflag:$0x6], $0x80, $0x38;
	[tilespmem:$0x10600] =	vst v63  }
0x481: {  	s30 =	sadd.s32 $0x20, s21;
	s31 =	simm.s32 $0xDA50  }
0x482: {  	[hbm4b:s30+s3] =	stream.linear.scatter [tilespmem:s31], [sflag:$0x6], $0x80, $0x38;
	[tilespmem:$0x10600] =	vst v63  }
0x483: {  	s30 =	sadd.s32 $0x30, s21;
	s31 =	simm.s32 $0xDC58  }
0x484: {  	[hbm4b:s30+s3] =	stream.linear.scatter [tilespmem:s31], [sflag:$0x6], $0x80, $0x38;
	[tilespmem:$0x10600] =	vst v63  }
0x485: {  	s30 =	sadd.s32 $0x40, s21;
	s31 =	simm.s32 $0xDE60  }
0x486: {  	[hbm4b:s30+s3] =	stream.linear.scatter [tilespmem:s31], [sflag:$0x6], $0x80, $0x38;
	[tilespmem:$0x10600] =	vst v63  }
0x487: {  	s30 =	sadd.s32 $0x50, s21;
	s31 =	simm.s32 $0xE068  }
0x488: {  	[hbm4b:s30+s3] =	stream.linear.scatter [tilespmem:s31], [sflag:$0x6], $0x80, $0x38;
	[tilespmem:$0x10600] =	vst v63  }
0x489: {  	s23 =	sadd.s32 $0x60, s21;
	s30 =	simm.s32 $0xE270  }
0x48a: {  	[hbm4b:s23+s3] =	stream.linear.scatter [tilespmem:s30], [sflag:$0x6], $0x80, $0x38;
	[tilespmem:$0x10600] =	vst v63  }
0x48b: {  	s22 =	sor.u32 $0x4000, s6;
	s21 =	sadd.s32 $0x70, s21;
	s31 =	simm.s32 $0xE478  }
0x48c: {  	[hbm4b:s21+s3] =	stream.linear.scatter [tilespmem:s31], [sflag:$0x6], $0x80, $0x38;
	[tilespmem:$0x10600] =	vst v63  }
0x48d: {  	s23 =	simm.s32 $0xD6C0;
	s21 =	sadd.s32 s2, s22  }
0x48e: {  	[hbm4b:s21+s3] =	stream.linear.scatter [tilespmem:s23], [sflag:$0x6], $0x80, $0x38;
	[tilespmem:$0x10600] =	vst v63  }
0x48f: {  	s31 =	simm.s32 $0xD8C8;
	s30 =	sadd.s32 $0x10, s21  }
0x490: {  	[hbm4b:s30+s3] =	stream.linear.scatter [tilespmem:s31], [sflag:$0x6], $0x80, $0x38;
	[tilespmem:$0x10600] =	vst v63  }
0x491: {  	s30 =	sadd.s32 $0x20, s21;
	s31 =	simm.s32 $0xDAD0  }
0x492: {  	[hbm4b:s30+s3] =	stream.linear.scatter [tilespmem:s31], [sflag:$0x6], $0x80, $0x38;
	[tilespmem:$0x10600] =	vst v63  }
0x493: {  	s30 =	sadd.s32 $0x30, s21;
	s31 =	simm.s32 $0xDCD8  }
0x494: {  	[hbm4b:s30+s3] =	stream.linear.scatter [tilespmem:s31], [sflag:$0x6], $0x80, $0x38;
	[tilespmem:$0x10600] =	vst v63  }
0x495: {  	s30 =	sadd.s32 $0x40, s21;
	s31 =	simm.s32 $0xDEE0  }
0x496: {  	[hbm4b:s30+s3] =	stream.linear.scatter [tilespmem:s31], [sflag:$0x6], $0x80, $0x38;
	[tilespmem:$0x10600] =	vst v63  }
0x497: {  	s30 =	sadd.s32 $0x50, s21;
	s31 =	simm.s32 $0xE0E8  }
0x498: {  	[hbm4b:s30+s3] =	stream.linear.scatter [tilespmem:s31], [sflag:$0x6], $0x80, $0x38;
	[tilespmem:$0x10600] =	vst v63  }
0x499: {  	s23 =	sadd.s32 $0x60, s21;
	s30 =	simm.s32 $0xE2F0  }
0x49a: {  	[hbm4b:s23+s3] =	stream.linear.scatter [tilespmem:s30], [sflag:$0x6], $0x80, $0x38;
	[tilespmem:$0x10600] =	vst v63  }
0x49b: {  	s21 =	sadd.s32 $0x70, s21;
	s31 =	simm.s32 $0xE4F8  }
0x49c: {  	[hbm4b:s21+s3] =	stream.linear.scatter [tilespmem:s31], [sflag:$0x6], $0x80, $0x38;
	[tilespmem:$0x10600] =	vst v63  }
0x49d: {  	s23 =	simm.s32 $0xE580;
	s21 =	sadd.s32 s7, s15  }
0x49e: {  	[hbm4b:s21+s3] =	stream.linear.scatter [tilespmem:s23], [sflag:$0x6], $0x80, $0x38;
	[tilespmem:$0x10600] =	vst v63  }
0x49f: {  	s31 =	simm.s32 $0xE788;
	s30 =	sadd.s32 $0x10, s21  }
0x4a0: {  	[hbm4b:s30+s3] =	stream.linear.scatter [tilespmem:s31], [sflag:$0x6], $0x80, $0x38;
	[tilespmem:$0x10600] =	vst v63  }
0x4a1: {  	s30 =	sadd.s32 $0x20, s21;
	s31 =	simm.s32 $0xE990  }
0x4a2: {  	[hbm4b:s30+s3] =	stream.linear.scatter [tilespmem:s31], [sflag:$0x6], $0x80, $0x38;
	[tilespmem:$0x10600] =	vst v63  }
0x4a3: {  	s30 =	sadd.s32 $0x30, s21;
	s31 =	simm.s32 $0xEB98  }
0x4a4: {  	[hbm4b:s30+s3] =	stream.linear.scatter [tilespmem:s31], [sflag:$0x6], $0x80, $0x38;
	[tilespmem:$0x10600] =	vst v63  }
0x4a5: {  	s30 =	sadd.s32 $0x40, s21;
	s31 =	simm.s32 $0xEDA0  }
0x4a6: {  	[hbm4b:s30+s3] =	stream.linear.scatter [tilespmem:s31], [sflag:$0x6], $0x80, $0x38;
	[tilespmem:$0x10600] =	vst v63  }
0x4a7: {  	s30 =	sadd.s32 $0x50, s21;
	s31 =	simm.s32 $0xEFA8  }
0x4a8: {  	[hbm4b:s30+s3] =	stream.linear.scatter [tilespmem:s31], [sflag:$0x6], $0x80, $0x38;
	[tilespmem:$0x10600] =	vst v63  }
0x4a9: {  	s23 =	sadd.s32 $0x60, s21;
	s30 =	simm.s32 $0xF1B0  }
0x4aa: {  	[hbm4b:s23+s3] =	stream.linear.scatter [tilespmem:s30], [sflag:$0x6], $0x80, $0x38;
	[tilespmem:$0x10600] =	vst v63  }
0x4ab: {  	s22 =	sor.u32 $0x8000, s17;
	s21 =	sadd.s32 $0x70, s21;
	s31 =	simm.s32 $0xF3B8  }
0x4ac: {  	[hbm4b:s21+s3] =	stream.linear.scatter [tilespmem:s31], [sflag:$0x6], $0x80, $0x38;
	[tilespmem:$0x10600] =	vst v63  }
0x4ad: {  	s23 =	simm.s32 $0xE600;
	s21 =	sadd.s32 s2, s22  }
0x4ae: {  	[hbm4b:s21+s3] =	stream.linear.scatter [tilespmem:s23], [sflag:$0x6], $0x80, $0x38;
	[tilespmem:$0x10600] =	vst v63  }
0x4af: {  	s31 =	simm.s32 $0xE808;
	s30 =	sadd.s32 $0x10, s21  }
0x4b0: {  	[hbm4b:s30+s3] =	stream.linear.scatter [tilespmem:s31], [sflag:$0x6], $0x80, $0x38;
	[tilespmem:$0x10600] =	vst v63  }
0x4b1: {  	s30 =	sadd.s32 $0x20, s21;
	s31 =	simm.s32 $0xEA10  }
0x4b2: {  	[hbm4b:s30+s3] =	stream.linear.scatter [tilespmem:s31], [sflag:$0x6], $0x80, $0x38;
	[tilespmem:$0x10600] =	vst v63  }
0x4b3: {  	s30 =	sadd.s32 $0x30, s21;
	s31 =	simm.s32 $0xEC18  }
0x4b4: {  	[hbm4b:s30+s3] =	stream.linear.scatter [tilespmem:s31], [sflag:$0x6], $0x80, $0x38;
	[tilespmem:$0x10600] =	vst v63  }
0x4b5: {  	s30 =	sadd.s32 $0x40, s21;
	s31 =	simm.s32 $0xEE20  }
0x4b6: {  	[hbm4b:s30+s3] =	stream.linear.scatter [tilespmem:s31], [sflag:$0x6], $0x80, $0x38;
	[tilespmem:$0x10600] =	vst v63  }
0x4b7: {  	s30 =	sadd.s32 $0x50, s21;
	s31 =	simm.s32 $0xF028  }
0x4b8: {  	[hbm4b:s30+s3] =	stream.linear.scatter [tilespmem:s31], [sflag:$0x6], $0x80, $0x38;
	[tilespmem:$0x10600] =	vst v63  }
0x4b9: {  	s23 =	sadd.s32 $0x60, s21;
	s30 =	simm.s32 $0xF230  }
0x4ba: {  	[hbm4b:s23+s3] =	stream.linear.scatter [tilespmem:s30], [sflag:$0x6], $0x80, $0x38;
	[tilespmem:$0x10600] =	vst v63  }
0x4bb: {  	s22 =	sor.u32 $0x8000, s26;
	s21 =	sadd.s32 $0x70, s21;
	s31 =	simm.s32 $0xF438  }
0x4bc: {  	[hbm4b:s21+s3] =	stream.linear.scatter [tilespmem:s31], [sflag:$0x6], $0x80, $0x38;
	[tilespmem:$0x10600] =	vst v63  }
0x4bd: {  	s23 =	simm.s32 $0xE680;
	s21 =	sadd.s32 s2, s22  }
0x4be: {  	[hbm4b:s21+s3] =	stream.linear.scatter [tilespmem:s23], [sflag:$0x6], $0x80, $0x38;
	[tilespmem:$0x10600] =	vst v63  }
0x4bf: {  	s31 =	simm.s32 $0xE888;
	s30 =	sadd.s32 $0x10, s21  }
0x4c0: {  	[hbm4b:s30+s3] =	stream.linear.scatter [tilespmem:s31], [sflag:$0x6], $0x80, $0x38;
	[tilespmem:$0x10600] =	vst v63  }
0x4c1: {  	s30 =	sadd.s32 $0x20, s21;
	s31 =	simm.s32 $0xEA90  }
0x4c2: {  	[hbm4b:s30+s3] =	stream.linear.scatter [tilespmem:s31], [sflag:$0x6], $0x80, $0x38;
	[tilespmem:$0x10600] =	vst v63  }
0x4c3: {  	s30 =	sadd.s32 $0x30, s21;
	s31 =	simm.s32 $0xEC98  }
0x4c4: {  	[hbm4b:s30+s3] =	stream.linear.scatter [tilespmem:s31], [sflag:$0x6], $0x80, $0x38;
	[tilespmem:$0x10600] =	vst v63  }
0x4c5: {  	s30 =	sadd.s32 $0x40, s21;
	s31 =	simm.s32 $0xEEA0  }
0x4c6: {  	[hbm4b:s30+s3] =	stream.linear.scatter [tilespmem:s31], [sflag:$0x6], $0x80, $0x38;
	[tilespmem:$0x10600] =	vst v63  }
0x4c7: {  	s30 =	sadd.s32 $0x50, s21;
	s31 =	simm.s32 $0xF0A8  }
0x4c8: {  	[hbm4b:s30+s3] =	stream.linear.scatter [tilespmem:s31], [sflag:$0x6], $0x80, $0x38;
	[tilespmem:$0x10600] =	vst v63  }
0x4c9: {  	s23 =	sadd.s32 $0x60, s21;
	s30 =	simm.s32 $0xF2B0  }
0x4ca: {  	[hbm4b:s23+s3] =	stream.linear.scatter [tilespmem:s30], [sflag:$0x6], $0x80, $0x38;
	[tilespmem:$0x10600] =	vst v63  }
0x4cb: {  	s22 =	sor.u32 $0x8000, s6;
	s21 =	sadd.s32 $0x70, s21;
	s31 =	simm.s32 $0xF4B8  }
0x4cc: {  	[hbm4b:s21+s3] =	stream.linear.scatter [tilespmem:s31], [sflag:$0x6], $0x80, $0x38;
	[tilespmem:$0x10600] =	vst v63  }
0x4cd: {  	s23 =	simm.s32 $0xE700;
	s21 =	sadd.s32 s2, s22  }
0x4ce: {  	[hbm4b:s21+s3] =	stream.linear.scatter [tilespmem:s23], [sflag:$0x6], $0x80, $0x38;
	[tilespmem:$0x10600] =	vst v63  }
0x4cf: {  	s31 =	simm.s32 $0xE908;
	s30 =	sadd.s32 $0x10, s21  }
0x4d0: {  	[hbm4b:s30+s3] =	stream.linear.scatter [tilespmem:s31], [sflag:$0x6], $0x80, $0x38;
	[tilespmem:$0x10600] =	vst v63  }
0x4d1: {  	s30 =	sadd.s32 $0x20, s21;
	s31 =	simm.s32 $0xEB10  }
0x4d2: {  	[hbm4b:s30+s3] =	stream.linear.scatter [tilespmem:s31], [sflag:$0x6], $0x80, $0x38;
	[tilespmem:$0x10600] =	vst v63  }
0x4d3: {  	s30 =	sadd.s32 $0x30, s21;
	s31 =	simm.s32 $0xED18  }
0x4d4: {  	[hbm4b:s30+s3] =	stream.linear.scatter [tilespmem:s31], [sflag:$0x6], $0x80, $0x38;
	[tilespmem:$0x10600] =	vst v63  }
0x4d5: {  	s30 =	sadd.s32 $0x40, s21;
	s31 =	simm.s32 $0xEF20  }
0x4d6: {  	[hbm4b:s30+s3] =	stream.linear.scatter [tilespmem:s31], [sflag:$0x6], $0x80, $0x38;
	[tilespmem:$0x10600] =	vst v63  }
0x4d7: {  	s30 =	sadd.s32 $0x50, s21;
	s31 =	simm.s32 $0xF128  }
0x4d8: {  	[hbm4b:s30+s3] =	stream.linear.scatter [tilespmem:s31], [sflag:$0x6], $0x80, $0x38;
	[tilespmem:$0x10600] =	vst v63  }
0x4d9: {  	s23 =	sadd.s32 $0x60, s21;
	s30 =	simm.s32 $0xF330  }
0x4da: {  	[hbm4b:s23+s3] =	stream.linear.scatter [tilespmem:s30], [sflag:$0x6], $0x80, $0x38;
	[tilespmem:$0x10600] =	vst v63  }
0x4db: {  	s21 =	sadd.s32 $0x70, s21;
	s31 =	simm.s32 $0xF538  }
0x4dc: {  	[hbm4b:s21+s3] =	stream.linear.scatter [tilespmem:s31], [sflag:$0x6], $0x80, $0x38;
	[tilespmem:$0x10600] =	vst v63  }
0x4dd: {  	s7 =	sadd.s32 s7, s16;
	s23 =	simm.s32 $0xF5C0  }
0x4de: {  	[hbm4b:s7+s3] =	stream.linear.scatter [tilespmem:s23], [sflag:$0x6], $0x80, $0x38;
	[tilespmem:$0x10600] =	vst v63  }
0x4df: {  	s30 =	sadd.s32 $0x10, s7;
	s31 =	simm.s32 $0xF7C8  }
0x4e0: {  	[hbm4b:s30+s3] =	stream.linear.scatter [tilespmem:s31], [sflag:$0x6], $0x80, $0x38;
	[tilespmem:$0x10600] =	vst v63  }
0x4e1: {  	s22 =	sadd.s32 $0x20, s7;
	s23 =	simm.s32 $0xF9D0  }
0x4e2: {  	[hbm4b:s22+s3] =	stream.linear.scatter [tilespmem:s23], [sflag:$0x6], $0x80, $0x38;
	[tilespmem:$0x10600] =	vst v63  }
0x4e3: {  	s30 =	sadd.s32 $0x30, s7;
	s31 =	simm.s32 $0xFBD8  }
0x4e4: {  	[hbm4b:s30+s3] =	stream.linear.scatter [tilespmem:s31], [sflag:$0x6], $0x80, $0x38;
	[tilespmem:$0x10600] =	vst v63  }
0x4e5: {  	s22 =	sadd.s32 $0x40, s7;
	s23 =	simm.s32 $0xFDE0  }
0x4e6: {  	[hbm4b:s22+s3] =	stream.linear.scatter [tilespmem:s23], [sflag:$0x6], $0x80, $0x38;
	[tilespmem:$0x10600] =	vst v63  }
0x4e7: {  	s30 =	sadd.s32 $0x50, s7;
	s31 =	simm.s32 $0xFFE8  }
0x4e8: {  	[hbm4b:s30+s3] =	stream.linear.scatter [tilespmem:s31], [sflag:$0x6], $0x80, $0x38;
	[tilespmem:$0x10600] =	vst v63  }
0x4e9: {  	s23 =	sadd.s32 $0x60, s7;
	s30 =	simm.s32 $0x101F0  }
0x4ea: {  	[hbm4b:s23+s3] =	stream.linear.scatter [tilespmem:s30], [sflag:$0x6], $0x80, $0x38;
	[tilespmem:$0x10600] =	vst v63  }
0x4eb: {  	s17 =	sor.u32 $0xC000, s17;
	s7 =	sadd.s32 $0x70, s7;
	s31 =	simm.s32 $0x103F8  }
0x4ec: {  	[hbm4b:s7+s3] =	stream.linear.scatter [tilespmem:s31], [sflag:$0x6], $0x80, $0x38;
	[tilespmem:$0x10600] =	vst v63  }
0x4ed: {  	s21 =	simm.s32 $0xF640;
	s7 =	sadd.s32 s2, s17  }
0x4ee: {  	[hbm4b:s7+s3] =	stream.linear.scatter [tilespmem:s21], [sflag:$0x6], $0x80, $0x38;
	[tilespmem:$0x10600] =	vst v63  }
0x4ef: {  	s23 =	simm.s32 $0xF848;
	s22 =	sadd.s32 $0x10, s7  }
0x4f0: {  	[hbm4b:s22+s3] =	stream.linear.scatter [tilespmem:s23], [sflag:$0x6], $0x80, $0x38;
	[tilespmem:$0x10600] =	vst v63  }
0x4f1: {  	s31 =	simm.s32 $0xFA50;
	s30 =	sadd.s32 $0x20, s7  }
0x4f2: {  	[hbm4b:s30+s3] =	stream.linear.scatter [tilespmem:s31], [sflag:$0x6], $0x80, $0x38;
	[tilespmem:$0x10600] =	vst v63  }
0x4f3: {  	s22 =	sadd.s32 $0x30, s7;
	s23 =	simm.s32 $0xFC58  }
0x4f4: {  	[hbm4b:s22+s3] =	stream.linear.scatter [tilespmem:s23], [sflag:$0x6], $0x80, $0x38;
	[tilespmem:$0x10600] =	vst v63  }
0x4f5: {  	s30 =	sadd.s32 $0x40, s7;
	s31 =	simm.s32 $0xFE60  }
0x4f6: {  	[hbm4b:s30+s3] =	stream.linear.scatter [tilespmem:s31], [sflag:$0x6], $0x80, $0x38;
	[tilespmem:$0x10600] =	vst v63  }
0x4f7: {  	s22 =	sadd.s32 $0x50, s7;
	s23 =	simm.s32 $0x10068  }
0x4f8: {  	[hbm4b:s22+s3] =	stream.linear.scatter [tilespmem:s23], [sflag:$0x6], $0x80, $0x38;
	[tilespmem:$0x10600] =	vst v63  }
0x4f9: {  	s30 =	sadd.s32 $0x60, s7;
	s31 =	simm.s32 $0x10270  }
0x4fa: {  	[hbm4b:s30+s3] =	stream.linear.scatter [tilespmem:s31], [sflag:$0x6], $0x80, $0x38;
	[tilespmem:$0x10600] =	vst v63  }
0x4fb: {  	s7 =	sadd.s32 $0x70, s7;
	s22 =	simm.s32 $0x10478;
	s23 =	sor.u32 $0xC000, s26  }
0x4fc: {  	[hbm4b:s7+s3] =	stream.linear.scatter [tilespmem:s22], [sflag:$0x6], $0x80, $0x38;
	[tilespmem:$0x10600] =	vst v63  }
0x4fd: {  	s26 =	simm.s32 $0xF6C0;
	s7 =	sadd.s32 s2, s23  }
0x4fe: {  	[hbm4b:s7+s3] =	stream.linear.scatter [tilespmem:s26], [sflag:$0x6], $0x80, $0x38;
	[tilespmem:$0x10600] =	vst v63  }
0x4ff: {  	s31 =	simm.s32 $0xF8C8;
	s30 =	sadd.s32 $0x10, s7  }
0x500: {  	[hbm4b:s30+s3] =	stream.linear.scatter [tilespmem:s31], [sflag:$0x6], $0x80, $0x38;
	[tilespmem:$0x10600] =	vst v63  }
0x501: {  	s22 =	simm.s32 $0xFAD0;
	s21 =	sadd.s32 $0x20, s7  }
0x502: {  	[hbm4b:s21+s3] =	stream.linear.scatter [tilespmem:s22], [sflag:$0x6], $0x80, $0x38;
	[tilespmem:$0x10600] =	vst v63  }
0x503: {  	s23 =	sadd.s32 $0x30, s7;
	s26 =	simm.s32 $0xFCD8  }
0x504: {  	[hbm4b:s23+s3] =	stream.linear.scatter [tilespmem:s26], [sflag:$0x6], $0x80, $0x38;
	[tilespmem:$0x10600] =	vst v63  }
0x505: {  	s30 =	sadd.s32 $0x40, s7;
	s31 =	simm.s32 $0xFEE0  }
0x506: {  	[hbm4b:s30+s3] =	stream.linear.scatter [tilespmem:s31], [sflag:$0x6], $0x80, $0x38;
	[tilespmem:$0x10600] =	vst v63  }
0x507: {  	s22 =	sadd.s32 $0x50, s7;
	s23 =	simm.s32 $0x100E8  }
0x508: {  	[hbm4b:s22+s3] =	stream.linear.scatter [tilespmem:s23], [sflag:$0x6], $0x80, $0x38;
	[tilespmem:$0x10600] =	vst v63  }
0x509: {  	s26 =	sadd.s32 $0x60, s7;
	s30 =	simm.s32 $0x102F0  }
0x50a: {  	[hbm4b:s26+s3] =	stream.linear.scatter [tilespmem:s30], [sflag:$0x6], $0x80, $0x38;
	[tilespmem:$0x10600] =	vst v63  }
0x50b: {  	s6 =	sor.u32 $0xC000, s6;
	s7 =	sadd.s32 $0x70, s7;
	s31 =	simm.s32 $0x104F8  }
0x50c: {  	[hbm4b:s7+s3] =	stream.linear.scatter [tilespmem:s31], [sflag:$0x6], $0x80, $0x38;
	[tilespmem:$0x10600] =	vst v63  }
0x50d: {  	s6 =	sadd.s32 s2, s6;
	s17 =	simm.s32 $0xF740  }
0x50e: {  	[hbm4b:s6+s3] =	stream.linear.scatter [tilespmem:s17], [sflag:$0x6], $0x80, $0x38;
	[tilespmem:$0x10600] =	vst v63  }
0x50f: {  	s21 =	sadd.s32 $0x10, s6;
	s22 =	simm.s32 $0xF948  }
0x510: {  	[hbm4b:s21+s3] =	stream.linear.scatter [tilespmem:s22], [sflag:$0x6], $0x80, $0x38;
	[tilespmem:$0x10600] =	vst v63  }
0x511: {  	s23 =	sadd.s32 $0x20, s6;
	s26 =	simm.s32 $0xFB50  }
0x512: {  	[hbm4b:s23+s3] =	stream.linear.scatter [tilespmem:s26], [sflag:$0x6], $0x80, $0x38;
	[tilespmem:$0x10600] =	vst v63  }
0x513: {  	s30 =	sadd.s32 $0x30, s6;
	s31 =	simm.s32 $0xFD58  }
0x514: {  	[hbm4b:s30+s3] =	stream.linear.scatter [tilespmem:s31], [sflag:$0x6], $0x80, $0x38;
	[tilespmem:$0x10600] =	vst v63  }
0x515: {  	s17 =	sadd.s32 $0x40, s6;
	s21 =	simm.s32 $0xFF60  }
0x516: {  	[hbm4b:s17+s3] =	stream.linear.scatter [tilespmem:s21], [sflag:$0x6], $0x80, $0x38;
	[tilespmem:$0x10600] =	vst v63  }
0x517: {  	s22 =	sadd.s32 $0x50, s6;
	s23 =	simm.s32 $0x10168  }
0x518: {  	[hbm4b:s22+s3] =	stream.linear.scatter [tilespmem:s23], [sflag:$0x6], $0x80, $0x38;
	[tilespmem:$0x10600] =	vst v63  }
.Ltmp10:
0x519: {  	_ = 	snop;
	(pc) =	sbr.rel @p0 .LBB2_20-.Ltmp10, $4  }
0x51a: {  	s26 =	sadd.s32 $0x60, s6;
	s30 =	simm.s32 $0x10370  }
0x51b: {  	[hbm4b:s26+s3] =	stream.linear.scatter [tilespmem:s30], [sflag:$0x6], $0x80, $0x38;
	[tilespmem:$0x10600] =	vst v63  }
0x51c: {  	s6 =	sadd.s32 $0x70, s6;
	s31 =	simm.s32 $0x10578  }
0x51d: {  	[hbm4b:s6+s3] =	stream.linear.scatter [tilespmem:s31], [sflag:$0x6], $0x80, $0x38;
	[tilespmem:$0x10600] =	vst v63  }
0x51e: {  	_ =	swait.ge [sflag:s18], $0x200  }
0x51f: {  	[sflag:s18] =	ssyncset.done $0x0  }
0x520: {  	s6 =	simm.s32 $0x400;
	[sflag:s18] =	ssyncadd.s32 $0xFFFFFE00  }
0x521: {  	[tilespmem:s6], [sflag:$0x3] =	stream.indirect.gather [hbm4b:s5+s19], $0x20, s3, s19, $0xb8;
	[tilespmem:$0x10600] =	vst v63  }
0x522: {  	s23 =	simm.s32 $0x1400  }
0x523: {  	[tilespmem:s23], [sflag:$0x3] =	stream.indirect.gather [hbm4b:s5+s19], $0x20, s19, s19, $0xb8;
	[tilespmem:$0x10600] =	vst v63  }
.Ltmp11:
0x524: {  	_ = 	snop;
	(pc) =	sbr.rel .LBB2_2-.Ltmp11, $4  }
0x525: {  	s26 =	simm.s32 $0x100;
	s7 =	simm.s32 $0x2400  }
0x526: {  	[tilespmem:s7], [sflag:$0x3] =	stream.indirect.gather [hbm4b:s5+s19], $0x20, s26, s19, $0xb8;
	[tilespmem:$0x10600] =	vst v63  }
0x527: {  	s30 =	simm.s32 $0x180;
	s31 =	simm.s32 $0x3400;
	s25 =	sadd.s32 $0x1, s25  }
0x528: {  	[tilespmem:s31], [sflag:$0x3] =	stream.indirect.gather [hbm4b:s5+s19], $0x20, s30, s19, $0xb8;
	[tilespmem:$0x10600] =	vst v63  }
.LBB2_21:
0x529: {  	_ =	sfence.sel $0x180000  }
0x52a: {  	[bflag:$0x0] =	sbarrier.arrive $0xFFFF  }
0x52b: {  	_ =	strace $0x90000047  }
0x52c: {  	s0 =	stileid.u32;
	[bflag:$0x2] =	sbarrier.arrive $0xFFFF  }
0x52d: {  	p0 =	sne.s32 s0, $0x0;
	s0 =	rddreg [dreg:$0x2]  }
0x52e: {  	s0 =	sadd.s32 @!p0 $0x100000, s0  }
0x52f: {  	[sflag:s0] =	ssyncadd.tile.s32 @!p0 $0x1;
	_ =	shalt  }
.Lfunc_end2:
_tile_overlayer_lowered:
.L_overlay_start_2:
0x530: {  	(tag) =	ssettag $0x2  }
0x531: {  	s0 =	rddreg [dreg:$0x0];
	s2 =	stileid.u32  }
0x532: {  	s1 =	rddreg [dreg:$0x1];
	p0 =	sne.s32 s2, $0x0  }
0x533: {  	s3 =	rddreg [dreg:$0x2];
	[bflag:$0x3] =	sbarrier.arrive $0xFFFF;
	s2 =	simm.s32 @!p0 $0x1C07  }
0x534: {  	[timem:s3], [sflag:s2] =	dma.local @!p0 [hbm:s0], s1  }
0x535: {  	s0 =	simm.s32 @!p0 $0x7  }
0x536: {  	_ =	swait.ge @!p0 [sflag:s0], s1  }
0x537: {  	s1 =	ssub.s32 @!p0 $0x0, s1;
	[sflag:s0] =	ssyncset.done @!p0 $0x0  }
0x538: {  	[sflag:s0] =	ssyncadd.s32 @!p0 s1  }
0x539: {  	[bflag:$0x3] =	sbarrier.arrive $0xFFFF  }
0x53a: {  	_ =	shalt  }

</sc_bundles>
